<compile_context>
chip_gen: v7x
topology: tpu7x:2x2x1
jax: 0.10.2.dev20260603
libtpu: 0.0.44.dev20260713+nightly
codegen_flags: <defaults>
</compile_context>

<pallas_src>
import functools

import jax
import jax.numpy as jnp
from jax import lax
from jax.experimental import pallas as pl
from jax.experimental.pallas import tpu as pltpu
from jax.experimental.pallas import tpu_sc as plsc

N = 10000
NPAD = 10240
NC, NS, L = 2, 16, 16
NW = NC * NS
CHUNK = 128
NB = 8
LOOKAHEAD = 4
ROWS = 2000

_mesh = plsc.VectorSubcoreMesh(
    core_axis_name="c", subcore_axis_name="s", num_cores=NC, num_subcores=NS)

_sc_params = pltpu.CompilerParams(
    needs_layout_passes=False, use_tc_tiling_on_sc=False)


def _cdiv(a, b):
    return (a + b - 1) // b



def _make_deg(CH, NQ):
    full, extra = NQ // NW, NQ % NW

    @functools.partial(
        pl.kernel,
        out_type=[jax.ShapeDtypeStruct((NW, NPAD), jnp.float32),
                  jax.ShapeDtypeStruct((NW, CH, CHUNK), jnp.int32),
                  jax.ShapeDtypeStruct((NW, CH, CHUNK), jnp.int32),
                  jax.ShapeDtypeStruct((NW, CH, CHUNK), jnp.int32)],
        mesh=_mesh,
        compiler_params=_sc_params,
        scratch_types=[
            pltpu.VMEM((full + 1, 2 * CHUNK), jnp.int32),
            pltpu.VMEM((NPAD,), jnp.float32),
            pltpu.VMEM((CH, CHUNK), jnp.int32),
            pltpu.VMEM((CH, CHUNK), jnp.int32),
            pltpu.VMEM((CH, CHUNK), jnp.int32),
        ],
    )
    def deg_kernel(e_hbm, deg_hbm, r2_hbm, r4_hbm, col_hbm,
                   ev, degv, r2v, r4v, colv):
        c = lax.axis_index("c")
        s = lax.axis_index("s")
        w = c * NS + s
        base = w * full + jnp.minimum(w, extra)
        cnt = full + jnp.where(w < extra, 1, 0)
        pltpu.sync_copy(e_hbm.at[pl.ds(base, full)], ev.at[pl.ds(0, full)])

        @pl.when(w < extra)
        def _():
            pltpu.sync_copy(e_hbm.at[pl.ds(base + full, 1)],
                            ev.at[pl.ds(full, 1)])

        def zbody(i, carry):
            degv[pl.ds(i * L, L)] = jnp.zeros((L,), jnp.float32)
            return carry

        lax.fori_loop(0, NPAD // L, zbody, 0)
        ones = jnp.ones((L,), jnp.float32)

        def body(j, carry):
            for k in range(CHUNK // L):
                r = ev[j, pl.ds(k * L, L)]
                cc = ev[j, pl.ds(CHUNK + k * L, L)]
                plsc.addupdate_scatter(degv, [cc], ones)
                r2v[j, pl.ds(k * L, L)] = r * 2
                r4v[j, pl.ds(k * L, L)] = r * 4
                colv[j, pl.ds(k * L, L)] = cc
            return carry

        lax.fori_loop(0, cnt, body, 0)

        def pbody(j, carry):
            for k in range(CHUNK // L):
                u = lax.iota(jnp.int32, L) + (j * CHUNK + k * L + w * 331)
                pr = lax.rem(u, N)
                r2v[j, pl.ds(k * L, L)] = pr * 2
                r4v[j, pl.ds(k * L, L)] = pr * 4
                colv[j, pl.ds(k * L, L)] = N + lax.rem(u, NPAD - N)
            return carry

        lax.fori_loop(cnt, CH, pbody, 0)
        pltpu.sync_copy(degv, deg_hbm.at[w])
        pltpu.sync_copy(r2v, r2_hbm.at[w])
        pltpu.sync_copy(r4v, r4_hbm.at[w])
        pltpu.sync_copy(colv, col_hbm.at[w])

    return deg_kernel



def _make_agg(H, CH):
    rpt = NPAD // NS

    @functools.partial(
        pl.kernel,
        out_type=jax.ShapeDtypeStruct((NC, NPAD, 128), jnp.float32),
        mesh=_mesh,
        compiler_params=_sc_params,
        scratch_types=(
            [pltpu.VMEM((CH, CHUNK), jnp.int32),
             pltpu.VMEM((CH, CHUNK), jnp.int32)]
            + [pltpu.VMEM((CHUNK, H), jnp.float32)] * NB
            + [pltpu.VMEM_SHARED((NPAD, H), jnp.float32)]
            + [pltpu.SemaphoreType.DMA] * (2 * NB)
        ),
    )
    def agg_kernel(g_hbm, row_hbm, col_hbm, out_hbm, rowv, colv, *rest):
        bufs = rest[:NB]
        zbuf = bufs[0]
        acc = rest[NB]
        gsem = rest[NB + 1:NB + 1 + NB]
        ssem = rest[NB + 1 + NB:NB + 1 + 2 * NB]

        c = lax.axis_index("c")
        s = lax.axis_index("s")
        w = c * NS + s
        pltpu.sync_copy(row_hbm.at[w], rowv)
        pltpu.sync_copy(col_hbm.at[w], colv)

        def zb(i, carry):
            for k in range(H // L):
                zbuf[i, pl.ds(k * L, L)] = jnp.zeros((L,), jnp.float32)
            return carry

        lax.fori_loop(0, CHUNK, zb, 0)
        for k in range(rpt // CHUNK):
            pltpu.sync_copy(zbuf, acc.at[pl.ds(s * rpt + k * CHUNK, CHUNK)])
        plsc.subcore_barrier()

        for p in range(LOOKAHEAD):
            pltpu.async_copy(g_hbm.at[rowv.at[p]], bufs[p], gsem[p])

        def body(t, carry):
            for p in range(NB):
                j = t * NB + p
                f = j + LOOKAHEAD
                pf = (p + LOOKAHEAD) % NB

                @pl.when(f < CH)
                def _(f=f, pf=pf):
                    @pl.when(f >= NB)
                    def _():
                        pltpu.make_async_copy(
                            bufs[pf], acc.at[colv.at[f - NB]], ssem[pf]
                        ).wait()
                    pltpu.async_copy(g_hbm.at[rowv.at[f]], bufs[pf], gsem[pf])

                pltpu.make_async_copy(
                    g_hbm.at[rowv.at[j]], bufs[p], gsem[p]).wait()
                pltpu.make_async_copy(
                    bufs[p], acc.at[colv.at[j]], ssem[p]).start(add=True)
            return carry

        lax.fori_loop(0, CH // NB, body, 0)
        for p in range(NB):
            pltpu.make_async_copy(
                bufs[p], acc.at[colv.at[CH - NB + p]], ssem[p]).wait()

        plsc.subcore_barrier()
        for k in range(rpt // CHUNK):
            r0 = s * rpt + k * CHUNK
            pltpu.sync_copy(acc.at[pl.ds(r0, CHUNK)], zbuf)
            pltpu.sync_copy(zbuf, out_hbm.at[c, pl.ds(r0, CHUNK), pl.ds(0, H)])

    return agg_kernel



def _scale_body(x_ref, w_ref, degp_ref, dinv_ref, g_ref):
    h1 = jnp.dot(x_ref[...], w_ref[...], preferred_element_type=jnp.float32)
    deg = jnp.sum(degp_ref[...], axis=1, keepdims=True) + 1.0
    dinv = lax.rsqrt(deg)
    dinv_ref[...] = dinv
    g_ref[...] = jnp.concatenate(
        [h1 * dinv, jnp.zeros((h1.shape[0], 128 - h1.shape[1]), jnp.float32)],
        axis=1)


def _deg_scale(x, W1, degT):
    k = x.shape[1]
    h = W1.shape[1]
    return pl.pallas_call(
        _scale_body,
        grid=(N // ROWS,),
        in_specs=[pl.BlockSpec((ROWS, k), lambda i: (i, 0)),
                  pl.BlockSpec((k, h), lambda i: (0, 0)),
                  pl.BlockSpec((ROWS, NW), lambda i: (i, 0))],
        out_specs=[pl.BlockSpec((ROWS, 1), lambda i: (i, 0)),
                   pl.BlockSpec((ROWS, 128), lambda i: (i, 0))],
        out_shape=[jax.ShapeDtypeStruct((N, 1), jnp.float32),
                   jax.ShapeDtypeStruct((N, 128), jnp.float32)],
    )(x, W1, degT)


def _layer_body(h, p_ref, g_ref, dinv_ref, b_ref, w_ref, o_ref):
    agg = p_ref[0, :, :h] + p_ref[1, :, :h] + g_ref[:, :h]
    outl = jnp.maximum(dinv_ref[...] * agg + b_ref[...], 0.0)
    g2 = dinv_ref[...] * jnp.dot(outl, w_ref[...],
                                 preferred_element_type=jnp.float32)
    o_ref[...] = jnp.concatenate(
        [g2, jnp.zeros((g2.shape[0], 128 - g2.shape[1]), jnp.float32)],
        axis=1)


def _layer_step(p, g, dinv, b, Wn, h):
    m = Wn.shape[1]
    return pl.pallas_call(
        functools.partial(_layer_body, h),
        grid=(N // ROWS,),
        in_specs=[pl.BlockSpec((NC, ROWS, 128), lambda i: (0, i, 0)),
                  pl.BlockSpec((ROWS, 128), lambda i: (i, 0)),
                  pl.BlockSpec((ROWS, 1), lambda i: (i, 0)),
                  pl.BlockSpec((1, h), lambda i: (0, 0)),
                  pl.BlockSpec((h, m), lambda i: (0, 0))],
        out_specs=pl.BlockSpec((ROWS, 128), lambda i: (i, 0)),
        out_shape=jax.ShapeDtypeStruct((N, 128), jnp.float32),
    )(p, g, dinv, b, Wn)


def _final_body(h, q_ref, g_ref, dinv_ref, b_ref, wl_ref, bl_ref, o_ref):
    agg = q_ref[0, :, :h] + q_ref[1, :, :h] + g_ref[:, :h]
    outl = jnp.maximum(dinv_ref[...] * agg + b_ref[...], 0.0)
    logit = jnp.dot(outl, wl_ref[...],
                    preferred_element_type=jnp.float32) + bl_ref[...]
    o_ref[...] = jnp.concatenate([-logit, logit], axis=1)


def _final_step(q, g, dinv, b, Wl, bl, h):
    return pl.pallas_call(
        functools.partial(_final_body, h),
        grid=(N // ROWS,),
        in_specs=[pl.BlockSpec((NC, ROWS, 128), lambda i: (0, i, 0)),
                  pl.BlockSpec((ROWS, 128), lambda i: (i, 0)),
                  pl.BlockSpec((ROWS, 1), lambda i: (i, 0)),
                  pl.BlockSpec((1, h), lambda i: (0, 0)),
                  pl.BlockSpec((h, 1), lambda i: (0, 0)),
                  pl.BlockSpec((1, 1), lambda i: (0, 0))],
        out_specs=pl.BlockSpec((ROWS, 2), lambda i: (i, 0)),
        out_shape=jax.ShapeDtypeStruct((N, 2), jnp.float32),
    )(q, g, dinv, b, Wl, bl)



def kernel(x, edge_index, W1, b1, W2, b2, Wl, bl):
    E = edge_index.shape[1]
    NQ = E // CHUNK
    CH = _cdiv(_cdiv(NQ, NW), NB) * NB
    et = jnp.transpose(edge_index.reshape(2, NQ, CHUNK),
                       (1, 0, 2)).reshape(NQ, 2 * CHUNK)

    degp, row3a, row3b, col3 = _make_deg(CH, NQ)(et)
    dinv, g1 = _deg_scale(x, W1, degp[:, :N].T)

    p1 = _make_agg(W1.shape[1], CH)(
        g1.reshape(2 * N, 64), row3a, col3)
    g2 = _layer_step(p1, g1, dinv, b1.reshape(1, -1), W2, W1.shape[1])

    p2 = _make_agg(W2.shape[1], CH)(
        g2.reshape(4 * N, 32), row3b, col3)
    return _final_step(p2, g2, dinv, b2.reshape(1, -1),
                       Wl, bl.reshape(1, 1), W2.shape[1])

# --- scband reference (transcript-rebuilt; emitter-appended) ---
"""Pipeline reference for scband-diff-gnnplacement-29205777613568 (READ-ONLY COPY).

The authoritative reference and input builder live on the scoring server;
editing this copy changes nothing except your own understanding.
"""

import jax, jax.numpy as jnp
import numpy as np

N = 10000
E = 320000
D_IN = 128
H = 64
H2 = 32

def setup_inputs(seed: int = 0) -> dict:
    key = jax.random.key(seed)
    ks = jax.random.split(key, 8)
    x = jax.random.normal(ks[0], (N, D_IN), dtype=jnp.float32)
    edge_index = jax.random.randint(ks[1], (2, E), 0, N, dtype=jnp.int32)
    W1 = jax.random.normal(ks[2], (D_IN, H), dtype=jnp.float32) * (1.0 / np.sqrt(D_IN))
    b1 = jnp.zeros((H,), jnp.float32)
    W2 = jax.random.normal(ks[3], (H, H2), dtype=jnp.float32) * (1.0 / np.sqrt(H))
    b2 = jnp.zeros((H2,), jnp.float32)
    Wl = jax.random.normal(ks[4], (H2, 1), dtype=jnp.float32) * (1.0 / np.sqrt(H2))
    bl = jnp.zeros((1,), jnp.float32)
    return {"x": x, "edge_index": edge_index, "W1": W1, "b1": b1, "W2": W2, "b2": b2, "Wl": Wl, "bl": bl}

def _gcn_conv(x, row, col, W, b, num_nodes):
    # PyG GCNConv with default add_self_loops=True (loops pre-appended to row/col),
    # normalize=True, symmetric normalization D^-1/2 A_hat D^-1/2, bias=True.
    ew = jnp.ones(row.shape[0], dtype=x.dtype)
    deg = jnp.zeros((num_nodes,), x.dtype).at[col].add(ew)
    dinv = jnp.where(deg > 0, jax.lax.rsqrt(deg), 0.0)
    norm = dinv[row] * ew * dinv[col]
    h = x @ W
    out = jnp.zeros((num_nodes, W.shape[1]), x.dtype).at[col].add(h[row] * norm[:, None])
    return out + b

def reference(x, edge_index, W1, b1, W2, b2, Wl, bl):
    num_nodes = x.shape[0]
    # edge_weight is None and edge_weight_learner='none' -> eff_edge_weight is None (ones)
    loops = jnp.arange(num_nodes, dtype=edge_index.dtype)
    row = jnp.concatenate([edge_index[0], loops])
    col = jnp.concatenate([edge_index[1], loops])
    h = jax.nn.relu(_gcn_conv(x, row, col, W1, b1, num_nodes))
    h = jax.nn.relu(_gcn_conv(h, row, col, W2, b2, num_nodes))
    logits = (h @ Wl + bl).squeeze(-1)
    logits2 = jnp.stack([-logits, logits], axis=1)
    return logits2

if __name__ == "__main__":
    import jax
    _d = setup_inputs()
    print(jax.jit(kernel)(*tuple(_d.values())))

</pallas_src>

<mosaic_0001>
#map = affine_map<(d0, d1) -> (0, 0)>
#map1 = affine_map<(d0, d1) -> (0, 0, 0)>
module attributes {stable_mosaic.version = 14 : i64} {
  func.func @agg_kernel(%arg0: i32, %arg1: i32, %arg2: memref<20000x64xf32, #tpu.memory_space<hbm>>, %arg3: memref<32x80x128xi32, #tpu.memory_space<hbm>>, %arg4: memref<32x80x128xi32, #tpu.memory_space<hbm>>, %arg5: memref<2x10240x128xf32, #tpu.memory_space<hbm>>, %arg6: memref<80x128xi32, #tpu.memory_space<vmem>>, %arg7: memref<80x128xi32, #tpu.memory_space<vmem>>, %arg8: memref<128x64xf32, #tpu.memory_space<vmem>>, %arg9: memref<128x64xf32, #tpu.memory_space<vmem>>, %arg10: memref<128x64xf32, #tpu.memory_space<vmem>>, %arg11: memref<128x64xf32, #tpu.memory_space<vmem>>, %arg12: memref<128x64xf32, #tpu.memory_space<vmem>>, %arg13: memref<128x64xf32, #tpu.memory_space<vmem>>, %arg14: memref<128x64xf32, #tpu.memory_space<vmem>>, %arg15: memref<128x64xf32, #tpu.memory_space<vmem>>, %arg16: memref<10240x64xf32, #tpu.memory_space<vmem_shared>>, %arg17: memref<!tpu.dma_semaphore, #tpu.memory_space<semaphore_mem>>, %arg18: memref<!tpu.dma_semaphore, #tpu.memory_space<semaphore_mem>>, %arg19: memref<!tpu.dma_semaphore, #tpu.memory_space<semaphore_mem>>, %arg20: memref<!tpu.dma_semaphore, #tpu.memory_space<semaphore_mem>>, %arg21: memref<!tpu.dma_semaphore, #tpu.memory_space<semaphore_mem>>, %arg22: memref<!tpu.dma_semaphore, #tpu.memory_space<semaphore_mem>>, %arg23: memref<!tpu.dma_semaphore, #tpu.memory_space<semaphore_mem>>, %arg24: memref<!tpu.dma_semaphore, #tpu.memory_space<semaphore_mem>>, %arg25: memref<!tpu.dma_semaphore, #tpu.memory_space<semaphore_mem>>, %arg26: memref<!tpu.dma_semaphore, #tpu.memory_space<semaphore_mem>>, %arg27: memref<!tpu.dma_semaphore, #tpu.memory_space<semaphore_mem>>, %arg28: memref<!tpu.dma_semaphore, #tpu.memory_space<semaphore_mem>>, %arg29: memref<!tpu.dma_semaphore, #tpu.memory_space<semaphore_mem>>, %arg30: memref<!tpu.dma_semaphore, #tpu.memory_space<semaphore_mem>>, %arg31: memref<!tpu.dma_semaphore, #tpu.memory_space<semaphore_mem>>, %arg32: memref<!tpu.dma_semaphore, #tpu.memory_space<semaphore_mem>>) attributes {dimension_semantics = [#tpu.dimension_semantics<core_parallel>, #tpu.dimension_semantics<subcore_parallel>], iteration_bounds = array<i64: 2, 16>, scalar_prefetch = 0 : i64, scratch_operands = 27 : i64, tpu.core_type = #tpu.core_type<sc_vector_subcore>, window_params = [{transform_indices = #map}, {transform_indices = #map1}, {transform_indices = #map1}, {transform_indices = #map1}]} {
    %mul3A = arith.constant 16 : i32
    %mul3A_0 = arith.muli %arg0, %mul3A : i32
    %add3A = arith.addi %mul3A_0, %arg1 : i32
    "tpu.region"() ({
      %run_scoped3A = tpu.sem_alloc : memref<!tpu.dma_semaphore, #tpu.memory_space<semaphore_mem>>
      %dma_start3A_135 = arith.constant 0 : i32
      %dma_start3A_136 = arith.constant 0 : i32
      %dma_start3A_137 = tpu.memref_slice %arg3[%add3A, %dma_start3A_135, %dma_start3A_136] : memref<32x80x128xi32, #tpu.memory_space<hbm>> -> memref<1x80x128xi32, #tpu.memory_space<hbm>>
      %dma_start3A_138 = tpu.memref_squeeze %dma_start3A_137 : memref<1x80x128xi32, #tpu.memory_space<hbm>> -> memref<80x128xi32, #tpu.memory_space<hbm>>
      %dma_start3A_139 = arith.constant 0 : i32
      %dma_start3A_140 = arith.constant 0 : i32
      %dma_start3A_141 = tpu.memref_slice %arg3[%add3A, %dma_start3A_139, %dma_start3A_140] : memref<32x80x128xi32, #tpu.memory_space<hbm>> -> memref<1x80x128xi32, #tpu.memory_space<hbm>>
      %dma_start3A_142 = tpu.memref_squeeze %dma_start3A_141 : memref<1x80x128xi32, #tpu.memory_space<hbm>> -> memref<80x128xi32, #tpu.memory_space<hbm>>
      tpu.enqueue_dma source(%dma_start3A_142 : memref<80x128xi32, #tpu.memory_space<hbm>>) target(%arg6 : memref<80x128xi32, #tpu.memory_space<vmem>>) target_semaphore(%run_scoped3A : memref<!tpu.dma_semaphore, #tpu.memory_space<semaphore_mem>>)
      %dma_wait3A_143 = arith.constant 0 : i32
      %dma_wait3A_144 = arith.constant 0 : i32
      %dma_wait3A_145 = tpu.memref_slice %arg3[%add3A, %dma_wait3A_143, %dma_wait3A_144] : memref<32x80x128xi32, #tpu.memory_space<hbm>> -> memref<1x80x128xi32, #tpu.memory_space<hbm>>
      %dma_wait3A_146 = tpu.memref_squeeze %dma_wait3A_145 : memref<1x80x128xi32, #tpu.memory_space<hbm>> -> memref<80x128xi32, #tpu.memory_space<hbm>>
      %dma_wait3A_147 = arith.constant 0 : i32
      %dma_wait3A_148 = arith.constant 0 : i32
      %dma_wait3A_149 = tpu.memref_slice %arg3[%add3A, %dma_wait3A_147, %dma_wait3A_148] : memref<32x80x128xi32, #tpu.memory_space<hbm>> -> memref<1x80x128xi32, #tpu.memory_space<hbm>>
      %dma_wait3A_150 = tpu.memref_squeeze %dma_wait3A_149 : memref<1x80x128xi32, #tpu.memory_space<hbm>> -> memref<80x128xi32, #tpu.memory_space<hbm>>
      tpu.wait_dma2 semaphore(%run_scoped3A : memref<!tpu.dma_semaphore, #tpu.memory_space<semaphore_mem>>) src(%dma_wait3A_150 : memref<80x128xi32, #tpu.memory_space<hbm>>) dst(%arg6 : memref<80x128xi32, #tpu.memory_space<vmem>>)
      tpu.yield
    }) : () -> ()
    "tpu.region"() ({
      %run_scoped3A = tpu.sem_alloc : memref<!tpu.dma_semaphore, #tpu.memory_space<semaphore_mem>>
      %dma_start3A_135 = arith.constant 0 : i32
      %dma_start3A_136 = arith.constant 0 : i32
      %dma_start3A_137 = tpu.memref_slice %arg4[%add3A, %dma_start3A_135, %dma_start3A_136] : memref<32x80x128xi32, #tpu.memory_space<hbm>> -> memref<1x80x128xi32, #tpu.memory_space<hbm>>
      %dma_start3A_138 = tpu.memref_squeeze %dma_start3A_137 : memref<1x80x128xi32, #tpu.memory_space<hbm>> -> memref<80x128xi32, #tpu.memory_space<hbm>>
      %dma_start3A_139 = arith.constant 0 : i32
      %dma_start3A_140 = arith.constant 0 : i32
      %dma_start3A_141 = tpu.memref_slice %arg4[%add3A, %dma_start3A_139, %dma_start3A_140] : memref<32x80x128xi32, #tpu.memory_space<hbm>> -> memref<1x80x128xi32, #tpu.memory_space<hbm>>
      %dma_start3A_142 = tpu.memref_squeeze %dma_start3A_141 : memref<1x80x128xi32, #tpu.memory_space<hbm>> -> memref<80x128xi32, #tpu.memory_space<hbm>>
      tpu.enqueue_dma source(%dma_start3A_142 : memref<80x128xi32, #tpu.memory_space<hbm>>) target(%arg7 : memref<80x128xi32, #tpu.memory_space<vmem>>) target_semaphore(%run_scoped3A : memref<!tpu.dma_semaphore, #tpu.memory_space<semaphore_mem>>)
      %dma_wait3A_143 = arith.constant 0 : i32
      %dma_wait3A_144 = arith.constant 0 : i32
      %dma_wait3A_145 = tpu.memref_slice %arg4[%add3A, %dma_wait3A_143, %dma_wait3A_144] : memref<32x80x128xi32, #tpu.memory_space<hbm>> -> memref<1x80x128xi32, #tpu.memory_space<hbm>>
      %dma_wait3A_146 = tpu.memref_squeeze %dma_wait3A_145 : memref<1x80x128xi32, #tpu.memory_space<hbm>> -> memref<80x128xi32, #tpu.memory_space<hbm>>
      %dma_wait3A_147 = arith.constant 0 : i32
      %dma_wait3A_148 = arith.constant 0 : i32
      %dma_wait3A_149 = tpu.memref_slice %arg4[%add3A, %dma_wait3A_147, %dma_wait3A_148] : memref<32x80x128xi32, #tpu.memory_space<hbm>> -> memref<1x80x128xi32, #tpu.memory_space<hbm>>
      %dma_wait3A_150 = tpu.memref_squeeze %dma_wait3A_149 : memref<1x80x128xi32, #tpu.memory_space<hbm>> -> memref<80x128xi32, #tpu.memory_space<hbm>>
      tpu.wait_dma2 semaphore(%run_scoped3A : memref<!tpu.dma_semaphore, #tpu.memory_space<semaphore_mem>>) src(%dma_wait3A_150 : memref<80x128xi32, #tpu.memory_space<hbm>>) dst(%arg7 : memref<80x128xi32, #tpu.memory_space<vmem>>)
      tpu.yield
    }) : () -> ()
    %scan3A = arith.constant 0 : i32
    %scan3A_1 = arith.constant 0 : i32
    %scan3A_2 = arith.constant 128 : i32
    %scan3A_3 = arith.addi %scan3A_1, %scan3A_2 : i32
    %scan3A_4 = arith.constant 1 : i32
    scf.for %scan3A_135 = %scan3A_1 to %scan3A_3 step %scan3A_4  : i32 {
      %broadcast_in_dim3A = arith.constant 0.000000e+00 : f32
      %broadcast_in_dim3A_136 = vector.broadcast %broadcast_in_dim3A : f32 to vector<16xf32>
      %swap3A = arith.index_cast %scan3A_135 : i32 to index
      %swap3A_137 = arith.constant 0 : index
      %swap3A_138 = tpu.vector_load %arg8[%swap3A, %swap3A_137] {strides = array<i32>} : memref<128x64xf32, #tpu.memory_space<vmem>>, vector<16xf32>,
      tpu.vector_store %arg8[%swap3A, %swap3A_137], %broadcast_in_dim3A_136 {strides = array<i32>} : memref<128x64xf32, #tpu.memory_space<vmem>>, vector<16xf32>,
      %broadcast_in_dim3A_139 = arith.constant 0.000000e+00 : f32
      %broadcast_in_dim3A_140 = vector.broadcast %broadcast_in_dim3A_139 : f32 to vector<16xf32>
      %swap3A_141 = arith.index_cast %scan3A_135 : i32 to index
      %swap3A_142 = arith.constant 16 : index
      %swap3A_143 = tpu.vector_load %arg8[%swap3A_141, %swap3A_142] {strides = array<i32>} : memref<128x64xf32, #tpu.memory_space<vmem>>, vector<16xf32>,
      tpu.vector_store %arg8[%swap3A_141, %swap3A_142], %broadcast_in_dim3A_140 {strides = array<i32>} : memref<128x64xf32, #tpu.memory_space<vmem>>, vector<16xf32>,
      %broadcast_in_dim3A_144 = arith.constant 0.000000e+00 : f32
      %broadcast_in_dim3A_145 = vector.broadcast %broadcast_in_dim3A_144 : f32 to vector<16xf32>
      %swap3A_146 = arith.index_cast %scan3A_135 : i32 to index
      %swap3A_147 = arith.constant 32 : index
      %swap3A_148 = tpu.vector_load %arg8[%swap3A_146, %swap3A_147] {strides = array<i32>} : memref<128x64xf32, #tpu.memory_space<vmem>>, vector<16xf32>,
      tpu.vector_store %arg8[%swap3A_146, %swap3A_147], %broadcast_in_dim3A_145 {strides = array<i32>} : memref<128x64xf32, #tpu.memory_space<vmem>>, vector<16xf32>,
      %broadcast_in_dim3A_149 = arith.constant 0.000000e+00 : f32
      %broadcast_in_dim3A_150 = vector.broadcast %broadcast_in_dim3A_149 : f32 to vector<16xf32>
      %swap3A_151 = arith.index_cast %scan3A_135 : i32 to index
      %swap3A_152 = arith.constant 48 : index
      %swap3A_153 = tpu.vector_load %arg8[%swap3A_151, %swap3A_152] {strides = array<i32>} : memref<128x64xf32, #tpu.memory_space<vmem>>, vector<16xf32>,
      tpu.vector_store %arg8[%swap3A_151, %swap3A_152], %broadcast_in_dim3A_150 {strides = array<i32>} : memref<128x64xf32, #tpu.memory_space<vmem>>, vector<16xf32>,
    }
    %scan3A_5 = arith.constant 128 : i32
    %mul3A_6 = arith.constant 640 : i32
    %mul3A_7 = arith.muli %arg1, %mul3A_6 : i32
    %add3A_8 = arith.constant 0 : i32
    %add3A_9 = arith.addi %mul3A_7, %add3A_8 : i32
    "tpu.region"() ({
      %run_scoped3A = tpu.sem_alloc : memref<!tpu.dma_semaphore, #tpu.memory_space<semaphore_mem>>
      %dma_start3A_135 = arith.constant 0 : i32
      %dma_start3A_136 = tpu.memref_slice %arg16[%add3A_9, %dma_start3A_135] : memref<10240x64xf32, #tpu.memory_space<vmem_shared>> -> memref<128x64xf32, #tpu.memory_space<vmem_shared>>
      %dma_start3A_137 = arith.constant 0 : i32
      %dma_start3A_138 = tpu.memref_slice %arg16[%add3A_9, %dma_start3A_137] : memref<10240x64xf32, #tpu.memory_space<vmem_shared>> -> memref<128x64xf32, #tpu.memory_space<vmem_shared>>
      tpu.enqueue_dma source(%arg8 : memref<128x64xf32, #tpu.memory_space<vmem>>) target(%dma_start3A_138 : memref<128x64xf32, #tpu.memory_space<vmem_shared>>) target_semaphore(%run_scoped3A : memref<!tpu.dma_semaphore, #tpu.memory_space<semaphore_mem>>)
      %dma_wait3A_139 = arith.constant 0 : i32
      %dma_wait3A_140 = tpu.memref_slice %arg16[%add3A_9, %dma_wait3A_139] : memref<10240x64xf32, #tpu.memory_space<vmem_shared>> -> memref<128x64xf32, #tpu.memory_space<vmem_shared>>
      %dma_wait3A_141 = arith.constant 0 : i32
      %dma_wait3A_142 = tpu.memref_slice %arg16[%add3A_9, %dma_wait3A_141] : memref<10240x64xf32, #tpu.memory_space<vmem_shared>> -> memref<128x64xf32, #tpu.memory_space<vmem_shared>>
      tpu.wait_dma2 semaphore(%run_scoped3A : memref<!tpu.dma_semaphore, #tpu.memory_space<semaphore_mem>>) src(%arg8 : memref<128x64xf32, #tpu.memory_space<vmem>>) dst(%dma_wait3A_142 : memref<128x64xf32, #tpu.memory_space<vmem_shared>>)
      tpu.yield
    }) : () -> ()
    %mul3A_10 = arith.constant 640 : i32
    %mul3A_11 = arith.muli %arg1, %mul3A_10 : i32
    %add3A_12 = arith.constant 128 : i32
    %add3A_13 = arith.addi %mul3A_11, %add3A_12 : i32
    "tpu.region"() ({
      %run_scoped3A = tpu.sem_alloc : memref<!tpu.dma_semaphore, #tpu.memory_space<semaphore_mem>>
      %dma_start3A_135 = arith.constant 0 : i32
      %dma_start3A_136 = tpu.memref_slice %arg16[%add3A_13, %dma_start3A_135] : memref<10240x64xf32, #tpu.memory_space<vmem_shared>> -> memref<128x64xf32, #tpu.memory_space<vmem_shared>>
      %dma_start3A_137 = arith.constant 0 : i32
      %dma_start3A_138 = tpu.memref_slice %arg16[%add3A_13, %dma_start3A_137] : memref<10240x64xf32, #tpu.memory_space<vmem_shared>> -> memref<128x64xf32, #tpu.memory_space<vmem_shared>>
      tpu.enqueue_dma source(%arg8 : memref<128x64xf32, #tpu.memory_space<vmem>>) target(%dma_start3A_138 : memref<128x64xf32, #tpu.memory_space<vmem_shared>>) target_semaphore(%run_scoped3A : memref<!tpu.dma_semaphore, #tpu.memory_space<semaphore_mem>>)
      %dma_wait3A_139 = arith.constant 0 : i32
      %dma_wait3A_140 = tpu.memref_slice %arg16[%add3A_13, %dma_wait3A_139] : memref<10240x64xf32, #tpu.memory_space<vmem_shared>> -> memref<128x64xf32, #tpu.memory_space<vmem_shared>>
      %dma_wait3A_141 = arith.constant 0 : i32
      %dma_wait3A_142 = tpu.memref_slice %arg16[%add3A_13, %dma_wait3A_141] : memref<10240x64xf32, #tpu.memory_space<vmem_shared>> -> memref<128x64xf32, #tpu.memory_space<vmem_shared>>
      tpu.wait_dma2 semaphore(%run_scoped3A : memref<!tpu.dma_semaphore, #tpu.memory_space<semaphore_mem>>) src(%arg8 : memref<128x64xf32, #tpu.memory_space<vmem>>) dst(%dma_wait3A_142 : memref<128x64xf32, #tpu.memory_space<vmem_shared>>)
      tpu.yield
    }) : () -> ()
    %mul3A_14 = arith.constant 640 : i32
    %mul3A_15 = arith.muli %arg1, %mul3A_14 : i32
    %add3A_16 = arith.constant 256 : i32
    %add3A_17 = arith.addi %mul3A_15, %add3A_16 : i32
    "tpu.region"() ({
      %run_scoped3A = tpu.sem_alloc : memref<!tpu.dma_semaphore, #tpu.memory_space<semaphore_mem>>
      %dma_start3A_135 = arith.constant 0 : i32
      %dma_start3A_136 = tpu.memref_slice %arg16[%add3A_17, %dma_start3A_135] : memref<10240x64xf32, #tpu.memory_space<vmem_shared>> -> memref<128x64xf32, #tpu.memory_space<vmem_shared>>
      %dma_start3A_137 = arith.constant 0 : i32
      %dma_start3A_138 = tpu.memref_slice %arg16[%add3A_17, %dma_start3A_137] : memref<10240x64xf32, #tpu.memory_space<vmem_shared>> -> memref<128x64xf32, #tpu.memory_space<vmem_shared>>
      tpu.enqueue_dma source(%arg8 : memref<128x64xf32, #tpu.memory_space<vmem>>) target(%dma_start3A_138 : memref<128x64xf32, #tpu.memory_space<vmem_shared>>) target_semaphore(%run_scoped3A : memref<!tpu.dma_semaphore, #tpu.memory_space<semaphore_mem>>)
      %dma_wait3A_139 = arith.constant 0 : i32
      %dma_wait3A_140 = tpu.memref_slice %arg16[%add3A_17, %dma_wait3A_139] : memref<10240x64xf32, #tpu.memory_space<vmem_shared>> -> memref<128x64xf32, #tpu.memory_space<vmem_shared>>
      %dma_wait3A_141 = arith.constant 0 : i32
      %dma_wait3A_142 = tpu.memref_slice %arg16[%add3A_17, %dma_wait3A_141] : memref<10240x64xf32, #tpu.memory_space<vmem_shared>> -> memref<128x64xf32, #tpu.memory_space<vmem_shared>>
      tpu.wait_dma2 semaphore(%run_scoped3A : memref<!tpu.dma_semaphore, #tpu.memory_space<semaphore_mem>>) src(%arg8 : memref<128x64xf32, #tpu.memory_space<vmem>>) dst(%dma_wait3A_142 : memref<128x64xf32, #tpu.memory_space<vmem_shared>>)
      tpu.yield
    }) : () -> ()
    %mul3A_18 = arith.constant 640 : i32
    %mul3A_19 = arith.muli %arg1, %mul3A_18 : i32
    %add3A_20 = arith.constant 384 : i32
    %add3A_21 = arith.addi %mul3A_19, %add3A_20 : i32
    "tpu.region"() ({
      %run_scoped3A = tpu.sem_alloc : memref<!tpu.dma_semaphore, #tpu.memory_space<semaphore_mem>>
      %dma_start3A_135 = arith.constant 0 : i32
      %dma_start3A_136 = tpu.memref_slice %arg16[%add3A_21, %dma_start3A_135] : memref<10240x64xf32, #tpu.memory_space<vmem_shared>> -> memref<128x64xf32, #tpu.memory_space<vmem_shared>>
      %dma_start3A_137 = arith.constant 0 : i32
      %dma_start3A_138 = tpu.memref_slice %arg16[%add3A_21, %dma_start3A_137] : memref<10240x64xf32, #tpu.memory_space<vmem_shared>> -> memref<128x64xf32, #tpu.memory_space<vmem_shared>>
      tpu.enqueue_dma source(%arg8 : memref<128x64xf32, #tpu.memory_space<vmem>>) target(%dma_start3A_138 : memref<128x64xf32, #tpu.memory_space<vmem_shared>>) target_semaphore(%run_scoped3A : memref<!tpu.dma_semaphore, #tpu.memory_space<semaphore_mem>>)
      %dma_wait3A_139 = arith.constant 0 : i32
      %dma_wait3A_140 = tpu.memref_slice %arg16[%add3A_21, %dma_wait3A_139] : memref<10240x64xf32, #tpu.memory_space<vmem_shared>> -> memref<128x64xf32, #tpu.memory_space<vmem_shared>>
      %dma_wait3A_141 = arith.constant 0 : i32
      %dma_wait3A_142 = tpu.memref_slice %arg16[%add3A_21, %dma_wait3A_141] : memref<10240x64xf32, #tpu.memory_space<vmem_shared>> -> memref<128x64xf32, #tpu.memory_space<vmem_shared>>
      tpu.wait_dma2 semaphore(%run_scoped3A : memref<!tpu.dma_semaphore, #tpu.memory_space<semaphore_mem>>) src(%arg8 : memref<128x64xf32, #tpu.memory_space<vmem>>) dst(%dma_wait3A_142 : memref<128x64xf32, #tpu.memory_space<vmem_shared>>)
      tpu.yield
    }) : () -> ()
    %mul3A_22 = arith.constant 640 : i32
    %mul3A_23 = arith.muli %arg1, %mul3A_22 : i32
    %add3A_24 = arith.constant 512 : i32
    %add3A_25 = arith.addi %mul3A_23, %add3A_24 : i32
    "tpu.region"() ({
      %run_scoped3A = tpu.sem_alloc : memref<!tpu.dma_semaphore, #tpu.memory_space<semaphore_mem>>
      %dma_start3A_135 = arith.constant 0 : i32
      %dma_start3A_136 = tpu.memref_slice %arg16[%add3A_25, %dma_start3A_135] : memref<10240x64xf32, #tpu.memory_space<vmem_shared>> -> memref<128x64xf32, #tpu.memory_space<vmem_shared>>
      %dma_start3A_137 = arith.constant 0 : i32
      %dma_start3A_138 = tpu.memref_slice %arg16[%add3A_25, %dma_start3A_137] : memref<10240x64xf32, #tpu.memory_space<vmem_shared>> -> memref<128x64xf32, #tpu.memory_space<vmem_shared>>
      tpu.enqueue_dma source(%arg8 : memref<128x64xf32, #tpu.memory_space<vmem>>) target(%dma_start3A_138 : memref<128x64xf32, #tpu.memory_space<vmem_shared>>) target_semaphore(%run_scoped3A : memref<!tpu.dma_semaphore, #tpu.memory_space<semaphore_mem>>)
      %dma_wait3A_139 = arith.constant 0 : i32
      %dma_wait3A_140 = tpu.memref_slice %arg16[%add3A_25, %dma_wait3A_139] : memref<10240x64xf32, #tpu.memory_space<vmem_shared>> -> memref<128x64xf32, #tpu.memory_space<vmem_shared>>
      %dma_wait3A_141 = arith.constant 0 : i32
      %dma_wait3A_142 = tpu.memref_slice %arg16[%add3A_25, %dma_wait3A_141] : memref<10240x64xf32, #tpu.memory_space<vmem_shared>> -> memref<128x64xf32, #tpu.memory_space<vmem_shared>>
      tpu.wait_dma2 semaphore(%run_scoped3A : memref<!tpu.dma_semaphore, #tpu.memory_space<semaphore_mem>>) src(%arg8 : memref<128x64xf32, #tpu.memory_space<vmem>>) dst(%dma_wait3A_142 : memref<128x64xf32, #tpu.memory_space<vmem_shared>>)
      tpu.yield
    }) : () -> ()
    %barrier3A = arith.constant 0 : index
    tpu.barrier barrier_id(%barrier3A)
    %dma_start3A = arith.constant 0 : i32
    %dma_start3A_26 = arith.constant 0 : i32
    %dma_start3A_27 = tpu.memref_slice %arg6[%dma_start3A, %dma_start3A_26] : memref<80x128xi32, #tpu.memory_space<vmem>> -> memref<1x128xi32, #tpu.memory_space<vmem>>
    %dma_start3A_28 = tpu.memref_squeeze %dma_start3A_27 : memref<1x128xi32, #tpu.memory_space<vmem>> -> memref<128xi32, #tpu.memory_space<vmem>>
    %dma_start3A_29 = arith.constant 0 : i32
    %dma_start3A_30 = arith.constant 0 : i32
    %dma_start3A_31 = tpu.memref_slice %arg2[%dma_start3A_29, %dma_start3A_30] : memref<20000x64xf32, #tpu.memory_space<hbm>> -> memref<20000x64xf32, #tpu.memory_space<hbm>>
    tpu.enqueue_indirect_dma source(%dma_start3A_31 : memref<20000x64xf32, #tpu.memory_space<hbm>>) target(%arg8 : memref<128x64xf32, #tpu.memory_space<vmem>>) offsets(%dma_start3A_28 : memref<128xi32, #tpu.memory_space<vmem>>) semaphore(%arg17 : memref<!tpu.dma_semaphore, #tpu.memory_space<semaphore_mem>>)
    %dma_start3A_32 = arith.constant 1 : i32
    %dma_start3A_33 = arith.constant 0 : i32
    %dma_start3A_34 = tpu.memref_slice %arg6[%dma_start3A_32, %dma_start3A_33] : memref<80x128xi32, #tpu.memory_space<vmem>> -> memref<1x128xi32, #tpu.memory_space<vmem>>
    %dma_start3A_35 = tpu.memref_squeeze %dma_start3A_34 : memref<1x128xi32, #tpu.memory_space<vmem>> -> memref<128xi32, #tpu.memory_space<vmem>>
    %dma_start3A_36 = arith.constant 0 : i32
    %dma_start3A_37 = arith.constant 0 : i32
    %dma_start3A_38 = tpu.memref_slice %arg2[%dma_start3A_36, %dma_start3A_37] : memref<20000x64xf32, #tpu.memory_space<hbm>> -> memref<20000x64xf32, #tpu.memory_space<hbm>>
    tpu.enqueue_indirect_dma source(%dma_start3A_38 : memref<20000x64xf32, #tpu.memory_space<hbm>>) target(%arg9 : memref<128x64xf32, #tpu.memory_space<vmem>>) offsets(%dma_start3A_35 : memref<128xi32, #tpu.memory_space<vmem>>) semaphore(%arg18 : memref<!tpu.dma_semaphore, #tpu.memory_space<semaphore_mem>>)
    %dma_start3A_39 = arith.constant 2 : i32
    %dma_start3A_40 = arith.constant 0 : i32
    %dma_start3A_41 = tpu.memref_slice %arg6[%dma_start3A_39, %dma_start3A_40] : memref<80x128xi32, #tpu.memory_space<vmem>> -> memref<1x128xi32, #tpu.memory_space<vmem>>
    %dma_start3A_42 = tpu.memref_squeeze %dma_start3A_41 : memref<1x128xi32, #tpu.memory_space<vmem>> -> memref<128xi32, #tpu.memory_space<vmem>>
    %dma_start3A_43 = arith.constant 0 : i32
    %dma_start3A_44 = arith.constant 0 : i32
    %dma_start3A_45 = tpu.memref_slice %arg2[%dma_start3A_43, %dma_start3A_44] : memref<20000x64xf32, #tpu.memory_space<hbm>> -> memref<20000x64xf32, #tpu.memory_space<hbm>>
    tpu.enqueue_indirect_dma source(%dma_start3A_45 : memref<20000x64xf32, #tpu.memory_space<hbm>>) target(%arg10 : memref<128x64xf32, #tpu.memory_space<vmem>>) offsets(%dma_start3A_42 : memref<128xi32, #tpu.memory_space<vmem>>) semaphore(%arg19 : memref<!tpu.dma_semaphore, #tpu.memory_space<semaphore_mem>>)
    %dma_start3A_46 = arith.constant 3 : i32
    %dma_start3A_47 = arith.constant 0 : i32
    %dma_start3A_48 = tpu.memref_slice %arg6[%dma_start3A_46, %dma_start3A_47] : memref<80x128xi32, #tpu.memory_space<vmem>> -> memref<1x128xi32, #tpu.memory_space<vmem>>
    %dma_start3A_49 = tpu.memref_squeeze %dma_start3A_48 : memref<1x128xi32, #tpu.memory_space<vmem>> -> memref<128xi32, #tpu.memory_space<vmem>>
    %dma_start3A_50 = arith.constant 0 : i32
    %dma_start3A_51 = arith.constant 0 : i32
    %dma_start3A_52 = tpu.memref_slice %arg2[%dma_start3A_50, %dma_start3A_51] : memref<20000x64xf32, #tpu.memory_space<hbm>> -> memref<20000x64xf32, #tpu.memory_space<hbm>>
    tpu.enqueue_indirect_dma source(%dma_start3A_52 : memref<20000x64xf32, #tpu.memory_space<hbm>>) target(%arg11 : memref<128x64xf32, #tpu.memory_space<vmem>>) offsets(%dma_start3A_49 : memref<128xi32, #tpu.memory_space<vmem>>) semaphore(%arg20 : memref<!tpu.dma_semaphore, #tpu.memory_space<semaphore_mem>>)
    %scan3A_53 = arith.constant 0 : i32
    %scan3A_54 = arith.constant 0 : i32
    %scan3A_55 = arith.constant 10 : i32
    %scan3A_56 = arith.addi %scan3A_54, %scan3A_55 : i32
    %scan3A_57 = arith.constant 1 : i32
    scf.for %scan3A_135 = %scan3A_54 to %scan3A_56 step %scan3A_57  : i32 {
      %mul3A_136 = arith.constant 8 : i32
      %mul3A_137 = arith.muli %scan3A_135, %mul3A_136 : i32
      %add3A_138 = arith.constant 0 : i32
      %add3A_139 = arith.addi %mul3A_137, %add3A_138 : i32
      %add3A_140 = arith.constant 4 : i32
      %add3A_141 = arith.addi %add3A_139, %add3A_140 : i32
      %lt3A = arith.constant 80 : i32
      %lt3A_142 = arith.cmpi slt, %add3A_141, %lt3A : i32
      %convert_element_type3A = arith.extui %lt3A_142 : i1 to i32
      %cond3A = arith.constant 0 : i32
      %cond3A_143 = arith.cmpi ne, %convert_element_type3A, %cond3A : i32
      scf.if %cond3A_143 {
        %ge3A = arith.constant 8 : i32
        %ge3A_317 = arith.cmpi sge, %add3A_141, %ge3A : i32
        %convert_element_type3A_318 = arith.extui %ge3A_317 : i1 to i32
        %cond3A_319 = arith.constant 0 : i32
        %cond3A_320 = arith.cmpi ne, %convert_element_type3A_318, %cond3A_319 : i32
        scf.if %cond3A_320 {
          %sub3A = arith.constant 8 : i32
          %sub3A_327 = arith.subi %add3A_141, %sub3A : i32
          %dma_wait3A_328 = arith.constant 0 : i32
          %dma_wait3A_329 = tpu.memref_slice %arg7[%sub3A_327, %dma_wait3A_328] : memref<80x128xi32, #tpu.memory_space<vmem>> -> memref<1x128xi32, #tpu.memory_space<vmem>>
          %dma_wait3A_330 = tpu.memref_squeeze %dma_wait3A_329 : memref<1x128xi32, #tpu.memory_space<vmem>> -> memref<128xi32, #tpu.memory_space<vmem>>
          %dma_wait3A_331 = arith.constant 0 : i32
          %dma_wait3A_332 = arith.constant 0 : i32
          %dma_wait3A_333 = tpu.memref_slice %arg16[%dma_wait3A_331, %dma_wait3A_332] : memref<10240x64xf32, #tpu.memory_space<vmem_shared>> -> memref<10240x64xf32, #tpu.memory_space<vmem_shared>>
          tpu.wait_indirect_dma semaphore(%arg29 : memref<!tpu.dma_semaphore, #tpu.memory_space<semaphore_mem>>) src(%arg12 : memref<128x64xf32, #tpu.memory_space<vmem>>) dst(%dma_wait3A_333 : memref<10240x64xf32, #tpu.memory_space<vmem_shared>>)
        } else {
        }
        %dma_start3A_321 = arith.constant 0 : i32
        %dma_start3A_322 = tpu.memref_slice %arg6[%add3A_141, %dma_start3A_321] : memref<80x128xi32, #tpu.memory_space<vmem>> -> memref<1x128xi32, #tpu.memory_space<vmem>>
        %dma_start3A_323 = tpu.memref_squeeze %dma_start3A_322 : memref<1x128xi32, #tpu.memory_space<vmem>> -> memref<128xi32, #tpu.memory_space<vmem>>
        %dma_start3A_324 = arith.constant 0 : i32
        %dma_start3A_325 = arith.constant 0 : i32
        %dma_start3A_326 = tpu.memref_slice %arg2[%dma_start3A_324, %dma_start3A_325] : memref<20000x64xf32, #tpu.memory_space<hbm>> -> memref<20000x64xf32, #tpu.memory_space<hbm>>
        tpu.enqueue_indirect_dma source(%dma_start3A_326 : memref<20000x64xf32, #tpu.memory_space<hbm>>) target(%arg12 : memref<128x64xf32, #tpu.memory_space<vmem>>) offsets(%dma_start3A_323 : memref<128xi32, #tpu.memory_space<vmem>>) semaphore(%arg21 : memref<!tpu.dma_semaphore, #tpu.memory_space<semaphore_mem>>)
      } else {
      }
      %dma_wait3A_144 = arith.constant 0 : i32
      %dma_wait3A_145 = tpu.memref_slice %arg6[%add3A_139, %dma_wait3A_144] : memref<80x128xi32, #tpu.memory_space<vmem>> -> memref<1x128xi32, #tpu.memory_space<vmem>>
      %dma_wait3A_146 = tpu.memref_squeeze %dma_wait3A_145 : memref<1x128xi32, #tpu.memory_space<vmem>> -> memref<128xi32, #tpu.memory_space<vmem>>
      %dma_wait3A_147 = arith.constant 0 : i32
      %dma_wait3A_148 = arith.constant 0 : i32
      %dma_wait3A_149 = tpu.memref_slice %arg2[%dma_wait3A_147, %dma_wait3A_148] : memref<20000x64xf32, #tpu.memory_space<hbm>> -> memref<20000x64xf32, #tpu.memory_space<hbm>>
      tpu.wait_indirect_dma semaphore(%arg17 : memref<!tpu.dma_semaphore, #tpu.memory_space<semaphore_mem>>) src(%dma_wait3A_149 : memref<20000x64xf32, #tpu.memory_space<hbm>>) dst(%arg8 : memref<128x64xf32, #tpu.memory_space<vmem>>)
      %dma_start3A_150 = arith.constant 0 : i32
      %dma_start3A_151 = tpu.memref_slice %arg7[%add3A_139, %dma_start3A_150] : memref<80x128xi32, #tpu.memory_space<vmem>> -> memref<1x128xi32, #tpu.memory_space<vmem>>
      %dma_start3A_152 = tpu.memref_squeeze %dma_start3A_151 : memref<1x128xi32, #tpu.memory_space<vmem>> -> memref<128xi32, #tpu.memory_space<vmem>>
      %dma_start3A_153 = arith.constant 0 : i32
      %dma_start3A_154 = arith.constant 0 : i32
      %dma_start3A_155 = tpu.memref_slice %arg16[%dma_start3A_153, %dma_start3A_154] : memref<10240x64xf32, #tpu.memory_space<vmem_shared>> -> memref<10240x64xf32, #tpu.memory_space<vmem_shared>>
      tpu.enqueue_indirect_dma source(%arg8 : memref<128x64xf32, #tpu.memory_space<vmem>>) target(%dma_start3A_155 : memref<10240x64xf32, #tpu.memory_space<vmem_shared>>) offsets(%dma_start3A_152 : memref<128xi32, #tpu.memory_space<vmem>>) semaphore(%arg25 : memref<!tpu.dma_semaphore, #tpu.memory_space<semaphore_mem>>) {add = true}
      %mul3A_156 = arith.constant 8 : i32
      %mul3A_157 = arith.muli %scan3A_135, %mul3A_156 : i32
      %add3A_158 = arith.constant 1 : i32
      %add3A_159 = arith.addi %mul3A_157, %add3A_158 : i32
      %add3A_160 = arith.constant 4 : i32
      %add3A_161 = arith.addi %add3A_159, %add3A_160 : i32
      %lt3A_162 = arith.constant 80 : i32
      %lt3A_163 = arith.cmpi slt, %add3A_161, %lt3A_162 : i32
      %convert_element_type3A_164 = arith.extui %lt3A_163 : i1 to i32
      %cond3A_165 = arith.constant 0 : i32
      %cond3A_166 = arith.cmpi ne, %convert_element_type3A_164, %cond3A_165 : i32
      scf.if %cond3A_166 {
        %ge3A = arith.constant 8 : i32
        %ge3A_317 = arith.cmpi sge, %add3A_161, %ge3A : i32
        %convert_element_type3A_318 = arith.extui %ge3A_317 : i1 to i32
        %cond3A_319 = arith.constant 0 : i32
        %cond3A_320 = arith.cmpi ne, %convert_element_type3A_318, %cond3A_319 : i32
        scf.if %cond3A_320 {
          %sub3A = arith.constant 8 : i32
          %sub3A_327 = arith.subi %add3A_161, %sub3A : i32
          %dma_wait3A_328 = arith.constant 0 : i32
          %dma_wait3A_329 = tpu.memref_slice %arg7[%sub3A_327, %dma_wait3A_328] : memref<80x128xi32, #tpu.memory_space<vmem>> -> memref<1x128xi32, #tpu.memory_space<vmem>>
          %dma_wait3A_330 = tpu.memref_squeeze %dma_wait3A_329 : memref<1x128xi32, #tpu.memory_space<vmem>> -> memref<128xi32, #tpu.memory_space<vmem>>
          %dma_wait3A_331 = arith.constant 0 : i32
          %dma_wait3A_332 = arith.constant 0 : i32
          %dma_wait3A_333 = tpu.memref_slice %arg16[%dma_wait3A_331, %dma_wait3A_332] : memref<10240x64xf32, #tpu.memory_space<vmem_shared>> -> memref<10240x64xf32, #tpu.memory_space<vmem_shared>>
          tpu.wait_indirect_dma semaphore(%arg30 : memref<!tpu.dma_semaphore, #tpu.memory_space<semaphore_mem>>) src(%arg13 : memref<128x64xf32, #tpu.memory_space<vmem>>) dst(%dma_wait3A_333 : memref<10240x64xf32, #tpu.memory_space<vmem_shared>>)
        } else {
        }
        %dma_start3A_321 = arith.constant 0 : i32
        %dma_start3A_322 = tpu.memref_slice %arg6[%add3A_161, %dma_start3A_321] : memref<80x128xi32, #tpu.memory_space<vmem>> -> memref<1x128xi32, #tpu.memory_space<vmem>>
        %dma_start3A_323 = tpu.memref_squeeze %dma_start3A_322 : memref<1x128xi32, #tpu.memory_space<vmem>> -> memref<128xi32, #tpu.memory_space<vmem>>
        %dma_start3A_324 = arith.constant 0 : i32
        %dma_start3A_325 = arith.constant 0 : i32
        %dma_start3A_326 = tpu.memref_slice %arg2[%dma_start3A_324, %dma_start3A_325] : memref<20000x64xf32, #tpu.memory_space<hbm>> -> memref<20000x64xf32, #tpu.memory_space<hbm>>
        tpu.enqueue_indirect_dma source(%dma_start3A_326 : memref<20000x64xf32, #tpu.memory_space<hbm>>) target(%arg13 : memref<128x64xf32, #tpu.memory_space<vmem>>) offsets(%dma_start3A_323 : memref<128xi32, #tpu.memory_space<vmem>>) semaphore(%arg22 : memref<!tpu.dma_semaphore, #tpu.memory_space<semaphore_mem>>)
      } else {
      }
      %dma_wait3A_167 = arith.constant 0 : i32
      %dma_wait3A_168 = tpu.memref_slice %arg6[%add3A_159, %dma_wait3A_167] : memref<80x128xi32, #tpu.memory_space<vmem>> -> memref<1x128xi32, #tpu.memory_space<vmem>>
      %dma_wait3A_169 = tpu.memref_squeeze %dma_wait3A_168 : memref<1x128xi32, #tpu.memory_space<vmem>> -> memref<128xi32, #tpu.memory_space<vmem>>
      %dma_wait3A_170 = arith.constant 0 : i32
      %dma_wait3A_171 = arith.constant 0 : i32
      %dma_wait3A_172 = tpu.memref_slice %arg2[%dma_wait3A_170, %dma_wait3A_171] : memref<20000x64xf32, #tpu.memory_space<hbm>> -> memref<20000x64xf32, #tpu.memory_space<hbm>>
      tpu.wait_indirect_dma semaphore(%arg18 : memref<!tpu.dma_semaphore, #tpu.memory_space<semaphore_mem>>) src(%dma_wait3A_172 : memref<20000x64xf32, #tpu.memory_space<hbm>>) dst(%arg9 : memref<128x64xf32, #tpu.memory_space<vmem>>)
      %dma_start3A_173 = arith.constant 0 : i32
      %dma_start3A_174 = tpu.memref_slice %arg7[%add3A_159, %dma_start3A_173] : memref<80x128xi32, #tpu.memory_space<vmem>> -> memref<1x128xi32, #tpu.memory_space<vmem>>
      %dma_start3A_175 = tpu.memref_squeeze %dma_start3A_174 : memref<1x128xi32, #tpu.memory_space<vmem>> -> memref<128xi32, #tpu.memory_space<vmem>>
      %dma_start3A_176 = arith.constant 0 : i32
      %dma_start3A_177 = arith.constant 0 : i32
      %dma_start3A_178 = tpu.memref_slice %arg16[%dma_start3A_176, %dma_start3A_177] : memref<10240x64xf32, #tpu.memory_space<vmem_shared>> -> memref<10240x64xf32, #tpu.memory_space<vmem_shared>>
      tpu.enqueue_indirect_dma source(%arg9 : memref<128x64xf32, #tpu.memory_space<vmem>>) target(%dma_start3A_178 : memref<10240x64xf32, #tpu.memory_space<vmem_shared>>) offsets(%dma_start3A_175 : memref<128xi32, #tpu.memory_space<vmem>>) semaphore(%arg26 : memref<!tpu.dma_semaphore, #tpu.memory_space<semaphore_mem>>) {add = true}
      %mul3A_179 = arith.constant 8 : i32
      %mul3A_180 = arith.muli %scan3A_135, %mul3A_179 : i32
      %add3A_181 = arith.constant 2 : i32
      %add3A_182 = arith.addi %mul3A_180, %add3A_181 : i32
      %add3A_183 = arith.constant 4 : i32
      %add3A_184 = arith.addi %add3A_182, %add3A_183 : i32
      %lt3A_185 = arith.constant 80 : i32
      %lt3A_186 = arith.cmpi slt, %add3A_184, %lt3A_185 : i32
      %convert_element_type3A_187 = arith.extui %lt3A_186 : i1 to i32
      %cond3A_188 = arith.constant 0 : i32
      %cond3A_189 = arith.cmpi ne, %convert_element_type3A_187, %cond3A_188 : i32
      scf.if %cond3A_189 {
        %ge3A = arith.constant 8 : i32
        %ge3A_317 = arith.cmpi sge, %add3A_184, %ge3A : i32
        %convert_element_type3A_318 = arith.extui %ge3A_317 : i1 to i32
        %cond3A_319 = arith.constant 0 : i32
        %cond3A_320 = arith.cmpi ne, %convert_element_type3A_318, %cond3A_319 : i32
        scf.if %cond3A_320 {
          %sub3A = arith.constant 8 : i32
          %sub3A_327 = arith.subi %add3A_184, %sub3A : i32
          %dma_wait3A_328 = arith.constant 0 : i32
          %dma_wait3A_329 = tpu.memref_slice %arg7[%sub3A_327, %dma_wait3A_328] : memref<80x128xi32, #tpu.memory_space<vmem>> -> memref<1x128xi32, #tpu.memory_space<vmem>>
          %dma_wait3A_330 = tpu.memref_squeeze %dma_wait3A_329 : memref<1x128xi32, #tpu.memory_space<vmem>> -> memref<128xi32, #tpu.memory_space<vmem>>
          %dma_wait3A_331 = arith.constant 0 : i32
          %dma_wait3A_332 = arith.constant 0 : i32
          %dma_wait3A_333 = tpu.memref_slice %arg16[%dma_wait3A_331, %dma_wait3A_332] : memref<10240x64xf32, #tpu.memory_space<vmem_shared>> -> memref<10240x64xf32, #tpu.memory_space<vmem_shared>>
          tpu.wait_indirect_dma semaphore(%arg31 : memref<!tpu.dma_semaphore, #tpu.memory_space<semaphore_mem>>) src(%arg14 : memref<128x64xf32, #tpu.memory_space<vmem>>) dst(%dma_wait3A_333 : memref<10240x64xf32, #tpu.memory_space<vmem_shared>>)
        } else {
        }
        %dma_start3A_321 = arith.constant 0 : i32
        %dma_start3A_322 = tpu.memref_slice %arg6[%add3A_184, %dma_start3A_321] : memref<80x128xi32, #tpu.memory_space<vmem>> -> memref<1x128xi32, #tpu.memory_space<vmem>>
        %dma_start3A_323 = tpu.memref_squeeze %dma_start3A_322 : memref<1x128xi32, #tpu.memory_space<vmem>> -> memref<128xi32, #tpu.memory_space<vmem>>
        %dma_start3A_324 = arith.constant 0 : i32
        %dma_start3A_325 = arith.constant 0 : i32
        %dma_start3A_326 = tpu.memref_slice %arg2[%dma_start3A_324, %dma_start3A_325] : memref<20000x64xf32, #tpu.memory_space<hbm>> -> memref<20000x64xf32, #tpu.memory_space<hbm>>
        tpu.enqueue_indirect_dma source(%dma_start3A_326 : memref<20000x64xf32, #tpu.memory_space<hbm>>) target(%arg14 : memref<128x64xf32, #tpu.memory_space<vmem>>) offsets(%dma_start3A_323 : memref<128xi32, #tpu.memory_space<vmem>>) semaphore(%arg23 : memref<!tpu.dma_semaphore, #tpu.memory_space<semaphore_mem>>)
      } else {
      }
      %dma_wait3A_190 = arith.constant 0 : i32
      %dma_wait3A_191 = tpu.memref_slice %arg6[%add3A_182, %dma_wait3A_190] : memref<80x128xi32, #tpu.memory_space<vmem>> -> memref<1x128xi32, #tpu.memory_space<vmem>>
      %dma_wait3A_192 = tpu.memref_squeeze %dma_wait3A_191 : memref<1x128xi32, #tpu.memory_space<vmem>> -> memref<128xi32, #tpu.memory_space<vmem>>
      %dma_wait3A_193 = arith.constant 0 : i32
      %dma_wait3A_194 = arith.constant 0 : i32
      %dma_wait3A_195 = tpu.memref_slice %arg2[%dma_wait3A_193, %dma_wait3A_194] : memref<20000x64xf32, #tpu.memory_space<hbm>> -> memref<20000x64xf32, #tpu.memory_space<hbm>>
      tpu.wait_indirect_dma semaphore(%arg19 : memref<!tpu.dma_semaphore, #tpu.memory_space<semaphore_mem>>) src(%dma_wait3A_195 : memref<20000x64xf32, #tpu.memory_space<hbm>>) dst(%arg10 : memref<128x64xf32, #tpu.memory_space<vmem>>)
      %dma_start3A_196 = arith.constant 0 : i32
      %dma_start3A_197 = tpu.memref_slice %arg7[%add3A_182, %dma_start3A_196] : memref<80x128xi32, #tpu.memory_space<vmem>> -> memref<1x128xi32, #tpu.memory_space<vmem>>
      %dma_start3A_198 = tpu.memref_squeeze %dma_start3A_197 : memref<1x128xi32, #tpu.memory_space<vmem>> -> memref<128xi32, #tpu.memory_space<vmem>>
      %dma_start3A_199 = arith.constant 0 : i32
      %dma_start3A_200 = arith.constant 0 : i32
      %dma_start3A_201 = tpu.memref_slice %arg16[%dma_start3A_199, %dma_start3A_200] : memref<10240x64xf32, #tpu.memory_space<vmem_shared>> -> memref<10240x64xf32, #tpu.memory_space<vmem_shared>>
      tpu.enqueue_indirect_dma source(%arg10 : memref<128x64xf32, #tpu.memory_space<vmem>>) target(%dma_start3A_201 : memref<10240x64xf32, #tpu.memory_space<vmem_shared>>) offsets(%dma_start3A_198 : memref<128xi32, #tpu.memory_space<vmem>>) semaphore(%arg27 : memref<!tpu.dma_semaphore, #tpu.memory_space<semaphore_mem>>) {add = true}
      %mul3A_202 = arith.constant 8 : i32
      %mul3A_203 = arith.muli %scan3A_135, %mul3A_202 : i32
      %add3A_204 = arith.constant 3 : i32
      %add3A_205 = arith.addi %mul3A_203, %add3A_204 : i32
      %add3A_206 = arith.constant 4 : i32
      %add3A_207 = arith.addi %add3A_205, %add3A_206 : i32
      %lt3A_208 = arith.constant 80 : i32
      %lt3A_209 = arith.cmpi slt, %add3A_207, %lt3A_208 : i32
      %convert_element_type3A_210 = arith.extui %lt3A_209 : i1 to i32
      %cond3A_211 = arith.constant 0 : i32
      %cond3A_212 = arith.cmpi ne, %convert_element_type3A_210, %cond3A_211 : i32
      scf.if %cond3A_212 {
        %ge3A = arith.constant 8 : i32
        %ge3A_317 = arith.cmpi sge, %add3A_207, %ge3A : i32
        %convert_element_type3A_318 = arith.extui %ge3A_317 : i1 to i32
        %cond3A_319 = arith.constant 0 : i32
        %cond3A_320 = arith.cmpi ne, %convert_element_type3A_318, %cond3A_319 : i32
        scf.if %cond3A_320 {
          %sub3A = arith.constant 8 : i32
          %sub3A_327 = arith.subi %add3A_207, %sub3A : i32
          %dma_wait3A_328 = arith.constant 0 : i32
          %dma_wait3A_329 = tpu.memref_slice %arg7[%sub3A_327, %dma_wait3A_328] : memref<80x128xi32, #tpu.memory_space<vmem>> -> memref<1x128xi32, #tpu.memory_space<vmem>>
          %dma_wait3A_330 = tpu.memref_squeeze %dma_wait3A_329 : memref<1x128xi32, #tpu.memory_space<vmem>> -> memref<128xi32, #tpu.memory_space<vmem>>
          %dma_wait3A_331 = arith.constant 0 : i32
          %dma_wait3A_332 = arith.constant 0 : i32
          %dma_wait3A_333 = tpu.memref_slice %arg16[%dma_wait3A_331, %dma_wait3A_332] : memref<10240x64xf32, #tpu.memory_space<vmem_shared>> -> memref<10240x64xf32, #tpu.memory_space<vmem_shared>>
          tpu.wait_indirect_dma semaphore(%arg32 : memref<!tpu.dma_semaphore, #tpu.memory_space<semaphore_mem>>) src(%arg15 : memref<128x64xf32, #tpu.memory_space<vmem>>) dst(%dma_wait3A_333 : memref<10240x64xf32, #tpu.memory_space<vmem_shared>>)
        } else {
        }
        %dma_start3A_321 = arith.constant 0 : i32
        %dma_start3A_322 = tpu.memref_slice %arg6[%add3A_207, %dma_start3A_321] : memref<80x128xi32, #tpu.memory_space<vmem>> -> memref<1x128xi32, #tpu.memory_space<vmem>>
        %dma_start3A_323 = tpu.memref_squeeze %dma_start3A_322 : memref<1x128xi32, #tpu.memory_space<vmem>> -> memref<128xi32, #tpu.memory_space<vmem>>
        %dma_start3A_324 = arith.constant 0 : i32
        %dma_start3A_325 = arith.constant 0 : i32
        %dma_start3A_326 = tpu.memref_slice %arg2[%dma_start3A_324, %dma_start3A_325] : memref<20000x64xf32, #tpu.memory_space<hbm>> -> memref<20000x64xf32, #tpu.memory_space<hbm>>
        tpu.enqueue_indirect_dma source(%dma_start3A_326 : memref<20000x64xf32, #tpu.memory_space<hbm>>) target(%arg15 : memref<128x64xf32, #tpu.memory_space<vmem>>) offsets(%dma_start3A_323 : memref<128xi32, #tpu.memory_space<vmem>>) semaphore(%arg24 : memref<!tpu.dma_semaphore, #tpu.memory_space<semaphore_mem>>)
      } else {
      }
      %dma_wait3A_213 = arith.constant 0 : i32
      %dma_wait3A_214 = tpu.memref_slice %arg6[%add3A_205, %dma_wait3A_213] : memref<80x128xi32, #tpu.memory_space<vmem>> -> memref<1x128xi32, #tpu.memory_space<vmem>>
      %dma_wait3A_215 = tpu.memref_squeeze %dma_wait3A_214 : memref<1x128xi32, #tpu.memory_space<vmem>> -> memref<128xi32, #tpu.memory_space<vmem>>
      %dma_wait3A_216 = arith.constant 0 : i32
      %dma_wait3A_217 = arith.constant 0 : i32
      %dma_wait3A_218 = tpu.memref_slice %arg2[%dma_wait3A_216, %dma_wait3A_217] : memref<20000x64xf32, #tpu.memory_space<hbm>> -> memref<20000x64xf32, #tpu.memory_space<hbm>>
      tpu.wait_indirect_dma semaphore(%arg20 : memref<!tpu.dma_semaphore, #tpu.memory_space<semaphore_mem>>) src(%dma_wait3A_218 : memref<20000x64xf32, #tpu.memory_space<hbm>>) dst(%arg11 : memref<128x64xf32, #tpu.memory_space<vmem>>)
      %dma_start3A_219 = arith.constant 0 : i32
      %dma_start3A_220 = tpu.memref_slice %arg7[%add3A_205, %dma_start3A_219] : memref<80x128xi32, #tpu.memory_space<vmem>> -> memref<1x128xi32, #tpu.memory_space<vmem>>
      %dma_start3A_221 = tpu.memref_squeeze %dma_start3A_220 : memref<1x128xi32, #tpu.memory_space<vmem>> -> memref<128xi32, #tpu.memory_space<vmem>>
      %dma_start3A_222 = arith.constant 0 : i32
      %dma_start3A_223 = arith.constant 0 : i32
      %dma_start3A_224 = tpu.memref_slice %arg16[%dma_start3A_222, %dma_start3A_223] : memref<10240x64xf32, #tpu.memory_space<vmem_shared>> -> memref<10240x64xf32, #tpu.memory_space<vmem_shared>>
      tpu.enqueue_indirect_dma source(%arg11 : memref<128x64xf32, #tpu.memory_space<vmem>>) target(%dma_start3A_224 : memref<10240x64xf32, #tpu.memory_space<vmem_shared>>) offsets(%dma_start3A_221 : memref<128xi32, #tpu.memory_space<vmem>>) semaphore(%arg28 : memref<!tpu.dma_semaphore, #tpu.memory_space<semaphore_mem>>) {add = true}
      %mul3A_225 = arith.constant 8 : i32
      %mul3A_226 = arith.muli %scan3A_135, %mul3A_225 : i32
      %add3A_227 = arith.constant 4 : i32
      %add3A_228 = arith.addi %mul3A_226, %add3A_227 : i32
      %add3A_229 = arith.constant 4 : i32
      %add3A_230 = arith.addi %add3A_228, %add3A_229 : i32
      %lt3A_231 = arith.constant 80 : i32
      %lt3A_232 = arith.cmpi slt, %add3A_230, %lt3A_231 : i32
      %convert_element_type3A_233 = arith.extui %lt3A_232 : i1 to i32
      %cond3A_234 = arith.constant 0 : i32
      %cond3A_235 = arith.cmpi ne, %convert_element_type3A_233, %cond3A_234 : i32
      scf.if %cond3A_235 {
        %ge3A = arith.constant 8 : i32
        %ge3A_317 = arith.cmpi sge, %add3A_230, %ge3A : i32
        %convert_element_type3A_318 = arith.extui %ge3A_317 : i1 to i32
        %cond3A_319 = arith.constant 0 : i32
        %cond3A_320 = arith.cmpi ne, %convert_element_type3A_318, %cond3A_319 : i32
        scf.if %cond3A_320 {
          %sub3A = arith.constant 8 : i32
          %sub3A_327 = arith.subi %add3A_230, %sub3A : i32
          %dma_wait3A_328 = arith.constant 0 : i32
          %dma_wait3A_329 = tpu.memref_slice %arg7[%sub3A_327, %dma_wait3A_328] : memref<80x128xi32, #tpu.memory_space<vmem>> -> memref<1x128xi32, #tpu.memory_space<vmem>>
          %dma_wait3A_330 = tpu.memref_squeeze %dma_wait3A_329 : memref<1x128xi32, #tpu.memory_space<vmem>> -> memref<128xi32, #tpu.memory_space<vmem>>
          %dma_wait3A_331 = arith.constant 0 : i32
          %dma_wait3A_332 = arith.constant 0 : i32
          %dma_wait3A_333 = tpu.memref_slice %arg16[%dma_wait3A_331, %dma_wait3A_332] : memref<10240x64xf32, #tpu.memory_space<vmem_shared>> -> memref<10240x64xf32, #tpu.memory_space<vmem_shared>>
          tpu.wait_indirect_dma semaphore(%arg25 : memref<!tpu.dma_semaphore, #tpu.memory_space<semaphore_mem>>) src(%arg8 : memref<128x64xf32, #tpu.memory_space<vmem>>) dst(%dma_wait3A_333 : memref<10240x64xf32, #tpu.memory_space<vmem_shared>>)
        } else {
        }
        %dma_start3A_321 = arith.constant 0 : i32
        %dma_start3A_322 = tpu.memref_slice %arg6[%add3A_230, %dma_start3A_321] : memref<80x128xi32, #tpu.memory_space<vmem>> -> memref<1x128xi32, #tpu.memory_space<vmem>>
        %dma_start3A_323 = tpu.memref_squeeze %dma_start3A_322 : memref<1x128xi32, #tpu.memory_space<vmem>> -> memref<128xi32, #tpu.memory_space<vmem>>
        %dma_start3A_324 = arith.constant 0 : i32
        %dma_start3A_325 = arith.constant 0 : i32
        %dma_start3A_326 = tpu.memref_slice %arg2[%dma_start3A_324, %dma_start3A_325] : memref<20000x64xf32, #tpu.memory_space<hbm>> -> memref<20000x64xf32, #tpu.memory_space<hbm>>
        tpu.enqueue_indirect_dma source(%dma_start3A_326 : memref<20000x64xf32, #tpu.memory_space<hbm>>) target(%arg8 : memref<128x64xf32, #tpu.memory_space<vmem>>) offsets(%dma_start3A_323 : memref<128xi32, #tpu.memory_space<vmem>>) semaphore(%arg17 : memref<!tpu.dma_semaphore, #tpu.memory_space<semaphore_mem>>)
      } else {
      }
      %dma_wait3A_236 = arith.constant 0 : i32
      %dma_wait3A_237 = tpu.memref_slice %arg6[%add3A_228, %dma_wait3A_236] : memref<80x128xi32, #tpu.memory_space<vmem>> -> memref<1x128xi32, #tpu.memory_space<vmem>>
      %dma_wait3A_238 = tpu.memref_squeeze %dma_wait3A_237 : memref<1x128xi32, #tpu.memory_space<vmem>> -> memref<128xi32, #tpu.memory_space<vmem>>
      %dma_wait3A_239 = arith.constant 0 : i32
      %dma_wait3A_240 = arith.constant 0 : i32
      %dma_wait3A_241 = tpu.memref_slice %arg2[%dma_wait3A_239, %dma_wait3A_240] : memref<20000x64xf32, #tpu.memory_space<hbm>> -> memref<20000x64xf32, #tpu.memory_space<hbm>>
      tpu.wait_indirect_dma semaphore(%arg21 : memref<!tpu.dma_semaphore, #tpu.memory_space<semaphore_mem>>) src(%dma_wait3A_241 : memref<20000x64xf32, #tpu.memory_space<hbm>>) dst(%arg12 : memref<128x64xf32, #tpu.memory_space<vmem>>)
      %dma_start3A_242 = arith.constant 0 : i32
      %dma_start3A_243 = tpu.memref_slice %arg7[%add3A_228, %dma_start3A_242] : memref<80x128xi32, #tpu.memory_space<vmem>> -> memref<1x128xi32, #tpu.memory_space<vmem>>
      %dma_start3A_244 = tpu.memref_squeeze %dma_start3A_243 : memref<1x128xi32, #tpu.memory_space<vmem>> -> memref<128xi32, #tpu.memory_space<vmem>>
      %dma_start3A_245 = arith.constant 0 : i32
      %dma_start3A_246 = arith.constant 0 : i32
      %dma_start3A_247 = tpu.memref_slice %arg16[%dma_start3A_245, %dma_start3A_246] : memref<10240x64xf32, #tpu.memory_space<vmem_shared>> -> memref<10240x64xf32, #tpu.memory_space<vmem_shared>>
      tpu.enqueue_indirect_dma source(%arg12 : memref<128x64xf32, #tpu.memory_space<vmem>>) target(%dma_start3A_247 : memref<10240x64xf32, #tpu.memory_space<vmem_shared>>) offsets(%dma_start3A_244 : memref<128xi32, #tpu.memory_space<vmem>>) semaphore(%arg29 : memref<!tpu.dma_semaphore, #tpu.memory_space<semaphore_mem>>) {add = true}
      %mul3A_248 = arith.constant 8 : i32
      %mul3A_249 = arith.muli %scan3A_135, %mul3A_248 : i32
      %add3A_250 = arith.constant 5 : i32
      %add3A_251 = arith.addi %mul3A_249, %add3A_250 : i32
      %add3A_252 = arith.constant 4 : i32
      %add3A_253 = arith.addi %add3A_251, %add3A_252 : i32
      %lt3A_254 = arith.constant 80 : i32
      %lt3A_255 = arith.cmpi slt, %add3A_253, %lt3A_254 : i32
      %convert_element_type3A_256 = arith.extui %lt3A_255 : i1 to i32
      %cond3A_257 = arith.constant 0 : i32
      %cond3A_258 = arith.cmpi ne, %convert_element_type3A_256, %cond3A_257 : i32
      scf.if %cond3A_258 {
        %ge3A = arith.constant 8 : i32
        %ge3A_317 = arith.cmpi sge, %add3A_253, %ge3A : i32
        %convert_element_type3A_318 = arith.extui %ge3A_317 : i1 to i32
        %cond3A_319 = arith.constant 0 : i32
        %cond3A_320 = arith.cmpi ne, %convert_element_type3A_318, %cond3A_319 : i32
        scf.if %cond3A_320 {
          %sub3A = arith.constant 8 : i32
          %sub3A_327 = arith.subi %add3A_253, %sub3A : i32
          %dma_wait3A_328 = arith.constant 0 : i32
          %dma_wait3A_329 = tpu.memref_slice %arg7[%sub3A_327, %dma_wait3A_328] : memref<80x128xi32, #tpu.memory_space<vmem>> -> memref<1x128xi32, #tpu.memory_space<vmem>>
          %dma_wait3A_330 = tpu.memref_squeeze %dma_wait3A_329 : memref<1x128xi32, #tpu.memory_space<vmem>> -> memref<128xi32, #tpu.memory_space<vmem>>
          %dma_wait3A_331 = arith.constant 0 : i32
          %dma_wait3A_332 = arith.constant 0 : i32
          %dma_wait3A_333 = tpu.memref_slice %arg16[%dma_wait3A_331, %dma_wait3A_332] : memref<10240x64xf32, #tpu.memory_space<vmem_shared>> -> memref<10240x64xf32, #tpu.memory_space<vmem_shared>>
          tpu.wait_indirect_dma semaphore(%arg26 : memref<!tpu.dma_semaphore, #tpu.memory_space<semaphore_mem>>) src(%arg9 : memref<128x64xf32, #tpu.memory_space<vmem>>) dst(%dma_wait3A_333 : memref<10240x64xf32, #tpu.memory_space<vmem_shared>>)
        } else {
        }
        %dma_start3A_321 = arith.constant 0 : i32
        %dma_start3A_322 = tpu.memref_slice %arg6[%add3A_253, %dma_start3A_321] : memref<80x128xi32, #tpu.memory_space<vmem>> -> memref<1x128xi32, #tpu.memory_space<vmem>>
        %dma_start3A_323 = tpu.memref_squeeze %dma_start3A_322 : memref<1x128xi32, #tpu.memory_space<vmem>> -> memref<128xi32, #tpu.memory_space<vmem>>
        %dma_start3A_324 = arith.constant 0 : i32
        %dma_start3A_325 = arith.constant 0 : i32
        %dma_start3A_326 = tpu.memref_slice %arg2[%dma_start3A_324, %dma_start3A_325] : memref<20000x64xf32, #tpu.memory_space<hbm>> -> memref<20000x64xf32, #tpu.memory_space<hbm>>
        tpu.enqueue_indirect_dma source(%dma_start3A_326 : memref<20000x64xf32, #tpu.memory_space<hbm>>) target(%arg9 : memref<128x64xf32, #tpu.memory_space<vmem>>) offsets(%dma_start3A_323 : memref<128xi32, #tpu.memory_space<vmem>>) semaphore(%arg18 : memref<!tpu.dma_semaphore, #tpu.memory_space<semaphore_mem>>)
      } else {
      }
      %dma_wait3A_259 = arith.constant 0 : i32
      %dma_wait3A_260 = tpu.memref_slice %arg6[%add3A_251, %dma_wait3A_259] : memref<80x128xi32, #tpu.memory_space<vmem>> -> memref<1x128xi32, #tpu.memory_space<vmem>>
      %dma_wait3A_261 = tpu.memref_squeeze %dma_wait3A_260 : memref<1x128xi32, #tpu.memory_space<vmem>> -> memref<128xi32, #tpu.memory_space<vmem>>
      %dma_wait3A_262 = arith.constant 0 : i32
      %dma_wait3A_263 = arith.constant 0 : i32
      %dma_wait3A_264 = tpu.memref_slice %arg2[%dma_wait3A_262, %dma_wait3A_263] : memref<20000x64xf32, #tpu.memory_space<hbm>> -> memref<20000x64xf32, #tpu.memory_space<hbm>>
      tpu.wait_indirect_dma semaphore(%arg22 : memref<!tpu.dma_semaphore, #tpu.memory_space<semaphore_mem>>) src(%dma_wait3A_264 : memref<20000x64xf32, #tpu.memory_space<hbm>>) dst(%arg13 : memref<128x64xf32, #tpu.memory_space<vmem>>)
      %dma_start3A_265 = arith.constant 0 : i32
      %dma_start3A_266 = tpu.memref_slice %arg7[%add3A_251, %dma_start3A_265] : memref<80x128xi32, #tpu.memory_space<vmem>> -> memref<1x128xi32, #tpu.memory_space<vmem>>
      %dma_start3A_267 = tpu.memref_squeeze %dma_start3A_266 : memref<1x128xi32, #tpu.memory_space<vmem>> -> memref<128xi32, #tpu.memory_space<vmem>>
      %dma_start3A_268 = arith.constant 0 : i32
      %dma_start3A_269 = arith.constant 0 : i32
      %dma_start3A_270 = tpu.memref_slice %arg16[%dma_start3A_268, %dma_start3A_269] : memref<10240x64xf32, #tpu.memory_space<vmem_shared>> -> memref<10240x64xf32, #tpu.memory_space<vmem_shared>>
      tpu.enqueue_indirect_dma source(%arg13 : memref<128x64xf32, #tpu.memory_space<vmem>>) target(%dma_start3A_270 : memref<10240x64xf32, #tpu.memory_space<vmem_shared>>) offsets(%dma_start3A_267 : memref<128xi32, #tpu.memory_space<vmem>>) semaphore(%arg30 : memref<!tpu.dma_semaphore, #tpu.memory_space<semaphore_mem>>) {add = true}
      %mul3A_271 = arith.constant 8 : i32
      %mul3A_272 = arith.muli %scan3A_135, %mul3A_271 : i32
      %add3A_273 = arith.constant 6 : i32
      %add3A_274 = arith.addi %mul3A_272, %add3A_273 : i32
      %add3A_275 = arith.constant 4 : i32
      %add3A_276 = arith.addi %add3A_274, %add3A_275 : i32
      %lt3A_277 = arith.constant 80 : i32
      %lt3A_278 = arith.cmpi slt, %add3A_276, %lt3A_277 : i32
      %convert_element_type3A_279 = arith.extui %lt3A_278 : i1 to i32
      %cond3A_280 = arith.constant 0 : i32
      %cond3A_281 = arith.cmpi ne, %convert_element_type3A_279, %cond3A_280 : i32
      scf.if %cond3A_281 {
        %ge3A = arith.constant 8 : i32
        %ge3A_317 = arith.cmpi sge, %add3A_276, %ge3A : i32
        %convert_element_type3A_318 = arith.extui %ge3A_317 : i1 to i32
        %cond3A_319 = arith.constant 0 : i32
        %cond3A_320 = arith.cmpi ne, %convert_element_type3A_318, %cond3A_319 : i32
        scf.if %cond3A_320 {
          %sub3A = arith.constant 8 : i32
          %sub3A_327 = arith.subi %add3A_276, %sub3A : i32
          %dma_wait3A_328 = arith.constant 0 : i32
          %dma_wait3A_329 = tpu.memref_slice %arg7[%sub3A_327, %dma_wait3A_328] : memref<80x128xi32, #tpu.memory_space<vmem>> -> memref<1x128xi32, #tpu.memory_space<vmem>>
          %dma_wait3A_330 = tpu.memref_squeeze %dma_wait3A_329 : memref<1x128xi32, #tpu.memory_space<vmem>> -> memref<128xi32, #tpu.memory_space<vmem>>
          %dma_wait3A_331 = arith.constant 0 : i32
          %dma_wait3A_332 = arith.constant 0 : i32
          %dma_wait3A_333 = tpu.memref_slice %arg16[%dma_wait3A_331, %dma_wait3A_332] : memref<10240x64xf32, #tpu.memory_space<vmem_shared>> -> memref<10240x64xf32, #tpu.memory_space<vmem_shared>>
          tpu.wait_indirect_dma semaphore(%arg27 : memref<!tpu.dma_semaphore, #tpu.memory_space<semaphore_mem>>) src(%arg10 : memref<128x64xf32, #tpu.memory_space<vmem>>) dst(%dma_wait3A_333 : memref<10240x64xf32, #tpu.memory_space<vmem_shared>>)
        } else {
        }
        %dma_start3A_321 = arith.constant 0 : i32
        %dma_start3A_322 = tpu.memref_slice %arg6[%add3A_276, %dma_start3A_321] : memref<80x128xi32, #tpu.memory_space<vmem>> -> memref<1x128xi32, #tpu.memory_space<vmem>>
        %dma_start3A_323 = tpu.memref_squeeze %dma_start3A_322 : memref<1x128xi32, #tpu.memory_space<vmem>> -> memref<128xi32, #tpu.memory_space<vmem>>
        %dma_start3A_324 = arith.constant 0 : i32
        %dma_start3A_325 = arith.constant 0 : i32
        %dma_start3A_326 = tpu.memref_slice %arg2[%dma_start3A_324, %dma_start3A_325] : memref<20000x64xf32, #tpu.memory_space<hbm>> -> memref<20000x64xf32, #tpu.memory_space<hbm>>
        tpu.enqueue_indirect_dma source(%dma_start3A_326 : memref<20000x64xf32, #tpu.memory_space<hbm>>) target(%arg10 : memref<128x64xf32, #tpu.memory_space<vmem>>) offsets(%dma_start3A_323 : memref<128xi32, #tpu.memory_space<vmem>>) semaphore(%arg19 : memref<!tpu.dma_semaphore, #tpu.memory_space<semaphore_mem>>)
      } else {
      }
      %dma_wait3A_282 = arith.constant 0 : i32
      %dma_wait3A_283 = tpu.memref_slice %arg6[%add3A_274, %dma_wait3A_282] : memref<80x128xi32, #tpu.memory_space<vmem>> -> memref<1x128xi32, #tpu.memory_space<vmem>>
      %dma_wait3A_284 = tpu.memref_squeeze %dma_wait3A_283 : memref<1x128xi32, #tpu.memory_space<vmem>> -> memref<128xi32, #tpu.memory_space<vmem>>
      %dma_wait3A_285 = arith.constant 0 : i32
      %dma_wait3A_286 = arith.constant 0 : i32
      %dma_wait3A_287 = tpu.memref_slice %arg2[%dma_wait3A_285, %dma_wait3A_286] : memref<20000x64xf32, #tpu.memory_space<hbm>> -> memref<20000x64xf32, #tpu.memory_space<hbm>>
      tpu.wait_indirect_dma semaphore(%arg23 : memref<!tpu.dma_semaphore, #tpu.memory_space<semaphore_mem>>) src(%dma_wait3A_287 : memref<20000x64xf32, #tpu.memory_space<hbm>>) dst(%arg14 : memref<128x64xf32, #tpu.memory_space<vmem>>)
      %dma_start3A_288 = arith.constant 0 : i32
      %dma_start3A_289 = tpu.memref_slice %arg7[%add3A_274, %dma_start3A_288] : memref<80x128xi32, #tpu.memory_space<vmem>> -> memref<1x128xi32, #tpu.memory_space<vmem>>
      %dma_start3A_290 = tpu.memref_squeeze %dma_start3A_289 : memref<1x128xi32, #tpu.memory_space<vmem>> -> memref<128xi32, #tpu.memory_space<vmem>>
      %dma_start3A_291 = arith.constant 0 : i32
      %dma_start3A_292 = arith.constant 0 : i32
      %dma_start3A_293 = tpu.memref_slice %arg16[%dma_start3A_291, %dma_start3A_292] : memref<10240x64xf32, #tpu.memory_space<vmem_shared>> -> memref<10240x64xf32, #tpu.memory_space<vmem_shared>>
      tpu.enqueue_indirect_dma source(%arg14 : memref<128x64xf32, #tpu.memory_space<vmem>>) target(%dma_start3A_293 : memref<10240x64xf32, #tpu.memory_space<vmem_shared>>) offsets(%dma_start3A_290 : memref<128xi32, #tpu.memory_space<vmem>>) semaphore(%arg31 : memref<!tpu.dma_semaphore, #tpu.memory_space<semaphore_mem>>) {add = true}
      %mul3A_294 = arith.constant 8 : i32
      %mul3A_295 = arith.muli %scan3A_135, %mul3A_294 : i32
      %add3A_296 = arith.constant 7 : i32
      %add3A_297 = arith.addi %mul3A_295, %add3A_296 : i32
      %add3A_298 = arith.constant 4 : i32
      %add3A_299 = arith.addi %add3A_297, %add3A_298 : i32
      %lt3A_300 = arith.constant 80 : i32
      %lt3A_301 = arith.cmpi slt, %add3A_299, %lt3A_300 : i32
      %convert_element_type3A_302 = arith.extui %lt3A_301 : i1 to i32
      %cond3A_303 = arith.constant 0 : i32
      %cond3A_304 = arith.cmpi ne, %convert_element_type3A_302, %cond3A_303 : i32
      scf.if %cond3A_304 {
        %ge3A = arith.constant 8 : i32
        %ge3A_317 = arith.cmpi sge, %add3A_299, %ge3A : i32
        %convert_element_type3A_318 = arith.extui %ge3A_317 : i1 to i32
        %cond3A_319 = arith.constant 0 : i32
        %cond3A_320 = arith.cmpi ne, %convert_element_type3A_318, %cond3A_319 : i32
        scf.if %cond3A_320 {
          %sub3A = arith.constant 8 : i32
          %sub3A_327 = arith.subi %add3A_299, %sub3A : i32
          %dma_wait3A_328 = arith.constant 0 : i32
          %dma_wait3A_329 = tpu.memref_slice %arg7[%sub3A_327, %dma_wait3A_328] : memref<80x128xi32, #tpu.memory_space<vmem>> -> memref<1x128xi32, #tpu.memory_space<vmem>>
          %dma_wait3A_330 = tpu.memref_squeeze %dma_wait3A_329 : memref<1x128xi32, #tpu.memory_space<vmem>> -> memref<128xi32, #tpu.memory_space<vmem>>
          %dma_wait3A_331 = arith.constant 0 : i32
          %dma_wait3A_332 = arith.constant 0 : i32
          %dma_wait3A_333 = tpu.memref_slice %arg16[%dma_wait3A_331, %dma_wait3A_332] : memref<10240x64xf32, #tpu.memory_space<vmem_shared>> -> memref<10240x64xf32, #tpu.memory_space<vmem_shared>>
          tpu.wait_indirect_dma semaphore(%arg28 : memref<!tpu.dma_semaphore, #tpu.memory_space<semaphore_mem>>) src(%arg11 : memref<128x64xf32, #tpu.memory_space<vmem>>) dst(%dma_wait3A_333 : memref<10240x64xf32, #tpu.memory_space<vmem_shared>>)
        } else {
        }
        %dma_start3A_321 = arith.constant 0 : i32
        %dma_start3A_322 = tpu.memref_slice %arg6[%add3A_299, %dma_start3A_321] : memref<80x128xi32, #tpu.memory_space<vmem>> -> memref<1x128xi32, #tpu.memory_space<vmem>>
        %dma_start3A_323 = tpu.memref_squeeze %dma_start3A_322 : memref<1x128xi32, #tpu.memory_space<vmem>> -> memref<128xi32, #tpu.memory_space<vmem>>
        %dma_start3A_324 = arith.constant 0 : i32
        %dma_start3A_325 = arith.constant 0 : i32
        %dma_start3A_326 = tpu.memref_slice %arg2[%dma_start3A_324, %dma_start3A_325] : memref<20000x64xf32, #tpu.memory_space<hbm>> -> memref<20000x64xf32, #tpu.memory_space<hbm>>
        tpu.enqueue_indirect_dma source(%dma_start3A_326 : memref<20000x64xf32, #tpu.memory_space<hbm>>) target(%arg11 : memref<128x64xf32, #tpu.memory_space<vmem>>) offsets(%dma_start3A_323 : memref<128xi32, #tpu.memory_space<vmem>>) semaphore(%arg20 : memref<!tpu.dma_semaphore, #tpu.memory_space<semaphore_mem>>)
      } else {
      }
      %dma_wait3A_305 = arith.constant 0 : i32
      %dma_wait3A_306 = tpu.memref_slice %arg6[%add3A_297, %dma_wait3A_305] : memref<80x128xi32, #tpu.memory_space<vmem>> -> memref<1x128xi32, #tpu.memory_space<vmem>>
      %dma_wait3A_307 = tpu.memref_squeeze %dma_wait3A_306 : memref<1x128xi32, #tpu.memory_space<vmem>> -> memref<128xi32, #tpu.memory_space<vmem>>
      %dma_wait3A_308 = arith.constant 0 : i32
      %dma_wait3A_309 = arith.constant 0 : i32
      %dma_wait3A_310 = tpu.memref_slice %arg2[%dma_wait3A_308, %dma_wait3A_309] : memref<20000x64xf32, #tpu.memory_space<hbm>> -> memref<20000x64xf32, #tpu.memory_space<hbm>>
      tpu.wait_indirect_dma semaphore(%arg24 : memref<!tpu.dma_semaphore, #tpu.memory_space<semaphore_mem>>) src(%dma_wait3A_310 : memref<20000x64xf32, #tpu.memory_space<hbm>>) dst(%arg15 : memref<128x64xf32, #tpu.memory_space<vmem>>)
      %dma_start3A_311 = arith.constant 0 : i32
      %dma_start3A_312 = tpu.memref_slice %arg7[%add3A_297, %dma_start3A_311] : memref<80x128xi32, #tpu.memory_space<vmem>> -> memref<1x128xi32, #tpu.memory_space<vmem>>
      %dma_start3A_313 = tpu.memref_squeeze %dma_start3A_312 : memref<1x128xi32, #tpu.memory_space<vmem>> -> memref<128xi32, #tpu.memory_space<vmem>>
      %dma_start3A_314 = arith.constant 0 : i32
      %dma_start3A_315 = arith.constant 0 : i32
      %dma_start3A_316 = tpu.memref_slice %arg16[%dma_start3A_314, %dma_start3A_315] : memref<10240x64xf32, #tpu.memory_space<vmem_shared>> -> memref<10240x64xf32, #tpu.memory_space<vmem_shared>>
      tpu.enqueue_indirect_dma source(%arg15 : memref<128x64xf32, #tpu.memory_space<vmem>>) target(%dma_start3A_316 : memref<10240x64xf32, #tpu.memory_space<vmem_shared>>) offsets(%dma_start3A_313 : memref<128xi32, #tpu.memory_space<vmem>>) semaphore(%arg32 : memref<!tpu.dma_semaphore, #tpu.memory_space<semaphore_mem>>) {add = true}
    }
    %scan3A_58 = arith.constant 10 : i32
    %dma_wait3A = arith.constant 72 : i32
    %dma_wait3A_59 = arith.constant 0 : i32
    %dma_wait3A_60 = tpu.memref_slice %arg7[%dma_wait3A, %dma_wait3A_59] : memref<80x128xi32, #tpu.memory_space<vmem>> -> memref<1x128xi32, #tpu.memory_space<vmem>>
    %dma_wait3A_61 = tpu.memref_squeeze %dma_wait3A_60 : memref<1x128xi32, #tpu.memory_space<vmem>> -> memref<128xi32, #tpu.memory_space<vmem>>
    %dma_wait3A_62 = arith.constant 0 : i32
    %dma_wait3A_63 = arith.constant 0 : i32
    %dma_wait3A_64 = tpu.memref_slice %arg16[%dma_wait3A_62, %dma_wait3A_63] : memref<10240x64xf32, #tpu.memory_space<vmem_shared>> -> memref<10240x64xf32, #tpu.memory_space<vmem_shared>>
    tpu.wait_indirect_dma semaphore(%arg25 : memref<!tpu.dma_semaphore, #tpu.memory_space<semaphore_mem>>) src(%arg8 : memref<128x64xf32, #tpu.memory_space<vmem>>) dst(%dma_wait3A_64 : memref<10240x64xf32, #tpu.memory_space<vmem_shared>>)
    %dma_wait3A_65 = arith.constant 73 : i32
    %dma_wait3A_66 = arith.constant 0 : i32
    %dma_wait3A_67 = tpu.memref_slice %arg7[%dma_wait3A_65, %dma_wait3A_66] : memref<80x128xi32, #tpu.memory_space<vmem>> -> memref<1x128xi32, #tpu.memory_space<vmem>>
    %dma_wait3A_68 = tpu.memref_squeeze %dma_wait3A_67 : memref<1x128xi32, #tpu.memory_space<vmem>> -> memref<128xi32, #tpu.memory_space<vmem>>
    %dma_wait3A_69 = arith.constant 0 : i32
    %dma_wait3A_70 = arith.constant 0 : i32
    %dma_wait3A_71 = tpu.memref_slice %arg16[%dma_wait3A_69, %dma_wait3A_70] : memref<10240x64xf32, #tpu.memory_space<vmem_shared>> -> memref<10240x64xf32, #tpu.memory_space<vmem_shared>>
    tpu.wait_indirect_dma semaphore(%arg26 : memref<!tpu.dma_semaphore, #tpu.memory_space<semaphore_mem>>) src(%arg9 : memref<128x64xf32, #tpu.memory_space<vmem>>) dst(%dma_wait3A_71 : memref<10240x64xf32, #tpu.memory_space<vmem_shared>>)
    %dma_wait3A_72 = arith.constant 74 : i32
    %dma_wait3A_73 = arith.constant 0 : i32
    %dma_wait3A_74 = tpu.memref_slice %arg7[%dma_wait3A_72, %dma_wait3A_73] : memref<80x128xi32, #tpu.memory_space<vmem>> -> memref<1x128xi32, #tpu.memory_space<vmem>>
    %dma_wait3A_75 = tpu.memref_squeeze %dma_wait3A_74 : memref<1x128xi32, #tpu.memory_space<vmem>> -> memref<128xi32, #tpu.memory_space<vmem>>
    %dma_wait3A_76 = arith.constant 0 : i32
    %dma_wait3A_77 = arith.constant 0 : i32
    %dma_wait3A_78 = tpu.memref_slice %arg16[%dma_wait3A_76, %dma_wait3A_77] : memref<10240x64xf32, #tpu.memory_space<vmem_shared>> -> memref<10240x64xf32, #tpu.memory_space<vmem_shared>>
    tpu.wait_indirect_dma semaphore(%arg27 : memref<!tpu.dma_semaphore, #tpu.memory_space<semaphore_mem>>) src(%arg10 : memref<128x64xf32, #tpu.memory_space<vmem>>) dst(%dma_wait3A_78 : memref<10240x64xf32, #tpu.memory_space<vmem_shared>>)
    %dma_wait3A_79 = arith.constant 75 : i32
    %dma_wait3A_80 = arith.constant 0 : i32
    %dma_wait3A_81 = tpu.memref_slice %arg7[%dma_wait3A_79, %dma_wait3A_80] : memref<80x128xi32, #tpu.memory_space<vmem>> -> memref<1x128xi32, #tpu.memory_space<vmem>>
    %dma_wait3A_82 = tpu.memref_squeeze %dma_wait3A_81 : memref<1x128xi32, #tpu.memory_space<vmem>> -> memref<128xi32, #tpu.memory_space<vmem>>
    %dma_wait3A_83 = arith.constant 0 : i32
    %dma_wait3A_84 = arith.constant 0 : i32
    %dma_wait3A_85 = tpu.memref_slice %arg16[%dma_wait3A_83, %dma_wait3A_84] : memref<10240x64xf32, #tpu.memory_space<vmem_shared>> -> memref<10240x64xf32, #tpu.memory_space<vmem_shared>>
    tpu.wait_indirect_dma semaphore(%arg28 : memref<!tpu.dma_semaphore, #tpu.memory_space<semaphore_mem>>) src(%arg11 : memref<128x64xf32, #tpu.memory_space<vmem>>) dst(%dma_wait3A_85 : memref<10240x64xf32, #tpu.memory_space<vmem_shared>>)
    %dma_wait3A_86 = arith.constant 76 : i32
    %dma_wait3A_87 = arith.constant 0 : i32
    %dma_wait3A_88 = tpu.memref_slice %arg7[%dma_wait3A_86, %dma_wait3A_87] : memref<80x128xi32, #tpu.memory_space<vmem>> -> memref<1x128xi32, #tpu.memory_space<vmem>>
    %dma_wait3A_89 = tpu.memref_squeeze %dma_wait3A_88 : memref<1x128xi32, #tpu.memory_space<vmem>> -> memref<128xi32, #tpu.memory_space<vmem>>
    %dma_wait3A_90 = arith.constant 0 : i32
    %dma_wait3A_91 = arith.constant 0 : i32
    %dma_wait3A_92 = tpu.memref_slice %arg16[%dma_wait3A_90, %dma_wait3A_91] : memref<10240x64xf32, #tpu.memory_space<vmem_shared>> -> memref<10240x64xf32, #tpu.memory_space<vmem_shared>>
    tpu.wait_indirect_dma semaphore(%arg29 : memref<!tpu.dma_semaphore, #tpu.memory_space<semaphore_mem>>) src(%arg12 : memref<128x64xf32, #tpu.memory_space<vmem>>) dst(%dma_wait3A_92 : memref<10240x64xf32, #tpu.memory_space<vmem_shared>>)
    %dma_wait3A_93 = arith.constant 77 : i32
    %dma_wait3A_94 = arith.constant 0 : i32
    %dma_wait3A_95 = tpu.memref_slice %arg7[%dma_wait3A_93, %dma_wait3A_94] : memref<80x128xi32, #tpu.memory_space<vmem>> -> memref<1x128xi32, #tpu.memory_space<vmem>>
    %dma_wait3A_96 = tpu.memref_squeeze %dma_wait3A_95 : memref<1x128xi32, #tpu.memory_space<vmem>> -> memref<128xi32, #tpu.memory_space<vmem>>
    %dma_wait3A_97 = arith.constant 0 : i32
    %dma_wait3A_98 = arith.constant 0 : i32
    %dma_wait3A_99 = tpu.memref_slice %arg16[%dma_wait3A_97, %dma_wait3A_98] : memref<10240x64xf32, #tpu.memory_space<vmem_shared>> -> memref<10240x64xf32, #tpu.memory_space<vmem_shared>>
    tpu.wait_indirect_dma semaphore(%arg30 : memref<!tpu.dma_semaphore, #tpu.memory_space<semaphore_mem>>) src(%arg13 : memref<128x64xf32, #tpu.memory_space<vmem>>) dst(%dma_wait3A_99 : memref<10240x64xf32, #tpu.memory_space<vmem_shared>>)
    %dma_wait3A_100 = arith.constant 78 : i32
    %dma_wait3A_101 = arith.constant 0 : i32
    %dma_wait3A_102 = tpu.memref_slice %arg7[%dma_wait3A_100, %dma_wait3A_101] : memref<80x128xi32, #tpu.memory_space<vmem>> -> memref<1x128xi32, #tpu.memory_space<vmem>>
    %dma_wait3A_103 = tpu.memref_squeeze %dma_wait3A_102 : memref<1x128xi32, #tpu.memory_space<vmem>> -> memref<128xi32, #tpu.memory_space<vmem>>
    %dma_wait3A_104 = arith.constant 0 : i32
    %dma_wait3A_105 = arith.constant 0 : i32
    %dma_wait3A_106 = tpu.memref_slice %arg16[%dma_wait3A_104, %dma_wait3A_105] : memref<10240x64xf32, #tpu.memory_space<vmem_shared>> -> memref<10240x64xf32, #tpu.memory_space<vmem_shared>>
    tpu.wait_indirect_dma semaphore(%arg31 : memref<!tpu.dma_semaphore, #tpu.memory_space<semaphore_mem>>) src(%arg14 : memref<128x64xf32, #tpu.memory_space<vmem>>) dst(%dma_wait3A_106 : memref<10240x64xf32, #tpu.memory_space<vmem_shared>>)
    %dma_wait3A_107 = arith.constant 79 : i32
    %dma_wait3A_108 = arith.constant 0 : i32
    %dma_wait3A_109 = tpu.memref_slice %arg7[%dma_wait3A_107, %dma_wait3A_108] : memref<80x128xi32, #tpu.memory_space<vmem>> -> memref<1x128xi32, #tpu.memory_space<vmem>>
    %dma_wait3A_110 = tpu.memref_squeeze %dma_wait3A_109 : memref<1x128xi32, #tpu.memory_space<vmem>> -> memref<128xi32, #tpu.memory_space<vmem>>
    %dma_wait3A_111 = arith.constant 0 : i32
    %dma_wait3A_112 = arith.constant 0 : i32
    %dma_wait3A_113 = tpu.memref_slice %arg16[%dma_wait3A_111, %dma_wait3A_112] : memref<10240x64xf32, #tpu.memory_space<vmem_shared>> -> memref<10240x64xf32, #tpu.memory_space<vmem_shared>>
    tpu.wait_indirect_dma semaphore(%arg32 : memref<!tpu.dma_semaphore, #tpu.memory_space<semaphore_mem>>) src(%arg15 : memref<128x64xf32, #tpu.memory_space<vmem>>) dst(%dma_wait3A_113 : memref<10240x64xf32, #tpu.memory_space<vmem_shared>>)
    %barrier3A_114 = arith.constant 0 : index
    tpu.barrier barrier_id(%barrier3A_114)
    %mul3A_115 = arith.constant 640 : i32
    %mul3A_116 = arith.muli %arg1, %mul3A_115 : i32
    %add3A_117 = arith.constant 0 : i32
    %add3A_118 = arith.addi %mul3A_116, %add3A_117 : i32
    "tpu.region"() ({
      %run_scoped3A = tpu.sem_alloc : memref<!tpu.dma_semaphore, #tpu.memory_space<semaphore_mem>>
      %dma_start3A_135 = arith.constant 0 : i32
      %dma_start3A_136 = tpu.memref_slice %arg16[%add3A_118, %dma_start3A_135] : memref<10240x64xf32, #tpu.memory_space<vmem_shared>> -> memref<128x64xf32, #tpu.memory_space<vmem_shared>>
      %dma_start3A_137 = arith.constant 0 : i32
      %dma_start3A_138 = tpu.memref_slice %arg16[%add3A_118, %dma_start3A_137] : memref<10240x64xf32, #tpu.memory_space<vmem_shared>> -> memref<128x64xf32, #tpu.memory_space<vmem_shared>>
      tpu.enqueue_dma source(%dma_start3A_138 : memref<128x64xf32, #tpu.memory_space<vmem_shared>>) target(%arg8 : memref<128x64xf32, #tpu.memory_space<vmem>>) target_semaphore(%run_scoped3A : memref<!tpu.dma_semaphore, #tpu.memory_space<semaphore_mem>>)
      %dma_wait3A_139 = arith.constant 0 : i32
      %dma_wait3A_140 = tpu.memref_slice %arg16[%add3A_118, %dma_wait3A_139] : memref<10240x64xf32, #tpu.memory_space<vmem_shared>> -> memref<128x64xf32, #tpu.memory_space<vmem_shared>>
      %dma_wait3A_141 = arith.constant 0 : i32
      %dma_wait3A_142 = tpu.memref_slice %arg16[%add3A_118, %dma_wait3A_141] : memref<10240x64xf32, #tpu.memory_space<vmem_shared>> -> memref<128x64xf32, #tpu.memory_space<vmem_shared>>
      tpu.wait_dma2 semaphore(%run_scoped3A : memref<!tpu.dma_semaphore, #tpu.memory_space<semaphore_mem>>) src(%dma_wait3A_142 : memref<128x64xf32, #tpu.memory_space<vmem_shared>>) dst(%arg8 : memref<128x64xf32, #tpu.memory_space<vmem>>)
      tpu.yield
    }) : () -> ()
    "tpu.region"() ({
      %run_scoped3A = tpu.sem_alloc : memref<!tpu.dma_semaphore, #tpu.memory_space<semaphore_mem>>
      %dma_start3A_135 = arith.constant 0 : i32
      %dma_start3A_136 = tpu.memref_slice %arg5[%arg0, %add3A_118, %dma_start3A_135] : memref<2x10240x128xf32, #tpu.memory_space<hbm>> -> memref<1x128x64xf32, #tpu.memory_space<hbm>>
      %dma_start3A_137 = tpu.memref_squeeze %dma_start3A_136 : memref<1x128x64xf32, #tpu.memory_space<hbm>> -> memref<128x64xf32, #tpu.memory_space<hbm>>
      %dma_start3A_138 = arith.constant 0 : i32
      %dma_start3A_139 = tpu.memref_slice %arg5[%arg0, %add3A_118, %dma_start3A_138] : memref<2x10240x128xf32, #tpu.memory_space<hbm>> -> memref<1x128x64xf32, #tpu.memory_space<hbm>>
      %dma_start3A_140 = tpu.memref_squeeze %dma_start3A_139 : memref<1x128x64xf32, #tpu.memory_space<hbm>> -> memref<128x64xf32, #tpu.memory_space<hbm>>
      tpu.enqueue_dma source(%arg8 : memref<128x64xf32, #tpu.memory_space<vmem>>) target(%dma_start3A_140 : memref<128x64xf32, #tpu.memory_space<hbm>>) target_semaphore(%run_scoped3A : memref<!tpu.dma_semaphore, #tpu.memory_space<semaphore_mem>>)
      %dma_wait3A_141 = arith.constant 0 : i32
      %dma_wait3A_142 = tpu.memref_slice %arg5[%arg0, %add3A_118, %dma_wait3A_141] : memref<2x10240x128xf32, #tpu.memory_space<hbm>> -> memref<1x128x64xf32, #tpu.memory_space<hbm>>
      %dma_wait3A_143 = tpu.memref_squeeze %dma_wait3A_142 : memref<1x128x64xf32, #tpu.memory_space<hbm>> -> memref<128x64xf32, #tpu.memory_space<hbm>>
      %dma_wait3A_144 = arith.constant 0 : i32
      %dma_wait3A_145 = tpu.memref_slice %arg5[%arg0, %add3A_118, %dma_wait3A_144] : memref<2x10240x128xf32, #tpu.memory_space<hbm>> -> memref<1x128x64xf32, #tpu.memory_space<hbm>>
      %dma_wait3A_146 = tpu.memref_squeeze %dma_wait3A_145 : memref<1x128x64xf32, #tpu.memory_space<hbm>> -> memref<128x64xf32, #tpu.memory_space<hbm>>
      tpu.wait_dma2 semaphore(%run_scoped3A : memref<!tpu.dma_semaphore, #tpu.memory_space<semaphore_mem>>) src(%arg8 : memref<128x64xf32, #tpu.memory_space<vmem>>) dst(%dma_wait3A_146 : memref<128x64xf32, #tpu.memory_space<hbm>>)
      tpu.yield
    }) : () -> ()
    %mul3A_119 = arith.constant 640 : i32
    %mul3A_120 = arith.muli %arg1, %mul3A_119 : i32
    %add3A_121 = arith.constant 128 : i32
    %add3A_122 = arith.addi %mul3A_120, %add3A_121 : i32
    "tpu.region"() ({
      %run_scoped3A = tpu.sem_alloc : memref<!tpu.dma_semaphore, #tpu.memory_space<semaphore_mem>>
      %dma_start3A_135 = arith.constant 0 : i32
      %dma_start3A_136 = tpu.memref_slice %arg16[%add3A_122, %dma_start3A_135] : memref<10240x64xf32, #tpu.memory_space<vmem_shared>> -> memref<128x64xf32, #tpu.memory_space<vmem_shared>>
      %dma_start3A_137 = arith.constant 0 : i32
      %dma_start3A_138 = tpu.memref_slice %arg16[%add3A_122, %dma_start3A_137] : memref<10240x64xf32, #tpu.memory_space<vmem_shared>> -> memref<128x64xf32, #tpu.memory_space<vmem_shared>>
      tpu.enqueue_dma source(%dma_start3A_138 : memref<128x64xf32, #tpu.memory_space<vmem_shared>>) target(%arg8 : memref<128x64xf32, #tpu.memory_space<vmem>>) target_semaphore(%run_scoped3A : memref<!tpu.dma_semaphore, #tpu.memory_space<semaphore_mem>>)
      %dma_wait3A_139 = arith.constant 0 : i32
      %dma_wait3A_140 = tpu.memref_slice %arg16[%add3A_122, %dma_wait3A_139] : memref<10240x64xf32, #tpu.memory_space<vmem_shared>> -> memref<128x64xf32, #tpu.memory_space<vmem_shared>>
      %dma_wait3A_141 = arith.constant 0 : i32
      %dma_wait3A_142 = tpu.memref_slice %arg16[%add3A_122, %dma_wait3A_141] : memref<10240x64xf32, #tpu.memory_space<vmem_shared>> -> memref<128x64xf32, #tpu.memory_space<vmem_shared>>
      tpu.wait_dma2 semaphore(%run_scoped3A : memref<!tpu.dma_semaphore, #tpu.memory_space<semaphore_mem>>) src(%dma_wait3A_142 : memref<128x64xf32, #tpu.memory_space<vmem_shared>>) dst(%arg8 : memref<128x64xf32, #tpu.memory_space<vmem>>)
      tpu.yield
    }) : () -> ()
    "tpu.region"() ({
      %run_scoped3A = tpu.sem_alloc : memref<!tpu.dma_semaphore, #tpu.memory_space<semaphore_mem>>
      %dma_start3A_135 = arith.constant 0 : i32
      %dma_start3A_136 = tpu.memref_slice %arg5[%arg0, %add3A_122, %dma_start3A_135] : memref<2x10240x128xf32, #tpu.memory_space<hbm>> -> memref<1x128x64xf32, #tpu.memory_space<hbm>>
      %dma_start3A_137 = tpu.memref_squeeze %dma_start3A_136 : memref<1x128x64xf32, #tpu.memory_space<hbm>> -> memref<128x64xf32, #tpu.memory_space<hbm>>
      %dma_start3A_138 = arith.constant 0 : i32
      %dma_start3A_139 = tpu.memref_slice %arg5[%arg0, %add3A_122, %dma_start3A_138] : memref<2x10240x128xf32, #tpu.memory_space<hbm>> -> memref<1x128x64xf32, #tpu.memory_space<hbm>>
      %dma_start3A_140 = tpu.memref_squeeze %dma_start3A_139 : memref<1x128x64xf32, #tpu.memory_space<hbm>> -> memref<128x64xf32, #tpu.memory_space<hbm>>
      tpu.enqueue_dma source(%arg8 : memref<128x64xf32, #tpu.memory_space<vmem>>) target(%dma_start3A_140 : memref<128x64xf32, #tpu.memory_space<hbm>>) target_semaphore(%run_scoped3A : memref<!tpu.dma_semaphore, #tpu.memory_space<semaphore_mem>>)
      %dma_wait3A_141 = arith.constant 0 : i32
      %dma_wait3A_142 = tpu.memref_slice %arg5[%arg0, %add3A_122, %dma_wait3A_141] : memref<2x10240x128xf32, #tpu.memory_space<hbm>> -> memref<1x128x64xf32, #tpu.memory_space<hbm>>
      %dma_wait3A_143 = tpu.memref_squeeze %dma_wait3A_142 : memref<1x128x64xf32, #tpu.memory_space<hbm>> -> memref<128x64xf32, #tpu.memory_space<hbm>>
      %dma_wait3A_144 = arith.constant 0 : i32
      %dma_wait3A_145 = tpu.memref_slice %arg5[%arg0, %add3A_122, %dma_wait3A_144] : memref<2x10240x128xf32, #tpu.memory_space<hbm>> -> memref<1x128x64xf32, #tpu.memory_space<hbm>>
      %dma_wait3A_146 = tpu.memref_squeeze %dma_wait3A_145 : memref<1x128x64xf32, #tpu.memory_space<hbm>> -> memref<128x64xf32, #tpu.memory_space<hbm>>
      tpu.wait_dma2 semaphore(%run_scoped3A : memref<!tpu.dma_semaphore, #tpu.memory_space<semaphore_mem>>) src(%arg8 : memref<128x64xf32, #tpu.memory_space<vmem>>) dst(%dma_wait3A_146 : memref<128x64xf32, #tpu.memory_space<hbm>>)
      tpu.yield
    }) : () -> ()
    %mul3A_123 = arith.constant 640 : i32
    %mul3A_124 = arith.muli %arg1, %mul3A_123 : i32
    %add3A_125 = arith.constant 256 : i32
    %add3A_126 = arith.addi %mul3A_124, %add3A_125 : i32
    "tpu.region"() ({
      %run_scoped3A = tpu.sem_alloc : memref<!tpu.dma_semaphore, #tpu.memory_space<semaphore_mem>>
      %dma_start3A_135 = arith.constant 0 : i32
      %dma_start3A_136 = tpu.memref_slice %arg16[%add3A_126, %dma_start3A_135] : memref<10240x64xf32, #tpu.memory_space<vmem_shared>> -> memref<128x64xf32, #tpu.memory_space<vmem_shared>>
      %dma_start3A_137 = arith.constant 0 : i32
      %dma_start3A_138 = tpu.memref_slice %arg16[%add3A_126, %dma_start3A_137] : memref<10240x64xf32, #tpu.memory_space<vmem_shared>> -> memref<128x64xf32, #tpu.memory_space<vmem_shared>>
      tpu.enqueue_dma source(%dma_start3A_138 : memref<128x64xf32, #tpu.memory_space<vmem_shared>>) target(%arg8 : memref<128x64xf32, #tpu.memory_space<vmem>>) target_semaphore(%run_scoped3A : memref<!tpu.dma_semaphore, #tpu.memory_space<semaphore_mem>>)
      %dma_wait3A_139 = arith.constant 0 : i32
      %dma_wait3A_140 = tpu.memref_slice %arg16[%add3A_126, %dma_wait3A_139] : memref<10240x64xf32, #tpu.memory_space<vmem_shared>> -> memref<128x64xf32, #tpu.memory_space<vmem_shared>>
      %dma_wait3A_141 = arith.constant 0 : i32
      %dma_wait3A_142 = tpu.memref_slice %arg16[%add3A_126, %dma_wait3A_141] : memref<10240x64xf32, #tpu.memory_space<vmem_shared>> -> memref<128x64xf32, #tpu.memory_space<vmem_shared>>
      tpu.wait_dma2 semaphore(%run_scoped3A : memref<!tpu.dma_semaphore, #tpu.memory_space<semaphore_mem>>) src(%dma_wait3A_142 : memref<128x64xf32, #tpu.memory_space<vmem_shared>>) dst(%arg8 : memref<128x64xf32, #tpu.memory_space<vmem>>)
      tpu.yield
    }) : () -> ()
    "tpu.region"() ({
      %run_scoped3A = tpu.sem_alloc : memref<!tpu.dma_semaphore, #tpu.memory_space<semaphore_mem>>
      %dma_start3A_135 = arith.constant 0 : i32
      %dma_start3A_136 = tpu.memref_slice %arg5[%arg0, %add3A_126, %dma_start3A_135] : memref<2x10240x128xf32, #tpu.memory_space<hbm>> -> memref<1x128x64xf32, #tpu.memory_space<hbm>>
      %dma_start3A_137 = tpu.memref_squeeze %dma_start3A_136 : memref<1x128x64xf32, #tpu.memory_space<hbm>> -> memref<128x64xf32, #tpu.memory_space<hbm>>
      %dma_start3A_138 = arith.constant 0 : i32
      %dma_start3A_139 = tpu.memref_slice %arg5[%arg0, %add3A_126, %dma_start3A_138] : memref<2x10240x128xf32, #tpu.memory_space<hbm>> -> memref<1x128x64xf32, #tpu.memory_space<hbm>>
      %dma_start3A_140 = tpu.memref_squeeze %dma_start3A_139 : memref<1x128x64xf32, #tpu.memory_space<hbm>> -> memref<128x64xf32, #tpu.memory_space<hbm>>
      tpu.enqueue_dma source(%arg8 : memref<128x64xf32, #tpu.memory_space<vmem>>) target(%dma_start3A_140 : memref<128x64xf32, #tpu.memory_space<hbm>>) target_semaphore(%run_scoped3A : memref<!tpu.dma_semaphore, #tpu.memory_space<semaphore_mem>>)
      %dma_wait3A_141 = arith.constant 0 : i32
      %dma_wait3A_142 = tpu.memref_slice %arg5[%arg0, %add3A_126, %dma_wait3A_141] : memref<2x10240x128xf32, #tpu.memory_space<hbm>> -> memref<1x128x64xf32, #tpu.memory_space<hbm>>
      %dma_wait3A_143 = tpu.memref_squeeze %dma_wait3A_142 : memref<1x128x64xf32, #tpu.memory_space<hbm>> -> memref<128x64xf32, #tpu.memory_space<hbm>>
      %dma_wait3A_144 = arith.constant 0 : i32
      %dma_wait3A_145 = tpu.memref_slice %arg5[%arg0, %add3A_126, %dma_wait3A_144] : memref<2x10240x128xf32, #tpu.memory_space<hbm>> -> memref<1x128x64xf32, #tpu.memory_space<hbm>>
      %dma_wait3A_146 = tpu.memref_squeeze %dma_wait3A_145 : memref<1x128x64xf32, #tpu.memory_space<hbm>> -> memref<128x64xf32, #tpu.memory_space<hbm>>
      tpu.wait_dma2 semaphore(%run_scoped3A : memref<!tpu.dma_semaphore, #tpu.memory_space<semaphore_mem>>) src(%arg8 : memref<128x64xf32, #tpu.memory_space<vmem>>) dst(%dma_wait3A_146 : memref<128x64xf32, #tpu.memory_space<hbm>>)
      tpu.yield
    }) : () -> ()
    %mul3A_127 = arith.constant 640 : i32
    %mul3A_128 = arith.muli %arg1, %mul3A_127 : i32
    %add3A_129 = arith.constant 384 : i32
    %add3A_130 = arith.addi %mul3A_128, %add3A_129 : i32
    "tpu.region"() ({
      %run_scoped3A = tpu.sem_alloc : memref<!tpu.dma_semaphore, #tpu.memory_space<semaphore_mem>>
      %dma_start3A_135 = arith.constant 0 : i32
      %dma_start3A_136 = tpu.memref_slice %arg16[%add3A_130, %dma_start3A_135] : memref<10240x64xf32, #tpu.memory_space<vmem_shared>> -> memref<128x64xf32, #tpu.memory_space<vmem_shared>>
      %dma_start3A_137 = arith.constant 0 : i32
      %dma_start3A_138 = tpu.memref_slice %arg16[%add3A_130, %dma_start3A_137] : memref<10240x64xf32, #tpu.memory_space<vmem_shared>> -> memref<128x64xf32, #tpu.memory_space<vmem_shared>>
      tpu.enqueue_dma source(%dma_start3A_138 : memref<128x64xf32, #tpu.memory_space<vmem_shared>>) target(%arg8 : memref<128x64xf32, #tpu.memory_space<vmem>>) target_semaphore(%run_scoped3A : memref<!tpu.dma_semaphore, #tpu.memory_space<semaphore_mem>>)
      %dma_wait3A_139 = arith.constant 0 : i32
      %dma_wait3A_140 = tpu.memref_slice %arg16[%add3A_130, %dma_wait3A_139] : memref<10240x64xf32, #tpu.memory_space<vmem_shared>> -> memref<128x64xf32, #tpu.memory_space<vmem_shared>>
      %dma_wait3A_141 = arith.constant 0 : i32
      %dma_wait3A_142 = tpu.memref_slice %arg16[%add3A_130, %dma_wait3A_141] : memref<10240x64xf32, #tpu.memory_space<vmem_shared>> -> memref<128x64xf32, #tpu.memory_space<vmem_shared>>
      tpu.wait_dma2 semaphore(%run_scoped3A : memref<!tpu.dma_semaphore, #tpu.memory_space<semaphore_mem>>) src(%dma_wait3A_142 : memref<128x64xf32, #tpu.memory_space<vmem_shared>>) dst(%arg8 : memref<128x64xf32, #tpu.memory_space<vmem>>)
      tpu.yield
    }) : () -> ()
    "tpu.region"() ({
      %run_scoped3A = tpu.sem_alloc : memref<!tpu.dma_semaphore, #tpu.memory_space<semaphore_mem>>
      %dma_start3A_135 = arith.constant 0 : i32
      %dma_start3A_136 = tpu.memref_slice %arg5[%arg0, %add3A_130, %dma_start3A_135] : memref<2x10240x128xf32, #tpu.memory_space<hbm>> -> memref<1x128x64xf32, #tpu.memory_space<hbm>>
      %dma_start3A_137 = tpu.memref_squeeze %dma_start3A_136 : memref<1x128x64xf32, #tpu.memory_space<hbm>> -> memref<128x64xf32, #tpu.memory_space<hbm>>
      %dma_start3A_138 = arith.constant 0 : i32
      %dma_start3A_139 = tpu.memref_slice %arg5[%arg0, %add3A_130, %dma_start3A_138] : memref<2x10240x128xf32, #tpu.memory_space<hbm>> -> memref<1x128x64xf32, #tpu.memory_space<hbm>>
      %dma_start3A_140 = tpu.memref_squeeze %dma_start3A_139 : memref<1x128x64xf32, #tpu.memory_space<hbm>> -> memref<128x64xf32, #tpu.memory_space<hbm>>
      tpu.enqueue_dma source(%arg8 : memref<128x64xf32, #tpu.memory_space<vmem>>) target(%dma_start3A_140 : memref<128x64xf32, #tpu.memory_space<hbm>>) target_semaphore(%run_scoped3A : memref<!tpu.dma_semaphore, #tpu.memory_space<semaphore_mem>>)
      %dma_wait3A_141 = arith.constant 0 : i32
      %dma_wait3A_142 = tpu.memref_slice %arg5[%arg0, %add3A_130, %dma_wait3A_141] : memref<2x10240x128xf32, #tpu.memory_space<hbm>> -> memref<1x128x64xf32, #tpu.memory_space<hbm>>
      %dma_wait3A_143 = tpu.memref_squeeze %dma_wait3A_142 : memref<1x128x64xf32, #tpu.memory_space<hbm>> -> memref<128x64xf32, #tpu.memory_space<hbm>>
      %dma_wait3A_144 = arith.constant 0 : i32
      %dma_wait3A_145 = tpu.memref_slice %arg5[%arg0, %add3A_130, %dma_wait3A_144] : memref<2x10240x128xf32, #tpu.memory_space<hbm>> -> memref<1x128x64xf32, #tpu.memory_space<hbm>>
      %dma_wait3A_146 = tpu.memref_squeeze %dma_wait3A_145 : memref<1x128x64xf32, #tpu.memory_space<hbm>> -> memref<128x64xf32, #tpu.memory_space<hbm>>
      tpu.wait_dma2 semaphore(%run_scoped3A : memref<!tpu.dma_semaphore, #tpu.memory_space<semaphore_mem>>) src(%arg8 : memref<128x64xf32, #tpu.memory_space<vmem>>) dst(%dma_wait3A_146 : memref<128x64xf32, #tpu.memory_space<hbm>>)
      tpu.yield
    }) : () -> ()
    %mul3A_131 = arith.constant 640 : i32
    %mul3A_132 = arith.muli %arg1, %mul3A_131 : i32
    %add3A_133 = arith.constant 512 : i32
    %add3A_134 = arith.addi %mul3A_132, %add3A_133 : i32
    "tpu.region"() ({
      %run_scoped3A = tpu.sem_alloc : memref<!tpu.dma_semaphore, #tpu.memory_space<semaphore_mem>>
      %dma_start3A_135 = arith.constant 0 : i32
      %dma_start3A_136 = tpu.memref_slice %arg16[%add3A_134, %dma_start3A_135] : memref<10240x64xf32, #tpu.memory_space<vmem_shared>> -> memref<128x64xf32, #tpu.memory_space<vmem_shared>>
      %dma_start3A_137 = arith.constant 0 : i32
      %dma_start3A_138 = tpu.memref_slice %arg16[%add3A_134, %dma_start3A_137] : memref<10240x64xf32, #tpu.memory_space<vmem_shared>> -> memref<128x64xf32, #tpu.memory_space<vmem_shared>>
      tpu.enqueue_dma source(%dma_start3A_138 : memref<128x64xf32, #tpu.memory_space<vmem_shared>>) target(%arg8 : memref<128x64xf32, #tpu.memory_space<vmem>>) target_semaphore(%run_scoped3A : memref<!tpu.dma_semaphore, #tpu.memory_space<semaphore_mem>>)
      %dma_wait3A_139 = arith.constant 0 : i32
      %dma_wait3A_140 = tpu.memref_slice %arg16[%add3A_134, %dma_wait3A_139] : memref<10240x64xf32, #tpu.memory_space<vmem_shared>> -> memref<128x64xf32, #tpu.memory_space<vmem_shared>>
      %dma_wait3A_141 = arith.constant 0 : i32
      %dma_wait3A_142 = tpu.memref_slice %arg16[%add3A_134, %dma_wait3A_141] : memref<10240x64xf32, #tpu.memory_space<vmem_shared>> -> memref<128x64xf32, #tpu.memory_space<vmem_shared>>
      tpu.wait_dma2 semaphore(%run_scoped3A : memref<!tpu.dma_semaphore, #tpu.memory_space<semaphore_mem>>) src(%dma_wait3A_142 : memref<128x64xf32, #tpu.memory_space<vmem_shared>>) dst(%arg8 : memref<128x64xf32, #tpu.memory_space<vmem>>)
      tpu.yield
    }) : () -> ()
    "tpu.region"() ({
      %run_scoped3A = tpu.sem_alloc : memref<!tpu.dma_semaphore, #tpu.memory_space<semaphore_mem>>
      %dma_start3A_135 = arith.constant 0 : i32
      %dma_start3A_136 = tpu.memref_slice %arg5[%arg0, %add3A_134, %dma_start3A_135] : memref<2x10240x128xf32, #tpu.memory_space<hbm>> -> memref<1x128x64xf32, #tpu.memory_space<hbm>>
      %dma_start3A_137 = tpu.memref_squeeze %dma_start3A_136 : memref<1x128x64xf32, #tpu.memory_space<hbm>> -> memref<128x64xf32, #tpu.memory_space<hbm>>
      %dma_start3A_138 = arith.constant 0 : i32
      %dma_start3A_139 = tpu.memref_slice %arg5[%arg0, %add3A_134, %dma_start3A_138] : memref<2x10240x128xf32, #tpu.memory_space<hbm>> -> memref<1x128x64xf32, #tpu.memory_space<hbm>>
      %dma_start3A_140 = tpu.memref_squeeze %dma_start3A_139 : memref<1x128x64xf32, #tpu.memory_space<hbm>> -> memref<128x64xf32, #tpu.memory_space<hbm>>
      tpu.enqueue_dma source(%arg8 : memref<128x64xf32, #tpu.memory_space<vmem>>) target(%dma_start3A_140 : memref<128x64xf32, #tpu.memory_space<hbm>>) target_semaphore(%run_scoped3A : memref<!tpu.dma_semaphore, #tpu.memory_space<semaphore_mem>>)
      %dma_wait3A_141 = arith.constant 0 : i32
      %dma_wait3A_142 = tpu.memref_slice %arg5[%arg0, %add3A_134, %dma_wait3A_141] : memref<2x10240x128xf32, #tpu.memory_space<hbm>> -> memref<1x128x64xf32, #tpu.memory_space<hbm>>
      %dma_wait3A_143 = tpu.memref_squeeze %dma_wait3A_142 : memref<1x128x64xf32, #tpu.memory_space<hbm>> -> memref<128x64xf32, #tpu.memory_space<hbm>>
      %dma_wait3A_144 = arith.constant 0 : i32
      %dma_wait3A_145 = tpu.memref_slice %arg5[%arg0, %add3A_134, %dma_wait3A_144] : memref<2x10240x128xf32, #tpu.memory_space<hbm>> -> memref<1x128x64xf32, #tpu.memory_space<hbm>>
      %dma_wait3A_146 = tpu.memref_squeeze %dma_wait3A_145 : memref<1x128x64xf32, #tpu.memory_space<hbm>> -> memref<128x64xf32, #tpu.memory_space<hbm>>
      tpu.wait_dma2 semaphore(%run_scoped3A : memref<!tpu.dma_semaphore, #tpu.memory_space<semaphore_mem>>) src(%arg8 : memref<128x64xf32, #tpu.memory_space<vmem>>) dst(%dma_wait3A_146 : memref<128x64xf32, #tpu.memory_space<hbm>>)
      tpu.yield
    }) : () -> ()
    return
  }
}

#map = affine_map<(d0, d1) -> (0, 0)>
#map1 = affine_map<(d0, d1) -> (0, 0, 0)>
module attributes {stable_mosaic.version = 14 : i64} {
  func.func @deg_kernel(%arg0: i32, %arg1: i32, %arg2: memref<2500x256xi32, #tpu.memory_space<hbm>>, %arg3: memref<32x10240xf32, #tpu.memory_space<hbm>>, %arg4: memref<32x80x128xi32, #tpu.memory_space<hbm>>, %arg5: memref<32x80x128xi32, #tpu.memory_space<hbm>>, %arg6: memref<32x80x128xi32, #tpu.memory_space<hbm>>, %arg7: memref<79x256xi32, #tpu.memory_space<vmem>>, %arg8: memref<10240xf32, #tpu.memory_space<vmem>>, %arg9: memref<80x128xi32, #tpu.memory_space<vmem>>, %arg10: memref<80x128xi32, #tpu.memory_space<vmem>>, %arg11: memref<80x128xi32, #tpu.memory_space<vmem>>) attributes {dimension_semantics = [#tpu.dimension_semantics<core_parallel>, #tpu.dimension_semantics<subcore_parallel>], iteration_bounds = array<i64: 2, 16>, scalar_prefetch = 0 : i64, scratch_operands = 5 : i64, tpu.core_type = #tpu.core_type<sc_vector_subcore>, window_params = [{transform_indices = #map}, {transform_indices = #map}, {transform_indices = #map1}, {transform_indices = #map1}, {transform_indices = #map1}]} {
    %mul3A = arith.constant 16 : i32
    %mul3A_0 = arith.muli %arg0, %mul3A : i32
    %add3A = arith.addi %mul3A_0, %arg1 : i32
    %mul3A_1 = arith.constant 78 : i32
    %mul3A_2 = arith.muli %add3A, %mul3A_1 : i32
    %min3A = arith.constant 4 : i32
    %min3A_3 = arith.minsi %add3A, %min3A : i32
    %add3A_4 = arith.addi %mul3A_2, %min3A_3 : i32
    %lt3A = arith.constant 4 : i32
    %lt3A_5 = arith.cmpi slt, %add3A, %lt3A : i32
    %jit3A = arith.constant 1 : i32
    %jit3A_6 = arith.constant 0 : i32
    %select_n3A = arith.select %lt3A_5, %jit3A, %jit3A_6 : i32
    %add3A_7 = arith.constant 78 : i32
    %add3A_8 = arith.addi %add3A_7, %select_n3A : i32
    "tpu.region"() ({
      %run_scoped3A = tpu.sem_alloc : memref<!tpu.dma_semaphore, #tpu.memory_space<semaphore_mem>>
      %dma_start3A = arith.constant 0 : i32
      %dma_start3A_37 = arith.constant 0 : i32
      %dma_start3A_38 = tpu.memref_slice %arg7[%dma_start3A, %dma_start3A_37] : memref<79x256xi32, #tpu.memory_space<vmem>> -> memref<78x256xi32, #tpu.memory_space<vmem>>
      %dma_start3A_39 = arith.constant 0 : i32
      %dma_start3A_40 = tpu.memref_slice %arg2[%add3A_4, %dma_start3A_39] : memref<2500x256xi32, #tpu.memory_space<hbm>> -> memref<78x256xi32, #tpu.memory_space<hbm>>
      %dma_start3A_41 = arith.constant 0 : i32
      %dma_start3A_42 = arith.constant 0 : i32
      %dma_start3A_43 = tpu.memref_slice %arg7[%dma_start3A_41, %dma_start3A_42] : memref<79x256xi32, #tpu.memory_space<vmem>> -> memref<78x256xi32, #tpu.memory_space<vmem>>
      %dma_start3A_44 = arith.constant 0 : i32
      %dma_start3A_45 = tpu.memref_slice %arg2[%add3A_4, %dma_start3A_44] : memref<2500x256xi32, #tpu.memory_space<hbm>> -> memref<78x256xi32, #tpu.memory_space<hbm>>
      tpu.enqueue_dma source(%dma_start3A_45 : memref<78x256xi32, #tpu.memory_space<hbm>>) target(%dma_start3A_43 : memref<78x256xi32, #tpu.memory_space<vmem>>) target_semaphore(%run_scoped3A : memref<!tpu.dma_semaphore, #tpu.memory_space<semaphore_mem>>)
      %dma_wait3A = arith.constant 0 : i32
      %dma_wait3A_46 = arith.constant 0 : i32
      %dma_wait3A_47 = tpu.memref_slice %arg7[%dma_wait3A, %dma_wait3A_46] : memref<79x256xi32, #tpu.memory_space<vmem>> -> memref<78x256xi32, #tpu.memory_space<vmem>>
      %dma_wait3A_48 = arith.constant 0 : i32
      %dma_wait3A_49 = tpu.memref_slice %arg2[%add3A_4, %dma_wait3A_48] : memref<2500x256xi32, #tpu.memory_space<hbm>> -> memref<78x256xi32, #tpu.memory_space<hbm>>
      %dma_wait3A_50 = arith.constant 0 : i32
      %dma_wait3A_51 = arith.constant 0 : i32
      %dma_wait3A_52 = tpu.memref_slice %arg7[%dma_wait3A_50, %dma_wait3A_51] : memref<79x256xi32, #tpu.memory_space<vmem>> -> memref<78x256xi32, #tpu.memory_space<vmem>>
      %dma_wait3A_53 = arith.constant 0 : i32
      %dma_wait3A_54 = tpu.memref_slice %arg2[%add3A_4, %dma_wait3A_53] : memref<2500x256xi32, #tpu.memory_space<hbm>> -> memref<78x256xi32, #tpu.memory_space<hbm>>
      tpu.wait_dma2 semaphore(%run_scoped3A : memref<!tpu.dma_semaphore, #tpu.memory_space<semaphore_mem>>) src(%dma_wait3A_54 : memref<78x256xi32, #tpu.memory_space<hbm>>) dst(%dma_wait3A_52 : memref<78x256xi32, #tpu.memory_space<vmem>>)
      tpu.yield
    }) : () -> ()
    %lt3A_9 = arith.constant 4 : i32
    %lt3A_10 = arith.cmpi slt, %add3A, %lt3A_9 : i32
    %convert_element_type3A = arith.extui %lt3A_10 : i1 to i32
    %cond3A = arith.constant 0 : i32
    %cond3A_11 = arith.cmpi ne, %convert_element_type3A, %cond3A : i32
    scf.if %cond3A_11 {
      %add3A_37 = arith.constant 78 : i32
      %add3A_38 = arith.addi %add3A_4, %add3A_37 : i32
      "tpu.region"() ({
        %run_scoped3A = tpu.sem_alloc : memref<!tpu.dma_semaphore, #tpu.memory_space<semaphore_mem>>
        %dma_start3A = arith.constant 78 : i32
        %dma_start3A_39 = arith.constant 0 : i32
        %dma_start3A_40 = tpu.memref_slice %arg7[%dma_start3A, %dma_start3A_39] : memref<79x256xi32, #tpu.memory_space<vmem>> -> memref<1x256xi32, #tpu.memory_space<vmem>>
        %dma_start3A_41 = arith.constant 0 : i32
        %dma_start3A_42 = tpu.memref_slice %arg2[%add3A_38, %dma_start3A_41] : memref<2500x256xi32, #tpu.memory_space<hbm>> -> memref<1x256xi32, #tpu.memory_space<hbm>>
        %dma_start3A_43 = arith.constant 78 : i32
        %dma_start3A_44 = arith.constant 0 : i32
        %dma_start3A_45 = tpu.memref_slice %arg7[%dma_start3A_43, %dma_start3A_44] : memref<79x256xi32, #tpu.memory_space<vmem>> -> memref<1x256xi32, #tpu.memory_space<vmem>>
        %dma_start3A_46 = arith.constant 0 : i32
        %dma_start3A_47 = tpu.memref_slice %arg2[%add3A_38, %dma_start3A_46] : memref<2500x256xi32, #tpu.memory_space<hbm>> -> memref<1x256xi32, #tpu.memory_space<hbm>>
        tpu.enqueue_dma source(%dma_start3A_47 : memref<1x256xi32, #tpu.memory_space<hbm>>) target(%dma_start3A_45 : memref<1x256xi32, #tpu.memory_space<vmem>>) target_semaphore(%run_scoped3A : memref<!tpu.dma_semaphore, #tpu.memory_space<semaphore_mem>>)
        %dma_wait3A = arith.constant 78 : i32
        %dma_wait3A_48 = arith.constant 0 : i32
        %dma_wait3A_49 = tpu.memref_slice %arg7[%dma_wait3A, %dma_wait3A_48] : memref<79x256xi32, #tpu.memory_space<vmem>> -> memref<1x256xi32, #tpu.memory_space<vmem>>
        %dma_wait3A_50 = arith.constant 0 : i32
        %dma_wait3A_51 = tpu.memref_slice %arg2[%add3A_38, %dma_wait3A_50] : memref<2500x256xi32, #tpu.memory_space<hbm>> -> memref<1x256xi32, #tpu.memory_space<hbm>>
        %dma_wait3A_52 = arith.constant 78 : i32
        %dma_wait3A_53 = arith.constant 0 : i32
        %dma_wait3A_54 = tpu.memref_slice %arg7[%dma_wait3A_52, %dma_wait3A_53] : memref<79x256xi32, #tpu.memory_space<vmem>> -> memref<1x256xi32, #tpu.memory_space<vmem>>
        %dma_wait3A_55 = arith.constant 0 : i32
        %dma_wait3A_56 = tpu.memref_slice %arg2[%add3A_38, %dma_wait3A_55] : memref<2500x256xi32, #tpu.memory_space<hbm>> -> memref<1x256xi32, #tpu.memory_space<hbm>>
        tpu.wait_dma2 semaphore(%run_scoped3A : memref<!tpu.dma_semaphore, #tpu.memory_space<semaphore_mem>>) src(%dma_wait3A_56 : memref<1x256xi32, #tpu.memory_space<hbm>>) dst(%dma_wait3A_54 : memref<1x256xi32, #tpu.memory_space<vmem>>)
        tpu.yield
      }) : () -> ()
    } else {
    }
    %scan3A = arith.constant 0 : i32
    %scan3A_12 = arith.constant 0 : i32
    %scan3A_13 = arith.constant 640 : i32
    %scan3A_14 = arith.addi %scan3A_12, %scan3A_13 : i32
    %scan3A_15 = arith.constant 1 : i32
    scf.for %scan3A_37 = %scan3A_12 to %scan3A_14 step %scan3A_15  : i32 {
      %broadcast_in_dim3A_38 = arith.constant 0.000000e+00 : f32
      %broadcast_in_dim3A_39 = vector.broadcast %broadcast_in_dim3A_38 : f32 to vector<16xf32>
      %mul3A_40 = arith.constant 16 : i32
      %mul3A_41 = arith.muli %scan3A_37, %mul3A_40 : i32
      %swap3A = arith.index_cast %mul3A_41 : i32 to index
      %swap3A_42 = tpu.vector_load %arg8[%swap3A] {strides = array<i32>} : memref<10240xf32, #tpu.memory_space<vmem>>, vector<16xf32>,
      tpu.vector_store %arg8[%swap3A], %broadcast_in_dim3A_39 {strides = array<i32>} : memref<10240xf32, #tpu.memory_space<vmem>>, vector<16xf32>,
    }
    %scan3A_16 = arith.constant 640 : i32
    %broadcast_in_dim3A = arith.constant 1.000000e+00 : f32
    %broadcast_in_dim3A_17 = vector.broadcast %broadcast_in_dim3A : f32 to vector<16xf32>
    %while3A = arith.constant 0 : i32
    %while3A_18 = arith.constant 0 : i32
    %while3A_19 = arith.subi %add3A_8, %while3A_18 : i32
    %while3A_20 = arith.addi %while3A_18, %while3A_19 : i32
    %while3A_21 = arith.constant 1 : i32
    %while3A_22 = arith.divsi %while3A_19, %while3A_21 : i32
    %while3A_23 = arith.muli %while3A_22, %while3A_21 : i32
    %while3A_24 = arith.addi %while3A_18, %while3A_23 : i32
    %while3A_25 = arith.constant 1 : i32
    scf.for %while3A_37 = %while3A_18 to %while3A_24 step %while3A_25  : i32 {
      %get3A = arith.index_cast %while3A_37 : i32 to index
      %get3A_38 = arith.constant 0 : index
      %get3A_39 = tpu.vector_load %arg7[%get3A, %get3A_38] {strides = array<i32>} : memref<79x256xi32, #tpu.memory_space<vmem>>, vector<16xi32>,
      %get3A_40 = arith.index_cast %while3A_37 : i32 to index
      %get3A_41 = arith.constant 128 : index
      %get3A_42 = tpu.vector_load %arg7[%get3A_40, %get3A_41] {strides = array<i32>} : memref<79x256xi32, #tpu.memory_space<vmem>>, vector<16xi32>,
      tpu.vector_store_idx %arg8[%get3A_42], %broadcast_in_dim3A_17 {add = true} : memref<10240xf32, #tpu.memory_space<vmem>>[vector<16xi32>], vector<16xf32>,
      %mul3A_43 = arith.constant 2 : i32
      %mul3A_44 = vector.broadcast %mul3A_43 : i32 to vector<16xi32>
      %mul3A_45 = arith.muli %get3A_39, %mul3A_44 : vector<16xi32>
      %swap3A = arith.index_cast %while3A_37 : i32 to index
      %swap3A_46 = arith.constant 0 : index
      %swap3A_47 = tpu.vector_load %arg9[%swap3A, %swap3A_46] {strides = array<i32>} : memref<80x128xi32, #tpu.memory_space<vmem>>, vector<16xi32>,
      tpu.vector_store %arg9[%swap3A, %swap3A_46], %mul3A_45 {strides = array<i32>} : memref<80x128xi32, #tpu.memory_space<vmem>>, vector<16xi32>,
      %mul3A_48 = arith.constant 4 : i32
      %mul3A_49 = vector.broadcast %mul3A_48 : i32 to vector<16xi32>
      %mul3A_50 = arith.muli %get3A_39, %mul3A_49 : vector<16xi32>
      %swap3A_51 = arith.index_cast %while3A_37 : i32 to index
      %swap3A_52 = arith.constant 0 : index
      %swap3A_53 = tpu.vector_load %arg10[%swap3A_51, %swap3A_52] {strides = array<i32>} : memref<80x128xi32, #tpu.memory_space<vmem>>, vector<16xi32>,
      tpu.vector_store %arg10[%swap3A_51, %swap3A_52], %mul3A_50 {strides = array<i32>} : memref<80x128xi32, #tpu.memory_space<vmem>>, vector<16xi32>,
      %swap3A_54 = arith.index_cast %while3A_37 : i32 to index
      %swap3A_55 = arith.constant 0 : index
      %swap3A_56 = tpu.vector_load %arg11[%swap3A_54, %swap3A_55] {strides = array<i32>} : memref<80x128xi32, #tpu.memory_space<vmem>>, vector<16xi32>,
      tpu.vector_store %arg11[%swap3A_54, %swap3A_55], %get3A_42 {strides = array<i32>} : memref<80x128xi32, #tpu.memory_space<vmem>>, vector<16xi32>,
      %get3A_57 = arith.index_cast %while3A_37 : i32 to index
      %get3A_58 = arith.constant 16 : index
      %get3A_59 = tpu.vector_load %arg7[%get3A_57, %get3A_58] {strides = array<i32>} : memref<79x256xi32, #tpu.memory_space<vmem>>, vector<16xi32>,
      %get3A_60 = arith.index_cast %while3A_37 : i32 to index
      %get3A_61 = arith.constant 144 : index
      %get3A_62 = tpu.vector_load %arg7[%get3A_60, %get3A_61] {strides = array<i32>} : memref<79x256xi32, #tpu.memory_space<vmem>>, vector<16xi32>,
      tpu.vector_store_idx %arg8[%get3A_62], %broadcast_in_dim3A_17 {add = true} : memref<10240xf32, #tpu.memory_space<vmem>>[vector<16xi32>], vector<16xf32>,
      %mul3A_63 = arith.constant 2 : i32
      %mul3A_64 = vector.broadcast %mul3A_63 : i32 to vector<16xi32>
      %mul3A_65 = arith.muli %get3A_59, %mul3A_64 : vector<16xi32>
      %swap3A_66 = arith.index_cast %while3A_37 : i32 to index
      %swap3A_67 = arith.constant 16 : index
      %swap3A_68 = tpu.vector_load %arg9[%swap3A_66, %swap3A_67] {strides = array<i32>} : memref<80x128xi32, #tpu.memory_space<vmem>>, vector<16xi32>,
      tpu.vector_store %arg9[%swap3A_66, %swap3A_67], %mul3A_65 {strides = array<i32>} : memref<80x128xi32, #tpu.memory_space<vmem>>, vector<16xi32>,
      %mul3A_69 = arith.constant 4 : i32
      %mul3A_70 = vector.broadcast %mul3A_69 : i32 to vector<16xi32>
      %mul3A_71 = arith.muli %get3A_59, %mul3A_70 : vector<16xi32>
      %swap3A_72 = arith.index_cast %while3A_37 : i32 to index
      %swap3A_73 = arith.constant 16 : index
      %swap3A_74 = tpu.vector_load %arg10[%swap3A_72, %swap3A_73] {strides = array<i32>} : memref<80x128xi32, #tpu.memory_space<vmem>>, vector<16xi32>,
      tpu.vector_store %arg10[%swap3A_72, %swap3A_73], %mul3A_71 {strides = array<i32>} : memref<80x128xi32, #tpu.memory_space<vmem>>, vector<16xi32>,
      %swap3A_75 = arith.index_cast %while3A_37 : i32 to index
      %swap3A_76 = arith.constant 16 : index
      %swap3A_77 = tpu.vector_load %arg11[%swap3A_75, %swap3A_76] {strides = array<i32>} : memref<80x128xi32, #tpu.memory_space<vmem>>, vector<16xi32>,
      tpu.vector_store %arg11[%swap3A_75, %swap3A_76], %get3A_62 {strides = array<i32>} : memref<80x128xi32, #tpu.memory_space<vmem>>, vector<16xi32>,
      %get3A_78 = arith.index_cast %while3A_37 : i32 to index
      %get3A_79 = arith.constant 32 : index
      %get3A_80 = tpu.vector_load %arg7[%get3A_78, %get3A_79] {strides = array<i32>} : memref<79x256xi32, #tpu.memory_space<vmem>>, vector<16xi32>,
      %get3A_81 = arith.index_cast %while3A_37 : i32 to index
      %get3A_82 = arith.constant 160 : index
      %get3A_83 = tpu.vector_load %arg7[%get3A_81, %get3A_82] {strides = array<i32>} : memref<79x256xi32, #tpu.memory_space<vmem>>, vector<16xi32>,
      tpu.vector_store_idx %arg8[%get3A_83], %broadcast_in_dim3A_17 {add = true} : memref<10240xf32, #tpu.memory_space<vmem>>[vector<16xi32>], vector<16xf32>,
      %mul3A_84 = arith.constant 2 : i32
      %mul3A_85 = vector.broadcast %mul3A_84 : i32 to vector<16xi32>
      %mul3A_86 = arith.muli %get3A_80, %mul3A_85 : vector<16xi32>
      %swap3A_87 = arith.index_cast %while3A_37 : i32 to index
      %swap3A_88 = arith.constant 32 : index
      %swap3A_89 = tpu.vector_load %arg9[%swap3A_87, %swap3A_88] {strides = array<i32>} : memref<80x128xi32, #tpu.memory_space<vmem>>, vector<16xi32>,
      tpu.vector_store %arg9[%swap3A_87, %swap3A_88], %mul3A_86 {strides = array<i32>} : memref<80x128xi32, #tpu.memory_space<vmem>>, vector<16xi32>,
      %mul3A_90 = arith.constant 4 : i32
      %mul3A_91 = vector.broadcast %mul3A_90 : i32 to vector<16xi32>
      %mul3A_92 = arith.muli %get3A_80, %mul3A_91 : vector<16xi32>
      %swap3A_93 = arith.index_cast %while3A_37 : i32 to index
      %swap3A_94 = arith.constant 32 : index
      %swap3A_95 = tpu.vector_load %arg10[%swap3A_93, %swap3A_94] {strides = array<i32>} : memref<80x128xi32, #tpu.memory_space<vmem>>, vector<16xi32>,
      tpu.vector_store %arg10[%swap3A_93, %swap3A_94], %mul3A_92 {strides = array<i32>} : memref<80x128xi32, #tpu.memory_space<vmem>>, vector<16xi32>,
      %swap3A_96 = arith.index_cast %while3A_37 : i32 to index
      %swap3A_97 = arith.constant 32 : index
      %swap3A_98 = tpu.vector_load %arg11[%swap3A_96, %swap3A_97] {strides = array<i32>} : memref<80x128xi32, #tpu.memory_space<vmem>>, vector<16xi32>,
      tpu.vector_store %arg11[%swap3A_96, %swap3A_97], %get3A_83 {strides = array<i32>} : memref<80x128xi32, #tpu.memory_space<vmem>>, vector<16xi32>,
      %get3A_99 = arith.index_cast %while3A_37 : i32 to index
      %get3A_100 = arith.constant 48 : index
      %get3A_101 = tpu.vector_load %arg7[%get3A_99, %get3A_100] {strides = array<i32>} : memref<79x256xi32, #tpu.memory_space<vmem>>, vector<16xi32>,
      %get3A_102 = arith.index_cast %while3A_37 : i32 to index
      %get3A_103 = arith.constant 176 : index
      %get3A_104 = tpu.vector_load %arg7[%get3A_102, %get3A_103] {strides = array<i32>} : memref<79x256xi32, #tpu.memory_space<vmem>>, vector<16xi32>,
      tpu.vector_store_idx %arg8[%get3A_104], %broadcast_in_dim3A_17 {add = true} : memref<10240xf32, #tpu.memory_space<vmem>>[vector<16xi32>], vector<16xf32>,
      %mul3A_105 = arith.constant 2 : i32
      %mul3A_106 = vector.broadcast %mul3A_105 : i32 to vector<16xi32>
      %mul3A_107 = arith.muli %get3A_101, %mul3A_106 : vector<16xi32>
      %swap3A_108 = arith.index_cast %while3A_37 : i32 to index
      %swap3A_109 = arith.constant 48 : index
      %swap3A_110 = tpu.vector_load %arg9[%swap3A_108, %swap3A_109] {strides = array<i32>} : memref<80x128xi32, #tpu.memory_space<vmem>>, vector<16xi32>,
      tpu.vector_store %arg9[%swap3A_108, %swap3A_109], %mul3A_107 {strides = array<i32>} : memref<80x128xi32, #tpu.memory_space<vmem>>, vector<16xi32>,
      %mul3A_111 = arith.constant 4 : i32
      %mul3A_112 = vector.broadcast %mul3A_111 : i32 to vector<16xi32>
      %mul3A_113 = arith.muli %get3A_101, %mul3A_112 : vector<16xi32>
      %swap3A_114 = arith.index_cast %while3A_37 : i32 to index
      %swap3A_115 = arith.constant 48 : index
      %swap3A_116 = tpu.vector_load %arg10[%swap3A_114, %swap3A_115] {strides = array<i32>} : memref<80x128xi32, #tpu.memory_space<vmem>>, vector<16xi32>,
      tpu.vector_store %arg10[%swap3A_114, %swap3A_115], %mul3A_113 {strides = array<i32>} : memref<80x128xi32, #tpu.memory_space<vmem>>, vector<16xi32>,
      %swap3A_117 = arith.index_cast %while3A_37 : i32 to index
      %swap3A_118 = arith.constant 48 : index
      %swap3A_119 = tpu.vector_load %arg11[%swap3A_117, %swap3A_118] {strides = array<i32>} : memref<80x128xi32, #tpu.memory_space<vmem>>, vector<16xi32>,
      tpu.vector_store %arg11[%swap3A_117, %swap3A_118], %get3A_104 {strides = array<i32>} : memref<80x128xi32, #tpu.memory_space<vmem>>, vector<16xi32>,
      %get3A_120 = arith.index_cast %while3A_37 : i32 to index
      %get3A_121 = arith.constant 64 : index
      %get3A_122 = tpu.vector_load %arg7[%get3A_120, %get3A_121] {strides = array<i32>} : memref<79x256xi32, #tpu.memory_space<vmem>>, vector<16xi32>,
      %get3A_123 = arith.index_cast %while3A_37 : i32 to index
      %get3A_124 = arith.constant 192 : index
      %get3A_125 = tpu.vector_load %arg7[%get3A_123, %get3A_124] {strides = array<i32>} : memref<79x256xi32, #tpu.memory_space<vmem>>, vector<16xi32>,
      tpu.vector_store_idx %arg8[%get3A_125], %broadcast_in_dim3A_17 {add = true} : memref<10240xf32, #tpu.memory_space<vmem>>[vector<16xi32>], vector<16xf32>,
      %mul3A_126 = arith.constant 2 : i32
      %mul3A_127 = vector.broadcast %mul3A_126 : i32 to vector<16xi32>
      %mul3A_128 = arith.muli %get3A_122, %mul3A_127 : vector<16xi32>
      %swap3A_129 = arith.index_cast %while3A_37 : i32 to index
      %swap3A_130 = arith.constant 64 : index
      %swap3A_131 = tpu.vector_load %arg9[%swap3A_129, %swap3A_130] {strides = array<i32>} : memref<80x128xi32, #tpu.memory_space<vmem>>, vector<16xi32>,
      tpu.vector_store %arg9[%swap3A_129, %swap3A_130], %mul3A_128 {strides = array<i32>} : memref<80x128xi32, #tpu.memory_space<vmem>>, vector<16xi32>,
      %mul3A_132 = arith.constant 4 : i32
      %mul3A_133 = vector.broadcast %mul3A_132 : i32 to vector<16xi32>
      %mul3A_134 = arith.muli %get3A_122, %mul3A_133 : vector<16xi32>
      %swap3A_135 = arith.index_cast %while3A_37 : i32 to index
      %swap3A_136 = arith.constant 64 : index
      %swap3A_137 = tpu.vector_load %arg10[%swap3A_135, %swap3A_136] {strides = array<i32>} : memref<80x128xi32, #tpu.memory_space<vmem>>, vector<16xi32>,
      tpu.vector_store %arg10[%swap3A_135, %swap3A_136], %mul3A_134 {strides = array<i32>} : memref<80x128xi32, #tpu.memory_space<vmem>>, vector<16xi32>,
      %swap3A_138 = arith.index_cast %while3A_37 : i32 to index
      %swap3A_139 = arith.constant 64 : index
      %swap3A_140 = tpu.vector_load %arg11[%swap3A_138, %swap3A_139] {strides = array<i32>} : memref<80x128xi32, #tpu.memory_space<vmem>>, vector<16xi32>,
      tpu.vector_store %arg11[%swap3A_138, %swap3A_139], %get3A_125 {strides = array<i32>} : memref<80x128xi32, #tpu.memory_space<vmem>>, vector<16xi32>,
      %get3A_141 = arith.index_cast %while3A_37 : i32 to index
      %get3A_142 = arith.constant 80 : index
      %get3A_143 = tpu.vector_load %arg7[%get3A_141, %get3A_142] {strides = array<i32>} : memref<79x256xi32, #tpu.memory_space<vmem>>, vector<16xi32>,
      %get3A_144 = arith.index_cast %while3A_37 : i32 to index
      %get3A_145 = arith.constant 208 : index
      %get3A_146 = tpu.vector_load %arg7[%get3A_144, %get3A_145] {strides = array<i32>} : memref<79x256xi32, #tpu.memory_space<vmem>>, vector<16xi32>,
      tpu.vector_store_idx %arg8[%get3A_146], %broadcast_in_dim3A_17 {add = true} : memref<10240xf32, #tpu.memory_space<vmem>>[vector<16xi32>], vector<16xf32>,
      %mul3A_147 = arith.constant 2 : i32
      %mul3A_148 = vector.broadcast %mul3A_147 : i32 to vector<16xi32>
      %mul3A_149 = arith.muli %get3A_143, %mul3A_148 : vector<16xi32>
      %swap3A_150 = arith.index_cast %while3A_37 : i32 to index
      %swap3A_151 = arith.constant 80 : index
      %swap3A_152 = tpu.vector_load %arg9[%swap3A_150, %swap3A_151] {strides = array<i32>} : memref<80x128xi32, #tpu.memory_space<vmem>>, vector<16xi32>,
      tpu.vector_store %arg9[%swap3A_150, %swap3A_151], %mul3A_149 {strides = array<i32>} : memref<80x128xi32, #tpu.memory_space<vmem>>, vector<16xi32>,
      %mul3A_153 = arith.constant 4 : i32
      %mul3A_154 = vector.broadcast %mul3A_153 : i32 to vector<16xi32>
      %mul3A_155 = arith.muli %get3A_143, %mul3A_154 : vector<16xi32>
      %swap3A_156 = arith.index_cast %while3A_37 : i32 to index
      %swap3A_157 = arith.constant 80 : index
      %swap3A_158 = tpu.vector_load %arg10[%swap3A_156, %swap3A_157] {strides = array<i32>} : memref<80x128xi32, #tpu.memory_space<vmem>>, vector<16xi32>,
      tpu.vector_store %arg10[%swap3A_156, %swap3A_157], %mul3A_155 {strides = array<i32>} : memref<80x128xi32, #tpu.memory_space<vmem>>, vector<16xi32>,
      %swap3A_159 = arith.index_cast %while3A_37 : i32 to index
      %swap3A_160 = arith.constant 80 : index
      %swap3A_161 = tpu.vector_load %arg11[%swap3A_159, %swap3A_160] {strides = array<i32>} : memref<80x128xi32, #tpu.memory_space<vmem>>, vector<16xi32>,
      tpu.vector_store %arg11[%swap3A_159, %swap3A_160], %get3A_146 {strides = array<i32>} : memref<80x128xi32, #tpu.memory_space<vmem>>, vector<16xi32>,
      %get3A_162 = arith.index_cast %while3A_37 : i32 to index
      %get3A_163 = arith.constant 96 : index
      %get3A_164 = tpu.vector_load %arg7[%get3A_162, %get3A_163] {strides = array<i32>} : memref<79x256xi32, #tpu.memory_space<vmem>>, vector<16xi32>,
      %get3A_165 = arith.index_cast %while3A_37 : i32 to index
      %get3A_166 = arith.constant 224 : index
      %get3A_167 = tpu.vector_load %arg7[%get3A_165, %get3A_166] {strides = array<i32>} : memref<79x256xi32, #tpu.memory_space<vmem>>, vector<16xi32>,
      tpu.vector_store_idx %arg8[%get3A_167], %broadcast_in_dim3A_17 {add = true} : memref<10240xf32, #tpu.memory_space<vmem>>[vector<16xi32>], vector<16xf32>,
      %mul3A_168 = arith.constant 2 : i32
      %mul3A_169 = vector.broadcast %mul3A_168 : i32 to vector<16xi32>
      %mul3A_170 = arith.muli %get3A_164, %mul3A_169 : vector<16xi32>
      %swap3A_171 = arith.index_cast %while3A_37 : i32 to index
      %swap3A_172 = arith.constant 96 : index
      %swap3A_173 = tpu.vector_load %arg9[%swap3A_171, %swap3A_172] {strides = array<i32>} : memref<80x128xi32, #tpu.memory_space<vmem>>, vector<16xi32>,
      tpu.vector_store %arg9[%swap3A_171, %swap3A_172], %mul3A_170 {strides = array<i32>} : memref<80x128xi32, #tpu.memory_space<vmem>>, vector<16xi32>,
      %mul3A_174 = arith.constant 4 : i32
      %mul3A_175 = vector.broadcast %mul3A_174 : i32 to vector<16xi32>
      %mul3A_176 = arith.muli %get3A_164, %mul3A_175 : vector<16xi32>
      %swap3A_177 = arith.index_cast %while3A_37 : i32 to index
      %swap3A_178 = arith.constant 96 : index
      %swap3A_179 = tpu.vector_load %arg10[%swap3A_177, %swap3A_178] {strides = array<i32>} : memref<80x128xi32, #tpu.memory_space<vmem>>, vector<16xi32>,
      tpu.vector_store %arg10[%swap3A_177, %swap3A_178], %mul3A_176 {strides = array<i32>} : memref<80x128xi32, #tpu.memory_space<vmem>>, vector<16xi32>,
      %swap3A_180 = arith.index_cast %while3A_37 : i32 to index
      %swap3A_181 = arith.constant 96 : index
      %swap3A_182 = tpu.vector_load %arg11[%swap3A_180, %swap3A_181] {strides = array<i32>} : memref<80x128xi32, #tpu.memory_space<vmem>>, vector<16xi32>,
      tpu.vector_store %arg11[%swap3A_180, %swap3A_181], %get3A_167 {strides = array<i32>} : memref<80x128xi32, #tpu.memory_space<vmem>>, vector<16xi32>,
      %get3A_183 = arith.index_cast %while3A_37 : i32 to index
      %get3A_184 = arith.constant 112 : index
      %get3A_185 = tpu.vector_load %arg7[%get3A_183, %get3A_184] {strides = array<i32>} : memref<79x256xi32, #tpu.memory_space<vmem>>, vector<16xi32>,
      %get3A_186 = arith.index_cast %while3A_37 : i32 to index
      %get3A_187 = arith.constant 240 : index
      %get3A_188 = tpu.vector_load %arg7[%get3A_186, %get3A_187] {strides = array<i32>} : memref<79x256xi32, #tpu.memory_space<vmem>>, vector<16xi32>,
      tpu.vector_store_idx %arg8[%get3A_188], %broadcast_in_dim3A_17 {add = true} : memref<10240xf32, #tpu.memory_space<vmem>>[vector<16xi32>], vector<16xf32>,
      %mul3A_189 = arith.constant 2 : i32
      %mul3A_190 = vector.broadcast %mul3A_189 : i32 to vector<16xi32>
      %mul3A_191 = arith.muli %get3A_185, %mul3A_190 : vector<16xi32>
      %swap3A_192 = arith.index_cast %while3A_37 : i32 to index
      %swap3A_193 = arith.constant 112 : index
      %swap3A_194 = tpu.vector_load %arg9[%swap3A_192, %swap3A_193] {strides = array<i32>} : memref<80x128xi32, #tpu.memory_space<vmem>>, vector<16xi32>,
      tpu.vector_store %arg9[%swap3A_192, %swap3A_193], %mul3A_191 {strides = array<i32>} : memref<80x128xi32, #tpu.memory_space<vmem>>, vector<16xi32>,
      %mul3A_195 = arith.constant 4 : i32
      %mul3A_196 = vector.broadcast %mul3A_195 : i32 to vector<16xi32>
      %mul3A_197 = arith.muli %get3A_185, %mul3A_196 : vector<16xi32>
      %swap3A_198 = arith.index_cast %while3A_37 : i32 to index
      %swap3A_199 = arith.constant 112 : index
      %swap3A_200 = tpu.vector_load %arg10[%swap3A_198, %swap3A_199] {strides = array<i32>} : memref<80x128xi32, #tpu.memory_space<vmem>>, vector<16xi32>,
      tpu.vector_store %arg10[%swap3A_198, %swap3A_199], %mul3A_197 {strides = array<i32>} : memref<80x128xi32, #tpu.memory_space<vmem>>, vector<16xi32>,
      %swap3A_201 = arith.index_cast %while3A_37 : i32 to index
      %swap3A_202 = arith.constant 112 : index
      %swap3A_203 = tpu.vector_load %arg11[%swap3A_201, %swap3A_202] {strides = array<i32>} : memref<80x128xi32, #tpu.memory_space<vmem>>, vector<16xi32>,
      tpu.vector_store %arg11[%swap3A_201, %swap3A_202], %get3A_188 {strides = array<i32>} : memref<80x128xi32, #tpu.memory_space<vmem>>, vector<16xi32>,
    }
    %while3A_26 = arith.constant 1 : i32
    scf.for %while3A_37 = %while3A_24 to %while3A_20 step %while3A_26  : i32 {
      %get3A = arith.index_cast %while3A_37 : i32 to index
      %get3A_38 = arith.constant 0 : index
      %get3A_39 = tpu.vector_load %arg7[%get3A, %get3A_38] {strides = array<i32>} : memref<79x256xi32, #tpu.memory_space<vmem>>, vector<16xi32>,
      %get3A_40 = arith.index_cast %while3A_37 : i32 to index
      %get3A_41 = arith.constant 128 : index
      %get3A_42 = tpu.vector_load %arg7[%get3A_40, %get3A_41] {strides = array<i32>} : memref<79x256xi32, #tpu.memory_space<vmem>>, vector<16xi32>,
      tpu.vector_store_idx %arg8[%get3A_42], %broadcast_in_dim3A_17 {add = true} : memref<10240xf32, #tpu.memory_space<vmem>>[vector<16xi32>], vector<16xf32>,
      %mul3A_43 = arith.constant 2 : i32
      %mul3A_44 = vector.broadcast %mul3A_43 : i32 to vector<16xi32>
      %mul3A_45 = arith.muli %get3A_39, %mul3A_44 : vector<16xi32>
      %swap3A = arith.index_cast %while3A_37 : i32 to index
      %swap3A_46 = arith.constant 0 : index
      %swap3A_47 = tpu.vector_load %arg9[%swap3A, %swap3A_46] {strides = array<i32>} : memref<80x128xi32, #tpu.memory_space<vmem>>, vector<16xi32>,
      tpu.vector_store %arg9[%swap3A, %swap3A_46], %mul3A_45 {strides = array<i32>} : memref<80x128xi32, #tpu.memory_space<vmem>>, vector<16xi32>,
      %mul3A_48 = arith.constant 4 : i32
      %mul3A_49 = vector.broadcast %mul3A_48 : i32 to vector<16xi32>
      %mul3A_50 = arith.muli %get3A_39, %mul3A_49 : vector<16xi32>
      %swap3A_51 = arith.index_cast %while3A_37 : i32 to index
      %swap3A_52 = arith.constant 0 : index
      %swap3A_53 = tpu.vector_load %arg10[%swap3A_51, %swap3A_52] {strides = array<i32>} : memref<80x128xi32, #tpu.memory_space<vmem>>, vector<16xi32>,
      tpu.vector_store %arg10[%swap3A_51, %swap3A_52], %mul3A_50 {strides = array<i32>} : memref<80x128xi32, #tpu.memory_space<vmem>>, vector<16xi32>,
      %swap3A_54 = arith.index_cast %while3A_37 : i32 to index
      %swap3A_55 = arith.constant 0 : index
      %swap3A_56 = tpu.vector_load %arg11[%swap3A_54, %swap3A_55] {strides = array<i32>} : memref<80x128xi32, #tpu.memory_space<vmem>>, vector<16xi32>,
      tpu.vector_store %arg11[%swap3A_54, %swap3A_55], %get3A_42 {strides = array<i32>} : memref<80x128xi32, #tpu.memory_space<vmem>>, vector<16xi32>,
      %get3A_57 = arith.index_cast %while3A_37 : i32 to index
      %get3A_58 = arith.constant 16 : index
      %get3A_59 = tpu.vector_load %arg7[%get3A_57, %get3A_58] {strides = array<i32>} : memref<79x256xi32, #tpu.memory_space<vmem>>, vector<16xi32>,
      %get3A_60 = arith.index_cast %while3A_37 : i32 to index
      %get3A_61 = arith.constant 144 : index
      %get3A_62 = tpu.vector_load %arg7[%get3A_60, %get3A_61] {strides = array<i32>} : memref<79x256xi32, #tpu.memory_space<vmem>>, vector<16xi32>,
      tpu.vector_store_idx %arg8[%get3A_62], %broadcast_in_dim3A_17 {add = true} : memref<10240xf32, #tpu.memory_space<vmem>>[vector<16xi32>], vector<16xf32>,
      %mul3A_63 = arith.constant 2 : i32
      %mul3A_64 = vector.broadcast %mul3A_63 : i32 to vector<16xi32>
      %mul3A_65 = arith.muli %get3A_59, %mul3A_64 : vector<16xi32>
      %swap3A_66 = arith.index_cast %while3A_37 : i32 to index
      %swap3A_67 = arith.constant 16 : index
      %swap3A_68 = tpu.vector_load %arg9[%swap3A_66, %swap3A_67] {strides = array<i32>} : memref<80x128xi32, #tpu.memory_space<vmem>>, vector<16xi32>,
      tpu.vector_store %arg9[%swap3A_66, %swap3A_67], %mul3A_65 {strides = array<i32>} : memref<80x128xi32, #tpu.memory_space<vmem>>, vector<16xi32>,
      %mul3A_69 = arith.constant 4 : i32
      %mul3A_70 = vector.broadcast %mul3A_69 : i32 to vector<16xi32>
      %mul3A_71 = arith.muli %get3A_59, %mul3A_70 : vector<16xi32>
      %swap3A_72 = arith.index_cast %while3A_37 : i32 to index
      %swap3A_73 = arith.constant 16 : index
      %swap3A_74 = tpu.vector_load %arg10[%swap3A_72, %swap3A_73] {strides = array<i32>} : memref<80x128xi32, #tpu.memory_space<vmem>>, vector<16xi32>,
      tpu.vector_store %arg10[%swap3A_72, %swap3A_73], %mul3A_71 {strides = array<i32>} : memref<80x128xi32, #tpu.memory_space<vmem>>, vector<16xi32>,
      %swap3A_75 = arith.index_cast %while3A_37 : i32 to index
      %swap3A_76 = arith.constant 16 : index
      %swap3A_77 = tpu.vector_load %arg11[%swap3A_75, %swap3A_76] {strides = array<i32>} : memref<80x128xi32, #tpu.memory_space<vmem>>, vector<16xi32>,
      tpu.vector_store %arg11[%swap3A_75, %swap3A_76], %get3A_62 {strides = array<i32>} : memref<80x128xi32, #tpu.memory_space<vmem>>, vector<16xi32>,
      %get3A_78 = arith.index_cast %while3A_37 : i32 to index
      %get3A_79 = arith.constant 32 : index
      %get3A_80 = tpu.vector_load %arg7[%get3A_78, %get3A_79] {strides = array<i32>} : memref<79x256xi32, #tpu.memory_space<vmem>>, vector<16xi32>,
      %get3A_81 = arith.index_cast %while3A_37 : i32 to index
      %get3A_82 = arith.constant 160 : index
      %get3A_83 = tpu.vector_load %arg7[%get3A_81, %get3A_82] {strides = array<i32>} : memref<79x256xi32, #tpu.memory_space<vmem>>, vector<16xi32>,
      tpu.vector_store_idx %arg8[%get3A_83], %broadcast_in_dim3A_17 {add = true} : memref<10240xf32, #tpu.memory_space<vmem>>[vector<16xi32>], vector<16xf32>,
      %mul3A_84 = arith.constant 2 : i32
      %mul3A_85 = vector.broadcast %mul3A_84 : i32 to vector<16xi32>
      %mul3A_86 = arith.muli %get3A_80, %mul3A_85 : vector<16xi32>
      %swap3A_87 = arith.index_cast %while3A_37 : i32 to index
      %swap3A_88 = arith.constant 32 : index
      %swap3A_89 = tpu.vector_load %arg9[%swap3A_87, %swap3A_88] {strides = array<i32>} : memref<80x128xi32, #tpu.memory_space<vmem>>, vector<16xi32>,
      tpu.vector_store %arg9[%swap3A_87, %swap3A_88], %mul3A_86 {strides = array<i32>} : memref<80x128xi32, #tpu.memory_space<vmem>>, vector<16xi32>,
      %mul3A_90 = arith.constant 4 : i32
      %mul3A_91 = vector.broadcast %mul3A_90 : i32 to vector<16xi32>
      %mul3A_92 = arith.muli %get3A_80, %mul3A_91 : vector<16xi32>
      %swap3A_93 = arith.index_cast %while3A_37 : i32 to index
      %swap3A_94 = arith.constant 32 : index
      %swap3A_95 = tpu.vector_load %arg10[%swap3A_93, %swap3A_94] {strides = array<i32>} : memref<80x128xi32, #tpu.memory_space<vmem>>, vector<16xi32>,
      tpu.vector_store %arg10[%swap3A_93, %swap3A_94], %mul3A_92 {strides = array<i32>} : memref<80x128xi32, #tpu.memory_space<vmem>>, vector<16xi32>,
      %swap3A_96 = arith.index_cast %while3A_37 : i32 to index
      %swap3A_97 = arith.constant 32 : index
      %swap3A_98 = tpu.vector_load %arg11[%swap3A_96, %swap3A_97] {strides = array<i32>} : memref<80x128xi32, #tpu.memory_space<vmem>>, vector<16xi32>,
      tpu.vector_store %arg11[%swap3A_96, %swap3A_97], %get3A_83 {strides = array<i32>} : memref<80x128xi32, #tpu.memory_space<vmem>>, vector<16xi32>,
      %get3A_99 = arith.index_cast %while3A_37 : i32 to index
      %get3A_100 = arith.constant 48 : index
      %get3A_101 = tpu.vector_load %arg7[%get3A_99, %get3A_100] {strides = array<i32>} : memref<79x256xi32, #tpu.memory_space<vmem>>, vector<16xi32>,
      %get3A_102 = arith.index_cast %while3A_37 : i32 to index
      %get3A_103 = arith.constant 176 : index
      %get3A_104 = tpu.vector_load %arg7[%get3A_102, %get3A_103] {strides = array<i32>} : memref<79x256xi32, #tpu.memory_space<vmem>>, vector<16xi32>,
      tpu.vector_store_idx %arg8[%get3A_104], %broadcast_in_dim3A_17 {add = true} : memref<10240xf32, #tpu.memory_space<vmem>>[vector<16xi32>], vector<16xf32>,
      %mul3A_105 = arith.constant 2 : i32
      %mul3A_106 = vector.broadcast %mul3A_105 : i32 to vector<16xi32>
      %mul3A_107 = arith.muli %get3A_101, %mul3A_106 : vector<16xi32>
      %swap3A_108 = arith.index_cast %while3A_37 : i32 to index
      %swap3A_109 = arith.constant 48 : index
      %swap3A_110 = tpu.vector_load %arg9[%swap3A_108, %swap3A_109] {strides = array<i32>} : memref<80x128xi32, #tpu.memory_space<vmem>>, vector<16xi32>,
      tpu.vector_store %arg9[%swap3A_108, %swap3A_109], %mul3A_107 {strides = array<i32>} : memref<80x128xi32, #tpu.memory_space<vmem>>, vector<16xi32>,
      %mul3A_111 = arith.constant 4 : i32
      %mul3A_112 = vector.broadcast %mul3A_111 : i32 to vector<16xi32>
      %mul3A_113 = arith.muli %get3A_101, %mul3A_112 : vector<16xi32>
      %swap3A_114 = arith.index_cast %while3A_37 : i32 to index
      %swap3A_115 = arith.constant 48 : index
      %swap3A_116 = tpu.vector_load %arg10[%swap3A_114, %swap3A_115] {strides = array<i32>} : memref<80x128xi32, #tpu.memory_space<vmem>>, vector<16xi32>,
      tpu.vector_store %arg10[%swap3A_114, %swap3A_115], %mul3A_113 {strides = array<i32>} : memref<80x128xi32, #tpu.memory_space<vmem>>, vector<16xi32>,
      %swap3A_117 = arith.index_cast %while3A_37 : i32 to index
      %swap3A_118 = arith.constant 48 : index
      %swap3A_119 = tpu.vector_load %arg11[%swap3A_117, %swap3A_118] {strides = array<i32>} : memref<80x128xi32, #tpu.memory_space<vmem>>, vector<16xi32>,
      tpu.vector_store %arg11[%swap3A_117, %swap3A_118], %get3A_104 {strides = array<i32>} : memref<80x128xi32, #tpu.memory_space<vmem>>, vector<16xi32>,
      %get3A_120 = arith.index_cast %while3A_37 : i32 to index
      %get3A_121 = arith.constant 64 : index
      %get3A_122 = tpu.vector_load %arg7[%get3A_120, %get3A_121] {strides = array<i32>} : memref<79x256xi32, #tpu.memory_space<vmem>>, vector<16xi32>,
      %get3A_123 = arith.index_cast %while3A_37 : i32 to index
      %get3A_124 = arith.constant 192 : index
      %get3A_125 = tpu.vector_load %arg7[%get3A_123, %get3A_124] {strides = array<i32>} : memref<79x256xi32, #tpu.memory_space<vmem>>, vector<16xi32>,
      tpu.vector_store_idx %arg8[%get3A_125], %broadcast_in_dim3A_17 {add = true} : memref<10240xf32, #tpu.memory_space<vmem>>[vector<16xi32>], vector<16xf32>,
      %mul3A_126 = arith.constant 2 : i32
      %mul3A_127 = vector.broadcast %mul3A_126 : i32 to vector<16xi32>
      %mul3A_128 = arith.muli %get3A_122, %mul3A_127 : vector<16xi32>
      %swap3A_129 = arith.index_cast %while3A_37 : i32 to index
      %swap3A_130 = arith.constant 64 : index
      %swap3A_131 = tpu.vector_load %arg9[%swap3A_129, %swap3A_130] {strides = array<i32>} : memref<80x128xi32, #tpu.memory_space<vmem>>, vector<16xi32>,
      tpu.vector_store %arg9[%swap3A_129, %swap3A_130], %mul3A_128 {strides = array<i32>} : memref<80x128xi32, #tpu.memory_space<vmem>>, vector<16xi32>,
      %mul3A_132 = arith.constant 4 : i32
      %mul3A_133 = vector.broadcast %mul3A_132 : i32 to vector<16xi32>
      %mul3A_134 = arith.muli %get3A_122, %mul3A_133 : vector<16xi32>
      %swap3A_135 = arith.index_cast %while3A_37 : i32 to index
      %swap3A_136 = arith.constant 64 : index
      %swap3A_137 = tpu.vector_load %arg10[%swap3A_135, %swap3A_136] {strides = array<i32>} : memref<80x128xi32, #tpu.memory_space<vmem>>, vector<16xi32>,
      tpu.vector_store %arg10[%swap3A_135, %swap3A_136], %mul3A_134 {strides = array<i32>} : memref<80x128xi32, #tpu.memory_space<vmem>>, vector<16xi32>,
      %swap3A_138 = arith.index_cast %while3A_37 : i32 to index
      %swap3A_139 = arith.constant 64 : index
      %swap3A_140 = tpu.vector_load %arg11[%swap3A_138, %swap3A_139] {strides = array<i32>} : memref<80x128xi32, #tpu.memory_space<vmem>>, vector<16xi32>,
      tpu.vector_store %arg11[%swap3A_138, %swap3A_139], %get3A_125 {strides = array<i32>} : memref<80x128xi32, #tpu.memory_space<vmem>>, vector<16xi32>,
      %get3A_141 = arith.index_cast %while3A_37 : i32 to index
      %get3A_142 = arith.constant 80 : index
      %get3A_143 = tpu.vector_load %arg7[%get3A_141, %get3A_142] {strides = array<i32>} : memref<79x256xi32, #tpu.memory_space<vmem>>, vector<16xi32>,
      %get3A_144 = arith.index_cast %while3A_37 : i32 to index
      %get3A_145 = arith.constant 208 : index
      %get3A_146 = tpu.vector_load %arg7[%get3A_144, %get3A_145] {strides = array<i32>} : memref<79x256xi32, #tpu.memory_space<vmem>>, vector<16xi32>,
      tpu.vector_store_idx %arg8[%get3A_146], %broadcast_in_dim3A_17 {add = true} : memref<10240xf32, #tpu.memory_space<vmem>>[vector<16xi32>], vector<16xf32>,
      %mul3A_147 = arith.constant 2 : i32
      %mul3A_148 = vector.broadcast %mul3A_147 : i32 to vector<16xi32>
      %mul3A_149 = arith.muli %get3A_143, %mul3A_148 : vector<16xi32>
      %swap3A_150 = arith.index_cast %while3A_37 : i32 to index
      %swap3A_151 = arith.constant 80 : index
      %swap3A_152 = tpu.vector_load %arg9[%swap3A_150, %swap3A_151] {strides = array<i32>} : memref<80x128xi32, #tpu.memory_space<vmem>>, vector<16xi32>,
      tpu.vector_store %arg9[%swap3A_150, %swap3A_151], %mul3A_149 {strides = array<i32>} : memref<80x128xi32, #tpu.memory_space<vmem>>, vector<16xi32>,
      %mul3A_153 = arith.constant 4 : i32
      %mul3A_154 = vector.broadcast %mul3A_153 : i32 to vector<16xi32>
      %mul3A_155 = arith.muli %get3A_143, %mul3A_154 : vector<16xi32>
      %swap3A_156 = arith.index_cast %while3A_37 : i32 to index
      %swap3A_157 = arith.constant 80 : index
      %swap3A_158 = tpu.vector_load %arg10[%swap3A_156, %swap3A_157] {strides = array<i32>} : memref<80x128xi32, #tpu.memory_space<vmem>>, vector<16xi32>,
      tpu.vector_store %arg10[%swap3A_156, %swap3A_157], %mul3A_155 {strides = array<i32>} : memref<80x128xi32, #tpu.memory_space<vmem>>, vector<16xi32>,
      %swap3A_159 = arith.index_cast %while3A_37 : i32 to index
      %swap3A_160 = arith.constant 80 : index
      %swap3A_161 = tpu.vector_load %arg11[%swap3A_159, %swap3A_160] {strides = array<i32>} : memref<80x128xi32, #tpu.memory_space<vmem>>, vector<16xi32>,
      tpu.vector_store %arg11[%swap3A_159, %swap3A_160], %get3A_146 {strides = array<i32>} : memref<80x128xi32, #tpu.memory_space<vmem>>, vector<16xi32>,
      %get3A_162 = arith.index_cast %while3A_37 : i32 to index
      %get3A_163 = arith.constant 96 : index
      %get3A_164 = tpu.vector_load %arg7[%get3A_162, %get3A_163] {strides = array<i32>} : memref<79x256xi32, #tpu.memory_space<vmem>>, vector<16xi32>,
      %get3A_165 = arith.index_cast %while3A_37 : i32 to index
      %get3A_166 = arith.constant 224 : index
      %get3A_167 = tpu.vector_load %arg7[%get3A_165, %get3A_166] {strides = array<i32>} : memref<79x256xi32, #tpu.memory_space<vmem>>, vector<16xi32>,
      tpu.vector_store_idx %arg8[%get3A_167], %broadcast_in_dim3A_17 {add = true} : memref<10240xf32, #tpu.memory_space<vmem>>[vector<16xi32>], vector<16xf32>,
      %mul3A_168 = arith.constant 2 : i32
      %mul3A_169 = vector.broadcast %mul3A_168 : i32 to vector<16xi32>
      %mul3A_170 = arith.muli %get3A_164, %mul3A_169 : vector<16xi32>
      %swap3A_171 = arith.index_cast %while3A_37 : i32 to index
      %swap3A_172 = arith.constant 96 : index
      %swap3A_173 = tpu.vector_load %arg9[%swap3A_171, %swap3A_172] {strides = array<i32>} : memref<80x128xi32, #tpu.memory_space<vmem>>, vector<16xi32>,
      tpu.vector_store %arg9[%swap3A_171, %swap3A_172], %mul3A_170 {strides = array<i32>} : memref<80x128xi32, #tpu.memory_space<vmem>>, vector<16xi32>,
      %mul3A_174 = arith.constant 4 : i32
      %mul3A_175 = vector.broadcast %mul3A_174 : i32 to vector<16xi32>
      %mul3A_176 = arith.muli %get3A_164, %mul3A_175 : vector<16xi32>
      %swap3A_177 = arith.index_cast %while3A_37 : i32 to index
      %swap3A_178 = arith.constant 96 : index
      %swap3A_179 = tpu.vector_load %arg10[%swap3A_177, %swap3A_178] {strides = array<i32>} : memref<80x128xi32, #tpu.memory_space<vmem>>, vector<16xi32>,
      tpu.vector_store %arg10[%swap3A_177, %swap3A_178], %mul3A_176 {strides = array<i32>} : memref<80x128xi32, #tpu.memory_space<vmem>>, vector<16xi32>,
      %swap3A_180 = arith.index_cast %while3A_37 : i32 to index
      %swap3A_181 = arith.constant 96 : index
      %swap3A_182 = tpu.vector_load %arg11[%swap3A_180, %swap3A_181] {strides = array<i32>} : memref<80x128xi32, #tpu.memory_space<vmem>>, vector<16xi32>,
      tpu.vector_store %arg11[%swap3A_180, %swap3A_181], %get3A_167 {strides = array<i32>} : memref<80x128xi32, #tpu.memory_space<vmem>>, vector<16xi32>,
      %get3A_183 = arith.index_cast %while3A_37 : i32 to index
      %get3A_184 = arith.constant 112 : index
      %get3A_185 = tpu.vector_load %arg7[%get3A_183, %get3A_184] {strides = array<i32>} : memref<79x256xi32, #tpu.memory_space<vmem>>, vector<16xi32>,
      %get3A_186 = arith.index_cast %while3A_37 : i32 to index
      %get3A_187 = arith.constant 240 : index
      %get3A_188 = tpu.vector_load %arg7[%get3A_186, %get3A_187] {strides = array<i32>} : memref<79x256xi32, #tpu.memory_space<vmem>>, vector<16xi32>,
      tpu.vector_store_idx %arg8[%get3A_188], %broadcast_in_dim3A_17 {add = true} : memref<10240xf32, #tpu.memory_space<vmem>>[vector<16xi32>], vector<16xf32>,
      %mul3A_189 = arith.constant 2 : i32
      %mul3A_190 = vector.broadcast %mul3A_189 : i32 to vector<16xi32>
      %mul3A_191 = arith.muli %get3A_185, %mul3A_190 : vector<16xi32>
      %swap3A_192 = arith.index_cast %while3A_37 : i32 to index
      %swap3A_193 = arith.constant 112 : index
      %swap3A_194 = tpu.vector_load %arg9[%swap3A_192, %swap3A_193] {strides = array<i32>} : memref<80x128xi32, #tpu.memory_space<vmem>>, vector<16xi32>,
      tpu.vector_store %arg9[%swap3A_192, %swap3A_193], %mul3A_191 {strides = array<i32>} : memref<80x128xi32, #tpu.memory_space<vmem>>, vector<16xi32>,
      %mul3A_195 = arith.constant 4 : i32
      %mul3A_196 = vector.broadcast %mul3A_195 : i32 to vector<16xi32>
      %mul3A_197 = arith.muli %get3A_185, %mul3A_196 : vector<16xi32>
      %swap3A_198 = arith.index_cast %while3A_37 : i32 to index
      %swap3A_199 = arith.constant 112 : index
      %swap3A_200 = tpu.vector_load %arg10[%swap3A_198, %swap3A_199] {strides = array<i32>} : memref<80x128xi32, #tpu.memory_space<vmem>>, vector<16xi32>,
      tpu.vector_store %arg10[%swap3A_198, %swap3A_199], %mul3A_197 {strides = array<i32>} : memref<80x128xi32, #tpu.memory_space<vmem>>, vector<16xi32>,
      %swap3A_201 = arith.index_cast %while3A_37 : i32 to index
      %swap3A_202 = arith.constant 112 : index
      %swap3A_203 = tpu.vector_load %arg11[%swap3A_201, %swap3A_202] {strides = array<i32>} : memref<80x128xi32, #tpu.memory_space<vmem>>, vector<16xi32>,
      tpu.vector_store %arg11[%swap3A_201, %swap3A_202], %get3A_188 {strides = array<i32>} : memref<80x128xi32, #tpu.memory_space<vmem>>, vector<16xi32>,
    }
    %while3A_27 = arith.constant 0 : i32
    %while3A_28 = arith.constant 80 : i32
    %while3A_29 = arith.subi %while3A_28, %add3A_8 : i32
    %while3A_30 = arith.addi %add3A_8, %while3A_29 : i32
    %while3A_31 = arith.constant 1 : i32
    %while3A_32 = arith.divsi %while3A_29, %while3A_31 : i32
    %while3A_33 = arith.muli %while3A_32, %while3A_31 : i32
    %while3A_34 = arith.addi %add3A_8, %while3A_33 : i32
    %while3A_35 = arith.constant 1 : i32
    scf.for %while3A_37 = %add3A_8 to %while3A_34 step %while3A_35  : i32 {
      %iota3A = tpu.iota {dimensions = array<i32: 0>} : vector<16xi32>
      %mul3A_38 = arith.constant 128 : i32
      %mul3A_39 = arith.muli %while3A_37, %mul3A_38 : i32
      %add3A_40 = arith.constant 0 : i32
      %add3A_41 = arith.addi %mul3A_39, %add3A_40 : i32
      %mul3A_42 = arith.constant 331 : i32
      %mul3A_43 = arith.muli %add3A, %mul3A_42 : i32
      %add3A_44 = arith.addi %add3A_41, %mul3A_43 : i32
      %add3A_45 = vector.broadcast %add3A_44 : i32 to vector<16xi32>
      %add3A_46 = arith.addi %iota3A, %add3A_45 : vector<16xi32>
      %rem3A = arith.constant 10000 : i32
      %rem3A_47 = vector.broadcast %rem3A : i32 to vector<16xi32>
      %rem3A_48 = arith.remsi %add3A_46, %rem3A_47 : vector<16xi32>
      %mul3A_49 = arith.constant 2 : i32
      %mul3A_50 = vector.broadcast %mul3A_49 : i32 to vector<16xi32>
      %mul3A_51 = arith.muli %rem3A_48, %mul3A_50 : vector<16xi32>
      %swap3A = arith.index_cast %while3A_37 : i32 to index
      %swap3A_52 = arith.constant 0 : index
      %swap3A_53 = tpu.vector_load %arg9[%swap3A, %swap3A_52] {strides = array<i32>} : memref<80x128xi32, #tpu.memory_space<vmem>>, vector<16xi32>,
      tpu.vector_store %arg9[%swap3A, %swap3A_52], %mul3A_51 {strides = array<i32>} : memref<80x128xi32, #tpu.memory_space<vmem>>, vector<16xi32>,
      %mul3A_54 = arith.constant 4 : i32
      %mul3A_55 = vector.broadcast %mul3A_54 : i32 to vector<16xi32>
      %mul3A_56 = arith.muli %rem3A_48, %mul3A_55 : vector<16xi32>
      %swap3A_57 = arith.index_cast %while3A_37 : i32 to index
      %swap3A_58 = arith.constant 0 : index
      %swap3A_59 = tpu.vector_load %arg10[%swap3A_57, %swap3A_58] {strides = array<i32>} : memref<80x128xi32, #tpu.memory_space<vmem>>, vector<16xi32>,
      tpu.vector_store %arg10[%swap3A_57, %swap3A_58], %mul3A_56 {strides = array<i32>} : memref<80x128xi32, #tpu.memory_space<vmem>>, vector<16xi32>,
      %rem3A_60 = arith.constant 240 : i32
      %rem3A_61 = vector.broadcast %rem3A_60 : i32 to vector<16xi32>
      %rem3A_62 = arith.remsi %add3A_46, %rem3A_61 : vector<16xi32>
      %add3A_63 = arith.constant 10000 : i32
      %add3A_64 = vector.broadcast %add3A_63 : i32 to vector<16xi32>
      %add3A_65 = arith.addi %add3A_64, %rem3A_62 : vector<16xi32>
      %swap3A_66 = arith.index_cast %while3A_37 : i32 to index
      %swap3A_67 = arith.constant 0 : index
      %swap3A_68 = tpu.vector_load %arg11[%swap3A_66, %swap3A_67] {strides = array<i32>} : memref<80x128xi32, #tpu.memory_space<vmem>>, vector<16xi32>,
      tpu.vector_store %arg11[%swap3A_66, %swap3A_67], %add3A_65 {strides = array<i32>} : memref<80x128xi32, #tpu.memory_space<vmem>>, vector<16xi32>,
      %iota3A_69 = tpu.iota {dimensions = array<i32: 0>} : vector<16xi32>
      %mul3A_70 = arith.constant 128 : i32
      %mul3A_71 = arith.muli %while3A_37, %mul3A_70 : i32
      %add3A_72 = arith.constant 16 : i32
      %add3A_73 = arith.addi %mul3A_71, %add3A_72 : i32
      %mul3A_74 = arith.constant 331 : i32
      %mul3A_75 = arith.muli %add3A, %mul3A_74 : i32
      %add3A_76 = arith.addi %add3A_73, %mul3A_75 : i32
      %add3A_77 = vector.broadcast %add3A_76 : i32 to vector<16xi32>
      %add3A_78 = arith.addi %iota3A_69, %add3A_77 : vector<16xi32>
      %rem3A_79 = arith.constant 10000 : i32
      %rem3A_80 = vector.broadcast %rem3A_79 : i32 to vector<16xi32>
      %rem3A_81 = arith.remsi %add3A_78, %rem3A_80 : vector<16xi32>
      %mul3A_82 = arith.constant 2 : i32
      %mul3A_83 = vector.broadcast %mul3A_82 : i32 to vector<16xi32>
      %mul3A_84 = arith.muli %rem3A_81, %mul3A_83 : vector<16xi32>
      %swap3A_85 = arith.index_cast %while3A_37 : i32 to index
      %swap3A_86 = arith.constant 16 : index
      %swap3A_87 = tpu.vector_load %arg9[%swap3A_85, %swap3A_86] {strides = array<i32>} : memref<80x128xi32, #tpu.memory_space<vmem>>, vector<16xi32>,
      tpu.vector_store %arg9[%swap3A_85, %swap3A_86], %mul3A_84 {strides = array<i32>} : memref<80x128xi32, #tpu.memory_space<vmem>>, vector<16xi32>,
      %mul3A_88 = arith.constant 4 : i32
      %mul3A_89 = vector.broadcast %mul3A_88 : i32 to vector<16xi32>
      %mul3A_90 = arith.muli %rem3A_81, %mul3A_89 : vector<16xi32>
      %swap3A_91 = arith.index_cast %while3A_37 : i32 to index
      %swap3A_92 = arith.constant 16 : index
      %swap3A_93 = tpu.vector_load %arg10[%swap3A_91, %swap3A_92] {strides = array<i32>} : memref<80x128xi32, #tpu.memory_space<vmem>>, vector<16xi32>,
      tpu.vector_store %arg10[%swap3A_91, %swap3A_92], %mul3A_90 {strides = array<i32>} : memref<80x128xi32, #tpu.memory_space<vmem>>, vector<16xi32>,
      %rem3A_94 = arith.constant 240 : i32
      %rem3A_95 = vector.broadcast %rem3A_94 : i32 to vector<16xi32>
      %rem3A_96 = arith.remsi %add3A_78, %rem3A_95 : vector<16xi32>
      %add3A_97 = arith.constant 10000 : i32
      %add3A_98 = vector.broadcast %add3A_97 : i32 to vector<16xi32>
      %add3A_99 = arith.addi %add3A_98, %rem3A_96 : vector<16xi32>
      %swap3A_100 = arith.index_cast %while3A_37 : i32 to index
      %swap3A_101 = arith.constant 16 : index
      %swap3A_102 = tpu.vector_load %arg11[%swap3A_100, %swap3A_101] {strides = array<i32>} : memref<80x128xi32, #tpu.memory_space<vmem>>, vector<16xi32>,
      tpu.vector_store %arg11[%swap3A_100, %swap3A_101], %add3A_99 {strides = array<i32>} : memref<80x128xi32, #tpu.memory_space<vmem>>, vector<16xi32>,
      %iota3A_103 = tpu.iota {dimensions = array<i32: 0>} : vector<16xi32>
      %mul3A_104 = arith.constant 128 : i32
      %mul3A_105 = arith.muli %while3A_37, %mul3A_104 : i32
      %add3A_106 = arith.constant 32 : i32
      %add3A_107 = arith.addi %mul3A_105, %add3A_106 : i32
      %mul3A_108 = arith.constant 331 : i32
      %mul3A_109 = arith.muli %add3A, %mul3A_108 : i32
      %add3A_110 = arith.addi %add3A_107, %mul3A_109 : i32
      %add3A_111 = vector.broadcast %add3A_110 : i32 to vector<16xi32>
      %add3A_112 = arith.addi %iota3A_103, %add3A_111 : vector<16xi32>
      %rem3A_113 = arith.constant 10000 : i32
      %rem3A_114 = vector.broadcast %rem3A_113 : i32 to vector<16xi32>
      %rem3A_115 = arith.remsi %add3A_112, %rem3A_114 : vector<16xi32>
      %mul3A_116 = arith.constant 2 : i32
      %mul3A_117 = vector.broadcast %mul3A_116 : i32 to vector<16xi32>
      %mul3A_118 = arith.muli %rem3A_115, %mul3A_117 : vector<16xi32>
      %swap3A_119 = arith.index_cast %while3A_37 : i32 to index
      %swap3A_120 = arith.constant 32 : index
      %swap3A_121 = tpu.vector_load %arg9[%swap3A_119, %swap3A_120] {strides = array<i32>} : memref<80x128xi32, #tpu.memory_space<vmem>>, vector<16xi32>,
      tpu.vector_store %arg9[%swap3A_119, %swap3A_120], %mul3A_118 {strides = array<i32>} : memref<80x128xi32, #tpu.memory_space<vmem>>, vector<16xi32>,
      %mul3A_122 = arith.constant 4 : i32
      %mul3A_123 = vector.broadcast %mul3A_122 : i32 to vector<16xi32>
      %mul3A_124 = arith.muli %rem3A_115, %mul3A_123 : vector<16xi32>
      %swap3A_125 = arith.index_cast %while3A_37 : i32 to index
      %swap3A_126 = arith.constant 32 : index
      %swap3A_127 = tpu.vector_load %arg10[%swap3A_125, %swap3A_126] {strides = array<i32>} : memref<80x128xi32, #tpu.memory_space<vmem>>, vector<16xi32>,
      tpu.vector_store %arg10[%swap3A_125, %swap3A_126], %mul3A_124 {strides = array<i32>} : memref<80x128xi32, #tpu.memory_space<vmem>>, vector<16xi32>,
      %rem3A_128 = arith.constant 240 : i32
      %rem3A_129 = vector.broadcast %rem3A_128 : i32 to vector<16xi32>
      %rem3A_130 = arith.remsi %add3A_112, %rem3A_129 : vector<16xi32>
      %add3A_131 = arith.constant 10000 : i32
      %add3A_132 = vector.broadcast %add3A_131 : i32 to vector<16xi32>
      %add3A_133 = arith.addi %add3A_132, %rem3A_130 : vector<16xi32>
      %swap3A_134 = arith.index_cast %while3A_37 : i32 to index
      %swap3A_135 = arith.constant 32 : index
      %swap3A_136 = tpu.vector_load %arg11[%swap3A_134, %swap3A_135] {strides = array<i32>} : memref<80x128xi32, #tpu.memory_space<vmem>>, vector<16xi32>,
      tpu.vector_store %arg11[%swap3A_134, %swap3A_135], %add3A_133 {strides = array<i32>} : memref<80x128xi32, #tpu.memory_space<vmem>>, vector<16xi32>,
      %iota3A_137 = tpu.iota {dimensions = array<i32: 0>} : vector<16xi32>
      %mul3A_138 = arith.constant 128 : i32
      %mul3A_139 = arith.muli %while3A_37, %mul3A_138 : i32
      %add3A_140 = arith.constant 48 : i32
      %add3A_141 = arith.addi %mul3A_139, %add3A_140 : i32
      %mul3A_142 = arith.constant 331 : i32
      %mul3A_143 = arith.muli %add3A, %mul3A_142 : i32
      %add3A_144 = arith.addi %add3A_141, %mul3A_143 : i32
      %add3A_145 = vector.broadcast %add3A_144 : i32 to vector<16xi32>
      %add3A_146 = arith.addi %iota3A_137, %add3A_145 : vector<16xi32>
      %rem3A_147 = arith.constant 10000 : i32
      %rem3A_148 = vector.broadcast %rem3A_147 : i32 to vector<16xi32>
      %rem3A_149 = arith.remsi %add3A_146, %rem3A_148 : vector<16xi32>
      %mul3A_150 = arith.constant 2 : i32
      %mul3A_151 = vector.broadcast %mul3A_150 : i32 to vector<16xi32>
      %mul3A_152 = arith.muli %rem3A_149, %mul3A_151 : vector<16xi32>
      %swap3A_153 = arith.index_cast %while3A_37 : i32 to index
      %swap3A_154 = arith.constant 48 : index
      %swap3A_155 = tpu.vector_load %arg9[%swap3A_153, %swap3A_154] {strides = array<i32>} : memref<80x128xi32, #tpu.memory_space<vmem>>, vector<16xi32>,
      tpu.vector_store %arg9[%swap3A_153, %swap3A_154], %mul3A_152 {strides = array<i32>} : memref<80x128xi32, #tpu.memory_space<vmem>>, vector<16xi32>,
      %mul3A_156 = arith.constant 4 : i32
      %mul3A_157 = vector.broadcast %mul3A_156 : i32 to vector<16xi32>
      %mul3A_158 = arith.muli %rem3A_149, %mul3A_157 : vector<16xi32>
      %swap3A_159 = arith.index_cast %while3A_37 : i32 to index
      %swap3A_160 = arith.constant 48 : index
      %swap3A_161 = tpu.vector_load %arg10[%swap3A_159, %swap3A_160] {strides = array<i32>} : memref<80x128xi32, #tpu.memory_space<vmem>>, vector<16xi32>,
      tpu.vector_store %arg10[%swap3A_159, %swap3A_160], %mul3A_158 {strides = array<i32>} : memref<80x128xi32, #tpu.memory_space<vmem>>, vector<16xi32>,
      %rem3A_162 = arith.constant 240 : i32
      %rem3A_163 = vector.broadcast %rem3A_162 : i32 to vector<16xi32>
      %rem3A_164 = arith.remsi %add3A_146, %rem3A_163 : vector<16xi32>
      %add3A_165 = arith.constant 10000 : i32
      %add3A_166 = vector.broadcast %add3A_165 : i32 to vector<16xi32>
      %add3A_167 = arith.addi %add3A_166, %rem3A_164 : vector<16xi32>
      %swap3A_168 = arith.index_cast %while3A_37 : i32 to index
      %swap3A_169 = arith.constant 48 : index
      %swap3A_170 = tpu.vector_load %arg11[%swap3A_168, %swap3A_169] {strides = array<i32>} : memref<80x128xi32, #tpu.memory_space<vmem>>, vector<16xi32>,
      tpu.vector_store %arg11[%swap3A_168, %swap3A_169], %add3A_167 {strides = array<i32>} : memref<80x128xi32, #tpu.memory_space<vmem>>, vector<16xi32>,
      %iota3A_171 = tpu.iota {dimensions = array<i32: 0>} : vector<16xi32>
      %mul3A_172 = arith.constant 128 : i32
      %mul3A_173 = arith.muli %while3A_37, %mul3A_172 : i32
      %add3A_174 = arith.constant 64 : i32
      %add3A_175 = arith.addi %mul3A_173, %add3A_174 : i32
      %mul3A_176 = arith.constant 331 : i32
      %mul3A_177 = arith.muli %add3A, %mul3A_176 : i32
      %add3A_178 = arith.addi %add3A_175, %mul3A_177 : i32
      %add3A_179 = vector.broadcast %add3A_178 : i32 to vector<16xi32>
      %add3A_180 = arith.addi %iota3A_171, %add3A_179 : vector<16xi32>
      %rem3A_181 = arith.constant 10000 : i32
      %rem3A_182 = vector.broadcast %rem3A_181 : i32 to vector<16xi32>
      %rem3A_183 = arith.remsi %add3A_180, %rem3A_182 : vector<16xi32>
      %mul3A_184 = arith.constant 2 : i32
      %mul3A_185 = vector.broadcast %mul3A_184 : i32 to vector<16xi32>
      %mul3A_186 = arith.muli %rem3A_183, %mul3A_185 : vector<16xi32>
      %swap3A_187 = arith.index_cast %while3A_37 : i32 to index
      %swap3A_188 = arith.constant 64 : index
      %swap3A_189 = tpu.vector_load %arg9[%swap3A_187, %swap3A_188] {strides = array<i32>} : memref<80x128xi32, #tpu.memory_space<vmem>>, vector<16xi32>,
      tpu.vector_store %arg9[%swap3A_187, %swap3A_188], %mul3A_186 {strides = array<i32>} : memref<80x128xi32, #tpu.memory_space<vmem>>, vector<16xi32>,
      %mul3A_190 = arith.constant 4 : i32
      %mul3A_191 = vector.broadcast %mul3A_190 : i32 to vector<16xi32>
      %mul3A_192 = arith.muli %rem3A_183, %mul3A_191 : vector<16xi32>
      %swap3A_193 = arith.index_cast %while3A_37 : i32 to index
      %swap3A_194 = arith.constant 64 : index
      %swap3A_195 = tpu.vector_load %arg10[%swap3A_193, %swap3A_194] {strides = array<i32>} : memref<80x128xi32, #tpu.memory_space<vmem>>, vector<16xi32>,
      tpu.vector_store %arg10[%swap3A_193, %swap3A_194], %mul3A_192 {strides = array<i32>} : memref<80x128xi32, #tpu.memory_space<vmem>>, vector<16xi32>,
      %rem3A_196 = arith.constant 240 : i32
      %rem3A_197 = vector.broadcast %rem3A_196 : i32 to vector<16xi32>
      %rem3A_198 = arith.remsi %add3A_180, %rem3A_197 : vector<16xi32>
      %add3A_199 = arith.constant 10000 : i32
      %add3A_200 = vector.broadcast %add3A_199 : i32 to vector<16xi32>
      %add3A_201 = arith.addi %add3A_200, %rem3A_198 : vector<16xi32>
      %swap3A_202 = arith.index_cast %while3A_37 : i32 to index
      %swap3A_203 = arith.constant 64 : index
      %swap3A_204 = tpu.vector_load %arg11[%swap3A_202, %swap3A_203] {strides = array<i32>} : memref<80x128xi32, #tpu.memory_space<vmem>>, vector<16xi32>,
      tpu.vector_store %arg11[%swap3A_202, %swap3A_203], %add3A_201 {strides = array<i32>} : memref<80x128xi32, #tpu.memory_space<vmem>>, vector<16xi32>,
      %iota3A_205 = tpu.iota {dimensions = array<i32: 0>} : vector<16xi32>
      %mul3A_206 = arith.constant 128 : i32
      %mul3A_207 = arith.muli %while3A_37, %mul3A_206 : i32
      %add3A_208 = arith.constant 80 : i32
      %add3A_209 = arith.addi %mul3A_207, %add3A_208 : i32
      %mul3A_210 = arith.constant 331 : i32
      %mul3A_211 = arith.muli %add3A, %mul3A_210 : i32
      %add3A_212 = arith.addi %add3A_209, %mul3A_211 : i32
      %add3A_213 = vector.broadcast %add3A_212 : i32 to vector<16xi32>
      %add3A_214 = arith.addi %iota3A_205, %add3A_213 : vector<16xi32>
      %rem3A_215 = arith.constant 10000 : i32
      %rem3A_216 = vector.broadcast %rem3A_215 : i32 to vector<16xi32>
      %rem3A_217 = arith.remsi %add3A_214, %rem3A_216 : vector<16xi32>
      %mul3A_218 = arith.constant 2 : i32
      %mul3A_219 = vector.broadcast %mul3A_218 : i32 to vector<16xi32>
      %mul3A_220 = arith.muli %rem3A_217, %mul3A_219 : vector<16xi32>
      %swap3A_221 = arith.index_cast %while3A_37 : i32 to index
      %swap3A_222 = arith.constant 80 : index
      %swap3A_223 = tpu.vector_load %arg9[%swap3A_221, %swap3A_222] {strides = array<i32>} : memref<80x128xi32, #tpu.memory_space<vmem>>, vector<16xi32>,
      tpu.vector_store %arg9[%swap3A_221, %swap3A_222], %mul3A_220 {strides = array<i32>} : memref<80x128xi32, #tpu.memory_space<vmem>>, vector<16xi32>,
      %mul3A_224 = arith.constant 4 : i32
      %mul3A_225 = vector.broadcast %mul3A_224 : i32 to vector<16xi32>
      %mul3A_226 = arith.muli %rem3A_217, %mul3A_225 : vector<16xi32>
      %swap3A_227 = arith.index_cast %while3A_37 : i32 to index
      %swap3A_228 = arith.constant 80 : index
      %swap3A_229 = tpu.vector_load %arg10[%swap3A_227, %swap3A_228] {strides = array<i32>} : memref<80x128xi32, #tpu.memory_space<vmem>>, vector<16xi32>,
      tpu.vector_store %arg10[%swap3A_227, %swap3A_228], %mul3A_226 {strides = array<i32>} : memref<80x128xi32, #tpu.memory_space<vmem>>, vector<16xi32>,
      %rem3A_230 = arith.constant 240 : i32
      %rem3A_231 = vector.broadcast %rem3A_230 : i32 to vector<16xi32>
      %rem3A_232 = arith.remsi %add3A_214, %rem3A_231 : vector<16xi32>
      %add3A_233 = arith.constant 10000 : i32
      %add3A_234 = vector.broadcast %add3A_233 : i32 to vector<16xi32>
      %add3A_235 = arith.addi %add3A_234, %rem3A_232 : vector<16xi32>
      %swap3A_236 = arith.index_cast %while3A_37 : i32 to index
      %swap3A_237 = arith.constant 80 : index
      %swap3A_238 = tpu.vector_load %arg11[%swap3A_236, %swap3A_237] {strides = array<i32>} : memref<80x128xi32, #tpu.memory_space<vmem>>, vector<16xi32>,
      tpu.vector_store %arg11[%swap3A_236, %swap3A_237], %add3A_235 {strides = array<i32>} : memref<80x128xi32, #tpu.memory_space<vmem>>, vector<16xi32>,
      %iota3A_239 = tpu.iota {dimensions = array<i32: 0>} : vector<16xi32>
      %mul3A_240 = arith.constant 128 : i32
      %mul3A_241 = arith.muli %while3A_37, %mul3A_240 : i32
      %add3A_242 = arith.constant 96 : i32
      %add3A_243 = arith.addi %mul3A_241, %add3A_242 : i32
      %mul3A_244 = arith.constant 331 : i32
      %mul3A_245 = arith.muli %add3A, %mul3A_244 : i32
      %add3A_246 = arith.addi %add3A_243, %mul3A_245 : i32
      %add3A_247 = vector.broadcast %add3A_246 : i32 to vector<16xi32>
      %add3A_248 = arith.addi %iota3A_239, %add3A_247 : vector<16xi32>
      %rem3A_249 = arith.constant 10000 : i32
      %rem3A_250 = vector.broadcast %rem3A_249 : i32 to vector<16xi32>
      %rem3A_251 = arith.remsi %add3A_248, %rem3A_250 : vector<16xi32>
      %mul3A_252 = arith.constant 2 : i32
      %mul3A_253 = vector.broadcast %mul3A_252 : i32 to vector<16xi32>
      %mul3A_254 = arith.muli %rem3A_251, %mul3A_253 : vector<16xi32>
      %swap3A_255 = arith.index_cast %while3A_37 : i32 to index
      %swap3A_256 = arith.constant 96 : index
      %swap3A_257 = tpu.vector_load %arg9[%swap3A_255, %swap3A_256] {strides = array<i32>} : memref<80x128xi32, #tpu.memory_space<vmem>>, vector<16xi32>,
      tpu.vector_store %arg9[%swap3A_255, %swap3A_256], %mul3A_254 {strides = array<i32>} : memref<80x128xi32, #tpu.memory_space<vmem>>, vector<16xi32>,
      %mul3A_258 = arith.constant 4 : i32
      %mul3A_259 = vector.broadcast %mul3A_258 : i32 to vector<16xi32>
      %mul3A_260 = arith.muli %rem3A_251, %mul3A_259 : vector<16xi32>
      %swap3A_261 = arith.index_cast %while3A_37 : i32 to index
      %swap3A_262 = arith.constant 96 : index
      %swap3A_263 = tpu.vector_load %arg10[%swap3A_261, %swap3A_262] {strides = array<i32>} : memref<80x128xi32, #tpu.memory_space<vmem>>, vector<16xi32>,
      tpu.vector_store %arg10[%swap3A_261, %swap3A_262], %mul3A_260 {strides = array<i32>} : memref<80x128xi32, #tpu.memory_space<vmem>>, vector<16xi32>,
      %rem3A_264 = arith.constant 240 : i32
      %rem3A_265 = vector.broadcast %rem3A_264 : i32 to vector<16xi32>
      %rem3A_266 = arith.remsi %add3A_248, %rem3A_265 : vector<16xi32>
      %add3A_267 = arith.constant 10000 : i32
      %add3A_268 = vector.broadcast %add3A_267 : i32 to vector<16xi32>
      %add3A_269 = arith.addi %add3A_268, %rem3A_266 : vector<16xi32>
      %swap3A_270 = arith.index_cast %while3A_37 : i32 to index
      %swap3A_271 = arith.constant 96 : index
      %swap3A_272 = tpu.vector_load %arg11[%swap3A_270, %swap3A_271] {strides = array<i32>} : memref<80x128xi32, #tpu.memory_space<vmem>>, vector<16xi32>,
      tpu.vector_store %arg11[%swap3A_270, %swap3A_271], %add3A_269 {strides = array<i32>} : memref<80x128xi32, #tpu.memory_space<vmem>>, vector<16xi32>,
      %iota3A_273 = tpu.iota {dimensions = array<i32: 0>} : vector<16xi32>
      %mul3A_274 = arith.constant 128 : i32
      %mul3A_275 = arith.muli %while3A_37, %mul3A_274 : i32
      %add3A_276 = arith.constant 112 : i32
      %add3A_277 = arith.addi %mul3A_275, %add3A_276 : i32
      %mul3A_278 = arith.constant 331 : i32
      %mul3A_279 = arith.muli %add3A, %mul3A_278 : i32
      %add3A_280 = arith.addi %add3A_277, %mul3A_279 : i32
      %add3A_281 = vector.broadcast %add3A_280 : i32 to vector<16xi32>
      %add3A_282 = arith.addi %iota3A_273, %add3A_281 : vector<16xi32>
      %rem3A_283 = arith.constant 10000 : i32
      %rem3A_284 = vector.broadcast %rem3A_283 : i32 to vector<16xi32>
      %rem3A_285 = arith.remsi %add3A_282, %rem3A_284 : vector<16xi32>
      %mul3A_286 = arith.constant 2 : i32
      %mul3A_287 = vector.broadcast %mul3A_286 : i32 to vector<16xi32>
      %mul3A_288 = arith.muli %rem3A_285, %mul3A_287 : vector<16xi32>
      %swap3A_289 = arith.index_cast %while3A_37 : i32 to index
      %swap3A_290 = arith.constant 112 : index
      %swap3A_291 = tpu.vector_load %arg9[%swap3A_289, %swap3A_290] {strides = array<i32>} : memref<80x128xi32, #tpu.memory_space<vmem>>, vector<16xi32>,
      tpu.vector_store %arg9[%swap3A_289, %swap3A_290], %mul3A_288 {strides = array<i32>} : memref<80x128xi32, #tpu.memory_space<vmem>>, vector<16xi32>,
      %mul3A_292 = arith.constant 4 : i32
      %mul3A_293 = vector.broadcast %mul3A_292 : i32 to vector<16xi32>
      %mul3A_294 = arith.muli %rem3A_285, %mul3A_293 : vector<16xi32>
      %swap3A_295 = arith.index_cast %while3A_37 : i32 to index
      %swap3A_296 = arith.constant 112 : index
      %swap3A_297 = tpu.vector_load %arg10[%swap3A_295, %swap3A_296] {strides = array<i32>} : memref<80x128xi32, #tpu.memory_space<vmem>>, vector<16xi32>,
      tpu.vector_store %arg10[%swap3A_295, %swap3A_296], %mul3A_294 {strides = array<i32>} : memref<80x128xi32, #tpu.memory_space<vmem>>, vector<16xi32>,
      %rem3A_298 = arith.constant 240 : i32
      %rem3A_299 = vector.broadcast %rem3A_298 : i32 to vector<16xi32>
      %rem3A_300 = arith.remsi %add3A_282, %rem3A_299 : vector<16xi32>
      %add3A_301 = arith.constant 10000 : i32
      %add3A_302 = vector.broadcast %add3A_301 : i32 to vector<16xi32>
      %add3A_303 = arith.addi %add3A_302, %rem3A_300 : vector<16xi32>
      %swap3A_304 = arith.index_cast %while3A_37 : i32 to index
      %swap3A_305 = arith.constant 112 : index
      %swap3A_306 = tpu.vector_load %arg11[%swap3A_304, %swap3A_305] {strides = array<i32>} : memref<80x128xi32, #tpu.memory_space<vmem>>, vector<16xi32>,
      tpu.vector_store %arg11[%swap3A_304, %swap3A_305], %add3A_303 {strides = array<i32>} : memref<80x128xi32, #tpu.memory_space<vmem>>, vector<16xi32>,
    }
    %while3A_36 = arith.constant 1 : i32
    scf.for %while3A_37 = %while3A_34 to %while3A_30 step %while3A_36  : i32 {
      %iota3A = tpu.iota {dimensions = array<i32: 0>} : vector<16xi32>
      %mul3A_38 = arith.constant 128 : i32
      %mul3A_39 = arith.muli %while3A_37, %mul3A_38 : i32
      %add3A_40 = arith.constant 0 : i32
      %add3A_41 = arith.addi %mul3A_39, %add3A_40 : i32
      %mul3A_42 = arith.constant 331 : i32
      %mul3A_43 = arith.muli %add3A, %mul3A_42 : i32
      %add3A_44 = arith.addi %add3A_41, %mul3A_43 : i32
      %add3A_45 = vector.broadcast %add3A_44 : i32 to vector<16xi32>
      %add3A_46 = arith.addi %iota3A, %add3A_45 : vector<16xi32>
      %rem3A = arith.constant 10000 : i32
      %rem3A_47 = vector.broadcast %rem3A : i32 to vector<16xi32>
      %rem3A_48 = arith.remsi %add3A_46, %rem3A_47 : vector<16xi32>
      %mul3A_49 = arith.constant 2 : i32
      %mul3A_50 = vector.broadcast %mul3A_49 : i32 to vector<16xi32>
      %mul3A_51 = arith.muli %rem3A_48, %mul3A_50 : vector<16xi32>
      %swap3A = arith.index_cast %while3A_37 : i32 to index
      %swap3A_52 = arith.constant 0 : index
      %swap3A_53 = tpu.vector_load %arg9[%swap3A, %swap3A_52] {strides = array<i32>} : memref<80x128xi32, #tpu.memory_space<vmem>>, vector<16xi32>,
      tpu.vector_store %arg9[%swap3A, %swap3A_52], %mul3A_51 {strides = array<i32>} : memref<80x128xi32, #tpu.memory_space<vmem>>, vector<16xi32>,
      %mul3A_54 = arith.constant 4 : i32
      %mul3A_55 = vector.broadcast %mul3A_54 : i32 to vector<16xi32>
      %mul3A_56 = arith.muli %rem3A_48, %mul3A_55 : vector<16xi32>
      %swap3A_57 = arith.index_cast %while3A_37 : i32 to index
      %swap3A_58 = arith.constant 0 : index
      %swap3A_59 = tpu.vector_load %arg10[%swap3A_57, %swap3A_58] {strides = array<i32>} : memref<80x128xi32, #tpu.memory_space<vmem>>, vector<16xi32>,
      tpu.vector_store %arg10[%swap3A_57, %swap3A_58], %mul3A_56 {strides = array<i32>} : memref<80x128xi32, #tpu.memory_space<vmem>>, vector<16xi32>,
      %rem3A_60 = arith.constant 240 : i32
      %rem3A_61 = vector.broadcast %rem3A_60 : i32 to vector<16xi32>
      %rem3A_62 = arith.remsi %add3A_46, %rem3A_61 : vector<16xi32>
      %add3A_63 = arith.constant 10000 : i32
      %add3A_64 = vector.broadcast %add3A_63 : i32 to vector<16xi32>
      %add3A_65 = arith.addi %add3A_64, %rem3A_62 : vector<16xi32>
      %swap3A_66 = arith.index_cast %while3A_37 : i32 to index
      %swap3A_67 = arith.constant 0 : index
      %swap3A_68 = tpu.vector_load %arg11[%swap3A_66, %swap3A_67] {strides = array<i32>} : memref<80x128xi32, #tpu.memory_space<vmem>>, vector<16xi32>,
      tpu.vector_store %arg11[%swap3A_66, %swap3A_67], %add3A_65 {strides = array<i32>} : memref<80x128xi32, #tpu.memory_space<vmem>>, vector<16xi32>,
      %iota3A_69 = tpu.iota {dimensions = array<i32: 0>} : vector<16xi32>
      %mul3A_70 = arith.constant 128 : i32
      %mul3A_71 = arith.muli %while3A_37, %mul3A_70 : i32
      %add3A_72 = arith.constant 16 : i32
      %add3A_73 = arith.addi %mul3A_71, %add3A_72 : i32
      %mul3A_74 = arith.constant 331 : i32
      %mul3A_75 = arith.muli %add3A, %mul3A_74 : i32
      %add3A_76 = arith.addi %add3A_73, %mul3A_75 : i32
      %add3A_77 = vector.broadcast %add3A_76 : i32 to vector<16xi32>
      %add3A_78 = arith.addi %iota3A_69, %add3A_77 : vector<16xi32>
      %rem3A_79 = arith.constant 10000 : i32
      %rem3A_80 = vector.broadcast %rem3A_79 : i32 to vector<16xi32>
      %rem3A_81 = arith.remsi %add3A_78, %rem3A_80 : vector<16xi32>
      %mul3A_82 = arith.constant 2 : i32
      %mul3A_83 = vector.broadcast %mul3A_82 : i32 to vector<16xi32>
      %mul3A_84 = arith.muli %rem3A_81, %mul3A_83 : vector<16xi32>
      %swap3A_85 = arith.index_cast %while3A_37 : i32 to index
      %swap3A_86 = arith.constant 16 : index
      %swap3A_87 = tpu.vector_load %arg9[%swap3A_85, %swap3A_86] {strides = array<i32>} : memref<80x128xi32, #tpu.memory_space<vmem>>, vector<16xi32>,
      tpu.vector_store %arg9[%swap3A_85, %swap3A_86], %mul3A_84 {strides = array<i32>} : memref<80x128xi32, #tpu.memory_space<vmem>>, vector<16xi32>,
      %mul3A_88 = arith.constant 4 : i32
      %mul3A_89 = vector.broadcast %mul3A_88 : i32 to vector<16xi32>
      %mul3A_90 = arith.muli %rem3A_81, %mul3A_89 : vector<16xi32>
      %swap3A_91 = arith.index_cast %while3A_37 : i32 to index
      %swap3A_92 = arith.constant 16 : index
      %swap3A_93 = tpu.vector_load %arg10[%swap3A_91, %swap3A_92] {strides = array<i32>} : memref<80x128xi32, #tpu.memory_space<vmem>>, vector<16xi32>,
      tpu.vector_store %arg10[%swap3A_91, %swap3A_92], %mul3A_90 {strides = array<i32>} : memref<80x128xi32, #tpu.memory_space<vmem>>, vector<16xi32>,
      %rem3A_94 = arith.constant 240 : i32
      %rem3A_95 = vector.broadcast %rem3A_94 : i32 to vector<16xi32>
      %rem3A_96 = arith.remsi %add3A_78, %rem3A_95 : vector<16xi32>
      %add3A_97 = arith.constant 10000 : i32
      %add3A_98 = vector.broadcast %add3A_97 : i32 to vector<16xi32>
      %add3A_99 = arith.addi %add3A_98, %rem3A_96 : vector<16xi32>
      %swap3A_100 = arith.index_cast %while3A_37 : i32 to index
      %swap3A_101 = arith.constant 16 : index
      %swap3A_102 = tpu.vector_load %arg11[%swap3A_100, %swap3A_101] {strides = array<i32>} : memref<80x128xi32, #tpu.memory_space<vmem>>, vector<16xi32>,
      tpu.vector_store %arg11[%swap3A_100, %swap3A_101], %add3A_99 {strides = array<i32>} : memref<80x128xi32, #tpu.memory_space<vmem>>, vector<16xi32>,
      %iota3A_103 = tpu.iota {dimensions = array<i32: 0>} : vector<16xi32>
      %mul3A_104 = arith.constant 128 : i32
      %mul3A_105 = arith.muli %while3A_37, %mul3A_104 : i32
      %add3A_106 = arith.constant 32 : i32
      %add3A_107 = arith.addi %mul3A_105, %add3A_106 : i32
      %mul3A_108 = arith.constant 331 : i32
      %mul3A_109 = arith.muli %add3A, %mul3A_108 : i32
      %add3A_110 = arith.addi %add3A_107, %mul3A_109 : i32
      %add3A_111 = vector.broadcast %add3A_110 : i32 to vector<16xi32>
      %add3A_112 = arith.addi %iota3A_103, %add3A_111 : vector<16xi32>
      %rem3A_113 = arith.constant 10000 : i32
      %rem3A_114 = vector.broadcast %rem3A_113 : i32 to vector<16xi32>
      %rem3A_115 = arith.remsi %add3A_112, %rem3A_114 : vector<16xi32>
      %mul3A_116 = arith.constant 2 : i32
      %mul3A_117 = vector.broadcast %mul3A_116 : i32 to vector<16xi32>
      %mul3A_118 = arith.muli %rem3A_115, %mul3A_117 : vector<16xi32>
      %swap3A_119 = arith.index_cast %while3A_37 : i32 to index
      %swap3A_120 = arith.constant 32 : index
      %swap3A_121 = tpu.vector_load %arg9[%swap3A_119, %swap3A_120] {strides = array<i32>} : memref<80x128xi32, #tpu.memory_space<vmem>>, vector<16xi32>,
      tpu.vector_store %arg9[%swap3A_119, %swap3A_120], %mul3A_118 {strides = array<i32>} : memref<80x128xi32, #tpu.memory_space<vmem>>, vector<16xi32>,
      %mul3A_122 = arith.constant 4 : i32
      %mul3A_123 = vector.broadcast %mul3A_122 : i32 to vector<16xi32>
      %mul3A_124 = arith.muli %rem3A_115, %mul3A_123 : vector<16xi32>
      %swap3A_125 = arith.index_cast %while3A_37 : i32 to index
      %swap3A_126 = arith.constant 32 : index
      %swap3A_127 = tpu.vector_load %arg10[%swap3A_125, %swap3A_126] {strides = array<i32>} : memref<80x128xi32, #tpu.memory_space<vmem>>, vector<16xi32>,
      tpu.vector_store %arg10[%swap3A_125, %swap3A_126], %mul3A_124 {strides = array<i32>} : memref<80x128xi32, #tpu.memory_space<vmem>>, vector<16xi32>,
      %rem3A_128 = arith.constant 240 : i32
      %rem3A_129 = vector.broadcast %rem3A_128 : i32 to vector<16xi32>
      %rem3A_130 = arith.remsi %add3A_112, %rem3A_129 : vector<16xi32>
      %add3A_131 = arith.constant 10000 : i32
      %add3A_132 = vector.broadcast %add3A_131 : i32 to vector<16xi32>
      %add3A_133 = arith.addi %add3A_132, %rem3A_130 : vector<16xi32>
      %swap3A_134 = arith.index_cast %while3A_37 : i32 to index
      %swap3A_135 = arith.constant 32 : index
      %swap3A_136 = tpu.vector_load %arg11[%swap3A_134, %swap3A_135] {strides = array<i32>} : memref<80x128xi32, #tpu.memory_space<vmem>>, vector<16xi32>,
      tpu.vector_store %arg11[%swap3A_134, %swap3A_135], %add3A_133 {strides = array<i32>} : memref<80x128xi32, #tpu.memory_space<vmem>>, vector<16xi32>,
      %iota3A_137 = tpu.iota {dimensions = array<i32: 0>} : vector<16xi32>
      %mul3A_138 = arith.constant 128 : i32
      %mul3A_139 = arith.muli %while3A_37, %mul3A_138 : i32
      %add3A_140 = arith.constant 48 : i32
      %add3A_141 = arith.addi %mul3A_139, %add3A_140 : i32
      %mul3A_142 = arith.constant 331 : i32
      %mul3A_143 = arith.muli %add3A, %mul3A_142 : i32
      %add3A_144 = arith.addi %add3A_141, %mul3A_143 : i32
      %add3A_145 = vector.broadcast %add3A_144 : i32 to vector<16xi32>
      %add3A_146 = arith.addi %iota3A_137, %add3A_145 : vector<16xi32>
      %rem3A_147 = arith.constant 10000 : i32
      %rem3A_148 = vector.broadcast %rem3A_147 : i32 to vector<16xi32>
      %rem3A_149 = arith.remsi %add3A_146, %rem3A_148 : vector<16xi32>
      %mul3A_150 = arith.constant 2 : i32
      %mul3A_151 = vector.broadcast %mul3A_150 : i32 to vector<16xi32>
      %mul3A_152 = arith.muli %rem3A_149, %mul3A_151 : vector<16xi32>
      %swap3A_153 = arith.index_cast %while3A_37 : i32 to index
      %swap3A_154 = arith.constant 48 : index
      %swap3A_155 = tpu.vector_load %arg9[%swap3A_153, %swap3A_154] {strides = array<i32>} : memref<80x128xi32, #tpu.memory_space<vmem>>, vector<16xi32>,
      tpu.vector_store %arg9[%swap3A_153, %swap3A_154], %mul3A_152 {strides = array<i32>} : memref<80x128xi32, #tpu.memory_space<vmem>>, vector<16xi32>,
      %mul3A_156 = arith.constant 4 : i32
      %mul3A_157 = vector.broadcast %mul3A_156 : i32 to vector<16xi32>
      %mul3A_158 = arith.muli %rem3A_149, %mul3A_157 : vector<16xi32>
      %swap3A_159 = arith.index_cast %while3A_37 : i32 to index
      %swap3A_160 = arith.constant 48 : index
      %swap3A_161 = tpu.vector_load %arg10[%swap3A_159, %swap3A_160] {strides = array<i32>} : memref<80x128xi32, #tpu.memory_space<vmem>>, vector<16xi32>,
      tpu.vector_store %arg10[%swap3A_159, %swap3A_160], %mul3A_158 {strides = array<i32>} : memref<80x128xi32, #tpu.memory_space<vmem>>, vector<16xi32>,
      %rem3A_162 = arith.constant 240 : i32
      %rem3A_163 = vector.broadcast %rem3A_162 : i32 to vector<16xi32>
      %rem3A_164 = arith.remsi %add3A_146, %rem3A_163 : vector<16xi32>
      %add3A_165 = arith.constant 10000 : i32
      %add3A_166 = vector.broadcast %add3A_165 : i32 to vector<16xi32>
      %add3A_167 = arith.addi %add3A_166, %rem3A_164 : vector<16xi32>
      %swap3A_168 = arith.index_cast %while3A_37 : i32 to index
      %swap3A_169 = arith.constant 48 : index
      %swap3A_170 = tpu.vector_load %arg11[%swap3A_168, %swap3A_169] {strides = array<i32>} : memref<80x128xi32, #tpu.memory_space<vmem>>, vector<16xi32>,
      tpu.vector_store %arg11[%swap3A_168, %swap3A_169], %add3A_167 {strides = array<i32>} : memref<80x128xi32, #tpu.memory_space<vmem>>, vector<16xi32>,
      %iota3A_171 = tpu.iota {dimensions = array<i32: 0>} : vector<16xi32>
      %mul3A_172 = arith.constant 128 : i32
      %mul3A_173 = arith.muli %while3A_37, %mul3A_172 : i32
      %add3A_174 = arith.constant 64 : i32
      %add3A_175 = arith.addi %mul3A_173, %add3A_174 : i32
      %mul3A_176 = arith.constant 331 : i32
      %mul3A_177 = arith.muli %add3A, %mul3A_176 : i32
      %add3A_178 = arith.addi %add3A_175, %mul3A_177 : i32
      %add3A_179 = vector.broadcast %add3A_178 : i32 to vector<16xi32>
      %add3A_180 = arith.addi %iota3A_171, %add3A_179 : vector<16xi32>
      %rem3A_181 = arith.constant 10000 : i32
      %rem3A_182 = vector.broadcast %rem3A_181 : i32 to vector<16xi32>
      %rem3A_183 = arith.remsi %add3A_180, %rem3A_182 : vector<16xi32>
      %mul3A_184 = arith.constant 2 : i32
      %mul3A_185 = vector.broadcast %mul3A_184 : i32 to vector<16xi32>
      %mul3A_186 = arith.muli %rem3A_183, %mul3A_185 : vector<16xi32>
      %swap3A_187 = arith.index_cast %while3A_37 : i32 to index
      %swap3A_188 = arith.constant 64 : index
      %swap3A_189 = tpu.vector_load %arg9[%swap3A_187, %swap3A_188] {strides = array<i32>} : memref<80x128xi32, #tpu.memory_space<vmem>>, vector<16xi32>,
      tpu.vector_store %arg9[%swap3A_187, %swap3A_188], %mul3A_186 {strides = array<i32>} : memref<80x128xi32, #tpu.memory_space<vmem>>, vector<16xi32>,
      %mul3A_190 = arith.constant 4 : i32
      %mul3A_191 = vector.broadcast %mul3A_190 : i32 to vector<16xi32>
      %mul3A_192 = arith.muli %rem3A_183, %mul3A_191 : vector<16xi32>
      %swap3A_193 = arith.index_cast %while3A_37 : i32 to index
      %swap3A_194 = arith.constant 64 : index
      %swap3A_195 = tpu.vector_load %arg10[%swap3A_193, %swap3A_194] {strides = array<i32>} : memref<80x128xi32, #tpu.memory_space<vmem>>, vector<16xi32>,
      tpu.vector_store %arg10[%swap3A_193, %swap3A_194], %mul3A_192 {strides = array<i32>} : memref<80x128xi32, #tpu.memory_space<vmem>>, vector<16xi32>,
      %rem3A_196 = arith.constant 240 : i32
      %rem3A_197 = vector.broadcast %rem3A_196 : i32 to vector<16xi32>
      %rem3A_198 = arith.remsi %add3A_180, %rem3A_197 : vector<16xi32>
      %add3A_199 = arith.constant 10000 : i32
      %add3A_200 = vector.broadcast %add3A_199 : i32 to vector<16xi32>
      %add3A_201 = arith.addi %add3A_200, %rem3A_198 : vector<16xi32>
      %swap3A_202 = arith.index_cast %while3A_37 : i32 to index
      %swap3A_203 = arith.constant 64 : index
      %swap3A_204 = tpu.vector_load %arg11[%swap3A_202, %swap3A_203] {strides = array<i32>} : memref<80x128xi32, #tpu.memory_space<vmem>>, vector<16xi32>,
      tpu.vector_store %arg11[%swap3A_202, %swap3A_203], %add3A_201 {strides = array<i32>} : memref<80x128xi32, #tpu.memory_space<vmem>>, vector<16xi32>,
      %iota3A_205 = tpu.iota {dimensions = array<i32: 0>} : vector<16xi32>
      %mul3A_206 = arith.constant 128 : i32
      %mul3A_207 = arith.muli %while3A_37, %mul3A_206 : i32
      %add3A_208 = arith.constant 80 : i32
      %add3A_209 = arith.addi %mul3A_207, %add3A_208 : i32
      %mul3A_210 = arith.constant 331 : i32
      %mul3A_211 = arith.muli %add3A, %mul3A_210 : i32
      %add3A_212 = arith.addi %add3A_209, %mul3A_211 : i32
      %add3A_213 = vector.broadcast %add3A_212 : i32 to vector<16xi32>
      %add3A_214 = arith.addi %iota3A_205, %add3A_213 : vector<16xi32>
      %rem3A_215 = arith.constant 10000 : i32
      %rem3A_216 = vector.broadcast %rem3A_215 : i32 to vector<16xi32>
      %rem3A_217 = arith.remsi %add3A_214, %rem3A_216 : vector<16xi32>
      %mul3A_218 = arith.constant 2 : i32
      %mul3A_219 = vector.broadcast %mul3A_218 : i32 to vector<16xi32>
      %mul3A_220 = arith.muli %rem3A_217, %mul3A_219 : vector<16xi32>
      %swap3A_221 = arith.index_cast %while3A_37 : i32 to index
      %swap3A_222 = arith.constant 80 : index
      %swap3A_223 = tpu.vector_load %arg9[%swap3A_221, %swap3A_222] {strides = array<i32>} : memref<80x128xi32, #tpu.memory_space<vmem>>, vector<16xi32>,
      tpu.vector_store %arg9[%swap3A_221, %swap3A_222], %mul3A_220 {strides = array<i32>} : memref<80x128xi32, #tpu.memory_space<vmem>>, vector<16xi32>,
      %mul3A_224 = arith.constant 4 : i32
      %mul3A_225 = vector.broadcast %mul3A_224 : i32 to vector<16xi32>
      %mul3A_226 = arith.muli %rem3A_217, %mul3A_225 : vector<16xi32>
      %swap3A_227 = arith.index_cast %while3A_37 : i32 to index
      %swap3A_228 = arith.constant 80 : index
      %swap3A_229 = tpu.vector_load %arg10[%swap3A_227, %swap3A_228] {strides = array<i32>} : memref<80x128xi32, #tpu.memory_space<vmem>>, vector<16xi32>,
      tpu.vector_store %arg10[%swap3A_227, %swap3A_228], %mul3A_226 {strides = array<i32>} : memref<80x128xi32, #tpu.memory_space<vmem>>, vector<16xi32>,
      %rem3A_230 = arith.constant 240 : i32
      %rem3A_231 = vector.broadcast %rem3A_230 : i32 to vector<16xi32>
      %rem3A_232 = arith.remsi %add3A_214, %rem3A_231 : vector<16xi32>
      %add3A_233 = arith.constant 10000 : i32
      %add3A_234 = vector.broadcast %add3A_233 : i32 to vector<16xi32>
      %add3A_235 = arith.addi %add3A_234, %rem3A_232 : vector<16xi32>
      %swap3A_236 = arith.index_cast %while3A_37 : i32 to index
      %swap3A_237 = arith.constant 80 : index
      %swap3A_238 = tpu.vector_load %arg11[%swap3A_236, %swap3A_237] {strides = array<i32>} : memref<80x128xi32, #tpu.memory_space<vmem>>, vector<16xi32>,
      tpu.vector_store %arg11[%swap3A_236, %swap3A_237], %add3A_235 {strides = array<i32>} : memref<80x128xi32, #tpu.memory_space<vmem>>, vector<16xi32>,
      %iota3A_239 = tpu.iota {dimensions = array<i32: 0>} : vector<16xi32>
      %mul3A_240 = arith.constant 128 : i32
      %mul3A_241 = arith.muli %while3A_37, %mul3A_240 : i32
      %add3A_242 = arith.constant 96 : i32
      %add3A_243 = arith.addi %mul3A_241, %add3A_242 : i32
      %mul3A_244 = arith.constant 331 : i32
      %mul3A_245 = arith.muli %add3A, %mul3A_244 : i32
      %add3A_246 = arith.addi %add3A_243, %mul3A_245 : i32
      %add3A_247 = vector.broadcast %add3A_246 : i32 to vector<16xi32>
      %add3A_248 = arith.addi %iota3A_239, %add3A_247 : vector<16xi32>
      %rem3A_249 = arith.constant 10000 : i32
      %rem3A_250 = vector.broadcast %rem3A_249 : i32 to vector<16xi32>
      %rem3A_251 = arith.remsi %add3A_248, %rem3A_250 : vector<16xi32>
      %mul3A_252 = arith.constant 2 : i32
      %mul3A_253 = vector.broadcast %mul3A_252 : i32 to vector<16xi32>
      %mul3A_254 = arith.muli %rem3A_251, %mul3A_253 : vector<16xi32>
      %swap3A_255 = arith.index_cast %while3A_37 : i32 to index
      %swap3A_256 = arith.constant 96 : index
      %swap3A_257 = tpu.vector_load %arg9[%swap3A_255, %swap3A_256] {strides = array<i32>} : memref<80x128xi32, #tpu.memory_space<vmem>>, vector<16xi32>,
      tpu.vector_store %arg9[%swap3A_255, %swap3A_256], %mul3A_254 {strides = array<i32>} : memref<80x128xi32, #tpu.memory_space<vmem>>, vector<16xi32>,
      %mul3A_258 = arith.constant 4 : i32
      %mul3A_259 = vector.broadcast %mul3A_258 : i32 to vector<16xi32>
      %mul3A_260 = arith.muli %rem3A_251, %mul3A_259 : vector<16xi32>
      %swap3A_261 = arith.index_cast %while3A_37 : i32 to index
      %swap3A_262 = arith.constant 96 : index
      %swap3A_263 = tpu.vector_load %arg10[%swap3A_261, %swap3A_262] {strides = array<i32>} : memref<80x128xi32, #tpu.memory_space<vmem>>, vector<16xi32>,
      tpu.vector_store %arg10[%swap3A_261, %swap3A_262], %mul3A_260 {strides = array<i32>} : memref<80x128xi32, #tpu.memory_space<vmem>>, vector<16xi32>,
      %rem3A_264 = arith.constant 240 : i32
      %rem3A_265 = vector.broadcast %rem3A_264 : i32 to vector<16xi32>
      %rem3A_266 = arith.remsi %add3A_248, %rem3A_265 : vector<16xi32>
      %add3A_267 = arith.constant 10000 : i32
      %add3A_268 = vector.broadcast %add3A_267 : i32 to vector<16xi32>
      %add3A_269 = arith.addi %add3A_268, %rem3A_266 : vector<16xi32>
      %swap3A_270 = arith.index_cast %while3A_37 : i32 to index
      %swap3A_271 = arith.constant 96 : index
      %swap3A_272 = tpu.vector_load %arg11[%swap3A_270, %swap3A_271] {strides = array<i32>} : memref<80x128xi32, #tpu.memory_space<vmem>>, vector<16xi32>,
      tpu.vector_store %arg11[%swap3A_270, %swap3A_271], %add3A_269 {strides = array<i32>} : memref<80x128xi32, #tpu.memory_space<vmem>>, vector<16xi32>,
      %iota3A_273 = tpu.iota {dimensions = array<i32: 0>} : vector<16xi32>
      %mul3A_274 = arith.constant 128 : i32
      %mul3A_275 = arith.muli %while3A_37, %mul3A_274 : i32
      %add3A_276 = arith.constant 112 : i32
      %add3A_277 = arith.addi %mul3A_275, %add3A_276 : i32
      %mul3A_278 = arith.constant 331 : i32
      %mul3A_279 = arith.muli %add3A, %mul3A_278 : i32
      %add3A_280 = arith.addi %add3A_277, %mul3A_279 : i32
      %add3A_281 = vector.broadcast %add3A_280 : i32 to vector<16xi32>
      %add3A_282 = arith.addi %iota3A_273, %add3A_281 : vector<16xi32>
      %rem3A_283 = arith.constant 10000 : i32
      %rem3A_284 = vector.broadcast %rem3A_283 : i32 to vector<16xi32>
      %rem3A_285 = arith.remsi %add3A_282, %rem3A_284 : vector<16xi32>
      %mul3A_286 = arith.constant 2 : i32
      %mul3A_287 = vector.broadcast %mul3A_286 : i32 to vector<16xi32>
      %mul3A_288 = arith.muli %rem3A_285, %mul3A_287 : vector<16xi32>
      %swap3A_289 = arith.index_cast %while3A_37 : i32 to index
      %swap3A_290 = arith.constant 112 : index
      %swap3A_291 = tpu.vector_load %arg9[%swap3A_289, %swap3A_290] {strides = array<i32>} : memref<80x128xi32, #tpu.memory_space<vmem>>, vector<16xi32>,
      tpu.vector_store %arg9[%swap3A_289, %swap3A_290], %mul3A_288 {strides = array<i32>} : memref<80x128xi32, #tpu.memory_space<vmem>>, vector<16xi32>,
      %mul3A_292 = arith.constant 4 : i32
      %mul3A_293 = vector.broadcast %mul3A_292 : i32 to vector<16xi32>
      %mul3A_294 = arith.muli %rem3A_285, %mul3A_293 : vector<16xi32>
      %swap3A_295 = arith.index_cast %while3A_37 : i32 to index
      %swap3A_296 = arith.constant 112 : index
      %swap3A_297 = tpu.vector_load %arg10[%swap3A_295, %swap3A_296] {strides = array<i32>} : memref<80x128xi32, #tpu.memory_space<vmem>>, vector<16xi32>,
      tpu.vector_store %arg10[%swap3A_295, %swap3A_296], %mul3A_294 {strides = array<i32>} : memref<80x128xi32, #tpu.memory_space<vmem>>, vector<16xi32>,
      %rem3A_298 = arith.constant 240 : i32
      %rem3A_299 = vector.broadcast %rem3A_298 : i32 to vector<16xi32>
      %rem3A_300 = arith.remsi %add3A_282, %rem3A_299 : vector<16xi32>
      %add3A_301 = arith.constant 10000 : i32
      %add3A_302 = vector.broadcast %add3A_301 : i32 to vector<16xi32>
      %add3A_303 = arith.addi %add3A_302, %rem3A_300 : vector<16xi32>
      %swap3A_304 = arith.index_cast %while3A_37 : i32 to index
      %swap3A_305 = arith.constant 112 : index
      %swap3A_306 = tpu.vector_load %arg11[%swap3A_304, %swap3A_305] {strides = array<i32>} : memref<80x128xi32, #tpu.memory_space<vmem>>, vector<16xi32>,
      tpu.vector_store %arg11[%swap3A_304, %swap3A_305], %add3A_303 {strides = array<i32>} : memref<80x128xi32, #tpu.memory_space<vmem>>, vector<16xi32>,
    }
    "tpu.region"() ({
      %run_scoped3A = tpu.sem_alloc : memref<!tpu.dma_semaphore, #tpu.memory_space<semaphore_mem>>
      %dma_start3A = arith.constant 0 : i32
      %dma_start3A_37 = tpu.memref_slice %arg3[%add3A, %dma_start3A] : memref<32x10240xf32, #tpu.memory_space<hbm>> -> memref<1x10240xf32, #tpu.memory_space<hbm>>
      %dma_start3A_38 = tpu.memref_squeeze %dma_start3A_37 : memref<1x10240xf32, #tpu.memory_space<hbm>> -> memref<10240xf32, #tpu.memory_space<hbm>>
      %dma_start3A_39 = arith.constant 0 : i32
      %dma_start3A_40 = tpu.memref_slice %arg3[%add3A, %dma_start3A_39] : memref<32x10240xf32, #tpu.memory_space<hbm>> -> memref<1x10240xf32, #tpu.memory_space<hbm>>
      %dma_start3A_41 = tpu.memref_squeeze %dma_start3A_40 : memref<1x10240xf32, #tpu.memory_space<hbm>> -> memref<10240xf32, #tpu.memory_space<hbm>>
      tpu.enqueue_dma source(%arg8 : memref<10240xf32, #tpu.memory_space<vmem>>) target(%dma_start3A_41 : memref<10240xf32, #tpu.memory_space<hbm>>) target_semaphore(%run_scoped3A : memref<!tpu.dma_semaphore, #tpu.memory_space<semaphore_mem>>)
      %dma_wait3A = arith.constant 0 : i32
      %dma_wait3A_42 = tpu.memref_slice %arg3[%add3A, %dma_wait3A] : memref<32x10240xf32, #tpu.memory_space<hbm>> -> memref<1x10240xf32, #tpu.memory_space<hbm>>
      %dma_wait3A_43 = tpu.memref_squeeze %dma_wait3A_42 : memref<1x10240xf32, #tpu.memory_space<hbm>> -> memref<10240xf32, #tpu.memory_space<hbm>>
      %dma_wait3A_44 = arith.constant 0 : i32
      %dma_wait3A_45 = tpu.memref_slice %arg3[%add3A, %dma_wait3A_44] : memref<32x10240xf32, #tpu.memory_space<hbm>> -> memref<1x10240xf32, #tpu.memory_space<hbm>>
      %dma_wait3A_46 = tpu.memref_squeeze %dma_wait3A_45 : memref<1x10240xf32, #tpu.memory_space<hbm>> -> memref<10240xf32, #tpu.memory_space<hbm>>
      tpu.wait_dma2 semaphore(%run_scoped3A : memref<!tpu.dma_semaphore, #tpu.memory_space<semaphore_mem>>) src(%arg8 : memref<10240xf32, #tpu.memory_space<vmem>>) dst(%dma_wait3A_46 : memref<10240xf32, #tpu.memory_space<hbm>>)
      tpu.yield
    }) : () -> ()
    "tpu.region"() ({
      %run_scoped3A = tpu.sem_alloc : memref<!tpu.dma_semaphore, #tpu.memory_space<semaphore_mem>>
      %dma_start3A = arith.constant 0 : i32
      %dma_start3A_37 = arith.constant 0 : i32
      %dma_start3A_38 = tpu.memref_slice %arg4[%add3A, %dma_start3A, %dma_start3A_37] : memref<32x80x128xi32, #tpu.memory_space<hbm>> -> memref<1x80x128xi32, #tpu.memory_space<hbm>>
      %dma_start3A_39 = tpu.memref_squeeze %dma_start3A_38 : memref<1x80x128xi32, #tpu.memory_space<hbm>> -> memref<80x128xi32, #tpu.memory_space<hbm>>
      %dma_start3A_40 = arith.constant 0 : i32
      %dma_start3A_41 = arith.constant 0 : i32
      %dma_start3A_42 = tpu.memref_slice %arg4[%add3A, %dma_start3A_40, %dma_start3A_41] : memref<32x80x128xi32, #tpu.memory_space<hbm>> -> memref<1x80x128xi32, #tpu.memory_space<hbm>>
      %dma_start3A_43 = tpu.memref_squeeze %dma_start3A_42 : memref<1x80x128xi32, #tpu.memory_space<hbm>> -> memref<80x128xi32, #tpu.memory_space<hbm>>
      tpu.enqueue_dma source(%arg9 : memref<80x128xi32, #tpu.memory_space<vmem>>) target(%dma_start3A_43 : memref<80x128xi32, #tpu.memory_space<hbm>>) target_semaphore(%run_scoped3A : memref<!tpu.dma_semaphore, #tpu.memory_space<semaphore_mem>>)
      %dma_wait3A = arith.constant 0 : i32
      %dma_wait3A_44 = arith.constant 0 : i32
      %dma_wait3A_45 = tpu.memref_slice %arg4[%add3A, %dma_wait3A, %dma_wait3A_44] : memref<32x80x128xi32, #tpu.memory_space<hbm>> -> memref<1x80x128xi32, #tpu.memory_space<hbm>>
      %dma_wait3A_46 = tpu.memref_squeeze %dma_wait3A_45 : memref<1x80x128xi32, #tpu.memory_space<hbm>> -> memref<80x128xi32, #tpu.memory_space<hbm>>
      %dma_wait3A_47 = arith.constant 0 : i32
      %dma_wait3A_48 = arith.constant 0 : i32
      %dma_wait3A_49 = tpu.memref_slice %arg4[%add3A, %dma_wait3A_47, %dma_wait3A_48] : memref<32x80x128xi32, #tpu.memory_space<hbm>> -> memref<1x80x128xi32, #tpu.memory_space<hbm>>
      %dma_wait3A_50 = tpu.memref_squeeze %dma_wait3A_49 : memref<1x80x128xi32, #tpu.memory_space<hbm>> -> memref<80x128xi32, #tpu.memory_space<hbm>>
      tpu.wait_dma2 semaphore(%run_scoped3A : memref<!tpu.dma_semaphore, #tpu.memory_space<semaphore_mem>>) src(%arg9 : memref<80x128xi32, #tpu.memory_space<vmem>>) dst(%dma_wait3A_50 : memref<80x128xi32, #tpu.memory_space<hbm>>)
      tpu.yield
    }) : () -> ()
    "tpu.region"() ({
      %run_scoped3A = tpu.sem_alloc : memref<!tpu.dma_semaphore, #tpu.memory_space<semaphore_mem>>
      %dma_start3A = arith.constant 0 : i32
      %dma_start3A_37 = arith.constant 0 : i32
      %dma_start3A_38 = tpu.memref_slice %arg5[%add3A, %dma_start3A, %dma_start3A_37] : memref<32x80x128xi32, #tpu.memory_space<hbm>> -> memref<1x80x128xi32, #tpu.memory_space<hbm>>
      %dma_start3A_39 = tpu.memref_squeeze %dma_start3A_38 : memref<1x80x128xi32, #tpu.memory_space<hbm>> -> memref<80x128xi32, #tpu.memory_space<hbm>>
      %dma_start3A_40 = arith.constant 0 : i32
      %dma_start3A_41 = arith.constant 0 : i32
      %dma_start3A_42 = tpu.memref_slice %arg5[%add3A, %dma_start3A_40, %dma_start3A_41] : memref<32x80x128xi32, #tpu.memory_space<hbm>> -> memref<1x80x128xi32, #tpu.memory_space<hbm>>
      %dma_start3A_43 = tpu.memref_squeeze %dma_start3A_42 : memref<1x80x128xi32, #tpu.memory_space<hbm>> -> memref<80x128xi32, #tpu.memory_space<hbm>>
      tpu.enqueue_dma source(%arg10 : memref<80x128xi32, #tpu.memory_space<vmem>>) target(%dma_start3A_43 : memref<80x128xi32, #tpu.memory_space<hbm>>) target_semaphore(%run_scoped3A : memref<!tpu.dma_semaphore, #tpu.memory_space<semaphore_mem>>)
      %dma_wait3A = arith.constant 0 : i32
      %dma_wait3A_44 = arith.constant 0 : i32
      %dma_wait3A_45 = tpu.memref_slice %arg5[%add3A, %dma_wait3A, %dma_wait3A_44] : memref<32x80x128xi32, #tpu.memory_space<hbm>> -> memref<1x80x128xi32, #tpu.memory_space<hbm>>
      %dma_wait3A_46 = tpu.memref_squeeze %dma_wait3A_45 : memref<1x80x128xi32, #tpu.memory_space<hbm>> -> memref<80x128xi32, #tpu.memory_space<hbm>>
      %dma_wait3A_47 = arith.constant 0 : i32
      %dma_wait3A_48 = arith.constant 0 : i32
      %dma_wait3A_49 = tpu.memref_slice %arg5[%add3A, %dma_wait3A_47, %dma_wait3A_48] : memref<32x80x128xi32, #tpu.memory_space<hbm>> -> memref<1x80x128xi32, #tpu.memory_space<hbm>>
      %dma_wait3A_50 = tpu.memref_squeeze %dma_wait3A_49 : memref<1x80x128xi32, #tpu.memory_space<hbm>> -> memref<80x128xi32, #tpu.memory_space<hbm>>
      tpu.wait_dma2 semaphore(%run_scoped3A : memref<!tpu.dma_semaphore, #tpu.memory_space<semaphore_mem>>) src(%arg10 : memref<80x128xi32, #tpu.memory_space<vmem>>) dst(%dma_wait3A_50 : memref<80x128xi32, #tpu.memory_space<hbm>>)
      tpu.yield
    }) : () -> ()
    "tpu.region"() ({
      %run_scoped3A = tpu.sem_alloc : memref<!tpu.dma_semaphore, #tpu.memory_space<semaphore_mem>>
      %dma_start3A = arith.constant 0 : i32
      %dma_start3A_37 = arith.constant 0 : i32
      %dma_start3A_38 = tpu.memref_slice %arg6[%add3A, %dma_start3A, %dma_start3A_37] : memref<32x80x128xi32, #tpu.memory_space<hbm>> -> memref<1x80x128xi32, #tpu.memory_space<hbm>>
      %dma_start3A_39 = tpu.memref_squeeze %dma_start3A_38 : memref<1x80x128xi32, #tpu.memory_space<hbm>> -> memref<80x128xi32, #tpu.memory_space<hbm>>
      %dma_start3A_40 = arith.constant 0 : i32
      %dma_start3A_41 = arith.constant 0 : i32
      %dma_start3A_42 = tpu.memref_slice %arg6[%add3A, %dma_start3A_40, %dma_start3A_41] : memref<32x80x128xi32, #tpu.memory_space<hbm>> -> memref<1x80x128xi32, #tpu.memory_space<hbm>>
      %dma_start3A_43 = tpu.memref_squeeze %dma_start3A_42 : memref<1x80x128xi32, #tpu.memory_space<hbm>> -> memref<80x128xi32, #tpu.memory_space<hbm>>
      tpu.enqueue_dma source(%arg11 : memref<80x128xi32, #tpu.memory_space<vmem>>) target(%dma_start3A_43 : memref<80x128xi32, #tpu.memory_space<hbm>>) target_semaphore(%run_scoped3A : memref<!tpu.dma_semaphore, #tpu.memory_space<semaphore_mem>>)
      %dma_wait3A = arith.constant 0 : i32
      %dma_wait3A_44 = arith.constant 0 : i32
      %dma_wait3A_45 = tpu.memref_slice %arg6[%add3A, %dma_wait3A, %dma_wait3A_44] : memref<32x80x128xi32, #tpu.memory_space<hbm>> -> memref<1x80x128xi32, #tpu.memory_space<hbm>>
      %dma_wait3A_46 = tpu.memref_squeeze %dma_wait3A_45 : memref<1x80x128xi32, #tpu.memory_space<hbm>> -> memref<80x128xi32, #tpu.memory_space<hbm>>
      %dma_wait3A_47 = arith.constant 0 : i32
      %dma_wait3A_48 = arith.constant 0 : i32
      %dma_wait3A_49 = tpu.memref_slice %arg6[%add3A, %dma_wait3A_47, %dma_wait3A_48] : memref<32x80x128xi32, #tpu.memory_space<hbm>> -> memref<1x80x128xi32, #tpu.memory_space<hbm>>
      %dma_wait3A_50 = tpu.memref_squeeze %dma_wait3A_49 : memref<1x80x128xi32, #tpu.memory_space<hbm>> -> memref<80x128xi32, #tpu.memory_space<hbm>>
      tpu.wait_dma2 semaphore(%run_scoped3A : memref<!tpu.dma_semaphore, #tpu.memory_space<semaphore_mem>>) src(%arg11 : memref<80x128xi32, #tpu.memory_space<vmem>>) dst(%dma_wait3A_50 : memref<80x128xi32, #tpu.memory_space<hbm>>)
      tpu.yield
    }) : () -> ()
    return
  }
}

#map = affine_map<(d0, d1) -> (0, 0)>
#map1 = affine_map<(d0, d1) -> (0, 0, 0)>
module attributes {stable_mosaic.version = 14 : i64} {
  func.func @agg_kernel(%arg0: i32, %arg1: i32, %arg2: memref<40000x32xf32, #tpu.memory_space<hbm>>, %arg3: memref<32x80x128xi32, #tpu.memory_space<hbm>>, %arg4: memref<32x80x128xi32, #tpu.memory_space<hbm>>, %arg5: memref<2x10240x128xf32, #tpu.memory_space<hbm>>, %arg6: memref<80x128xi32, #tpu.memory_space<vmem>>, %arg7: memref<80x128xi32, #tpu.memory_space<vmem>>, %arg8: memref<128x32xf32, #tpu.memory_space<vmem>>, %arg9: memref<128x32xf32, #tpu.memory_space<vmem>>, %arg10: memref<128x32xf32, #tpu.memory_space<vmem>>, %arg11: memref<128x32xf32, #tpu.memory_space<vmem>>, %arg12: memref<128x32xf32, #tpu.memory_space<vmem>>, %arg13: memref<128x32xf32, #tpu.memory_space<vmem>>, %arg14: memref<128x32xf32, #tpu.memory_space<vmem>>, %arg15: memref<128x32xf32, #tpu.memory_space<vmem>>, %arg16: memref<10240x32xf32, #tpu.memory_space<vmem_shared>>, %arg17: memref<!tpu.dma_semaphore, #tpu.memory_space<semaphore_mem>>, %arg18: memref<!tpu.dma_semaphore, #tpu.memory_space<semaphore_mem>>, %arg19: memref<!tpu.dma_semaphore, #tpu.memory_space<semaphore_mem>>, %arg20: memref<!tpu.dma_semaphore, #tpu.memory_space<semaphore_mem>>, %arg21: memref<!tpu.dma_semaphore, #tpu.memory_space<semaphore_mem>>, %arg22: memref<!tpu.dma_semaphore, #tpu.memory_space<semaphore_mem>>, %arg23: memref<!tpu.dma_semaphore, #tpu.memory_space<semaphore_mem>>, %arg24: memref<!tpu.dma_semaphore, #tpu.memory_space<semaphore_mem>>, %arg25: memref<!tpu.dma_semaphore, #tpu.memory_space<semaphore_mem>>, %arg26: memref<!tpu.dma_semaphore, #tpu.memory_space<semaphore_mem>>, %arg27: memref<!tpu.dma_semaphore, #tpu.memory_space<semaphore_mem>>, %arg28: memref<!tpu.dma_semaphore, #tpu.memory_space<semaphore_mem>>, %arg29: memref<!tpu.dma_semaphore, #tpu.memory_space<semaphore_mem>>, %arg30: memref<!tpu.dma_semaphore, #tpu.memory_space<semaphore_mem>>, %arg31: memref<!tpu.dma_semaphore, #tpu.memory_space<semaphore_mem>>, %arg32: memref<!tpu.dma_semaphore, #tpu.memory_space<semaphore_mem>>) attributes {dimension_semantics = [#tpu.dimension_semantics<core_parallel>, #tpu.dimension_semantics<subcore_parallel>], iteration_bounds = array<i64: 2, 16>, scalar_prefetch = 0 : i64, scratch_operands = 27 : i64, tpu.core_type = #tpu.core_type<sc_vector_subcore>, window_params = [{transform_indices = #map}, {transform_indices = #map1}, {transform_indices = #map1}, {transform_indices = #map1}]} {
    %mul3A = arith.constant 16 : i32
    %mul3A_0 = arith.muli %arg0, %mul3A : i32
    %add3A = arith.addi %mul3A_0, %arg1 : i32
    "tpu.region"() ({
      %run_scoped3A = tpu.sem_alloc : memref<!tpu.dma_semaphore, #tpu.memory_space<semaphore_mem>>
      %dma_start3A_135 = arith.constant 0 : i32
      %dma_start3A_136 = arith.constant 0 : i32
      %dma_start3A_137 = tpu.memref_slice %arg3[%add3A, %dma_start3A_135, %dma_start3A_136] : memref<32x80x128xi32, #tpu.memory_space<hbm>> -> memref<1x80x128xi32, #tpu.memory_space<hbm>>
      %dma_start3A_138 = tpu.memref_squeeze %dma_start3A_137 : memref<1x80x128xi32, #tpu.memory_space<hbm>> -> memref<80x128xi32, #tpu.memory_space<hbm>>
      %dma_start3A_139 = arith.constant 0 : i32
      %dma_start3A_140 = arith.constant 0 : i32
      %dma_start3A_141 = tpu.memref_slice %arg3[%add3A, %dma_start3A_139, %dma_start3A_140] : memref<32x80x128xi32, #tpu.memory_space<hbm>> -> memref<1x80x128xi32, #tpu.memory_space<hbm>>
      %dma_start3A_142 = tpu.memref_squeeze %dma_start3A_141 : memref<1x80x128xi32, #tpu.memory_space<hbm>> -> memref<80x128xi32, #tpu.memory_space<hbm>>
      tpu.enqueue_dma source(%dma_start3A_142 : memref<80x128xi32, #tpu.memory_space<hbm>>) target(%arg6 : memref<80x128xi32, #tpu.memory_space<vmem>>) target_semaphore(%run_scoped3A : memref<!tpu.dma_semaphore, #tpu.memory_space<semaphore_mem>>)
      %dma_wait3A_143 = arith.constant 0 : i32
      %dma_wait3A_144 = arith.constant 0 : i32
      %dma_wait3A_145 = tpu.memref_slice %arg3[%add3A, %dma_wait3A_143, %dma_wait3A_144] : memref<32x80x128xi32, #tpu.memory_space<hbm>> -> memref<1x80x128xi32, #tpu.memory_space<hbm>>
      %dma_wait3A_146 = tpu.memref_squeeze %dma_wait3A_145 : memref<1x80x128xi32, #tpu.memory_space<hbm>> -> memref<80x128xi32, #tpu.memory_space<hbm>>
      %dma_wait3A_147 = arith.constant 0 : i32
      %dma_wait3A_148 = arith.constant 0 : i32
      %dma_wait3A_149 = tpu.memref_slice %arg3[%add3A, %dma_wait3A_147, %dma_wait3A_148] : memref<32x80x128xi32, #tpu.memory_space<hbm>> -> memref<1x80x128xi32, #tpu.memory_space<hbm>>
      %dma_wait3A_150 = tpu.memref_squeeze %dma_wait3A_149 : memref<1x80x128xi32, #tpu.memory_space<hbm>> -> memref<80x128xi32, #tpu.memory_space<hbm>>
      tpu.wait_dma2 semaphore(%run_scoped3A : memref<!tpu.dma_semaphore, #tpu.memory_space<semaphore_mem>>) src(%dma_wait3A_150 : memref<80x128xi32, #tpu.memory_space<hbm>>) dst(%arg6 : memref<80x128xi32, #tpu.memory_space<vmem>>)
      tpu.yield
    }) : () -> ()
    "tpu.region"() ({
      %run_scoped3A = tpu.sem_alloc : memref<!tpu.dma_semaphore, #tpu.memory_space<semaphore_mem>>
      %dma_start3A_135 = arith.constant 0 : i32
      %dma_start3A_136 = arith.constant 0 : i32
      %dma_start3A_137 = tpu.memref_slice %arg4[%add3A, %dma_start3A_135, %dma_start3A_136] : memref<32x80x128xi32, #tpu.memory_space<hbm>> -> memref<1x80x128xi32, #tpu.memory_space<hbm>>
      %dma_start3A_138 = tpu.memref_squeeze %dma_start3A_137 : memref<1x80x128xi32, #tpu.memory_space<hbm>> -> memref<80x128xi32, #tpu.memory_space<hbm>>
      %dma_start3A_139 = arith.constant 0 : i32
      %dma_start3A_140 = arith.constant 0 : i32
      %dma_start3A_141 = tpu.memref_slice %arg4[%add3A, %dma_start3A_139, %dma_start3A_140] : memref<32x80x128xi32, #tpu.memory_space<hbm>> -> memref<1x80x128xi32, #tpu.memory_space<hbm>>
      %dma_start3A_142 = tpu.memref_squeeze %dma_start3A_141 : memref<1x80x128xi32, #tpu.memory_space<hbm>> -> memref<80x128xi32, #tpu.memory_space<hbm>>
      tpu.enqueue_dma source(%dma_start3A_142 : memref<80x128xi32, #tpu.memory_space<hbm>>) target(%arg7 : memref<80x128xi32, #tpu.memory_space<vmem>>) target_semaphore(%run_scoped3A : memref<!tpu.dma_semaphore, #tpu.memory_space<semaphore_mem>>)
      %dma_wait3A_143 = arith.constant 0 : i32
      %dma_wait3A_144 = arith.constant 0 : i32
      %dma_wait3A_145 = tpu.memref_slice %arg4[%add3A, %dma_wait3A_143, %dma_wait3A_144] : memref<32x80x128xi32, #tpu.memory_space<hbm>> -> memref<1x80x128xi32, #tpu.memory_space<hbm>>
      %dma_wait3A_146 = tpu.memref_squeeze %dma_wait3A_145 : memref<1x80x128xi32, #tpu.memory_space<hbm>> -> memref<80x128xi32, #tpu.memory_space<hbm>>
      %dma_wait3A_147 = arith.constant 0 : i32
      %dma_wait3A_148 = arith.constant 0 : i32
      %dma_wait3A_149 = tpu.memref_slice %arg4[%add3A, %dma_wait3A_147, %dma_wait3A_148] : memref<32x80x128xi32, #tpu.memory_space<hbm>> -> memref<1x80x128xi32, #tpu.memory_space<hbm>>
      %dma_wait3A_150 = tpu.memref_squeeze %dma_wait3A_149 : memref<1x80x128xi32, #tpu.memory_space<hbm>> -> memref<80x128xi32, #tpu.memory_space<hbm>>
      tpu.wait_dma2 semaphore(%run_scoped3A : memref<!tpu.dma_semaphore, #tpu.memory_space<semaphore_mem>>) src(%dma_wait3A_150 : memref<80x128xi32, #tpu.memory_space<hbm>>) dst(%arg7 : memref<80x128xi32, #tpu.memory_space<vmem>>)
      tpu.yield
    }) : () -> ()
    %scan3A = arith.constant 0 : i32
    %scan3A_1 = arith.constant 0 : i32
    %scan3A_2 = arith.constant 128 : i32
    %scan3A_3 = arith.addi %scan3A_1, %scan3A_2 : i32
    %scan3A_4 = arith.constant 1 : i32
    scf.for %scan3A_135 = %scan3A_1 to %scan3A_3 step %scan3A_4  : i32 {
      %broadcast_in_dim3A = arith.constant 0.000000e+00 : f32
      %broadcast_in_dim3A_136 = vector.broadcast %broadcast_in_dim3A : f32 to vector<16xf32>
      %swap3A = arith.index_cast %scan3A_135 : i32 to index
      %swap3A_137 = arith.constant 0 : index
      %swap3A_138 = tpu.vector_load %arg8[%swap3A, %swap3A_137] {strides = array<i32>} : memref<128x32xf32, #tpu.memory_space<vmem>>, vector<16xf32>,
      tpu.vector_store %arg8[%swap3A, %swap3A_137], %broadcast_in_dim3A_136 {strides = array<i32>} : memref<128x32xf32, #tpu.memory_space<vmem>>, vector<16xf32>,
      %broadcast_in_dim3A_139 = arith.constant 0.000000e+00 : f32
      %broadcast_in_dim3A_140 = vector.broadcast %broadcast_in_dim3A_139 : f32 to vector<16xf32>
      %swap3A_141 = arith.index_cast %scan3A_135 : i32 to index
      %swap3A_142 = arith.constant 16 : index
      %swap3A_143 = tpu.vector_load %arg8[%swap3A_141, %swap3A_142] {strides = array<i32>} : memref<128x32xf32, #tpu.memory_space<vmem>>, vector<16xf32>,
      tpu.vector_store %arg8[%swap3A_141, %swap3A_142], %broadcast_in_dim3A_140 {strides = array<i32>} : memref<128x32xf32, #tpu.memory_space<vmem>>, vector<16xf32>,
    }
    %scan3A_5 = arith.constant 128 : i32
    %mul3A_6 = arith.constant 640 : i32
    %mul3A_7 = arith.muli %arg1, %mul3A_6 : i32
    %add3A_8 = arith.constant 0 : i32
    %add3A_9 = arith.addi %mul3A_7, %add3A_8 : i32
    "tpu.region"() ({
      %run_scoped3A = tpu.sem_alloc : memref<!tpu.dma_semaphore, #tpu.memory_space<semaphore_mem>>
      %dma_start3A_135 = arith.constant 0 : i32
      %dma_start3A_136 = tpu.memref_slice %arg16[%add3A_9, %dma_start3A_135] : memref<10240x32xf32, #tpu.memory_space<vmem_shared>> -> memref<128x32xf32, #tpu.memory_space<vmem_shared>>
      %dma_start3A_137 = arith.constant 0 : i32
      %dma_start3A_138 = tpu.memref_slice %arg16[%add3A_9, %dma_start3A_137] : memref<10240x32xf32, #tpu.memory_space<vmem_shared>> -> memref<128x32xf32, #tpu.memory_space<vmem_shared>>
      tpu.enqueue_dma source(%arg8 : memref<128x32xf32, #tpu.memory_space<vmem>>) target(%dma_start3A_138 : memref<128x32xf32, #tpu.memory_space<vmem_shared>>) target_semaphore(%run_scoped3A : memref<!tpu.dma_semaphore, #tpu.memory_space<semaphore_mem>>)
      %dma_wait3A_139 = arith.constant 0 : i32
      %dma_wait3A_140 = tpu.memref_slice %arg16[%add3A_9, %dma_wait3A_139] : memref<10240x32xf32, #tpu.memory_space<vmem_shared>> -> memref<128x32xf32, #tpu.memory_space<vmem_shared>>
      %dma_wait3A_141 = arith.constant 0 : i32
      %dma_wait3A_142 = tpu.memref_slice %arg16[%add3A_9, %dma_wait3A_141] : memref<10240x32xf32, #tpu.memory_space<vmem_shared>> -> memref<128x32xf32, #tpu.memory_space<vmem_shared>>
      tpu.wait_dma2 semaphore(%run_scoped3A : memref<!tpu.dma_semaphore, #tpu.memory_space<semaphore_mem>>) src(%arg8 : memref<128x32xf32, #tpu.memory_space<vmem>>) dst(%dma_wait3A_142 : memref<128x32xf32, #tpu.memory_space<vmem_shared>>)
      tpu.yield
    }) : () -> ()
    %mul3A_10 = arith.constant 640 : i32
    %mul3A_11 = arith.muli %arg1, %mul3A_10 : i32
    %add3A_12 = arith.constant 128 : i32
    %add3A_13 = arith.addi %mul3A_11, %add3A_12 : i32
    "tpu.region"() ({
      %run_scoped3A = tpu.sem_alloc : memref<!tpu.dma_semaphore, #tpu.memory_space<semaphore_mem>>
      %dma_start3A_135 = arith.constant 0 : i32
      %dma_start3A_136 = tpu.memref_slice %arg16[%add3A_13, %dma_start3A_135] : memref<10240x32xf32, #tpu.memory_space<vmem_shared>> -> memref<128x32xf32, #tpu.memory_space<vmem_shared>>
      %dma_start3A_137 = arith.constant 0 : i32
      %dma_start3A_138 = tpu.memref_slice %arg16[%add3A_13, %dma_start3A_137] : memref<10240x32xf32, #tpu.memory_space<vmem_shared>> -> memref<128x32xf32, #tpu.memory_space<vmem_shared>>
      tpu.enqueue_dma source(%arg8 : memref<128x32xf32, #tpu.memory_space<vmem>>) target(%dma_start3A_138 : memref<128x32xf32, #tpu.memory_space<vmem_shared>>) target_semaphore(%run_scoped3A : memref<!tpu.dma_semaphore, #tpu.memory_space<semaphore_mem>>)
      %dma_wait3A_139 = arith.constant 0 : i32
      %dma_wait3A_140 = tpu.memref_slice %arg16[%add3A_13, %dma_wait3A_139] : memref<10240x32xf32, #tpu.memory_space<vmem_shared>> -> memref<128x32xf32, #tpu.memory_space<vmem_shared>>
      %dma_wait3A_141 = arith.constant 0 : i32
      %dma_wait3A_142 = tpu.memref_slice %arg16[%add3A_13, %dma_wait3A_141] : memref<10240x32xf32, #tpu.memory_space<vmem_shared>> -> memref<128x32xf32, #tpu.memory_space<vmem_shared>>
      tpu.wait_dma2 semaphore(%run_scoped3A : memref<!tpu.dma_semaphore, #tpu.memory_space<semaphore_mem>>) src(%arg8 : memref<128x32xf32, #tpu.memory_space<vmem>>) dst(%dma_wait3A_142 : memref<128x32xf32, #tpu.memory_space<vmem_shared>>)
      tpu.yield
    }) : () -> ()
    %mul3A_14 = arith.constant 640 : i32
    %mul3A_15 = arith.muli %arg1, %mul3A_14 : i32
    %add3A_16 = arith.constant 256 : i32
    %add3A_17 = arith.addi %mul3A_15, %add3A_16 : i32
    "tpu.region"() ({
      %run_scoped3A = tpu.sem_alloc : memref<!tpu.dma_semaphore, #tpu.memory_space<semaphore_mem>>
      %dma_start3A_135 = arith.constant 0 : i32
      %dma_start3A_136 = tpu.memref_slice %arg16[%add3A_17, %dma_start3A_135] : memref<10240x32xf32, #tpu.memory_space<vmem_shared>> -> memref<128x32xf32, #tpu.memory_space<vmem_shared>>
      %dma_start3A_137 = arith.constant 0 : i32
      %dma_start3A_138 = tpu.memref_slice %arg16[%add3A_17, %dma_start3A_137] : memref<10240x32xf32, #tpu.memory_space<vmem_shared>> -> memref<128x32xf32, #tpu.memory_space<vmem_shared>>
      tpu.enqueue_dma source(%arg8 : memref<128x32xf32, #tpu.memory_space<vmem>>) target(%dma_start3A_138 : memref<128x32xf32, #tpu.memory_space<vmem_shared>>) target_semaphore(%run_scoped3A : memref<!tpu.dma_semaphore, #tpu.memory_space<semaphore_mem>>)
      %dma_wait3A_139 = arith.constant 0 : i32
      %dma_wait3A_140 = tpu.memref_slice %arg16[%add3A_17, %dma_wait3A_139] : memref<10240x32xf32, #tpu.memory_space<vmem_shared>> -> memref<128x32xf32, #tpu.memory_space<vmem_shared>>
      %dma_wait3A_141 = arith.constant 0 : i32
      %dma_wait3A_142 = tpu.memref_slice %arg16[%add3A_17, %dma_wait3A_141] : memref<10240x32xf32, #tpu.memory_space<vmem_shared>> -> memref<128x32xf32, #tpu.memory_space<vmem_shared>>
      tpu.wait_dma2 semaphore(%run_scoped3A : memref<!tpu.dma_semaphore, #tpu.memory_space<semaphore_mem>>) src(%arg8 : memref<128x32xf32, #tpu.memory_space<vmem>>) dst(%dma_wait3A_142 : memref<128x32xf32, #tpu.memory_space<vmem_shared>>)
      tpu.yield
    }) : () -> ()
    %mul3A_18 = arith.constant 640 : i32
    %mul3A_19 = arith.muli %arg1, %mul3A_18 : i32
    %add3A_20 = arith.constant 384 : i32
    %add3A_21 = arith.addi %mul3A_19, %add3A_20 : i32
    "tpu.region"() ({
      %run_scoped3A = tpu.sem_alloc : memref<!tpu.dma_semaphore, #tpu.memory_space<semaphore_mem>>
      %dma_start3A_135 = arith.constant 0 : i32
      %dma_start3A_136 = tpu.memref_slice %arg16[%add3A_21, %dma_start3A_135] : memref<10240x32xf32, #tpu.memory_space<vmem_shared>> -> memref<128x32xf32, #tpu.memory_space<vmem_shared>>
      %dma_start3A_137 = arith.constant 0 : i32
      %dma_start3A_138 = tpu.memref_slice %arg16[%add3A_21, %dma_start3A_137] : memref<10240x32xf32, #tpu.memory_space<vmem_shared>> -> memref<128x32xf32, #tpu.memory_space<vmem_shared>>
      tpu.enqueue_dma source(%arg8 : memref<128x32xf32, #tpu.memory_space<vmem>>) target(%dma_start3A_138 : memref<128x32xf32, #tpu.memory_space<vmem_shared>>) target_semaphore(%run_scoped3A : memref<!tpu.dma_semaphore, #tpu.memory_space<semaphore_mem>>)
      %dma_wait3A_139 = arith.constant 0 : i32
      %dma_wait3A_140 = tpu.memref_slice %arg16[%add3A_21, %dma_wait3A_139] : memref<10240x32xf32, #tpu.memory_space<vmem_shared>> -> memref<128x32xf32, #tpu.memory_space<vmem_shared>>
      %dma_wait3A_141 = arith.constant 0 : i32
      %dma_wait3A_142 = tpu.memref_slice %arg16[%add3A_21, %dma_wait3A_141] : memref<10240x32xf32, #tpu.memory_space<vmem_shared>> -> memref<128x32xf32, #tpu.memory_space<vmem_shared>>
      tpu.wait_dma2 semaphore(%run_scoped3A : memref<!tpu.dma_semaphore, #tpu.memory_space<semaphore_mem>>) src(%arg8 : memref<128x32xf32, #tpu.memory_space<vmem>>) dst(%dma_wait3A_142 : memref<128x32xf32, #tpu.memory_space<vmem_shared>>)
      tpu.yield
    }) : () -> ()
    %mul3A_22 = arith.constant 640 : i32
    %mul3A_23 = arith.muli %arg1, %mul3A_22 : i32
    %add3A_24 = arith.constant 512 : i32
    %add3A_25 = arith.addi %mul3A_23, %add3A_24 : i32
    "tpu.region"() ({
      %run_scoped3A = tpu.sem_alloc : memref<!tpu.dma_semaphore, #tpu.memory_space<semaphore_mem>>
      %dma_start3A_135 = arith.constant 0 : i32
      %dma_start3A_136 = tpu.memref_slice %arg16[%add3A_25, %dma_start3A_135] : memref<10240x32xf32, #tpu.memory_space<vmem_shared>> -> memref<128x32xf32, #tpu.memory_space<vmem_shared>>
      %dma_start3A_137 = arith.constant 0 : i32
      %dma_start3A_138 = tpu.memref_slice %arg16[%add3A_25, %dma_start3A_137] : memref<10240x32xf32, #tpu.memory_space<vmem_shared>> -> memref<128x32xf32, #tpu.memory_space<vmem_shared>>
      tpu.enqueue_dma source(%arg8 : memref<128x32xf32, #tpu.memory_space<vmem>>) target(%dma_start3A_138 : memref<128x32xf32, #tpu.memory_space<vmem_shared>>) target_semaphore(%run_scoped3A : memref<!tpu.dma_semaphore, #tpu.memory_space<semaphore_mem>>)
      %dma_wait3A_139 = arith.constant 0 : i32
      %dma_wait3A_140 = tpu.memref_slice %arg16[%add3A_25, %dma_wait3A_139] : memref<10240x32xf32, #tpu.memory_space<vmem_shared>> -> memref<128x32xf32, #tpu.memory_space<vmem_shared>>
      %dma_wait3A_141 = arith.constant 0 : i32
      %dma_wait3A_142 = tpu.memref_slice %arg16[%add3A_25, %dma_wait3A_141] : memref<10240x32xf32, #tpu.memory_space<vmem_shared>> -> memref<128x32xf32, #tpu.memory_space<vmem_shared>>
      tpu.wait_dma2 semaphore(%run_scoped3A : memref<!tpu.dma_semaphore, #tpu.memory_space<semaphore_mem>>) src(%arg8 : memref<128x32xf32, #tpu.memory_space<vmem>>) dst(%dma_wait3A_142 : memref<128x32xf32, #tpu.memory_space<vmem_shared>>)
      tpu.yield
    }) : () -> ()
    %barrier3A = arith.constant 0 : index
    tpu.barrier barrier_id(%barrier3A)
    %dma_start3A = arith.constant 0 : i32
    %dma_start3A_26 = arith.constant 0 : i32
    %dma_start3A_27 = tpu.memref_slice %arg6[%dma_start3A, %dma_start3A_26] : memref<80x128xi32, #tpu.memory_space<vmem>> -> memref<1x128xi32, #tpu.memory_space<vmem>>
    %dma_start3A_28 = tpu.memref_squeeze %dma_start3A_27 : memref<1x128xi32, #tpu.memory_space<vmem>> -> memref<128xi32, #tpu.memory_space<vmem>>
    %dma_start3A_29 = arith.constant 0 : i32
    %dma_start3A_30 = arith.constant 0 : i32
    %dma_start3A_31 = tpu.memref_slice %arg2[%dma_start3A_29, %dma_start3A_30] : memref<40000x32xf32, #tpu.memory_space<hbm>> -> memref<40000x32xf32, #tpu.memory_space<hbm>>
    tpu.enqueue_indirect_dma source(%dma_start3A_31 : memref<40000x32xf32, #tpu.memory_space<hbm>>) target(%arg8 : memref<128x32xf32, #tpu.memory_space<vmem>>) offsets(%dma_start3A_28 : memref<128xi32, #tpu.memory_space<vmem>>) semaphore(%arg17 : memref<!tpu.dma_semaphore, #tpu.memory_space<semaphore_mem>>)
    %dma_start3A_32 = arith.constant 1 : i32
    %dma_start3A_33 = arith.constant 0 : i32
    %dma_start3A_34 = tpu.memref_slice %arg6[%dma_start3A_32, %dma_start3A_33] : memref<80x128xi32, #tpu.memory_space<vmem>> -> memref<1x128xi32, #tpu.memory_space<vmem>>
    %dma_start3A_35 = tpu.memref_squeeze %dma_start3A_34 : memref<1x128xi32, #tpu.memory_space<vmem>> -> memref<128xi32, #tpu.memory_space<vmem>>
    %dma_start3A_36 = arith.constant 0 : i32
    %dma_start3A_37 = arith.constant 0 : i32
    %dma_start3A_38 = tpu.memref_slice %arg2[%dma_start3A_36, %dma_start3A_37] : memref<40000x32xf32, #tpu.memory_space<hbm>> -> memref<40000x32xf32, #tpu.memory_space<hbm>>
    tpu.enqueue_indirect_dma source(%dma_start3A_38 : memref<40000x32xf32, #tpu.memory_space<hbm>>) target(%arg9 : memref<128x32xf32, #tpu.memory_space<vmem>>) offsets(%dma_start3A_35 : memref<128xi32, #tpu.memory_space<vmem>>) semaphore(%arg18 : memref<!tpu.dma_semaphore, #tpu.memory_space<semaphore_mem>>)
    %dma_start3A_39 = arith.constant 2 : i32
    %dma_start3A_40 = arith.constant 0 : i32
    %dma_start3A_41 = tpu.memref_slice %arg6[%dma_start3A_39, %dma_start3A_40] : memref<80x128xi32, #tpu.memory_space<vmem>> -> memref<1x128xi32, #tpu.memory_space<vmem>>
    %dma_start3A_42 = tpu.memref_squeeze %dma_start3A_41 : memref<1x128xi32, #tpu.memory_space<vmem>> -> memref<128xi32, #tpu.memory_space<vmem>>
    %dma_start3A_43 = arith.constant 0 : i32
    %dma_start3A_44 = arith.constant 0 : i32
    %dma_start3A_45 = tpu.memref_slice %arg2[%dma_start3A_43, %dma_start3A_44] : memref<40000x32xf32, #tpu.memory_space<hbm>> -> memref<40000x32xf32, #tpu.memory_space<hbm>>
    tpu.enqueue_indirect_dma source(%dma_start3A_45 : memref<40000x32xf32, #tpu.memory_space<hbm>>) target(%arg10 : memref<128x32xf32, #tpu.memory_space<vmem>>) offsets(%dma_start3A_42 : memref<128xi32, #tpu.memory_space<vmem>>) semaphore(%arg19 : memref<!tpu.dma_semaphore, #tpu.memory_space<semaphore_mem>>)
    %dma_start3A_46 = arith.constant 3 : i32
    %dma_start3A_47 = arith.constant 0 : i32
    %dma_start3A_48 = tpu.memref_slice %arg6[%dma_start3A_46, %dma_start3A_47] : memref<80x128xi32, #tpu.memory_space<vmem>> -> memref<1x128xi32, #tpu.memory_space<vmem>>
    %dma_start3A_49 = tpu.memref_squeeze %dma_start3A_48 : memref<1x128xi32, #tpu.memory_space<vmem>> -> memref<128xi32, #tpu.memory_space<vmem>>
    %dma_start3A_50 = arith.constant 0 : i32
    %dma_start3A_51 = arith.constant 0 : i32
    %dma_start3A_52 = tpu.memref_slice %arg2[%dma_start3A_50, %dma_start3A_51] : memref<40000x32xf32, #tpu.memory_space<hbm>> -> memref<40000x32xf32, #tpu.memory_space<hbm>>
    tpu.enqueue_indirect_dma source(%dma_start3A_52 : memref<40000x32xf32, #tpu.memory_space<hbm>>) target(%arg11 : memref<128x32xf32, #tpu.memory_space<vmem>>) offsets(%dma_start3A_49 : memref<128xi32, #tpu.memory_space<vmem>>) semaphore(%arg20 : memref<!tpu.dma_semaphore, #tpu.memory_space<semaphore_mem>>)
    %scan3A_53 = arith.constant 0 : i32
    %scan3A_54 = arith.constant 0 : i32
    %scan3A_55 = arith.constant 10 : i32
    %scan3A_56 = arith.addi %scan3A_54, %scan3A_55 : i32
    %scan3A_57 = arith.constant 1 : i32
    scf.for %scan3A_135 = %scan3A_54 to %scan3A_56 step %scan3A_57  : i32 {
      %mul3A_136 = arith.constant 8 : i32
      %mul3A_137 = arith.muli %scan3A_135, %mul3A_136 : i32
      %add3A_138 = arith.constant 0 : i32
      %add3A_139 = arith.addi %mul3A_137, %add3A_138 : i32
      %add3A_140 = arith.constant 4 : i32
      %add3A_141 = arith.addi %add3A_139, %add3A_140 : i32
      %lt3A = arith.constant 80 : i32
      %lt3A_142 = arith.cmpi slt, %add3A_141, %lt3A : i32
      %convert_element_type3A = arith.extui %lt3A_142 : i1 to i32
      %cond3A = arith.constant 0 : i32
      %cond3A_143 = arith.cmpi ne, %convert_element_type3A, %cond3A : i32
      scf.if %cond3A_143 {
        %ge3A = arith.constant 8 : i32
        %ge3A_317 = arith.cmpi sge, %add3A_141, %ge3A : i32
        %convert_element_type3A_318 = arith.extui %ge3A_317 : i1 to i32
        %cond3A_319 = arith.constant 0 : i32
        %cond3A_320 = arith.cmpi ne, %convert_element_type3A_318, %cond3A_319 : i32
        scf.if %cond3A_320 {
          %sub3A = arith.constant 8 : i32
          %sub3A_327 = arith.subi %add3A_141, %sub3A : i32
          %dma_wait3A_328 = arith.constant 0 : i32
          %dma_wait3A_329 = tpu.memref_slice %arg7[%sub3A_327, %dma_wait3A_328] : memref<80x128xi32, #tpu.memory_space<vmem>> -> memref<1x128xi32, #tpu.memory_space<vmem>>
          %dma_wait3A_330 = tpu.memref_squeeze %dma_wait3A_329 : memref<1x128xi32, #tpu.memory_space<vmem>> -> memref<128xi32, #tpu.memory_space<vmem>>
          %dma_wait3A_331 = arith.constant 0 : i32
          %dma_wait3A_332 = arith.constant 0 : i32
          %dma_wait3A_333 = tpu.memref_slice %arg16[%dma_wait3A_331, %dma_wait3A_332] : memref<10240x32xf32, #tpu.memory_space<vmem_shared>> -> memref<10240x32xf32, #tpu.memory_space<vmem_shared>>
          tpu.wait_indirect_dma semaphore(%arg29 : memref<!tpu.dma_semaphore, #tpu.memory_space<semaphore_mem>>) src(%arg12 : memref<128x32xf32, #tpu.memory_space<vmem>>) dst(%dma_wait3A_333 : memref<10240x32xf32, #tpu.memory_space<vmem_shared>>)
        } else {
        }
        %dma_start3A_321 = arith.constant 0 : i32
        %dma_start3A_322 = tpu.memref_slice %arg6[%add3A_141, %dma_start3A_321] : memref<80x128xi32, #tpu.memory_space<vmem>> -> memref<1x128xi32, #tpu.memory_space<vmem>>
        %dma_start3A_323 = tpu.memref_squeeze %dma_start3A_322 : memref<1x128xi32, #tpu.memory_space<vmem>> -> memref<128xi32, #tpu.memory_space<vmem>>
        %dma_start3A_324 = arith.constant 0 : i32
        %dma_start3A_325 = arith.constant 0 : i32
        %dma_start3A_326 = tpu.memref_slice %arg2[%dma_start3A_324, %dma_start3A_325] : memref<40000x32xf32, #tpu.memory_space<hbm>> -> memref<40000x32xf32, #tpu.memory_space<hbm>>
        tpu.enqueue_indirect_dma source(%dma_start3A_326 : memref<40000x32xf32, #tpu.memory_space<hbm>>) target(%arg12 : memref<128x32xf32, #tpu.memory_space<vmem>>) offsets(%dma_start3A_323 : memref<128xi32, #tpu.memory_space<vmem>>) semaphore(%arg21 : memref<!tpu.dma_semaphore, #tpu.memory_space<semaphore_mem>>)
      } else {
      }
      %dma_wait3A_144 = arith.constant 0 : i32
      %dma_wait3A_145 = tpu.memref_slice %arg6[%add3A_139, %dma_wait3A_144] : memref<80x128xi32, #tpu.memory_space<vmem>> -> memref<1x128xi32, #tpu.memory_space<vmem>>
      %dma_wait3A_146 = tpu.memref_squeeze %dma_wait3A_145 : memref<1x128xi32, #tpu.memory_space<vmem>> -> memref<128xi32, #tpu.memory_space<vmem>>
      %dma_wait3A_147 = arith.constant 0 : i32
      %dma_wait3A_148 = arith.constant 0 : i32
      %dma_wait3A_149 = tpu.memref_slice %arg2[%dma_wait3A_147, %dma_wait3A_148] : memref<40000x32xf32, #tpu.memory_space<hbm>> -> memref<40000x32xf32, #tpu.memory_space<hbm>>
      tpu.wait_indirect_dma semaphore(%arg17 : memref<!tpu.dma_semaphore, #tpu.memory_space<semaphore_mem>>) src(%dma_wait3A_149 : memref<40000x32xf32, #tpu.memory_space<hbm>>) dst(%arg8 : memref<128x32xf32, #tpu.memory_space<vmem>>)
      %dma_start3A_150 = arith.constant 0 : i32
      %dma_start3A_151 = tpu.memref_slice %arg7[%add3A_139, %dma_start3A_150] : memref<80x128xi32, #tpu.memory_space<vmem>> -> memref<1x128xi32, #tpu.memory_space<vmem>>
      %dma_start3A_152 = tpu.memref_squeeze %dma_start3A_151 : memref<1x128xi32, #tpu.memory_space<vmem>> -> memref<128xi32, #tpu.memory_space<vmem>>
      %dma_start3A_153 = arith.constant 0 : i32
      %dma_start3A_154 = arith.constant 0 : i32
      %dma_start3A_155 = tpu.memref_slice %arg16[%dma_start3A_153, %dma_start3A_154] : memref<10240x32xf32, #tpu.memory_space<vmem_shared>> -> memref<10240x32xf32, #tpu.memory_space<vmem_shared>>
      tpu.enqueue_indirect_dma source(%arg8 : memref<128x32xf32, #tpu.memory_space<vmem>>) target(%dma_start3A_155 : memref<10240x32xf32, #tpu.memory_space<vmem_shared>>) offsets(%dma_start3A_152 : memref<128xi32, #tpu.memory_space<vmem>>) semaphore(%arg25 : memref<!tpu.dma_semaphore, #tpu.memory_space<semaphore_mem>>) {add = true}
      %mul3A_156 = arith.constant 8 : i32
      %mul3A_157 = arith.muli %scan3A_135, %mul3A_156 : i32
      %add3A_158 = arith.constant 1 : i32
      %add3A_159 = arith.addi %mul3A_157, %add3A_158 : i32
      %add3A_160 = arith.constant 4 : i32
      %add3A_161 = arith.addi %add3A_159, %add3A_160 : i32
      %lt3A_162 = arith.constant 80 : i32
      %lt3A_163 = arith.cmpi slt, %add3A_161, %lt3A_162 : i32
      %convert_element_type3A_164 = arith.extui %lt3A_163 : i1 to i32
      %cond3A_165 = arith.constant 0 : i32
      %cond3A_166 = arith.cmpi ne, %convert_element_type3A_164, %cond3A_165 : i32
      scf.if %cond3A_166 {
        %ge3A = arith.constant 8 : i32
        %ge3A_317 = arith.cmpi sge, %add3A_161, %ge3A : i32
        %convert_element_type3A_318 = arith.extui %ge3A_317 : i1 to i32
        %cond3A_319 = arith.constant 0 : i32
        %cond3A_320 = arith.cmpi ne, %convert_element_type3A_318, %cond3A_319 : i32
        scf.if %cond3A_320 {
          %sub3A = arith.constant 8 : i32
          %sub3A_327 = arith.subi %add3A_161, %sub3A : i32
          %dma_wait3A_328 = arith.constant 0 : i32
          %dma_wait3A_329 = tpu.memref_slice %arg7[%sub3A_327, %dma_wait3A_328] : memref<80x128xi32, #tpu.memory_space<vmem>> -> memref<1x128xi32, #tpu.memory_space<vmem>>
          %dma_wait3A_330 = tpu.memref_squeeze %dma_wait3A_329 : memref<1x128xi32, #tpu.memory_space<vmem>> -> memref<128xi32, #tpu.memory_space<vmem>>
          %dma_wait3A_331 = arith.constant 0 : i32
          %dma_wait3A_332 = arith.constant 0 : i32
          %dma_wait3A_333 = tpu.memref_slice %arg16[%dma_wait3A_331, %dma_wait3A_332] : memref<10240x32xf32, #tpu.memory_space<vmem_shared>> -> memref<10240x32xf32, #tpu.memory_space<vmem_shared>>
          tpu.wait_indirect_dma semaphore(%arg30 : memref<!tpu.dma_semaphore, #tpu.memory_space<semaphore_mem>>) src(%arg13 : memref<128x32xf32, #tpu.memory_space<vmem>>) dst(%dma_wait3A_333 : memref<10240x32xf32, #tpu.memory_space<vmem_shared>>)
        } else {
        }
        %dma_start3A_321 = arith.constant 0 : i32
        %dma_start3A_322 = tpu.memref_slice %arg6[%add3A_161, %dma_start3A_321] : memref<80x128xi32, #tpu.memory_space<vmem>> -> memref<1x128xi32, #tpu.memory_space<vmem>>
        %dma_start3A_323 = tpu.memref_squeeze %dma_start3A_322 : memref<1x128xi32, #tpu.memory_space<vmem>> -> memref<128xi32, #tpu.memory_space<vmem>>
        %dma_start3A_324 = arith.constant 0 : i32
        %dma_start3A_325 = arith.constant 0 : i32
        %dma_start3A_326 = tpu.memref_slice %arg2[%dma_start3A_324, %dma_start3A_325] : memref<40000x32xf32, #tpu.memory_space<hbm>> -> memref<40000x32xf32, #tpu.memory_space<hbm>>
        tpu.enqueue_indirect_dma source(%dma_start3A_326 : memref<40000x32xf32, #tpu.memory_space<hbm>>) target(%arg13 : memref<128x32xf32, #tpu.memory_space<vmem>>) offsets(%dma_start3A_323 : memref<128xi32, #tpu.memory_space<vmem>>) semaphore(%arg22 : memref<!tpu.dma_semaphore, #tpu.memory_space<semaphore_mem>>)
      } else {
      }
      %dma_wait3A_167 = arith.constant 0 : i32
      %dma_wait3A_168 = tpu.memref_slice %arg6[%add3A_159, %dma_wait3A_167] : memref<80x128xi32, #tpu.memory_space<vmem>> -> memref<1x128xi32, #tpu.memory_space<vmem>>
      %dma_wait3A_169 = tpu.memref_squeeze %dma_wait3A_168 : memref<1x128xi32, #tpu.memory_space<vmem>> -> memref<128xi32, #tpu.memory_space<vmem>>
      %dma_wait3A_170 = arith.constant 0 : i32
      %dma_wait3A_171 = arith.constant 0 : i32
      %dma_wait3A_172 = tpu.memref_slice %arg2[%dma_wait3A_170, %dma_wait3A_171] : memref<40000x32xf32, #tpu.memory_space<hbm>> -> memref<40000x32xf32, #tpu.memory_space<hbm>>
      tpu.wait_indirect_dma semaphore(%arg18 : memref<!tpu.dma_semaphore, #tpu.memory_space<semaphore_mem>>) src(%dma_wait3A_172 : memref<40000x32xf32, #tpu.memory_space<hbm>>) dst(%arg9 : memref<128x32xf32, #tpu.memory_space<vmem>>)
      %dma_start3A_173 = arith.constant 0 : i32
      %dma_start3A_174 = tpu.memref_slice %arg7[%add3A_159, %dma_start3A_173] : memref<80x128xi32, #tpu.memory_space<vmem>> -> memref<1x128xi32, #tpu.memory_space<vmem>>
      %dma_start3A_175 = tpu.memref_squeeze %dma_start3A_174 : memref<1x128xi32, #tpu.memory_space<vmem>> -> memref<128xi32, #tpu.memory_space<vmem>>
      %dma_start3A_176 = arith.constant 0 : i32
      %dma_start3A_177 = arith.constant 0 : i32
      %dma_start3A_178 = tpu.memref_slice %arg16[%dma_start3A_176, %dma_start3A_177] : memref<10240x32xf32, #tpu.memory_space<vmem_shared>> -> memref<10240x32xf32, #tpu.memory_space<vmem_shared>>
      tpu.enqueue_indirect_dma source(%arg9 : memref<128x32xf32, #tpu.memory_space<vmem>>) target(%dma_start3A_178 : memref<10240x32xf32, #tpu.memory_space<vmem_shared>>) offsets(%dma_start3A_175 : memref<128xi32, #tpu.memory_space<vmem>>) semaphore(%arg26 : memref<!tpu.dma_semaphore, #tpu.memory_space<semaphore_mem>>) {add = true}
      %mul3A_179 = arith.constant 8 : i32
      %mul3A_180 = arith.muli %scan3A_135, %mul3A_179 : i32
      %add3A_181 = arith.constant 2 : i32
      %add3A_182 = arith.addi %mul3A_180, %add3A_181 : i32
      %add3A_183 = arith.constant 4 : i32
      %add3A_184 = arith.addi %add3A_182, %add3A_183 : i32
      %lt3A_185 = arith.constant 80 : i32
      %lt3A_186 = arith.cmpi slt, %add3A_184, %lt3A_185 : i32
      %convert_element_type3A_187 = arith.extui %lt3A_186 : i1 to i32
      %cond3A_188 = arith.constant 0 : i32
      %cond3A_189 = arith.cmpi ne, %convert_element_type3A_187, %cond3A_188 : i32
      scf.if %cond3A_189 {
        %ge3A = arith.constant 8 : i32
        %ge3A_317 = arith.cmpi sge, %add3A_184, %ge3A : i32
        %convert_element_type3A_318 = arith.extui %ge3A_317 : i1 to i32
        %cond3A_319 = arith.constant 0 : i32
        %cond3A_320 = arith.cmpi ne, %convert_element_type3A_318, %cond3A_319 : i32
        scf.if %cond3A_320 {
          %sub3A = arith.constant 8 : i32
          %sub3A_327 = arith.subi %add3A_184, %sub3A : i32
          %dma_wait3A_328 = arith.constant 0 : i32
          %dma_wait3A_329 = tpu.memref_slice %arg7[%sub3A_327, %dma_wait3A_328] : memref<80x128xi32, #tpu.memory_space<vmem>> -> memref<1x128xi32, #tpu.memory_space<vmem>>
          %dma_wait3A_330 = tpu.memref_squeeze %dma_wait3A_329 : memref<1x128xi32, #tpu.memory_space<vmem>> -> memref<128xi32, #tpu.memory_space<vmem>>
          %dma_wait3A_331 = arith.constant 0 : i32
          %dma_wait3A_332 = arith.constant 0 : i32
          %dma_wait3A_333 = tpu.memref_slice %arg16[%dma_wait3A_331, %dma_wait3A_332] : memref<10240x32xf32, #tpu.memory_space<vmem_shared>> -> memref<10240x32xf32, #tpu.memory_space<vmem_shared>>
          tpu.wait_indirect_dma semaphore(%arg31 : memref<!tpu.dma_semaphore, #tpu.memory_space<semaphore_mem>>) src(%arg14 : memref<128x32xf32, #tpu.memory_space<vmem>>) dst(%dma_wait3A_333 : memref<10240x32xf32, #tpu.memory_space<vmem_shared>>)
        } else {
        }
        %dma_start3A_321 = arith.constant 0 : i32
        %dma_start3A_322 = tpu.memref_slice %arg6[%add3A_184, %dma_start3A_321] : memref<80x128xi32, #tpu.memory_space<vmem>> -> memref<1x128xi32, #tpu.memory_space<vmem>>
        %dma_start3A_323 = tpu.memref_squeeze %dma_start3A_322 : memref<1x128xi32, #tpu.memory_space<vmem>> -> memref<128xi32, #tpu.memory_space<vmem>>
        %dma_start3A_324 = arith.constant 0 : i32
        %dma_start3A_325 = arith.constant 0 : i32
        %dma_start3A_326 = tpu.memref_slice %arg2[%dma_start3A_324, %dma_start3A_325] : memref<40000x32xf32, #tpu.memory_space<hbm>> -> memref<40000x32xf32, #tpu.memory_space<hbm>>
        tpu.enqueue_indirect_dma source(%dma_start3A_326 : memref<40000x32xf32, #tpu.memory_space<hbm>>) target(%arg14 : memref<128x32xf32, #tpu.memory_space<vmem>>) offsets(%dma_start3A_323 : memref<128xi32, #tpu.memory_space<vmem>>) semaphore(%arg23 : memref<!tpu.dma_semaphore, #tpu.memory_space<semaphore_mem>>)
      } else {
      }
      %dma_wait3A_190 = arith.constant 0 : i32
      %dma_wait3A_191 = tpu.memref_slice %arg6[%add3A_182, %dma_wait3A_190] : memref<80x128xi32, #tpu.memory_space<vmem>> -> memref<1x128xi32, #tpu.memory_space<vmem>>
      %dma_wait3A_192 = tpu.memref_squeeze %dma_wait3A_191 : memref<1x128xi32, #tpu.memory_space<vmem>> -> memref<128xi32, #tpu.memory_space<vmem>>
      %dma_wait3A_193 = arith.constant 0 : i32
      %dma_wait3A_194 = arith.constant 0 : i32
      %dma_wait3A_195 = tpu.memref_slice %arg2[%dma_wait3A_193, %dma_wait3A_194] : memref<40000x32xf32, #tpu.memory_space<hbm>> -> memref<40000x32xf32, #tpu.memory_space<hbm>>
      tpu.wait_indirect_dma semaphore(%arg19 : memref<!tpu.dma_semaphore, #tpu.memory_space<semaphore_mem>>) src(%dma_wait3A_195 : memref<40000x32xf32, #tpu.memory_space<hbm>>) dst(%arg10 : memref<128x32xf32, #tpu.memory_space<vmem>>)
      %dma_start3A_196 = arith.constant 0 : i32
      %dma_start3A_197 = tpu.memref_slice %arg7[%add3A_182, %dma_start3A_196] : memref<80x128xi32, #tpu.memory_space<vmem>> -> memref<1x128xi32, #tpu.memory_space<vmem>>
      %dma_start3A_198 = tpu.memref_squeeze %dma_start3A_197 : memref<1x128xi32, #tpu.memory_space<vmem>> -> memref<128xi32, #tpu.memory_space<vmem>>
      %dma_start3A_199 = arith.constant 0 : i32
      %dma_start3A_200 = arith.constant 0 : i32
      %dma_start3A_201 = tpu.memref_slice %arg16[%dma_start3A_199, %dma_start3A_200] : memref<10240x32xf32, #tpu.memory_space<vmem_shared>> -> memref<10240x32xf32, #tpu.memory_space<vmem_shared>>
      tpu.enqueue_indirect_dma source(%arg10 : memref<128x32xf32, #tpu.memory_space<vmem>>) target(%dma_start3A_201 : memref<10240x32xf32, #tpu.memory_space<vmem_shared>>) offsets(%dma_start3A_198 : memref<128xi32, #tpu.memory_space<vmem>>) semaphore(%arg27 : memref<!tpu.dma_semaphore, #tpu.memory_space<semaphore_mem>>) {add = true}
      %mul3A_202 = arith.constant 8 : i32
      %mul3A_203 = arith.muli %scan3A_135, %mul3A_202 : i32
      %add3A_204 = arith.constant 3 : i32
      %add3A_205 = arith.addi %mul3A_203, %add3A_204 : i32
      %add3A_206 = arith.constant 4 : i32
      %add3A_207 = arith.addi %add3A_205, %add3A_206 : i32
      %lt3A_208 = arith.constant 80 : i32
      %lt3A_209 = arith.cmpi slt, %add3A_207, %lt3A_208 : i32
      %convert_element_type3A_210 = arith.extui %lt3A_209 : i1 to i32
      %cond3A_211 = arith.constant 0 : i32
      %cond3A_212 = arith.cmpi ne, %convert_element_type3A_210, %cond3A_211 : i32
      scf.if %cond3A_212 {
        %ge3A = arith.constant 8 : i32
        %ge3A_317 = arith.cmpi sge, %add3A_207, %ge3A : i32
        %convert_element_type3A_318 = arith.extui %ge3A_317 : i1 to i32
        %cond3A_319 = arith.constant 0 : i32
        %cond3A_320 = arith.cmpi ne, %convert_element_type3A_318, %cond3A_319 : i32
        scf.if %cond3A_320 {
          %sub3A = arith.constant 8 : i32
          %sub3A_327 = arith.subi %add3A_207, %sub3A : i32
          %dma_wait3A_328 = arith.constant 0 : i32
          %dma_wait3A_329 = tpu.memref_slice %arg7[%sub3A_327, %dma_wait3A_328] : memref<80x128xi32, #tpu.memory_space<vmem>> -> memref<1x128xi32, #tpu.memory_space<vmem>>
          %dma_wait3A_330 = tpu.memref_squeeze %dma_wait3A_329 : memref<1x128xi32, #tpu.memory_space<vmem>> -> memref<128xi32, #tpu.memory_space<vmem>>
          %dma_wait3A_331 = arith.constant 0 : i32
          %dma_wait3A_332 = arith.constant 0 : i32
          %dma_wait3A_333 = tpu.memref_slice %arg16[%dma_wait3A_331, %dma_wait3A_332] : memref<10240x32xf32, #tpu.memory_space<vmem_shared>> -> memref<10240x32xf32, #tpu.memory_space<vmem_shared>>
          tpu.wait_indirect_dma semaphore(%arg32 : memref<!tpu.dma_semaphore, #tpu.memory_space<semaphore_mem>>) src(%arg15 : memref<128x32xf32, #tpu.memory_space<vmem>>) dst(%dma_wait3A_333 : memref<10240x32xf32, #tpu.memory_space<vmem_shared>>)
        } else {
        }
        %dma_start3A_321 = arith.constant 0 : i32
        %dma_start3A_322 = tpu.memref_slice %arg6[%add3A_207, %dma_start3A_321] : memref<80x128xi32, #tpu.memory_space<vmem>> -> memref<1x128xi32, #tpu.memory_space<vmem>>
        %dma_start3A_323 = tpu.memref_squeeze %dma_start3A_322 : memref<1x128xi32, #tpu.memory_space<vmem>> -> memref<128xi32, #tpu.memory_space<vmem>>
        %dma_start3A_324 = arith.constant 0 : i32
        %dma_start3A_325 = arith.constant 0 : i32
        %dma_start3A_326 = tpu.memref_slice %arg2[%dma_start3A_324, %dma_start3A_325] : memref<40000x32xf32, #tpu.memory_space<hbm>> -> memref<40000x32xf32, #tpu.memory_space<hbm>>
        tpu.enqueue_indirect_dma source(%dma_start3A_326 : memref<40000x32xf32, #tpu.memory_space<hbm>>) target(%arg15 : memref<128x32xf32, #tpu.memory_space<vmem>>) offsets(%dma_start3A_323 : memref<128xi32, #tpu.memory_space<vmem>>) semaphore(%arg24 : memref<!tpu.dma_semaphore, #tpu.memory_space<semaphore_mem>>)
      } else {
      }
      %dma_wait3A_213 = arith.constant 0 : i32
      %dma_wait3A_214 = tpu.memref_slice %arg6[%add3A_205, %dma_wait3A_213] : memref<80x128xi32, #tpu.memory_space<vmem>> -> memref<1x128xi32, #tpu.memory_space<vmem>>
      %dma_wait3A_215 = tpu.memref_squeeze %dma_wait3A_214 : memref<1x128xi32, #tpu.memory_space<vmem>> -> memref<128xi32, #tpu.memory_space<vmem>>
      %dma_wait3A_216 = arith.constant 0 : i32
      %dma_wait3A_217 = arith.constant 0 : i32
      %dma_wait3A_218 = tpu.memref_slice %arg2[%dma_wait3A_216, %dma_wait3A_217] : memref<40000x32xf32, #tpu.memory_space<hbm>> -> memref<40000x32xf32, #tpu.memory_space<hbm>>
      tpu.wait_indirect_dma semaphore(%arg20 : memref<!tpu.dma_semaphore, #tpu.memory_space<semaphore_mem>>) src(%dma_wait3A_218 : memref<40000x32xf32, #tpu.memory_space<hbm>>) dst(%arg11 : memref<128x32xf32, #tpu.memory_space<vmem>>)
      %dma_start3A_219 = arith.constant 0 : i32
      %dma_start3A_220 = tpu.memref_slice %arg7[%add3A_205, %dma_start3A_219] : memref<80x128xi32, #tpu.memory_space<vmem>> -> memref<1x128xi32, #tpu.memory_space<vmem>>
      %dma_start3A_221 = tpu.memref_squeeze %dma_start3A_220 : memref<1x128xi32, #tpu.memory_space<vmem>> -> memref<128xi32, #tpu.memory_space<vmem>>
      %dma_start3A_222 = arith.constant 0 : i32
      %dma_start3A_223 = arith.constant 0 : i32
      %dma_start3A_224 = tpu.memref_slice %arg16[%dma_start3A_222, %dma_start3A_223] : memref<10240x32xf32, #tpu.memory_space<vmem_shared>> -> memref<10240x32xf32, #tpu.memory_space<vmem_shared>>
      tpu.enqueue_indirect_dma source(%arg11 : memref<128x32xf32, #tpu.memory_space<vmem>>) target(%dma_start3A_224 : memref<10240x32xf32, #tpu.memory_space<vmem_shared>>) offsets(%dma_start3A_221 : memref<128xi32, #tpu.memory_space<vmem>>) semaphore(%arg28 : memref<!tpu.dma_semaphore, #tpu.memory_space<semaphore_mem>>) {add = true}
      %mul3A_225 = arith.constant 8 : i32
      %mul3A_226 = arith.muli %scan3A_135, %mul3A_225 : i32
      %add3A_227 = arith.constant 4 : i32
      %add3A_228 = arith.addi %mul3A_226, %add3A_227 : i32
      %add3A_229 = arith.constant 4 : i32
      %add3A_230 = arith.addi %add3A_228, %add3A_229 : i32
      %lt3A_231 = arith.constant 80 : i32
      %lt3A_232 = arith.cmpi slt, %add3A_230, %lt3A_231 : i32
      %convert_element_type3A_233 = arith.extui %lt3A_232 : i1 to i32
      %cond3A_234 = arith.constant 0 : i32
      %cond3A_235 = arith.cmpi ne, %convert_element_type3A_233, %cond3A_234 : i32
      scf.if %cond3A_235 {
        %ge3A = arith.constant 8 : i32
        %ge3A_317 = arith.cmpi sge, %add3A_230, %ge3A : i32
        %convert_element_type3A_318 = arith.extui %ge3A_317 : i1 to i32
        %cond3A_319 = arith.constant 0 : i32
        %cond3A_320 = arith.cmpi ne, %convert_element_type3A_318, %cond3A_319 : i32
        scf.if %cond3A_320 {
          %sub3A = arith.constant 8 : i32
          %sub3A_327 = arith.subi %add3A_230, %sub3A : i32
          %dma_wait3A_328 = arith.constant 0 : i32
          %dma_wait3A_329 = tpu.memref_slice %arg7[%sub3A_327, %dma_wait3A_328] : memref<80x128xi32, #tpu.memory_space<vmem>> -> memref<1x128xi32, #tpu.memory_space<vmem>>
          %dma_wait3A_330 = tpu.memref_squeeze %dma_wait3A_329 : memref<1x128xi32, #tpu.memory_space<vmem>> -> memref<128xi32, #tpu.memory_space<vmem>>
          %dma_wait3A_331 = arith.constant 0 : i32
          %dma_wait3A_332 = arith.constant 0 : i32
          %dma_wait3A_333 = tpu.memref_slice %arg16[%dma_wait3A_331, %dma_wait3A_332] : memref<10240x32xf32, #tpu.memory_space<vmem_shared>> -> memref<10240x32xf32, #tpu.memory_space<vmem_shared>>
          tpu.wait_indirect_dma semaphore(%arg25 : memref<!tpu.dma_semaphore, #tpu.memory_space<semaphore_mem>>) src(%arg8 : memref<128x32xf32, #tpu.memory_space<vmem>>) dst(%dma_wait3A_333 : memref<10240x32xf32, #tpu.memory_space<vmem_shared>>)
        } else {
        }
        %dma_start3A_321 = arith.constant 0 : i32
        %dma_start3A_322 = tpu.memref_slice %arg6[%add3A_230, %dma_start3A_321] : memref<80x128xi32, #tpu.memory_space<vmem>> -> memref<1x128xi32, #tpu.memory_space<vmem>>
        %dma_start3A_323 = tpu.memref_squeeze %dma_start3A_322 : memref<1x128xi32, #tpu.memory_space<vmem>> -> memref<128xi32, #tpu.memory_space<vmem>>
        %dma_start3A_324 = arith.constant 0 : i32
        %dma_start3A_325 = arith.constant 0 : i32
        %dma_start3A_326 = tpu.memref_slice %arg2[%dma_start3A_324, %dma_start3A_325] : memref<40000x32xf32, #tpu.memory_space<hbm>> -> memref<40000x32xf32, #tpu.memory_space<hbm>>
        tpu.enqueue_indirect_dma source(%dma_start3A_326 : memref<40000x32xf32, #tpu.memory_space<hbm>>) target(%arg8 : memref<128x32xf32, #tpu.memory_space<vmem>>) offsets(%dma_start3A_323 : memref<128xi32, #tpu.memory_space<vmem>>) semaphore(%arg17 : memref<!tpu.dma_semaphore, #tpu.memory_space<semaphore_mem>>)
      } else {
      }
      %dma_wait3A_236 = arith.constant 0 : i32
      %dma_wait3A_237 = tpu.memref_slice %arg6[%add3A_228, %dma_wait3A_236] : memref<80x128xi32, #tpu.memory_space<vmem>> -> memref<1x128xi32, #tpu.memory_space<vmem>>
      %dma_wait3A_238 = tpu.memref_squeeze %dma_wait3A_237 : memref<1x128xi32, #tpu.memory_space<vmem>> -> memref<128xi32, #tpu.memory_space<vmem>>
      %dma_wait3A_239 = arith.constant 0 : i32
      %dma_wait3A_240 = arith.constant 0 : i32
      %dma_wait3A_241 = tpu.memref_slice %arg2[%dma_wait3A_239, %dma_wait3A_240] : memref<40000x32xf32, #tpu.memory_space<hbm>> -> memref<40000x32xf32, #tpu.memory_space<hbm>>
      tpu.wait_indirect_dma semaphore(%arg21 : memref<!tpu.dma_semaphore, #tpu.memory_space<semaphore_mem>>) src(%dma_wait3A_241 : memref<40000x32xf32, #tpu.memory_space<hbm>>) dst(%arg12 : memref<128x32xf32, #tpu.memory_space<vmem>>)
      %dma_start3A_242 = arith.constant 0 : i32
      %dma_start3A_243 = tpu.memref_slice %arg7[%add3A_228, %dma_start3A_242] : memref<80x128xi32, #tpu.memory_space<vmem>> -> memref<1x128xi32, #tpu.memory_space<vmem>>
      %dma_start3A_244 = tpu.memref_squeeze %dma_start3A_243 : memref<1x128xi32, #tpu.memory_space<vmem>> -> memref<128xi32, #tpu.memory_space<vmem>>
      %dma_start3A_245 = arith.constant 0 : i32
      %dma_start3A_246 = arith.constant 0 : i32
      %dma_start3A_247 = tpu.memref_slice %arg16[%dma_start3A_245, %dma_start3A_246] : memref<10240x32xf32, #tpu.memory_space<vmem_shared>> -> memref<10240x32xf32, #tpu.memory_space<vmem_shared>>
      tpu.enqueue_indirect_dma source(%arg12 : memref<128x32xf32, #tpu.memory_space<vmem>>) target(%dma_start3A_247 : memref<10240x32xf32, #tpu.memory_space<vmem_shared>>) offsets(%dma_start3A_244 : memref<128xi32, #tpu.memory_space<vmem>>) semaphore(%arg29 : memref<!tpu.dma_semaphore, #tpu.memory_space<semaphore_mem>>) {add = true}
      %mul3A_248 = arith.constant 8 : i32
      %mul3A_249 = arith.muli %scan3A_135, %mul3A_248 : i32
      %add3A_250 = arith.constant 5 : i32
      %add3A_251 = arith.addi %mul3A_249, %add3A_250 : i32
      %add3A_252 = arith.constant 4 : i32
      %add3A_253 = arith.addi %add3A_251, %add3A_252 : i32
      %lt3A_254 = arith.constant 80 : i32
      %lt3A_255 = arith.cmpi slt, %add3A_253, %lt3A_254 : i32
      %convert_element_type3A_256 = arith.extui %lt3A_255 : i1 to i32
      %cond3A_257 = arith.constant 0 : i32
      %cond3A_258 = arith.cmpi ne, %convert_element_type3A_256, %cond3A_257 : i32
      scf.if %cond3A_258 {
        %ge3A = arith.constant 8 : i32
        %ge3A_317 = arith.cmpi sge, %add3A_253, %ge3A : i32
        %convert_element_type3A_318 = arith.extui %ge3A_317 : i1 to i32
        %cond3A_319 = arith.constant 0 : i32
        %cond3A_320 = arith.cmpi ne, %convert_element_type3A_318, %cond3A_319 : i32
        scf.if %cond3A_320 {
          %sub3A = arith.constant 8 : i32
          %sub3A_327 = arith.subi %add3A_253, %sub3A : i32
          %dma_wait3A_328 = arith.constant 0 : i32
          %dma_wait3A_329 = tpu.memref_slice %arg7[%sub3A_327, %dma_wait3A_328] : memref<80x128xi32, #tpu.memory_space<vmem>> -> memref<1x128xi32, #tpu.memory_space<vmem>>
          %dma_wait3A_330 = tpu.memref_squeeze %dma_wait3A_329 : memref<1x128xi32, #tpu.memory_space<vmem>> -> memref<128xi32, #tpu.memory_space<vmem>>
          %dma_wait3A_331 = arith.constant 0 : i32
          %dma_wait3A_332 = arith.constant 0 : i32
          %dma_wait3A_333 = tpu.memref_slice %arg16[%dma_wait3A_331, %dma_wait3A_332] : memref<10240x32xf32, #tpu.memory_space<vmem_shared>> -> memref<10240x32xf32, #tpu.memory_space<vmem_shared>>
          tpu.wait_indirect_dma semaphore(%arg26 : memref<!tpu.dma_semaphore, #tpu.memory_space<semaphore_mem>>) src(%arg9 : memref<128x32xf32, #tpu.memory_space<vmem>>) dst(%dma_wait3A_333 : memref<10240x32xf32, #tpu.memory_space<vmem_shared>>)
        } else {
        }
        %dma_start3A_321 = arith.constant 0 : i32
        %dma_start3A_322 = tpu.memref_slice %arg6[%add3A_253, %dma_start3A_321] : memref<80x128xi32, #tpu.memory_space<vmem>> -> memref<1x128xi32, #tpu.memory_space<vmem>>
        %dma_start3A_323 = tpu.memref_squeeze %dma_start3A_322 : memref<1x128xi32, #tpu.memory_space<vmem>> -> memref<128xi32, #tpu.memory_space<vmem>>
        %dma_start3A_324 = arith.constant 0 : i32
        %dma_start3A_325 = arith.constant 0 : i32
        %dma_start3A_326 = tpu.memref_slice %arg2[%dma_start3A_324, %dma_start3A_325] : memref<40000x32xf32, #tpu.memory_space<hbm>> -> memref<40000x32xf32, #tpu.memory_space<hbm>>
        tpu.enqueue_indirect_dma source(%dma_start3A_326 : memref<40000x32xf32, #tpu.memory_space<hbm>>) target(%arg9 : memref<128x32xf32, #tpu.memory_space<vmem>>) offsets(%dma_start3A_323 : memref<128xi32, #tpu.memory_space<vmem>>) semaphore(%arg18 : memref<!tpu.dma_semaphore, #tpu.memory_space<semaphore_mem>>)
      } else {
      }
      %dma_wait3A_259 = arith.constant 0 : i32
      %dma_wait3A_260 = tpu.memref_slice %arg6[%add3A_251, %dma_wait3A_259] : memref<80x128xi32, #tpu.memory_space<vmem>> -> memref<1x128xi32, #tpu.memory_space<vmem>>
      %dma_wait3A_261 = tpu.memref_squeeze %dma_wait3A_260 : memref<1x128xi32, #tpu.memory_space<vmem>> -> memref<128xi32, #tpu.memory_space<vmem>>
      %dma_wait3A_262 = arith.constant 0 : i32
      %dma_wait3A_263 = arith.constant 0 : i32
      %dma_wait3A_264 = tpu.memref_slice %arg2[%dma_wait3A_262, %dma_wait3A_263] : memref<40000x32xf32, #tpu.memory_space<hbm>> -> memref<40000x32xf32, #tpu.memory_space<hbm>>
      tpu.wait_indirect_dma semaphore(%arg22 : memref<!tpu.dma_semaphore, #tpu.memory_space<semaphore_mem>>) src(%dma_wait3A_264 : memref<40000x32xf32, #tpu.memory_space<hbm>>) dst(%arg13 : memref<128x32xf32, #tpu.memory_space<vmem>>)
      %dma_start3A_265 = arith.constant 0 : i32
      %dma_start3A_266 = tpu.memref_slice %arg7[%add3A_251, %dma_start3A_265] : memref<80x128xi32, #tpu.memory_space<vmem>> -> memref<1x128xi32, #tpu.memory_space<vmem>>
      %dma_start3A_267 = tpu.memref_squeeze %dma_start3A_266 : memref<1x128xi32, #tpu.memory_space<vmem>> -> memref<128xi32, #tpu.memory_space<vmem>>
      %dma_start3A_268 = arith.constant 0 : i32
      %dma_start3A_269 = arith.constant 0 : i32
      %dma_start3A_270 = tpu.memref_slice %arg16[%dma_start3A_268, %dma_start3A_269] : memref<10240x32xf32, #tpu.memory_space<vmem_shared>> -> memref<10240x32xf32, #tpu.memory_space<vmem_shared>>
      tpu.enqueue_indirect_dma source(%arg13 : memref<128x32xf32, #tpu.memory_space<vmem>>) target(%dma_start3A_270 : memref<10240x32xf32, #tpu.memory_space<vmem_shared>>) offsets(%dma_start3A_267 : memref<128xi32, #tpu.memory_space<vmem>>) semaphore(%arg30 : memref<!tpu.dma_semaphore, #tpu.memory_space<semaphore_mem>>) {add = true}
      %mul3A_271 = arith.constant 8 : i32
      %mul3A_272 = arith.muli %scan3A_135, %mul3A_271 : i32
      %add3A_273 = arith.constant 6 : i32
      %add3A_274 = arith.addi %mul3A_272, %add3A_273 : i32
      %add3A_275 = arith.constant 4 : i32
      %add3A_276 = arith.addi %add3A_274, %add3A_275 : i32
      %lt3A_277 = arith.constant 80 : i32
      %lt3A_278 = arith.cmpi slt, %add3A_276, %lt3A_277 : i32
      %convert_element_type3A_279 = arith.extui %lt3A_278 : i1 to i32
      %cond3A_280 = arith.constant 0 : i32
      %cond3A_281 = arith.cmpi ne, %convert_element_type3A_279, %cond3A_280 : i32
      scf.if %cond3A_281 {
        %ge3A = arith.constant 8 : i32
        %ge3A_317 = arith.cmpi sge, %add3A_276, %ge3A : i32
        %convert_element_type3A_318 = arith.extui %ge3A_317 : i1 to i32
        %cond3A_319 = arith.constant 0 : i32
        %cond3A_320 = arith.cmpi ne, %convert_element_type3A_318, %cond3A_319 : i32
        scf.if %cond3A_320 {
          %sub3A = arith.constant 8 : i32
          %sub3A_327 = arith.subi %add3A_276, %sub3A : i32
          %dma_wait3A_328 = arith.constant 0 : i32
          %dma_wait3A_329 = tpu.memref_slice %arg7[%sub3A_327, %dma_wait3A_328] : memref<80x128xi32, #tpu.memory_space<vmem>> -> memref<1x128xi32, #tpu.memory_space<vmem>>
          %dma_wait3A_330 = tpu.memref_squeeze %dma_wait3A_329 : memref<1x128xi32, #tpu.memory_space<vmem>> -> memref<128xi32, #tpu.memory_space<vmem>>
          %dma_wait3A_331 = arith.constant 0 : i32
          %dma_wait3A_332 = arith.constant 0 : i32
          %dma_wait3A_333 = tpu.memref_slice %arg16[%dma_wait3A_331, %dma_wait3A_332] : memref<10240x32xf32, #tpu.memory_space<vmem_shared>> -> memref<10240x32xf32, #tpu.memory_space<vmem_shared>>
          tpu.wait_indirect_dma semaphore(%arg27 : memref<!tpu.dma_semaphore, #tpu.memory_space<semaphore_mem>>) src(%arg10 : memref<128x32xf32, #tpu.memory_space<vmem>>) dst(%dma_wait3A_333 : memref<10240x32xf32, #tpu.memory_space<vmem_shared>>)
        } else {
        }
        %dma_start3A_321 = arith.constant 0 : i32
        %dma_start3A_322 = tpu.memref_slice %arg6[%add3A_276, %dma_start3A_321] : memref<80x128xi32, #tpu.memory_space<vmem>> -> memref<1x128xi32, #tpu.memory_space<vmem>>
        %dma_start3A_323 = tpu.memref_squeeze %dma_start3A_322 : memref<1x128xi32, #tpu.memory_space<vmem>> -> memref<128xi32, #tpu.memory_space<vmem>>
        %dma_start3A_324 = arith.constant 0 : i32
        %dma_start3A_325 = arith.constant 0 : i32
        %dma_start3A_326 = tpu.memref_slice %arg2[%dma_start3A_324, %dma_start3A_325] : memref<40000x32xf32, #tpu.memory_space<hbm>> -> memref<40000x32xf32, #tpu.memory_space<hbm>>
        tpu.enqueue_indirect_dma source(%dma_start3A_326 : memref<40000x32xf32, #tpu.memory_space<hbm>>) target(%arg10 : memref<128x32xf32, #tpu.memory_space<vmem>>) offsets(%dma_start3A_323 : memref<128xi32, #tpu.memory_space<vmem>>) semaphore(%arg19 : memref<!tpu.dma_semaphore, #tpu.memory_space<semaphore_mem>>)
      } else {
      }
      %dma_wait3A_282 = arith.constant 0 : i32
      %dma_wait3A_283 = tpu.memref_slice %arg6[%add3A_274, %dma_wait3A_282] : memref<80x128xi32, #tpu.memory_space<vmem>> -> memref<1x128xi32, #tpu.memory_space<vmem>>
      %dma_wait3A_284 = tpu.memref_squeeze %dma_wait3A_283 : memref<1x128xi32, #tpu.memory_space<vmem>> -> memref<128xi32, #tpu.memory_space<vmem>>
      %dma_wait3A_285 = arith.constant 0 : i32
      %dma_wait3A_286 = arith.constant 0 : i32
      %dma_wait3A_287 = tpu.memref_slice %arg2[%dma_wait3A_285, %dma_wait3A_286] : memref<40000x32xf32, #tpu.memory_space<hbm>> -> memref<40000x32xf32, #tpu.memory_space<hbm>>
      tpu.wait_indirect_dma semaphore(%arg23 : memref<!tpu.dma_semaphore, #tpu.memory_space<semaphore_mem>>) src(%dma_wait3A_287 : memref<40000x32xf32, #tpu.memory_space<hbm>>) dst(%arg14 : memref<128x32xf32, #tpu.memory_space<vmem>>)
      %dma_start3A_288 = arith.constant 0 : i32
      %dma_start3A_289 = tpu.memref_slice %arg7[%add3A_274, %dma_start3A_288] : memref<80x128xi32, #tpu.memory_space<vmem>> -> memref<1x128xi32, #tpu.memory_space<vmem>>
      %dma_start3A_290 = tpu.memref_squeeze %dma_start3A_289 : memref<1x128xi32, #tpu.memory_space<vmem>> -> memref<128xi32, #tpu.memory_space<vmem>>
      %dma_start3A_291 = arith.constant 0 : i32
      %dma_start3A_292 = arith.constant 0 : i32
      %dma_start3A_293 = tpu.memref_slice %arg16[%dma_start3A_291, %dma_start3A_292] : memref<10240x32xf32, #tpu.memory_space<vmem_shared>> -> memref<10240x32xf32, #tpu.memory_space<vmem_shared>>
      tpu.enqueue_indirect_dma source(%arg14 : memref<128x32xf32, #tpu.memory_space<vmem>>) target(%dma_start3A_293 : memref<10240x32xf32, #tpu.memory_space<vmem_shared>>) offsets(%dma_start3A_290 : memref<128xi32, #tpu.memory_space<vmem>>) semaphore(%arg31 : memref<!tpu.dma_semaphore, #tpu.memory_space<semaphore_mem>>) {add = true}
      %mul3A_294 = arith.constant 8 : i32
      %mul3A_295 = arith.muli %scan3A_135, %mul3A_294 : i32
      %add3A_296 = arith.constant 7 : i32
      %add3A_297 = arith.addi %mul3A_295, %add3A_296 : i32
      %add3A_298 = arith.constant 4 : i32
      %add3A_299 = arith.addi %add3A_297, %add3A_298 : i32
      %lt3A_300 = arith.constant 80 : i32
      %lt3A_301 = arith.cmpi slt, %add3A_299, %lt3A_300 : i32
      %convert_element_type3A_302 = arith.extui %lt3A_301 : i1 to i32
      %cond3A_303 = arith.constant 0 : i32
      %cond3A_304 = arith.cmpi ne, %convert_element_type3A_302, %cond3A_303 : i32
      scf.if %cond3A_304 {
        %ge3A = arith.constant 8 : i32
        %ge3A_317 = arith.cmpi sge, %add3A_299, %ge3A : i32
        %convert_element_type3A_318 = arith.extui %ge3A_317 : i1 to i32
        %cond3A_319 = arith.constant 0 : i32
        %cond3A_320 = arith.cmpi ne, %convert_element_type3A_318, %cond3A_319 : i32
        scf.if %cond3A_320 {
          %sub3A = arith.constant 8 : i32
          %sub3A_327 = arith.subi %add3A_299, %sub3A : i32
          %dma_wait3A_328 = arith.constant 0 : i32
          %dma_wait3A_329 = tpu.memref_slice %arg7[%sub3A_327, %dma_wait3A_328] : memref<80x128xi32, #tpu.memory_space<vmem>> -> memref<1x128xi32, #tpu.memory_space<vmem>>
          %dma_wait3A_330 = tpu.memref_squeeze %dma_wait3A_329 : memref<1x128xi32, #tpu.memory_space<vmem>> -> memref<128xi32, #tpu.memory_space<vmem>>
          %dma_wait3A_331 = arith.constant 0 : i32
          %dma_wait3A_332 = arith.constant 0 : i32
          %dma_wait3A_333 = tpu.memref_slice %arg16[%dma_wait3A_331, %dma_wait3A_332] : memref<10240x32xf32, #tpu.memory_space<vmem_shared>> -> memref<10240x32xf32, #tpu.memory_space<vmem_shared>>
          tpu.wait_indirect_dma semaphore(%arg28 : memref<!tpu.dma_semaphore, #tpu.memory_space<semaphore_mem>>) src(%arg11 : memref<128x32xf32, #tpu.memory_space<vmem>>) dst(%dma_wait3A_333 : memref<10240x32xf32, #tpu.memory_space<vmem_shared>>)
        } else {
        }
        %dma_start3A_321 = arith.constant 0 : i32
        %dma_start3A_322 = tpu.memref_slice %arg6[%add3A_299, %dma_start3A_321] : memref<80x128xi32, #tpu.memory_space<vmem>> -> memref<1x128xi32, #tpu.memory_space<vmem>>
        %dma_start3A_323 = tpu.memref_squeeze %dma_start3A_322 : memref<1x128xi32, #tpu.memory_space<vmem>> -> memref<128xi32, #tpu.memory_space<vmem>>
        %dma_start3A_324 = arith.constant 0 : i32
        %dma_start3A_325 = arith.constant 0 : i32
        %dma_start3A_326 = tpu.memref_slice %arg2[%dma_start3A_324, %dma_start3A_325] : memref<40000x32xf32, #tpu.memory_space<hbm>> -> memref<40000x32xf32, #tpu.memory_space<hbm>>
        tpu.enqueue_indirect_dma source(%dma_start3A_326 : memref<40000x32xf32, #tpu.memory_space<hbm>>) target(%arg11 : memref<128x32xf32, #tpu.memory_space<vmem>>) offsets(%dma_start3A_323 : memref<128xi32, #tpu.memory_space<vmem>>) semaphore(%arg20 : memref<!tpu.dma_semaphore, #tpu.memory_space<semaphore_mem>>)
      } else {
      }
      %dma_wait3A_305 = arith.constant 0 : i32
      %dma_wait3A_306 = tpu.memref_slice %arg6[%add3A_297, %dma_wait3A_305] : memref<80x128xi32, #tpu.memory_space<vmem>> -> memref<1x128xi32, #tpu.memory_space<vmem>>
      %dma_wait3A_307 = tpu.memref_squeeze %dma_wait3A_306 : memref<1x128xi32, #tpu.memory_space<vmem>> -> memref<128xi32, #tpu.memory_space<vmem>>
      %dma_wait3A_308 = arith.constant 0 : i32
      %dma_wait3A_309 = arith.constant 0 : i32
      %dma_wait3A_310 = tpu.memref_slice %arg2[%dma_wait3A_308, %dma_wait3A_309] : memref<40000x32xf32, #tpu.memory_space<hbm>> -> memref<40000x32xf32, #tpu.memory_space<hbm>>
      tpu.wait_indirect_dma semaphore(%arg24 : memref<!tpu.dma_semaphore, #tpu.memory_space<semaphore_mem>>) src(%dma_wait3A_310 : memref<40000x32xf32, #tpu.memory_space<hbm>>) dst(%arg15 : memref<128x32xf32, #tpu.memory_space<vmem>>)
      %dma_start3A_311 = arith.constant 0 : i32
      %dma_start3A_312 = tpu.memref_slice %arg7[%add3A_297, %dma_start3A_311] : memref<80x128xi32, #tpu.memory_space<vmem>> -> memref<1x128xi32, #tpu.memory_space<vmem>>
      %dma_start3A_313 = tpu.memref_squeeze %dma_start3A_312 : memref<1x128xi32, #tpu.memory_space<vmem>> -> memref<128xi32, #tpu.memory_space<vmem>>
      %dma_start3A_314 = arith.constant 0 : i32
      %dma_start3A_315 = arith.constant 0 : i32
      %dma_start3A_316 = tpu.memref_slice %arg16[%dma_start3A_314, %dma_start3A_315] : memref<10240x32xf32, #tpu.memory_space<vmem_shared>> -> memref<10240x32xf32, #tpu.memory_space<vmem_shared>>
      tpu.enqueue_indirect_dma source(%arg15 : memref<128x32xf32, #tpu.memory_space<vmem>>) target(%dma_start3A_316 : memref<10240x32xf32, #tpu.memory_space<vmem_shared>>) offsets(%dma_start3A_313 : memref<128xi32, #tpu.memory_space<vmem>>) semaphore(%arg32 : memref<!tpu.dma_semaphore, #tpu.memory_space<semaphore_mem>>) {add = true}
    }
    %scan3A_58 = arith.constant 10 : i32
    %dma_wait3A = arith.constant 72 : i32
    %dma_wait3A_59 = arith.constant 0 : i32
    %dma_wait3A_60 = tpu.memref_slice %arg7[%dma_wait3A, %dma_wait3A_59] : memref<80x128xi32, #tpu.memory_space<vmem>> -> memref<1x128xi32, #tpu.memory_space<vmem>>
    %dma_wait3A_61 = tpu.memref_squeeze %dma_wait3A_60 : memref<1x128xi32, #tpu.memory_space<vmem>> -> memref<128xi32, #tpu.memory_space<vmem>>
    %dma_wait3A_62 = arith.constant 0 : i32
    %dma_wait3A_63 = arith.constant 0 : i32
    %dma_wait3A_64 = tpu.memref_slice %arg16[%dma_wait3A_62, %dma_wait3A_63] : memref<10240x32xf32, #tpu.memory_space<vmem_shared>> -> memref<10240x32xf32, #tpu.memory_space<vmem_shared>>
    tpu.wait_indirect_dma semaphore(%arg25 : memref<!tpu.dma_semaphore, #tpu.memory_space<semaphore_mem>>) src(%arg8 : memref<128x32xf32, #tpu.memory_space<vmem>>) dst(%dma_wait3A_64 : memref<10240x32xf32, #tpu.memory_space<vmem_shared>>)
    %dma_wait3A_65 = arith.constant 73 : i32
    %dma_wait3A_66 = arith.constant 0 : i32
    %dma_wait3A_67 = tpu.memref_slice %arg7[%dma_wait3A_65, %dma_wait3A_66] : memref<80x128xi32, #tpu.memory_space<vmem>> -> memref<1x128xi32, #tpu.memory_space<vmem>>
    %dma_wait3A_68 = tpu.memref_squeeze %dma_wait3A_67 : memref<1x128xi32, #tpu.memory_space<vmem>> -> memref<128xi32, #tpu.memory_space<vmem>>
    %dma_wait3A_69 = arith.constant 0 : i32
    %dma_wait3A_70 = arith.constant 0 : i32
    %dma_wait3A_71 = tpu.memref_slice %arg16[%dma_wait3A_69, %dma_wait3A_70] : memref<10240x32xf32, #tpu.memory_space<vmem_shared>> -> memref<10240x32xf32, #tpu.memory_space<vmem_shared>>
    tpu.wait_indirect_dma semaphore(%arg26 : memref<!tpu.dma_semaphore, #tpu.memory_space<semaphore_mem>>) src(%arg9 : memref<128x32xf32, #tpu.memory_space<vmem>>) dst(%dma_wait3A_71 : memref<10240x32xf32, #tpu.memory_space<vmem_shared>>)
    %dma_wait3A_72 = arith.constant 74 : i32
    %dma_wait3A_73 = arith.constant 0 : i32
    %dma_wait3A_74 = tpu.memref_slice %arg7[%dma_wait3A_72, %dma_wait3A_73] : memref<80x128xi32, #tpu.memory_space<vmem>> -> memref<1x128xi32, #tpu.memory_space<vmem>>
    %dma_wait3A_75 = tpu.memref_squeeze %dma_wait3A_74 : memref<1x128xi32, #tpu.memory_space<vmem>> -> memref<128xi32, #tpu.memory_space<vmem>>
    %dma_wait3A_76 = arith.constant 0 : i32
    %dma_wait3A_77 = arith.constant 0 : i32
    %dma_wait3A_78 = tpu.memref_slice %arg16[%dma_wait3A_76, %dma_wait3A_77] : memref<10240x32xf32, #tpu.memory_space<vmem_shared>> -> memref<10240x32xf32, #tpu.memory_space<vmem_shared>>
    tpu.wait_indirect_dma semaphore(%arg27 : memref<!tpu.dma_semaphore, #tpu.memory_space<semaphore_mem>>) src(%arg10 : memref<128x32xf32, #tpu.memory_space<vmem>>) dst(%dma_wait3A_78 : memref<10240x32xf32, #tpu.memory_space<vmem_shared>>)
    %dma_wait3A_79 = arith.constant 75 : i32
    %dma_wait3A_80 = arith.constant 0 : i32
    %dma_wait3A_81 = tpu.memref_slice %arg7[%dma_wait3A_79, %dma_wait3A_80] : memref<80x128xi32, #tpu.memory_space<vmem>> -> memref<1x128xi32, #tpu.memory_space<vmem>>
    %dma_wait3A_82 = tpu.memref_squeeze %dma_wait3A_81 : memref<1x128xi32, #tpu.memory_space<vmem>> -> memref<128xi32, #tpu.memory_space<vmem>>
    %dma_wait3A_83 = arith.constant 0 : i32
    %dma_wait3A_84 = arith.constant 0 : i32
    %dma_wait3A_85 = tpu.memref_slice %arg16[%dma_wait3A_83, %dma_wait3A_84] : memref<10240x32xf32, #tpu.memory_space<vmem_shared>> -> memref<10240x32xf32, #tpu.memory_space<vmem_shared>>
    tpu.wait_indirect_dma semaphore(%arg28 : memref<!tpu.dma_semaphore, #tpu.memory_space<semaphore_mem>>) src(%arg11 : memref<128x32xf32, #tpu.memory_space<vmem>>) dst(%dma_wait3A_85 : memref<10240x32xf32, #tpu.memory_space<vmem_shared>>)
    %dma_wait3A_86 = arith.constant 76 : i32
    %dma_wait3A_87 = arith.constant 0 : i32
    %dma_wait3A_88 = tpu.memref_slice %arg7[%dma_wait3A_86, %dma_wait3A_87] : memref<80x128xi32, #tpu.memory_space<vmem>> -> memref<1x128xi32, #tpu.memory_space<vmem>>
    %dma_wait3A_89 = tpu.memref_squeeze %dma_wait3A_88 : memref<1x128xi32, #tpu.memory_space<vmem>> -> memref<128xi32, #tpu.memory_space<vmem>>
    %dma_wait3A_90 = arith.constant 0 : i32
    %dma_wait3A_91 = arith.constant 0 : i32
    %dma_wait3A_92 = tpu.memref_slice %arg16[%dma_wait3A_90, %dma_wait3A_91] : memref<10240x32xf32, #tpu.memory_space<vmem_shared>> -> memref<10240x32xf32, #tpu.memory_space<vmem_shared>>
    tpu.wait_indirect_dma semaphore(%arg29 : memref<!tpu.dma_semaphore, #tpu.memory_space<semaphore_mem>>) src(%arg12 : memref<128x32xf32, #tpu.memory_space<vmem>>) dst(%dma_wait3A_92 : memref<10240x32xf32, #tpu.memory_space<vmem_shared>>)
    %dma_wait3A_93 = arith.constant 77 : i32
    %dma_wait3A_94 = arith.constant 0 : i32
    %dma_wait3A_95 = tpu.memref_slice %arg7[%dma_wait3A_93, %dma_wait3A_94] : memref<80x128xi32, #tpu.memory_space<vmem>> -> memref<1x128xi32, #tpu.memory_space<vmem>>
    %dma_wait3A_96 = tpu.memref_squeeze %dma_wait3A_95 : memref<1x128xi32, #tpu.memory_space<vmem>> -> memref<128xi32, #tpu.memory_space<vmem>>
    %dma_wait3A_97 = arith.constant 0 : i32
    %dma_wait3A_98 = arith.constant 0 : i32
    %dma_wait3A_99 = tpu.memref_slice %arg16[%dma_wait3A_97, %dma_wait3A_98] : memref<10240x32xf32, #tpu.memory_space<vmem_shared>> -> memref<10240x32xf32, #tpu.memory_space<vmem_shared>>
    tpu.wait_indirect_dma semaphore(%arg30 : memref<!tpu.dma_semaphore, #tpu.memory_space<semaphore_mem>>) src(%arg13 : memref<128x32xf32, #tpu.memory_space<vmem>>) dst(%dma_wait3A_99 : memref<10240x32xf32, #tpu.memory_space<vmem_shared>>)
    %dma_wait3A_100 = arith.constant 78 : i32
    %dma_wait3A_101 = arith.constant 0 : i32
    %dma_wait3A_102 = tpu.memref_slice %arg7[%dma_wait3A_100, %dma_wait3A_101] : memref<80x128xi32, #tpu.memory_space<vmem>> -> memref<1x128xi32, #tpu.memory_space<vmem>>
    %dma_wait3A_103 = tpu.memref_squeeze %dma_wait3A_102 : memref<1x128xi32, #tpu.memory_space<vmem>> -> memref<128xi32, #tpu.memory_space<vmem>>
    %dma_wait3A_104 = arith.constant 0 : i32
    %dma_wait3A_105 = arith.constant 0 : i32
    %dma_wait3A_106 = tpu.memref_slice %arg16[%dma_wait3A_104, %dma_wait3A_105] : memref<10240x32xf32, #tpu.memory_space<vmem_shared>> -> memref<10240x32xf32, #tpu.memory_space<vmem_shared>>
    tpu.wait_indirect_dma semaphore(%arg31 : memref<!tpu.dma_semaphore, #tpu.memory_space<semaphore_mem>>) src(%arg14 : memref<128x32xf32, #tpu.memory_space<vmem>>) dst(%dma_wait3A_106 : memref<10240x32xf32, #tpu.memory_space<vmem_shared>>)
    %dma_wait3A_107 = arith.constant 79 : i32
    %dma_wait3A_108 = arith.constant 0 : i32
    %dma_wait3A_109 = tpu.memref_slice %arg7[%dma_wait3A_107, %dma_wait3A_108] : memref<80x128xi32, #tpu.memory_space<vmem>> -> memref<1x128xi32, #tpu.memory_space<vmem>>
    %dma_wait3A_110 = tpu.memref_squeeze %dma_wait3A_109 : memref<1x128xi32, #tpu.memory_space<vmem>> -> memref<128xi32, #tpu.memory_space<vmem>>
    %dma_wait3A_111 = arith.constant 0 : i32
    %dma_wait3A_112 = arith.constant 0 : i32
    %dma_wait3A_113 = tpu.memref_slice %arg16[%dma_wait3A_111, %dma_wait3A_112] : memref<10240x32xf32, #tpu.memory_space<vmem_shared>> -> memref<10240x32xf32, #tpu.memory_space<vmem_shared>>
    tpu.wait_indirect_dma semaphore(%arg32 : memref<!tpu.dma_semaphore, #tpu.memory_space<semaphore_mem>>) src(%arg15 : memref<128x32xf32, #tpu.memory_space<vmem>>) dst(%dma_wait3A_113 : memref<10240x32xf32, #tpu.memory_space<vmem_shared>>)
    %barrier3A_114 = arith.constant 0 : index
    tpu.barrier barrier_id(%barrier3A_114)
    %mul3A_115 = arith.constant 640 : i32
    %mul3A_116 = arith.muli %arg1, %mul3A_115 : i32
    %add3A_117 = arith.constant 0 : i32
    %add3A_118 = arith.addi %mul3A_116, %add3A_117 : i32
    "tpu.region"() ({
      %run_scoped3A = tpu.sem_alloc : memref<!tpu.dma_semaphore, #tpu.memory_space<semaphore_mem>>
      %dma_start3A_135 = arith.constant 0 : i32
      %dma_start3A_136 = tpu.memref_slice %arg16[%add3A_118, %dma_start3A_135] : memref<10240x32xf32, #tpu.memory_space<vmem_shared>> -> memref<128x32xf32, #tpu.memory_space<vmem_shared>>
      %dma_start3A_137 = arith.constant 0 : i32
      %dma_start3A_138 = tpu.memref_slice %arg16[%add3A_118, %dma_start3A_137] : memref<10240x32xf32, #tpu.memory_space<vmem_shared>> -> memref<128x32xf32, #tpu.memory_space<vmem_shared>>
      tpu.enqueue_dma source(%dma_start3A_138 : memref<128x32xf32, #tpu.memory_space<vmem_shared>>) target(%arg8 : memref<128x32xf32, #tpu.memory_space<vmem>>) target_semaphore(%run_scoped3A : memref<!tpu.dma_semaphore, #tpu.memory_space<semaphore_mem>>)
      %dma_wait3A_139 = arith.constant 0 : i32
      %dma_wait3A_140 = tpu.memref_slice %arg16[%add3A_118, %dma_wait3A_139] : memref<10240x32xf32, #tpu.memory_space<vmem_shared>> -> memref<128x32xf32, #tpu.memory_space<vmem_shared>>
      %dma_wait3A_141 = arith.constant 0 : i32
      %dma_wait3A_142 = tpu.memref_slice %arg16[%add3A_118, %dma_wait3A_141] : memref<10240x32xf32, #tpu.memory_space<vmem_shared>> -> memref<128x32xf32, #tpu.memory_space<vmem_shared>>
      tpu.wait_dma2 semaphore(%run_scoped3A : memref<!tpu.dma_semaphore, #tpu.memory_space<semaphore_mem>>) src(%dma_wait3A_142 : memref<128x32xf32, #tpu.memory_space<vmem_shared>>) dst(%arg8 : memref<128x32xf32, #tpu.memory_space<vmem>>)
      tpu.yield
    }) : () -> ()
    "tpu.region"() ({
      %run_scoped3A = tpu.sem_alloc : memref<!tpu.dma_semaphore, #tpu.memory_space<semaphore_mem>>
      %dma_start3A_135 = arith.constant 0 : i32
      %dma_start3A_136 = tpu.memref_slice %arg5[%arg0, %add3A_118, %dma_start3A_135] : memref<2x10240x128xf32, #tpu.memory_space<hbm>> -> memref<1x128x32xf32, #tpu.memory_space<hbm>>
      %dma_start3A_137 = tpu.memref_squeeze %dma_start3A_136 : memref<1x128x32xf32, #tpu.memory_space<hbm>> -> memref<128x32xf32, #tpu.memory_space<hbm>>
      %dma_start3A_138 = arith.constant 0 : i32
      %dma_start3A_139 = tpu.memref_slice %arg5[%arg0, %add3A_118, %dma_start3A_138] : memref<2x10240x128xf32, #tpu.memory_space<hbm>> -> memref<1x128x32xf32, #tpu.memory_space<hbm>>
      %dma_start3A_140 = tpu.memref_squeeze %dma_start3A_139 : memref<1x128x32xf32, #tpu.memory_space<hbm>> -> memref<128x32xf32, #tpu.memory_space<hbm>>
      tpu.enqueue_dma source(%arg8 : memref<128x32xf32, #tpu.memory_space<vmem>>) target(%dma_start3A_140 : memref<128x32xf32, #tpu.memory_space<hbm>>) target_semaphore(%run_scoped3A : memref<!tpu.dma_semaphore, #tpu.memory_space<semaphore_mem>>)
      %dma_wait3A_141 = arith.constant 0 : i32
      %dma_wait3A_142 = tpu.memref_slice %arg5[%arg0, %add3A_118, %dma_wait3A_141] : memref<2x10240x128xf32, #tpu.memory_space<hbm>> -> memref<1x128x32xf32, #tpu.memory_space<hbm>>
      %dma_wait3A_143 = tpu.memref_squeeze %dma_wait3A_142 : memref<1x128x32xf32, #tpu.memory_space<hbm>> -> memref<128x32xf32, #tpu.memory_space<hbm>>
      %dma_wait3A_144 = arith.constant 0 : i32
      %dma_wait3A_145 = tpu.memref_slice %arg5[%arg0, %add3A_118, %dma_wait3A_144] : memref<2x10240x128xf32, #tpu.memory_space<hbm>> -> memref<1x128x32xf32, #tpu.memory_space<hbm>>
      %dma_wait3A_146 = tpu.memref_squeeze %dma_wait3A_145 : memref<1x128x32xf32, #tpu.memory_space<hbm>> -> memref<128x32xf32, #tpu.memory_space<hbm>>
      tpu.wait_dma2 semaphore(%run_scoped3A : memref<!tpu.dma_semaphore, #tpu.memory_space<semaphore_mem>>) src(%arg8 : memref<128x32xf32, #tpu.memory_space<vmem>>) dst(%dma_wait3A_146 : memref<128x32xf32, #tpu.memory_space<hbm>>)
      tpu.yield
    }) : () -> ()
    %mul3A_119 = arith.constant 640 : i32
    %mul3A_120 = arith.muli %arg1, %mul3A_119 : i32
    %add3A_121 = arith.constant 128 : i32
    %add3A_122 = arith.addi %mul3A_120, %add3A_121 : i32
    "tpu.region"() ({
      %run_scoped3A = tpu.sem_alloc : memref<!tpu.dma_semaphore, #tpu.memory_space<semaphore_mem>>
      %dma_start3A_135 = arith.constant 0 : i32
      %dma_start3A_136 = tpu.memref_slice %arg16[%add3A_122, %dma_start3A_135] : memref<10240x32xf32, #tpu.memory_space<vmem_shared>> -> memref<128x32xf32, #tpu.memory_space<vmem_shared>>
      %dma_start3A_137 = arith.constant 0 : i32
      %dma_start3A_138 = tpu.memref_slice %arg16[%add3A_122, %dma_start3A_137] : memref<10240x32xf32, #tpu.memory_space<vmem_shared>> -> memref<128x32xf32, #tpu.memory_space<vmem_shared>>
      tpu.enqueue_dma source(%dma_start3A_138 : memref<128x32xf32, #tpu.memory_space<vmem_shared>>) target(%arg8 : memref<128x32xf32, #tpu.memory_space<vmem>>) target_semaphore(%run_scoped3A : memref<!tpu.dma_semaphore, #tpu.memory_space<semaphore_mem>>)
      %dma_wait3A_139 = arith.constant 0 : i32
      %dma_wait3A_140 = tpu.memref_slice %arg16[%add3A_122, %dma_wait3A_139] : memref<10240x32xf32, #tpu.memory_space<vmem_shared>> -> memref<128x32xf32, #tpu.memory_space<vmem_shared>>
      %dma_wait3A_141 = arith.constant 0 : i32
      %dma_wait3A_142 = tpu.memref_slice %arg16[%add3A_122, %dma_wait3A_141] : memref<10240x32xf32, #tpu.memory_space<vmem_shared>> -> memref<128x32xf32, #tpu.memory_space<vmem_shared>>
      tpu.wait_dma2 semaphore(%run_scoped3A : memref<!tpu.dma_semaphore, #tpu.memory_space<semaphore_mem>>) src(%dma_wait3A_142 : memref<128x32xf32, #tpu.memory_space<vmem_shared>>) dst(%arg8 : memref<128x32xf32, #tpu.memory_space<vmem>>)
      tpu.yield
    }) : () -> ()
    "tpu.region"() ({
      %run_scoped3A = tpu.sem_alloc : memref<!tpu.dma_semaphore, #tpu.memory_space<semaphore_mem>>
      %dma_start3A_135 = arith.constant 0 : i32
      %dma_start3A_136 = tpu.memref_slice %arg5[%arg0, %add3A_122, %dma_start3A_135] : memref<2x10240x128xf32, #tpu.memory_space<hbm>> -> memref<1x128x32xf32, #tpu.memory_space<hbm>>
      %dma_start3A_137 = tpu.memref_squeeze %dma_start3A_136 : memref<1x128x32xf32, #tpu.memory_space<hbm>> -> memref<128x32xf32, #tpu.memory_space<hbm>>
      %dma_start3A_138 = arith.constant 0 : i32
      %dma_start3A_139 = tpu.memref_slice %arg5[%arg0, %add3A_122, %dma_start3A_138] : memref<2x10240x128xf32, #tpu.memory_space<hbm>> -> memref<1x128x32xf32, #tpu.memory_space<hbm>>
      %dma_start3A_140 = tpu.memref_squeeze %dma_start3A_139 : memref<1x128x32xf32, #tpu.memory_space<hbm>> -> memref<128x32xf32, #tpu.memory_space<hbm>>
      tpu.enqueue_dma source(%arg8 : memref<128x32xf32, #tpu.memory_space<vmem>>) target(%dma_start3A_140 : memref<128x32xf32, #tpu.memory_space<hbm>>) target_semaphore(%run_scoped3A : memref<!tpu.dma_semaphore, #tpu.memory_space<semaphore_mem>>)
      %dma_wait3A_141 = arith.constant 0 : i32
      %dma_wait3A_142 = tpu.memref_slice %arg5[%arg0, %add3A_122, %dma_wait3A_141] : memref<2x10240x128xf32, #tpu.memory_space<hbm>> -> memref<1x128x32xf32, #tpu.memory_space<hbm>>
      %dma_wait3A_143 = tpu.memref_squeeze %dma_wait3A_142 : memref<1x128x32xf32, #tpu.memory_space<hbm>> -> memref<128x32xf32, #tpu.memory_space<hbm>>
      %dma_wait3A_144 = arith.constant 0 : i32
      %dma_wait3A_145 = tpu.memref_slice %arg5[%arg0, %add3A_122, %dma_wait3A_144] : memref<2x10240x128xf32, #tpu.memory_space<hbm>> -> memref<1x128x32xf32, #tpu.memory_space<hbm>>
      %dma_wait3A_146 = tpu.memref_squeeze %dma_wait3A_145 : memref<1x128x32xf32, #tpu.memory_space<hbm>> -> memref<128x32xf32, #tpu.memory_space<hbm>>
      tpu.wait_dma2 semaphore(%run_scoped3A : memref<!tpu.dma_semaphore, #tpu.memory_space<semaphore_mem>>) src(%arg8 : memref<128x32xf32, #tpu.memory_space<vmem>>) dst(%dma_wait3A_146 : memref<128x32xf32, #tpu.memory_space<hbm>>)
      tpu.yield
    }) : () -> ()
    %mul3A_123 = arith.constant 640 : i32
    %mul3A_124 = arith.muli %arg1, %mul3A_123 : i32
    %add3A_125 = arith.constant 256 : i32
    %add3A_126 = arith.addi %mul3A_124, %add3A_125 : i32
    "tpu.region"() ({
      %run_scoped3A = tpu.sem_alloc : memref<!tpu.dma_semaphore, #tpu.memory_space<semaphore_mem>>
      %dma_start3A_135 = arith.constant 0 : i32
      %dma_start3A_136 = tpu.memref_slice %arg16[%add3A_126, %dma_start3A_135] : memref<10240x32xf32, #tpu.memory_space<vmem_shared>> -> memref<128x32xf32, #tpu.memory_space<vmem_shared>>
      %dma_start3A_137 = arith.constant 0 : i32
      %dma_start3A_138 = tpu.memref_slice %arg16[%add3A_126, %dma_start3A_137] : memref<10240x32xf32, #tpu.memory_space<vmem_shared>> -> memref<128x32xf32, #tpu.memory_space<vmem_shared>>
      tpu.enqueue_dma source(%dma_start3A_138 : memref<128x32xf32, #tpu.memory_space<vmem_shared>>) target(%arg8 : memref<128x32xf32, #tpu.memory_space<vmem>>) target_semaphore(%run_scoped3A : memref<!tpu.dma_semaphore, #tpu.memory_space<semaphore_mem>>)
      %dma_wait3A_139 = arith.constant 0 : i32
      %dma_wait3A_140 = tpu.memref_slice %arg16[%add3A_126, %dma_wait3A_139] : memref<10240x32xf32, #tpu.memory_space<vmem_shared>> -> memref<128x32xf32, #tpu.memory_space<vmem_shared>>
      %dma_wait3A_141 = arith.constant 0 : i32
      %dma_wait3A_142 = tpu.memref_slice %arg16[%add3A_126, %dma_wait3A_141] : memref<10240x32xf32, #tpu.memory_space<vmem_shared>> -> memref<128x32xf32, #tpu.memory_space<vmem_shared>>
      tpu.wait_dma2 semaphore(%run_scoped3A : memref<!tpu.dma_semaphore, #tpu.memory_space<semaphore_mem>>) src(%dma_wait3A_142 : memref<128x32xf32, #tpu.memory_space<vmem_shared>>) dst(%arg8 : memref<128x32xf32, #tpu.memory_space<vmem>>)
      tpu.yield
    }) : () -> ()
    "tpu.region"() ({
      %run_scoped3A = tpu.sem_alloc : memref<!tpu.dma_semaphore, #tpu.memory_space<semaphore_mem>>
      %dma_start3A_135 = arith.constant 0 : i32
      %dma_start3A_136 = tpu.memref_slice %arg5[%arg0, %add3A_126, %dma_start3A_135] : memref<2x10240x128xf32, #tpu.memory_space<hbm>> -> memref<1x128x32xf32, #tpu.memory_space<hbm>>
      %dma_start3A_137 = tpu.memref_squeeze %dma_start3A_136 : memref<1x128x32xf32, #tpu.memory_space<hbm>> -> memref<128x32xf32, #tpu.memory_space<hbm>>
      %dma_start3A_138 = arith.constant 0 : i32
      %dma_start3A_139 = tpu.memref_slice %arg5[%arg0, %add3A_126, %dma_start3A_138] : memref<2x10240x128xf32, #tpu.memory_space<hbm>> -> memref<1x128x32xf32, #tpu.memory_space<hbm>>
      %dma_start3A_140 = tpu.memref_squeeze %dma_start3A_139 : memref<1x128x32xf32, #tpu.memory_space<hbm>> -> memref<128x32xf32, #tpu.memory_space<hbm>>
      tpu.enqueue_dma source(%arg8 : memref<128x32xf32, #tpu.memory_space<vmem>>) target(%dma_start3A_140 : memref<128x32xf32, #tpu.memory_space<hbm>>) target_semaphore(%run_scoped3A : memref<!tpu.dma_semaphore, #tpu.memory_space<semaphore_mem>>)
      %dma_wait3A_141 = arith.constant 0 : i32
      %dma_wait3A_142 = tpu.memref_slice %arg5[%arg0, %add3A_126, %dma_wait3A_141] : memref<2x10240x128xf32, #tpu.memory_space<hbm>> -> memref<1x128x32xf32, #tpu.memory_space<hbm>>
      %dma_wait3A_143 = tpu.memref_squeeze %dma_wait3A_142 : memref<1x128x32xf32, #tpu.memory_space<hbm>> -> memref<128x32xf32, #tpu.memory_space<hbm>>
      %dma_wait3A_144 = arith.constant 0 : i32
      %dma_wait3A_145 = tpu.memref_slice %arg5[%arg0, %add3A_126, %dma_wait3A_144] : memref<2x10240x128xf32, #tpu.memory_space<hbm>> -> memref<1x128x32xf32, #tpu.memory_space<hbm>>
      %dma_wait3A_146 = tpu.memref_squeeze %dma_wait3A_145 : memref<1x128x32xf32, #tpu.memory_space<hbm>> -> memref<128x32xf32, #tpu.memory_space<hbm>>
      tpu.wait_dma2 semaphore(%run_scoped3A : memref<!tpu.dma_semaphore, #tpu.memory_space<semaphore_mem>>) src(%arg8 : memref<128x32xf32, #tpu.memory_space<vmem>>) dst(%dma_wait3A_146 : memref<128x32xf32, #tpu.memory_space<hbm>>)
      tpu.yield
    }) : () -> ()
    %mul3A_127 = arith.constant 640 : i32
    %mul3A_128 = arith.muli %arg1, %mul3A_127 : i32
    %add3A_129 = arith.constant 384 : i32
    %add3A_130 = arith.addi %mul3A_128, %add3A_129 : i32
    "tpu.region"() ({
      %run_scoped3A = tpu.sem_alloc : memref<!tpu.dma_semaphore, #tpu.memory_space<semaphore_mem>>
      %dma_start3A_135 = arith.constant 0 : i32
      %dma_start3A_136 = tpu.memref_slice %arg16[%add3A_130, %dma_start3A_135] : memref<10240x32xf32, #tpu.memory_space<vmem_shared>> -> memref<128x32xf32, #tpu.memory_space<vmem_shared>>
      %dma_start3A_137 = arith.constant 0 : i32
      %dma_start3A_138 = tpu.memref_slice %arg16[%add3A_130, %dma_start3A_137] : memref<10240x32xf32, #tpu.memory_space<vmem_shared>> -> memref<128x32xf32, #tpu.memory_space<vmem_shared>>
      tpu.enqueue_dma source(%dma_start3A_138 : memref<128x32xf32, #tpu.memory_space<vmem_shared>>) target(%arg8 : memref<128x32xf32, #tpu.memory_space<vmem>>) target_semaphore(%run_scoped3A : memref<!tpu.dma_semaphore, #tpu.memory_space<semaphore_mem>>)
      %dma_wait3A_139 = arith.constant 0 : i32
      %dma_wait3A_140 = tpu.memref_slice %arg16[%add3A_130, %dma_wait3A_139] : memref<10240x32xf32, #tpu.memory_space<vmem_shared>> -> memref<128x32xf32, #tpu.memory_space<vmem_shared>>
      %dma_wait3A_141 = arith.constant 0 : i32
      %dma_wait3A_142 = tpu.memref_slice %arg16[%add3A_130, %dma_wait3A_141] : memref<10240x32xf32, #tpu.memory_space<vmem_shared>> -> memref<128x32xf32, #tpu.memory_space<vmem_shared>>
      tpu.wait_dma2 semaphore(%run_scoped3A : memref<!tpu.dma_semaphore, #tpu.memory_space<semaphore_mem>>) src(%dma_wait3A_142 : memref<128x32xf32, #tpu.memory_space<vmem_shared>>) dst(%arg8 : memref<128x32xf32, #tpu.memory_space<vmem>>)
      tpu.yield
    }) : () -> ()
    "tpu.region"() ({
      %run_scoped3A = tpu.sem_alloc : memref<!tpu.dma_semaphore, #tpu.memory_space<semaphore_mem>>
      %dma_start3A_135 = arith.constant 0 : i32
      %dma_start3A_136 = tpu.memref_slice %arg5[%arg0, %add3A_130, %dma_start3A_135] : memref<2x10240x128xf32, #tpu.memory_space<hbm>> -> memref<1x128x32xf32, #tpu.memory_space<hbm>>
      %dma_start3A_137 = tpu.memref_squeeze %dma_start3A_136 : memref<1x128x32xf32, #tpu.memory_space<hbm>> -> memref<128x32xf32, #tpu.memory_space<hbm>>
      %dma_start3A_138 = arith.constant 0 : i32
      %dma_start3A_139 = tpu.memref_slice %arg5[%arg0, %add3A_130, %dma_start3A_138] : memref<2x10240x128xf32, #tpu.memory_space<hbm>> -> memref<1x128x32xf32, #tpu.memory_space<hbm>>
      %dma_start3A_140 = tpu.memref_squeeze %dma_start3A_139 : memref<1x128x32xf32, #tpu.memory_space<hbm>> -> memref<128x32xf32, #tpu.memory_space<hbm>>
      tpu.enqueue_dma source(%arg8 : memref<128x32xf32, #tpu.memory_space<vmem>>) target(%dma_start3A_140 : memref<128x32xf32, #tpu.memory_space<hbm>>) target_semaphore(%run_scoped3A : memref<!tpu.dma_semaphore, #tpu.memory_space<semaphore_mem>>)
      %dma_wait3A_141 = arith.constant 0 : i32
      %dma_wait3A_142 = tpu.memref_slice %arg5[%arg0, %add3A_130, %dma_wait3A_141] : memref<2x10240x128xf32, #tpu.memory_space<hbm>> -> memref<1x128x32xf32, #tpu.memory_space<hbm>>
      %dma_wait3A_143 = tpu.memref_squeeze %dma_wait3A_142 : memref<1x128x32xf32, #tpu.memory_space<hbm>> -> memref<128x32xf32, #tpu.memory_space<hbm>>
      %dma_wait3A_144 = arith.constant 0 : i32
      %dma_wait3A_145 = tpu.memref_slice %arg5[%arg0, %add3A_130, %dma_wait3A_144] : memref<2x10240x128xf32, #tpu.memory_space<hbm>> -> memref<1x128x32xf32, #tpu.memory_space<hbm>>
      %dma_wait3A_146 = tpu.memref_squeeze %dma_wait3A_145 : memref<1x128x32xf32, #tpu.memory_space<hbm>> -> memref<128x32xf32, #tpu.memory_space<hbm>>
      tpu.wait_dma2 semaphore(%run_scoped3A : memref<!tpu.dma_semaphore, #tpu.memory_space<semaphore_mem>>) src(%arg8 : memref<128x32xf32, #tpu.memory_space<vmem>>) dst(%dma_wait3A_146 : memref<128x32xf32, #tpu.memory_space<hbm>>)
      tpu.yield
    }) : () -> ()
    %mul3A_131 = arith.constant 640 : i32
    %mul3A_132 = arith.muli %arg1, %mul3A_131 : i32
    %add3A_133 = arith.constant 512 : i32
    %add3A_134 = arith.addi %mul3A_132, %add3A_133 : i32
    "tpu.region"() ({
      %run_scoped3A = tpu.sem_alloc : memref<!tpu.dma_semaphore, #tpu.memory_space<semaphore_mem>>
      %dma_start3A_135 = arith.constant 0 : i32
      %dma_start3A_136 = tpu.memref_slice %arg16[%add3A_134, %dma_start3A_135] : memref<10240x32xf32, #tpu.memory_space<vmem_shared>> -> memref<128x32xf32, #tpu.memory_space<vmem_shared>>
      %dma_start3A_137 = arith.constant 0 : i32
      %dma_start3A_138 = tpu.memref_slice %arg16[%add3A_134, %dma_start3A_137] : memref<10240x32xf32, #tpu.memory_space<vmem_shared>> -> memref<128x32xf32, #tpu.memory_space<vmem_shared>>
      tpu.enqueue_dma source(%dma_start3A_138 : memref<128x32xf32, #tpu.memory_space<vmem_shared>>) target(%arg8 : memref<128x32xf32, #tpu.memory_space<vmem>>) target_semaphore(%run_scoped3A : memref<!tpu.dma_semaphore, #tpu.memory_space<semaphore_mem>>)
      %dma_wait3A_139 = arith.constant 0 : i32
      %dma_wait3A_140 = tpu.memref_slice %arg16[%add3A_134, %dma_wait3A_139] : memref<10240x32xf32, #tpu.memory_space<vmem_shared>> -> memref<128x32xf32, #tpu.memory_space<vmem_shared>>
      %dma_wait3A_141 = arith.constant 0 : i32
      %dma_wait3A_142 = tpu.memref_slice %arg16[%add3A_134, %dma_wait3A_141] : memref<10240x32xf32, #tpu.memory_space<vmem_shared>> -> memref<128x32xf32, #tpu.memory_space<vmem_shared>>
      tpu.wait_dma2 semaphore(%run_scoped3A : memref<!tpu.dma_semaphore, #tpu.memory_space<semaphore_mem>>) src(%dma_wait3A_142 : memref<128x32xf32, #tpu.memory_space<vmem_shared>>) dst(%arg8 : memref<128x32xf32, #tpu.memory_space<vmem>>)
      tpu.yield
    }) : () -> ()
    "tpu.region"() ({
      %run_scoped3A = tpu.sem_alloc : memref<!tpu.dma_semaphore, #tpu.memory_space<semaphore_mem>>
      %dma_start3A_135 = arith.constant 0 : i32
      %dma_start3A_136 = tpu.memref_slice %arg5[%arg0, %add3A_134, %dma_start3A_135] : memref<2x10240x128xf32, #tpu.memory_space<hbm>> -> memref<1x128x32xf32, #tpu.memory_space<hbm>>
      %dma_start3A_137 = tpu.memref_squeeze %dma_start3A_136 : memref<1x128x32xf32, #tpu.memory_space<hbm>> -> memref<128x32xf32, #tpu.memory_space<hbm>>
      %dma_start3A_138 = arith.constant 0 : i32
      %dma_start3A_139 = tpu.memref_slice %arg5[%arg0, %add3A_134, %dma_start3A_138] : memref<2x10240x128xf32, #tpu.memory_space<hbm>> -> memref<1x128x32xf32, #tpu.memory_space<hbm>>
      %dma_start3A_140 = tpu.memref_squeeze %dma_start3A_139 : memref<1x128x32xf32, #tpu.memory_space<hbm>> -> memref<128x32xf32, #tpu.memory_space<hbm>>
      tpu.enqueue_dma source(%arg8 : memref<128x32xf32, #tpu.memory_space<vmem>>) target(%dma_start3A_140 : memref<128x32xf32, #tpu.memory_space<hbm>>) target_semaphore(%run_scoped3A : memref<!tpu.dma_semaphore, #tpu.memory_space<semaphore_mem>>)
      %dma_wait3A_141 = arith.constant 0 : i32
      %dma_wait3A_142 = tpu.memref_slice %arg5[%arg0, %add3A_134, %dma_wait3A_141] : memref<2x10240x128xf32, #tpu.memory_space<hbm>> -> memref<1x128x32xf32, #tpu.memory_space<hbm>>
      %dma_wait3A_143 = tpu.memref_squeeze %dma_wait3A_142 : memref<1x128x32xf32, #tpu.memory_space<hbm>> -> memref<128x32xf32, #tpu.memory_space<hbm>>
      %dma_wait3A_144 = arith.constant 0 : i32
      %dma_wait3A_145 = tpu.memref_slice %arg5[%arg0, %add3A_134, %dma_wait3A_144] : memref<2x10240x128xf32, #tpu.memory_space<hbm>> -> memref<1x128x32xf32, #tpu.memory_space<hbm>>
      %dma_wait3A_146 = tpu.memref_squeeze %dma_wait3A_145 : memref<1x128x32xf32, #tpu.memory_space<hbm>> -> memref<128x32xf32, #tpu.memory_space<hbm>>
      tpu.wait_dma2 semaphore(%run_scoped3A : memref<!tpu.dma_semaphore, #tpu.memory_space<semaphore_mem>>) src(%arg8 : memref<128x32xf32, #tpu.memory_space<vmem>>) dst(%dma_wait3A_146 : memref<128x32xf32, #tpu.memory_space<hbm>>)
      tpu.yield
    }) : () -> ()
    return
  }
}

module attributes {stable_mosaic.version = 14 : i64} {
  func.func @_scale_body(%arg0: i32, %arg1: memref<2000x128xf32, #tpu.memory_space<vmem>>, %arg2: memref<128x64xf32, #tpu.memory_space<vmem>>, %arg3: memref<2000x32xf32, #tpu.memory_space<vmem>>, %arg4: memref<2000x1xf32, #tpu.memory_space<vmem>>, %arg5: memref<2000x128xf32, #tpu.memory_space<vmem>>) attributes {dimension_semantics = [#tpu.dimension_semantics<arbitrary>], iteration_bounds = array<i64: 5>, scalar_prefetch = 0 : i64, scratch_operands = 0 : i64, tpu.core_type = #tpu.core_type<tc>, window_params = [{transform_indices = @transform_0, window_bounds = array<i64: 2000, 128>}, {pipeline_mode = #tpu.pipeline_mode<synchronous>, transform_indices = @transform_1, window_bounds = array<i64: 128, 64>}, {transform_indices = @transform_2, window_bounds = array<i64: 2000, 32>}, {transform_indices = @transform_3, window_bounds = array<i64: 2000, 1>}, {transform_indices = @transform_4, window_bounds = array<i64: 2000, 128>}]} {
    %get3A = arith.constant 0 : index
    %get3A_0 = arith.constant 0 : index
    %get3A_1 = vector.load %arg1[%get3A, %get3A_0] : memref<2000x128xf32, #tpu.memory_space<vmem>>, vector<2000x128xf32>
    %get3A_2 = arith.constant 0 : index
    %get3A_3 = arith.constant 0 : index
    %get3A_4 = vector.load %arg2[%get3A_2, %get3A_3] : memref<128x64xf32, #tpu.memory_space<vmem>>, vector<128x64xf32>
    %dot_general3A = arith.constant dense<0.000000e+00> : vector<2000x64xf32>
    %dot_general3A_5 = tpu.matmul %get3A_1, %get3A_4, %dot_general3A {dimension_numbers = #tpu.dot_dimension_numbers<[1], [0], [0], [1], [0, 0, 1, 1], [], []>, transpose_lhs_hint = false} : vector<2000x128xf32>, vector<128x64xf32>, vector<2000x64xf32> -> vector<2000x64xf32>
    %get3A_6 = arith.constant 0 : index
    %get3A_7 = arith.constant 0 : index
    %get3A_8 = vector.load %arg3[%get3A_6, %get3A_7] : memref<2000x32xf32, #tpu.memory_space<vmem>>, vector<2000x32xf32>
    %reduce_sum3A = arith.constant dense<0.000000e+00> : vector<2000xf32>
    %reduce_sum3A_9 = vector.multi_reduction <add>, %get3A_8, %reduce_sum3A [1] : vector<2000x32xf32> to vector<2000xf32>
    %broadcast_in_dim3A = vector.shape_cast %reduce_sum3A_9 : vector<2000xf32> to vector<2000x1xf32>
    %add3A = arith.constant 1.000000e+00 : f32
    %add3A_10 = vector.broadcast %add3A : f32 to vector<2000x1xf32>
    %add3A_11 = arith.addf %broadcast_in_dim3A, %add3A_10 : vector<2000x1xf32>
    %rsqrt3A = math.rsqrt %add3A_11 : vector<2000x1xf32>
    %swap3A = arith.constant 0 : index
    %swap3A_12 = arith.constant 0 : index
    %swap3A_13 = vector.load %arg4[%swap3A, %swap3A_12] : memref<2000x1xf32, #tpu.memory_space<vmem>>, vector<2000x1xf32>
    tpu.vector_store %arg4[%swap3A, %swap3A_12], %rsqrt3A {strides = array<i32>} : memref<2000x1xf32, #tpu.memory_space<vmem>>, vector<2000x1xf32>,
    %mul3A = vector.broadcast %rsqrt3A : vector<2000x1xf32> to vector<2000x64xf32>
    %mul3A_14 = arith.mulf %dot_general3A_5, %mul3A : vector<2000x64xf32>
    %broadcast_in_dim3A_15 = arith.constant 0.000000e+00 : f32
    %broadcast_in_dim3A_16 = vector.broadcast %broadcast_in_dim3A_15 : f32 to vector<2000x64xf32>
    %concatenate3A = tpu.concatenate %mul3A_14, %broadcast_in_dim3A_16 in 1 : vector<2000x64xf32>, vector<2000x64xf32> -> vector<2000x128xf32>
    %swap3A_17 = arith.constant 0 : index
    %swap3A_18 = arith.constant 0 : index
    %swap3A_19 = vector.load %arg5[%swap3A_17, %swap3A_18] : memref<2000x128xf32, #tpu.memory_space<vmem>>, vector<2000x128xf32>
    tpu.vector_store %arg5[%swap3A_17, %swap3A_18], %concatenate3A {strides = array<i32>} : memref<2000x128xf32, #tpu.memory_space<vmem>>, vector<2000x128xf32>,
    return
  }
  func.func @transform_0(%arg0: i32) -> (i32, i32) {
    %c0_i32 = arith.constant 0 : i32
    %c0_i32_0 = arith.constant 0 : i32
    return %arg0, %c0_i32 : i32, i32
  }
  func.func @transform_1(%arg0: i32) -> (i32, i32) {
    %c0_i32 = arith.constant 0 : i32
    %c0_i32_0 = arith.constant 0 : i32
    %c0_i32_1 = arith.constant 0 : i32
    return %c0_i32, %c0_i32_0 : i32, i32
  }
  func.func @transform_2(%arg0: i32) -> (i32, i32) {
    %c0_i32 = arith.constant 0 : i32
    %c0_i32_0 = arith.constant 0 : i32
    return %arg0, %c0_i32 : i32, i32
  }
  func.func @transform_3(%arg0: i32) -> (i32, i32) {
    %c0_i32 = arith.constant 0 : i32
    %c0_i32_0 = arith.constant 0 : i32
    return %arg0, %c0_i32 : i32, i32
  }
  func.func @transform_4(%arg0: i32) -> (i32, i32) {
    %c0_i32 = arith.constant 0 : i32
    %c0_i32_0 = arith.constant 0 : i32
    return %arg0, %c0_i32 : i32, i32
  }
}

module attributes {stable_mosaic.version = 14 : i64} {
  func.func @_layer_body(%arg0: i32, %arg1: memref<2x2000x128xf32, #tpu.memory_space<vmem>>, %arg2: memref<2000x128xf32, #tpu.memory_space<vmem>>, %arg3: memref<2000x1xf32, #tpu.memory_space<vmem>>, %arg4: memref<1x64xf32, #tpu.memory_space<vmem>>, %arg5: memref<64x32xf32, #tpu.memory_space<vmem>>, %arg6: memref<2000x128xf32, #tpu.memory_space<vmem>>) attributes {dimension_semantics = [#tpu.dimension_semantics<arbitrary>], iteration_bounds = array<i64: 5>, scalar_prefetch = 0 : i64, scratch_operands = 0 : i64, tpu.core_type = #tpu.core_type<tc>, window_params = [{transform_indices = @transform_0, window_bounds = array<i64: 2, 2000, 128>}, {transform_indices = @transform_1, window_bounds = array<i64: 2000, 128>}, {transform_indices = @transform_2, window_bounds = array<i64: 2000, 1>}, {pipeline_mode = #tpu.pipeline_mode<synchronous>, transform_indices = @transform_3, window_bounds = array<i64: 1, 64>}, {pipeline_mode = #tpu.pipeline_mode<synchronous>, transform_indices = @transform_4, window_bounds = array<i64: 64, 32>}, {transform_indices = @transform_5, window_bounds = array<i64: 2000, 128>}]} {
    %get3A = arith.constant 0 : index
    %get3A_0 = arith.constant 0 : index
    %get3A_1 = arith.constant 0 : index
    %get3A_2 = vector.load %arg1[%get3A, %get3A_0, %get3A_1] : memref<2x2000x128xf32, #tpu.memory_space<vmem>>, vector<1x2000x64xf32>
    %get3A_3 = vector.shape_cast %get3A_2 : vector<1x2000x64xf32> to vector<2000x64xf32>
    %get3A_4 = arith.constant 1 : index
    %get3A_5 = arith.constant 0 : index
    %get3A_6 = arith.constant 0 : index
    %get3A_7 = vector.load %arg1[%get3A_4, %get3A_5, %get3A_6] : memref<2x2000x128xf32, #tpu.memory_space<vmem>>, vector<1x2000x64xf32>
    %get3A_8 = vector.shape_cast %get3A_7 : vector<1x2000x64xf32> to vector<2000x64xf32>
    %add3A = arith.addf %get3A_3, %get3A_8 : vector<2000x64xf32>
    %get3A_9 = arith.constant 0 : index
    %get3A_10 = arith.constant 0 : index
    %get3A_11 = vector.load %arg2[%get3A_9, %get3A_10] : memref<2000x128xf32, #tpu.memory_space<vmem>>, vector<2000x64xf32>
    %add3A_12 = arith.addf %add3A, %get3A_11 : vector<2000x64xf32>
    %get3A_13 = arith.constant 0 : index
    %get3A_14 = arith.constant 0 : index
    %get3A_15 = vector.load %arg3[%get3A_13, %get3A_14] : memref<2000x1xf32, #tpu.memory_space<vmem>>, vector<2000x1xf32>
    %mul3A = vector.broadcast %get3A_15 : vector<2000x1xf32> to vector<2000x64xf32>
    %mul3A_16 = arith.mulf %mul3A, %add3A_12 : vector<2000x64xf32>
    %get3A_17 = arith.constant 0 : index
    %get3A_18 = arith.constant 0 : index
    %get3A_19 = vector.load %arg4[%get3A_17, %get3A_18] : memref<1x64xf32, #tpu.memory_space<vmem>>, vector<1x64xf32>
    %add3A_20 = vector.broadcast %get3A_19 : vector<1x64xf32> to vector<2000x64xf32>
    %add3A_21 = arith.addf %mul3A_16, %add3A_20 : vector<2000x64xf32>
    %max3A = arith.constant 0.000000e+00 : f32
    %max3A_22 = vector.broadcast %max3A : f32 to vector<2000x64xf32>
    %max3A_23 = arith.maximumf %add3A_21, %max3A_22 : vector<2000x64xf32>
    %get3A_24 = arith.constant 0 : index
    %get3A_25 = arith.constant 0 : index
    %get3A_26 = vector.load %arg3[%get3A_24, %get3A_25] : memref<2000x1xf32, #tpu.memory_space<vmem>>, vector<2000x1xf32>
    %get3A_27 = arith.constant 0 : index
    %get3A_28 = arith.constant 0 : index
    %get3A_29 = vector.load %arg5[%get3A_27, %get3A_28] : memref<64x32xf32, #tpu.memory_space<vmem>>, vector<64x32xf32>
    %dot_general3A = arith.constant dense<0.000000e+00> : vector<2000x32xf32>
    %dot_general3A_30 = tpu.matmul %max3A_23, %get3A_29, %dot_general3A {dimension_numbers = #tpu.dot_dimension_numbers<[1], [0], [0], [1], [0, 0, 1, 1], [], []>, transpose_lhs_hint = false} : vector<2000x64xf32>, vector<64x32xf32>, vector<2000x32xf32> -> vector<2000x32xf32>
    %mul3A_31 = vector.broadcast %get3A_26 : vector<2000x1xf32> to vector<2000x32xf32>
    %mul3A_32 = arith.mulf %mul3A_31, %dot_general3A_30 : vector<2000x32xf32>
    %broadcast_in_dim3A = arith.constant 0.000000e+00 : f32
    %broadcast_in_dim3A_33 = vector.broadcast %broadcast_in_dim3A : f32 to vector<2000x96xf32>
    %concatenate3A = tpu.concatenate %mul3A_32, %broadcast_in_dim3A_33 in 1 : vector<2000x32xf32>, vector<2000x96xf32> -> vector<2000x128xf32>
    %swap3A = arith.constant 0 : index
    %swap3A_34 = arith.constant 0 : index
    %swap3A_35 = vector.load %arg6[%swap3A, %swap3A_34] : memref<2000x128xf32, #tpu.memory_space<vmem>>, vector<2000x128xf32>
    tpu.vector_store %arg6[%swap3A, %swap3A_34], %concatenate3A {strides = array<i32>} : memref<2000x128xf32, #tpu.memory_space<vmem>>, vector<2000x128xf32>,
    return
  }
  func.func @transform_0(%arg0: i32) -> (i32, i32, i32) {
    %c0_i32 = arith.constant 0 : i32
    %c0_i32_0 = arith.constant 0 : i32
    %c0_i32_1 = arith.constant 0 : i32
    return %c0_i32, %arg0, %c0_i32_0 : i32, i32, i32
  }
  func.func @transform_1(%arg0: i32) -> (i32, i32) {
    %c0_i32 = arith.constant 0 : i32
    %c0_i32_0 = arith.constant 0 : i32
    return %arg0, %c0_i32 : i32, i32
  }
  func.func @transform_2(%arg0: i32) -> (i32, i32) {
    %c0_i32 = arith.constant 0 : i32
    %c0_i32_0 = arith.constant 0 : i32
    return %arg0, %c0_i32 : i32, i32
  }
  func.func @transform_3(%arg0: i32) -> (i32, i32) {
    %c0_i32 = arith.constant 0 : i32
    %c0_i32_0 = arith.constant 0 : i32
    %c0_i32_1 = arith.constant 0 : i32
    return %c0_i32, %c0_i32_0 : i32, i32
  }
  func.func @transform_4(%arg0: i32) -> (i32, i32) {
    %c0_i32 = arith.constant 0 : i32
    %c0_i32_0 = arith.constant 0 : i32
    %c0_i32_1 = arith.constant 0 : i32
    return %c0_i32, %c0_i32_0 : i32, i32
  }
  func.func @transform_5(%arg0: i32) -> (i32, i32) {
    %c0_i32 = arith.constant 0 : i32
    %c0_i32_0 = arith.constant 0 : i32
    return %arg0, %c0_i32 : i32, i32
  }
}

module attributes {stable_mosaic.version = 14 : i64} {
  func.func @_final_body(%arg0: i32, %arg1: memref<2x2000x128xf32, #tpu.memory_space<vmem>>, %arg2: memref<2000x128xf32, #tpu.memory_space<vmem>>, %arg3: memref<2000x1xf32, #tpu.memory_space<vmem>>, %arg4: memref<1x32xf32, #tpu.memory_space<vmem>>, %arg5: memref<32x1xf32, #tpu.memory_space<vmem>>, %arg6: memref<1x1xf32, #tpu.memory_space<vmem>>, %arg7: memref<2000x2xf32, #tpu.memory_space<vmem>>) attributes {dimension_semantics = [#tpu.dimension_semantics<arbitrary>], iteration_bounds = array<i64: 5>, scalar_prefetch = 0 : i64, scratch_operands = 0 : i64, tpu.core_type = #tpu.core_type<tc>, window_params = [{transform_indices = @transform_0, window_bounds = array<i64: 2, 2000, 128>}, {transform_indices = @transform_1, window_bounds = array<i64: 2000, 128>}, {transform_indices = @transform_2, window_bounds = array<i64: 2000, 1>}, {pipeline_mode = #tpu.pipeline_mode<synchronous>, transform_indices = @transform_3, window_bounds = array<i64: 1, 32>}, {pipeline_mode = #tpu.pipeline_mode<synchronous>, transform_indices = @transform_4, window_bounds = array<i64: 32, 1>}, {pipeline_mode = #tpu.pipeline_mode<synchronous>, transform_indices = @transform_5, window_bounds = array<i64: 1, 1>}, {transform_indices = @transform_6, window_bounds = array<i64: 2000, 2>}]} {
    %get3A = arith.constant 0 : index
    %get3A_0 = arith.constant 0 : index
    %get3A_1 = arith.constant 0 : index
    %get3A_2 = vector.load %arg1[%get3A, %get3A_0, %get3A_1] : memref<2x2000x128xf32, #tpu.memory_space<vmem>>, vector<1x2000x32xf32>
    %get3A_3 = vector.shape_cast %get3A_2 : vector<1x2000x32xf32> to vector<2000x32xf32>
    %get3A_4 = arith.constant 1 : index
    %get3A_5 = arith.constant 0 : index
    %get3A_6 = arith.constant 0 : index
    %get3A_7 = vector.load %arg1[%get3A_4, %get3A_5, %get3A_6] : memref<2x2000x128xf32, #tpu.memory_space<vmem>>, vector<1x2000x32xf32>
    %get3A_8 = vector.shape_cast %get3A_7 : vector<1x2000x32xf32> to vector<2000x32xf32>
    %add3A = arith.addf %get3A_3, %get3A_8 : vector<2000x32xf32>
    %get3A_9 = arith.constant 0 : index
    %get3A_10 = arith.constant 0 : index
    %get3A_11 = vector.load %arg2[%get3A_9, %get3A_10] : memref<2000x128xf32, #tpu.memory_space<vmem>>, vector<2000x32xf32>
    %add3A_12 = arith.addf %add3A, %get3A_11 : vector<2000x32xf32>
    %get3A_13 = arith.constant 0 : index
    %get3A_14 = arith.constant 0 : index
    %get3A_15 = vector.load %arg3[%get3A_13, %get3A_14] : memref<2000x1xf32, #tpu.memory_space<vmem>>, vector<2000x1xf32>
    %mul3A = vector.broadcast %get3A_15 : vector<2000x1xf32> to vector<2000x32xf32>
    %mul3A_16 = arith.mulf %mul3A, %add3A_12 : vector<2000x32xf32>
    %get3A_17 = arith.constant 0 : index
    %get3A_18 = arith.constant 0 : index
    %get3A_19 = vector.load %arg4[%get3A_17, %get3A_18] : memref<1x32xf32, #tpu.memory_space<vmem>>, vector<1x32xf32>
    %add3A_20 = vector.broadcast %get3A_19 : vector<1x32xf32> to vector<2000x32xf32>
    %add3A_21 = arith.addf %mul3A_16, %add3A_20 : vector<2000x32xf32>
    %max3A = arith.constant 0.000000e+00 : f32
    %max3A_22 = vector.broadcast %max3A : f32 to vector<2000x32xf32>
    %max3A_23 = arith.maximumf %add3A_21, %max3A_22 : vector<2000x32xf32>
    %get3A_24 = arith.constant 0 : index
    %get3A_25 = arith.constant 0 : index
    %get3A_26 = vector.load %arg5[%get3A_24, %get3A_25] : memref<32x1xf32, #tpu.memory_space<vmem>>, vector<32x1xf32>
    %dot_general3A = arith.constant dense<0.000000e+00> : vector<2000x1xf32>
    %dot_general3A_27 = tpu.matmul %max3A_23, %get3A_26, %dot_general3A {dimension_numbers = #tpu.dot_dimension_numbers<[1], [0], [0], [1], [0, 0, 1, 1], [], []>, transpose_lhs_hint = false} : vector<2000x32xf32>, vector<32x1xf32>, vector<2000x1xf32> -> vector<2000x1xf32>
    %get3A_28 = arith.constant 0 : index
    %get3A_29 = arith.constant 0 : index
    %get3A_30 = vector.load %arg6[%get3A_28, %get3A_29] : memref<1x1xf32, #tpu.memory_space<vmem>>, vector<1x1xf32>
    %add3A_31 = vector.broadcast %get3A_30 : vector<1x1xf32> to vector<2000x1xf32>
    %add3A_32 = arith.addf %dot_general3A_27, %add3A_31 : vector<2000x1xf32>
    %neg3A = arith.constant 0.000000e+00 : f32
    %neg3A_33 = vector.broadcast %neg3A : f32 to vector<2000x1xf32>
    %neg3A_34 = arith.subf %neg3A_33, %add3A_32 : vector<2000x1xf32>
    %concatenate3A = tpu.concatenate %neg3A_34, %add3A_32 in 1 : vector<2000x1xf32>, vector<2000x1xf32> -> vector<2000x2xf32>
    %swap3A = arith.constant 0 : index
    %swap3A_35 = arith.constant 0 : index
    %swap3A_36 = vector.load %arg7[%swap3A, %swap3A_35] : memref<2000x2xf32, #tpu.memory_space<vmem>>, vector<2000x2xf32>
    tpu.vector_store %arg7[%swap3A, %swap3A_35], %concatenate3A {strides = array<i32>} : memref<2000x2xf32, #tpu.memory_space<vmem>>, vector<2000x2xf32>,
    return
  }
  func.func @transform_0(%arg0: i32) -> (i32, i32, i32) {
    %c0_i32 = arith.constant 0 : i32
    %c0_i32_0 = arith.constant 0 : i32
    %c0_i32_1 = arith.constant 0 : i32
    return %c0_i32, %arg0, %c0_i32_0 : i32, i32, i32
  }
  func.func @transform_1(%arg0: i32) -> (i32, i32) {
    %c0_i32 = arith.constant 0 : i32
    %c0_i32_0 = arith.constant 0 : i32
    return %arg0, %c0_i32 : i32, i32
  }
  func.func @transform_2(%arg0: i32) -> (i32, i32) {
    %c0_i32 = arith.constant 0 : i32
    %c0_i32_0 = arith.constant 0 : i32
    return %arg0, %c0_i32 : i32, i32
  }
  func.func @transform_3(%arg0: i32) -> (i32, i32) {
    %c0_i32 = arith.constant 0 : i32
    %c0_i32_0 = arith.constant 0 : i32
    %c0_i32_1 = arith.constant 0 : i32
    return %c0_i32, %c0_i32_0 : i32, i32
  }
  func.func @transform_4(%arg0: i32) -> (i32, i32) {
    %c0_i32 = arith.constant 0 : i32
    %c0_i32_0 = arith.constant 0 : i32
    %c0_i32_1 = arith.constant 0 : i32
    return %c0_i32, %c0_i32_0 : i32, i32
  }
  func.func @transform_5(%arg0: i32) -> (i32, i32) {
    %c0_i32 = arith.constant 0 : i32
    %c0_i32_0 = arith.constant 0 : i32
    %c0_i32_1 = arith.constant 0 : i32
    return %c0_i32, %c0_i32_0 : i32, i32
  }
  func.func @transform_6(%arg0: i32) -> (i32, i32) {
    %c0_i32 = arith.constant 0 : i32
    %c0_i32_0 = arith.constant 0 : i32
    return %arg0, %c0_i32 : i32, i32
  }
}

</mosaic_0001>

<sc_bundles>
// kernel: kernel.11.cloned.1.call-start
scs
__scs_entry_jumppad:
0x0: {  	(pc) =	sbr.rel $0x88, $3  }
0x1: {  	(tag) =	ssettag $0x0;
	lr =	simm.s32 $0x1  }
0x2: {  	[smem:$0x3F99] =	sst lr;
	_ =	strace $0xD0000000  }
0x3: {  	_ = 	snop  }
0x4: {  	_ = 	snop  }
0x5: {  	_ = 	snop  }
0x6: {  	_ = 	snop  }
0x7: {  	_ = 	snop  }
__scs_overlays_trampoline_lowered:
0x8: {  	[smem:$0x3FA8] =	sst s0  }
0x9: {  	[smem:$0x3FA9] =	sst s1  }
0xa: {  	[smem:$0x3FAA] =	sst s2  }
0xb: {  	[smem:$0x3FAB] =	sst s3  }
0xc: {  	[smem:$0x3FAC] =	sst s4  }
0xd: {  	[smem:$0x3FAD] =	sst s5  }
0xe: {  	[smem:$0x3FAE] =	sst s6  }
0xf: {  	[smem:$0x3FAF] =	sst s7  }
0x10: {  	[smem:$0x3FB0] =	sst s8  }
0x11: {  	[smem:$0x3FB1] =	sst s9;
	s0 =	simm.s32 @!p0 $0x0  }
0x12: {  	s1 =	sld [smem:$0x3F97];
	s0 =	simm.s32 @p0 $0x1  }
0x13: {  	[smem:$0x3FB2] =	sst s0;
	s0 =	simm.s32 @!p1 $0x0  }
0x14: {  	s2 =	sld [smem:$0x3F96];
	s0 =	simm.s32 @p1 $0x1  }
0x15: {  	[smem:$0x3FB3] =	sst s0;
	s0 =	simm.s32 @!p2 $0x0  }
0x16: {  	s3 =	sld [smem:$0x3FDB];
	s0 =	simm.s32 @p2 $0x1  }
0x17: {  	s4 =	simm.s32 $0x1BF5;
	[smem:$0x3FB5] =	sst s0  }
0x18: {  	s0 =	sld [smem:$0x3F98];
	_ =	swait.ge [sflag:s4], $0x0  }
0x19: {  	s7 =	sld [smem:$0x3F99]  }
0x1a: {  	s8 =	sadd.s32 $0xFFFFE003, lr  }
0x1b: {  	s9 =	sadd.s32 $0xFFFFFEF7, lr;
	s5 =	simm.s32 $0xFFFFFFFF;
	p2 =	slt.u32 s8, $0xFFFFF086  }
0x1c: {  	p1 =	slt.u32 s9, $0xF7A;
	s5 =	simm.s32 @!p2 $0x0  }
0x1d: {  	s5 =	simm.s32 @p1 $0x1;
	p0 =	seq.s32 s7, s2  }
0x1e: {  	s7 =	smul.u32 @!p0 $0xF7A, s2;
	p2 =	seq.s32 @!p0 s5, $0x0  }
0x1f: {  	s9 =	smul.u32 $0xF7A, s1;
	s8 =	simm.s32 @!p0 $0x1BF5;
	p2 =	por !p2, p0  }
0x20: {  	[sflag:s8] =	ssyncset.s32 @!p0 $0xFFFFF086;
	s6 =	sadd.s32 @!p0 s3, s7;
	s7 =	simm.s32 @!p0 $0x108  }
0x21: {  	s3 =	sadd.s32 s3, s9;
	s6 =	sadd.s32 @!p0 $0x88, s6;
	s7 =	simm.s32 @p2 $0x1082  }
0x22: {  	[simem:s7], [sflag:s8] =	dma.local @!p0 [hbm:s6], $0xF7A  }
0x23: {  	s9 =	sor.u32 $0xD0000000, s2;
	s6 =	simm.s32 $0x108;
	_ =	swait.ge @!p0 [sflag:s8], $0x0  }
0x24: {  	s3 =	sadd.s32 $0x88, s3;
	s6 =	simm.s32 @!p1 $0x1082;
	[sflag:s4] =	ssyncset.s32 $0xFFFFF086  }
0x25: {  	[simem:s6], [sflag:s4] =	dma.local [hbm:s3], $0xF7A  }
0x26: {  	[smem:$0x3F99] =	sst s1;
	(tag) =	ssettag s2;
	_ =	strace s9  }
0x27: {  	s1 =	sld [smem:$0x3FA9]  }
0x28: {  	s2 =	sld [smem:$0x3FAA]  }
0x29: {  	s4 =	sld [smem:$0x3FAC]  }
0x2a: {  	p0 =	seq.s32 s5, $0x0;
	s5 =	sld [smem:$0x3FAD]  }
0x2b: {  	s6 =	sld [smem:$0x3FAE]  }
0x2c: {  	s7 =	sld [smem:$0x3FAF]  }
0x2d: {  	s3 =	simm.s32 $0x108;
	s8 =	sld [smem:$0x3FB0]  }
0x2e: {  	s3 =	simm.s32 @!p0 $0x1082;
	s9 =	sld [smem:$0x3FB1]  }
0x2f: {  	lr =	sadd.s32 s0, s3;
	s0 =	sld [smem:$0x3FA8]  }
0x30: {  	s3 =	sld [smem:$0x3FAB]  }
0x31: {  	[smem:$0x3FB4] =	sst s10  }
0x32: {  	s10 =	sld [smem:$0x3FB2];
	_ =	sdelay $0x3  }
0x33: {  	p0 =	seq.s32 s10, $0x1;
	s10 =	sld [smem:$0x3FB4];
	_ =	sdelay $0x3  }
0x34: {  	[smem:$0x3FB4] =	sst s10  }
0x35: {  	s10 =	sld [smem:$0x3FB3];
	_ =	sdelay $0x3  }
0x36: {  	p1 =	seq.s32 s10, $0x1;
	s10 =	sld [smem:$0x3FB4];
	_ =	sdelay $0x3  }
0x37: {  	[smem:$0x3FB4] =	sst s10  }
0x38: {  	s10 =	sld [smem:$0x3FB5]  }
0x39: {  	_ = 	snop;
	(pc) =	sbr.ind lr, $3  }
0x3a: {  	_ = 	snop  }
0x3b: {  	_ = 	snop  }
0x3c: {  	p2 =	seq.s32 s10, $0x1;
	s10 =	sld [smem:$0x3FB4]  }
0x3d: {  	_ =	shalt  }
0x3e: {  	_ =	shalt  }
0x3f: {  	_ =	shalt  }
0x40: {  	_ =	shalt  }
0x41: {  	_ =	shalt  }
0x42: {  	_ =	shalt  }
0x43: {  	_ =	shalt  }
0x44: {  	_ =	shalt  }
0x45: {  	_ =	shalt  }
0x46: {  	_ =	shalt  }
0x47: {  	_ =	shalt  }
0x48: {  	_ =	shalt  }
0x49: {  	_ =	shalt  }
0x4a: {  	_ =	shalt  }
0x4b: {  	_ =	shalt  }
0x4c: {  	_ =	shalt  }
0x4d: {  	_ =	shalt  }
0x4e: {  	_ =	shalt  }
0x4f: {  	_ =	shalt  }
0x50: {  	_ =	shalt  }
0x51: {  	_ =	shalt  }
0x52: {  	_ =	shalt  }
0x53: {  	_ =	shalt  }
0x54: {  	_ =	shalt  }
0x55: {  	_ =	shalt  }
0x56: {  	_ =	shalt  }
0x57: {  	_ =	shalt  }
0x58: {  	_ =	shalt  }
0x59: {  	_ =	shalt  }
0x5a: {  	_ =	shalt  }
0x5b: {  	_ =	shalt  }
0x5c: {  	_ =	shalt  }
0x5d: {  	_ =	shalt  }
0x5e: {  	_ =	shalt  }
0x5f: {  	_ =	shalt  }
0x60: {  	_ =	shalt  }
0x61: {  	_ =	shalt  }
0x62: {  	_ =	shalt  }
0x63: {  	_ =	shalt  }
0x64: {  	_ =	shalt  }
0x65: {  	_ =	shalt  }
0x66: {  	_ =	shalt  }
0x67: {  	_ =	shalt  }
0x68: {  	_ =	shalt  }
0x69: {  	_ =	shalt  }
0x6a: {  	_ =	shalt  }
0x6b: {  	_ =	shalt  }
0x6c: {  	_ =	shalt  }
0x6d: {  	_ =	shalt  }
0x6e: {  	_ =	shalt  }
0x6f: {  	_ =	shalt  }
0x70: {  	_ =	shalt  }
0x71: {  	_ =	shalt  }
0x72: {  	_ =	shalt  }
0x73: {  	_ =	shalt  }
0x74: {  	_ =	shalt  }
0x75: {  	_ =	shalt  }
0x76: {  	_ =	shalt  }
0x77: {  	_ =	shalt  }
0x78: {  	_ =	shalt  }
0x79: {  	_ =	shalt  }
0x7a: {  	_ =	shalt  }
0x7b: {  	_ =	shalt  }
0x7c: {  	_ =	shalt  }
0x7d: {  	_ =	shalt  }
0x7e: {  	_ =	shalt  }
0x7f: {  	_ =	shalt  }
0x80: {  	_ =	shalt  }
0x81: {  	_ =	shalt  }
0x82: {  	_ =	shalt  }
0x83: {  	_ =	shalt  }
0x84: {  	_ =	shalt  }
0x85: {  	_ =	shalt  }
0x86: {  	_ =	shalt  }
0x87: {  	_ =	shalt  }
.Lfunc_end0:
.L_simem_size_0:
called_computation.1_lowered:
.L_overlay_start_0:
0x88: {  	s2 =	sld [smem:$0x3FD9]  }
0x89: {  	s3 =	sld [smem:$0x3FFE];
	_ =	sdelay $0x1  }
0x8a: {  	s1 =	srdreg.scid  }
0x8b: {  	s0 =	sand.u32 $0x1, s1  }
0x8c: {  	s16 =	sshll.u32 s0, $0xA;
	s2 =	sadd.s32 s3, s2  }
0x8d: {  	s2 =	sadd.s32 s2, s16  }
0x8e: {  	[smem:$0x3FC0] =	sst s2  }
0x8f: {  	_ = 	snop  }
0x90: {  	(tm) =	ssettm $0x1  }
0x91: {  	s17 =	sld [smem:$0x3FFB];
	_ =	sdelay $0x3  }
0x92: {  	_ =	strace s17  }
0x93: {  	s2 =	sld [smem:$0x3FFC];
	_ =	sdelay $0x3  }
0x94: {  	_ =	strace s2  }
0x95: {  	s2 =	sld [smem:$0x3FFD];
	_ =	sdelay $0x3  }
0x96: {  	_ =	strace s2  }
0x97: {  	_ =	strace $0x8FFFFFFF  }
0x98: {  	s18 =	sld [smem:$0x3FDB];
	_ =	sdelay $0x1  }
0x99: {  	s19 =	simm.s32 $_scs_section_size  }
0x9a: {  	s4 =	simm.s32 $_size__tile_overlayer_lowered;
	s5 =	simm.s32 $_tile_overlayer_lowered  }
0x9b: {  	s22 =	simm.s32 $0x1BFF;
	s21 =	sshll.u32 s5, $0x1;
	s2 =	sadd.s32 s19, s18  }
0x9c: {  	s6 =	simm.s32 $0x0;
	s20 =	sshll.u32 s4, $0x1;
	s4 =	sadd.s32 s21, s2  }
0x9d: {  	[timem:s6], [sflag:s22] =	dma.local [hbm:s4], s20  }
0x9e: {  	_ =	swait.ge [sflag:s22], s20  }
0x9f: {  	s3 =	ssub.s32 $0x0, s20;
	[sflag:s22] =	ssyncset.done $0x0  }
0xa0: {  	[sflag:s22] =	ssyncadd.s32 s3;
	_ =	sdelay $0x1  }
0xa1: {  	s23 =	simm.s32 $0x1B8B  }
0xa2: {  	_ =	swait.ge [sflag:s23], $0x1  }
0xa3: {  	[sflag:s23] =	ssyncset.done $0x0  }
0xa4: {  	s25 =	simm.s32 $0x1B8E;
	s24 =	sld [smem:$0x3FFE];
	[sflag:s23] =	ssyncadd.s32 $0xFFFFFFFF  }
0xa5: {  	s26 =	simm.s32 $execute0_lowered;
	[smem:$0x3FD2] =	sst s25  }
0xa6: {  	s4 =	sshll.u32 s26, $0x1;
	_ =	strace $0x80000049;
	[dreg:$0x1] =	wrdreg $0xFFFFFFFF  }
0xa7: {  	s28 =	simm.s32 $_size_execute0_lowered;
	s2 =	sadd.s32 s2, s4;
	[dreg:$0x0] =	wrdreg $0x0  }
0xa8: {  	s4 =	sshll.u32 s28, $0x1;
	[dreg:$0x2] =	wrdreg s2  }
0xa9: {  	[dreg:$0x3] =	wrdreg s4  }
0xaa: {  	[dreg:$0x4] =	wrdreg $0xC0  }
0xab: {  	_ =	task [dreg:s6], $0x5FFFF  }
0xac: {  	[dreg:$0x1] =	wrdreg $0xFFFFFFFF  }
0xad: {  	[dreg:$0x0] =	wrdreg $0x60  }
0xae: {  	[dreg:$0x2] =	wrdreg s24  }
0xaf: {  	[dreg:$0x3] =	wrdreg $0x150000  }
0xb0: {  	[dreg:$0x4] =	wrdreg $0x9  }
0xb1: {  	_ =	task.clear_ibuf [dreg:s6], $0x5FFFF;
	_ =	strace $0x90000049  }
0xb2: {  	s29 =	simm.s32 $0x9;
	_ =	strace $0x8000004B  }
0xb3: {  	_ =	swait.ge [sflag:s29], $0x1  }
0xb4: {  	[sflag:s29] =	ssyncadd.s32 $0xFFFFFFFF  }
0xb5: {  	_ =	strace $0x9000004B  }
0xb6: {  	_ =	sfence  }
0xb7: {  	s30 =	sld [smem:$0x0];
	_ =	sdelay $0x2  }
0xb8: {  	s31 =	sshll.u32 s1, $0xD;
	s1 =	sshrl.u32 s1, $0x2  }
0xb9: {  	s3 =	sand.u32 $0x4000, s31;
	s1 =	sadd.s32 s1, s30  }
0xba: {  	s0 =	sor.u32 s3, s0;
	s1 =	sshll.u32 s1, $0x11  }
0xbb: {  	s0 =	sor.u32 s1, s0  }
0xbc: {  	s0 =	sadd.s32 $0x8F2B, s0  }
0xbd: {  	[sflag:s0] =	ssyncadd.remote.s32 $0x1  }
0xbe: {  	_ =	sfence.sel $0xFFFF  }
0xbf: {  	[dreg:$0x0] =	wrdreg $0xFFFFFFFF;
	(pc) =	sbr.abs _section_cstart, $3  }
0xc0: {  	[dreg:$0x1] =	wrdreg $0xFFFFFFFF  }
0xc1: {  	_ =	task.clear_ibuf [dreg:s6], $0x2FFFF;
	_ =	strace $0x9FFFFFFF  }
0xc2: {  	(tm) =	ssettm $0x7FFFFFFF  }
0xc3: {  	_ =	shalt  }
tec
execute0_lowered:
.L_overlay_start_1:
0x0: {  	(tag) =	ssettag $0x1  }
0x1: {  	s0 =	srdreg.scid;
	s1 =	rddreg [dreg:$0x0]  }
0x2: {  	s2 =	rddreg [dreg:$0x1];
	s14 =	stileid.u32;
	s4 =	simm.s32 $0x0  }
0x3: {  	s25 =	simm.s32 $0xD000;
	s26 =	simm.s32 $0x11000;
	s28 =	simm.s32 $0x1  }
0x4: {  	s29 =	simm.s32 $0xF000;
	s30 =	simm.s32 $0x2;
	s31 =	simm.s32 $0x3  }
0x5: {  	s0 =	sand.u32 $0x1, s0;
	[smem:$0x7FF] =	sst s4;
	s6 =	smul.u32 $0x280, s14  }
0x6: {  	s4 =	sadd.s32 $0x3F200, s1;
	s8 =	smul.u32 $0x28000, s14;
	s3 =	sshll.u32 s0, $0x4  }
0x7: {  	_ =	strace $0x8000004A;
	s5 =	ssub.s32 $0x2, s0;
	[dreg:$0x3] =	wrdreg s25  }
0x8: {  	s0 =	smul.u32 $0x140000, s0;
	[dreg:$0x4] =	wrdreg s26;
	s26 =	simm.s32 $0xB000  }
0x9: {  	s3 =	sor.u32 s14, s3;
	s7 =	sshrl.u32 s5, $0x1;
	s13 =	sshrl.u32 s8, $0x2  }
0xa: {  	s11 =	sadd.s32 $0x80, s6;
	s14 =	smul.u32 $0x14000, s14;
	s16 =	sadd.s32 $0x200, s6  }
0xb: {  	s3 =	smul.u32 $0x500, s3;
	s5 =	ssub.s32 s5, s7;
	s7 =	sadd.s32 s13, s2  }
0xc: {  	s15 =	sshll.u32 s11, $0x6;
	s13 =	sadd.s32 $0x180, s6;
	s11 =	sshll.u32 s11, $0x7  }
0xd: {  	s18 =	sshll.u32 s16, $0x6;
	s10 =	sshll.u32 s13, $0x6;
	s8 =	sadd.s32 s15, s2  }
0xe: {  	s17 =	sadd.s32 s14, s0;
	s24 =	smax.u32 s5, $0x1;
	[dreg:$0x7] =	wrdreg s7  }
0xf: {  	s15 =	sadd.s32 s0, s11;
	s11 =	sadd.s32 s18, s2;
	[dreg:$0x11] =	wrdreg s24  }
0x10: {  	s21 =	sshll.u32 s13, $0x7;
	s18 =	simm.s32 $0x11;
	[dreg:$0x8] =	wrdreg s8  }
0x11: {  	s3 =	sadd.s32 s3, s1;
	s10 =	sadd.s32 s10, s2;
	[dreg:$0xb] =	wrdreg s11  }
0x12: {  	s5 =	simm.s32 $0x0;
	s12 =	sadd.s32 $0x21200, s3;
	[dreg:$0xa] =	wrdreg s10  }
0x13: {  	s1 =	sadd.s32 $0x66400, s1;
	s3 =	sadd.s32 $0x35200, s3;
	[dreg:$0x5] =	wrdreg s12  }
0x14: {  	s19 =	sshrl.u32 s15, $0x3;
	s24 =	simm.s32 $0x9000;
	[dreg:$0x6] =	wrdreg s3  }
0x15: {  	s12 =	sadd.s32 $0x100, s6;
	s6 =	sshrl.u32 s17, $0x3;
	s3 =	sshll.u32 s16, $0x7  }
0x16: {  	s9 =	sshll.u32 s12, $0x6;
	s6 =	sadd.s32 s1, s6;
	s20 =	sshll.u32 s12, $0x7  }
0x17: {  	s12 =	sadd.s32 s0, s21;
	s21 =	simm.s32 $0x80;
	s9 =	sadd.s32 s9, s2  }
0x18: {  	[dreg:$0xc] =	wrdreg s6;
	s6 =	sadd.s32 s1, s19;
	s12 =	sshrl.u32 s12, $0x3  }
0x19: {  	s19 =	simm.s32 $0x6;
	[dreg:$0xd] =	wrdreg s6;
	s6 =	sadd.s32 s0, s20  }
0x1a: {  	s0 =	sadd.s32 s0, s3;
	s23 =	sadd.s32 s1, s12;
	[dreg:$0x9] =	wrdreg s9  }
0x1b: {  	s20 =	simm.s32 $0x5000;
	s6 =	sshrl.u32 s6, $0x3;
	[dreg:$0xf] =	wrdreg s23  }
0x1c: {  	s0 =	sshrl.u32 s0, $0x3;
	s23 =	simm.s32 $0x8;
	s22 =	sadd.s32 s1, s6  }
0x1d: {  	s0 =	sadd.s32 s1, s0;
	s1 =	simm.s32 $0x4;
	[dreg:$0xe] =	wrdreg s22  }
0x1e: {  	v0 =	vimm.f32 $0.0e+00;
	[dreg:$0x10] =	wrdreg s0;
	s22 =	simm.s32 $0x7000;
	s0 =	simm.s32 $0x13000  }
.LBB2_1:
0x1f: {  	[dreg:$0x12] =	wrdreg s5  }
0x20: {  	s3 =	simm.s32 $0x0;
	s17 =	rddreg [dreg:$0x5]  }
0x21: {  	[tilespmem:s3], [sflag:$0x11] =	stream.linear.gather [hbm4b:s17+s3], $0x2800, $0x38;
	[tilespmem:$0x1F000] =	vst v63  }
0x22: {  	_ =	swait.ge [sflag:s18], $0x2800  }
0x23: {  	[sflag:s18] =	ssyncset.done $0x0  }
0x24: {  	s6 =	simm.s32 $0x2800;
	s25 =	rddreg [dreg:$0x6];
	[sflag:s18] =	ssyncadd.s32 $0xFFFFD800  }
0x25: {  	[tilespmem:s6], [sflag:$0x11] =	stream.linear.gather [hbm4b:s25+s3], $0x2800, $0x38;
	[tilespmem:$0x1F000] =	vst v63  }
0x26: {  	_ =	swait.ge [sflag:s18], $0x2800  }
0x27: {  	[sflag:s18] =	ssyncset.done $0x0  }
0x28: {  	s5 =	simm.s32 $0x100;
	s3 =	simm.s32 $0x0;
	[sflag:s18] =	ssyncadd.s32 $0xFFFFD800  }
.LBB2_2:
0x29: {  	p0 =	sne.s32 s5, $0x7F00;
	[tilespmem:s3+$0x5030] =	vst v0;
	s6 =	smov.u32 s5;
	s5 =	sadd.s32 $0x100, s5  }
.Ltmp0:
0x2a: {  	[tilespmem:s3+$0x5020] =	vst v0;
	(pc) =	sbr.rel @p0 .LBB2_2-.Ltmp0, $3  }
0x2b: {  	[tilespmem:s3+$0x5000] =	vst v0  }
0x2c: {  	[tilespmem:s3+$0x5010] =	vst v0;
	_ =	sdelay $0x1  }
0x2d: {  	s3 =	sshra.s32 s6, $0x2  }
0x2e: {  	[tilespmem:s3+$0x5030] =	vst v0  }
0x2f: {  	[tilespmem:s3+$0x5020] =	vst v0  }
0x30: {  	[tilespmem:s3+$0x5000] =	vst v0  }
0x31: {  	[tilespmem:s3+$0x5010] =	vst v0  }
0x32: {  	[spmem:s7] =	stream.linear.scatter [tilespmem:s20], [sflag:$0x11], $0x2000, $0x38;
	[tilespmem:$0x1F000] =	vst v63  }
0x33: {  	_ =	swait.ge [sflag:s18], $0x2000  }
0x34: {  	[sflag:s18] =	ssyncset.done $0x0  }
0x35: {  	[sflag:s18] =	ssyncadd.s32 $0xFFFFE000  }
0x36: {  	[spmem:s8] =	stream.linear.scatter [tilespmem:s20], [sflag:$0x11], $0x2000, $0x38;
	[tilespmem:$0x1F000] =	vst v63  }
0x37: {  	_ =	swait.ge [sflag:s18], $0x2000  }
0x38: {  	[sflag:s18] =	ssyncset.done $0x0  }
0x39: {  	[sflag:s18] =	ssyncadd.s32 $0xFFFFE000  }
0x3a: {  	[spmem:s9] =	stream.linear.scatter [tilespmem:s20], [sflag:$0x11], $0x2000, $0x38;
	[tilespmem:$0x1F000] =	vst v63  }
0x3b: {  	_ =	swait.ge [sflag:s18], $0x2000  }
0x3c: {  	[sflag:s18] =	ssyncset.done $0x0  }
0x3d: {  	[sflag:s18] =	ssyncadd.s32 $0xFFFFE000  }
0x3e: {  	[spmem:s10] =	stream.linear.scatter [tilespmem:s20], [sflag:$0x11], $0x2000, $0x38;
	[tilespmem:$0x1F000] =	vst v63  }
0x3f: {  	_ =	swait.ge [sflag:s18], $0x2000  }
0x40: {  	[sflag:s18] =	ssyncset.done $0x0  }
0x41: {  	[sflag:s18] =	ssyncadd.s32 $0xFFFFE000  }
0x42: {  	[spmem:s11] =	stream.linear.scatter [tilespmem:s20], [sflag:$0x11], $0x2000, $0x38;
	[tilespmem:$0x1F000] =	vst v63  }
0x43: {  	_ =	swait.ge [sflag:s18], $0x2000  }
0x44: {  	[sflag:s18] =	ssyncset.done $0x0  }
0x45: {  	[sflag:s18] =	ssyncadd.s32 $0xFFFFE000  }
0x46: {  	s6 =	simm.s32 $0x0;
	[bflag:$0x0] =	sbarrier.arrive $0xFFFF  }
0x47: {  	[tilespmem:s20], [sflag:$0x1] =	stream.indirect.gather [hbm4b:s4+s21], $0x40, s6, s21, $0xb8;
	[tilespmem:$0x1F000] =	vst v63  }
0x48: {  	_ = 	snop  }
0x49: {  	[tilespmem:s22], [sflag:$0x2] =	stream.indirect.gather [hbm4b:s4+s21], $0x40, s21, s21, $0xb8;
	[tilespmem:$0x1F000] =	vst v63  }
0x4a: {  	p0 =	por $0x1, $0x1;
	s7 =	simm.s32 $0x100  }
0x4b: {  	[tilespmem:s24], [sflag:$0x3] =	stream.indirect.gather [hbm4b:s4+s21], $0x40, s7, s21, $0xb8;
	[tilespmem:$0x1F000] =	vst v63  }
0x4c: {  	s3 =	simm.s32 @!p0 $0xD;
	s8 =	simm.s32 $0x180  }
0x4d: {  	[tilespmem:s26], [sflag:$0x4] =	stream.indirect.gather [hbm4b:s4+s21], $0x40, s8, s21, $0xb8;
	[tilespmem:$0x1F000] =	vst v63  }
0x4e: {  	_ =	swait.ge @!p0 [sflag:s3], $0x2000  }
0x4f: {  	[sflag:s3] =	ssyncset.done @!p0 $0x0  }
0x50: {  	s9 =	simm.s32 $0x200;
	s5 =	rddreg [dreg:$0x3];
	[sflag:s3] =	ssyncadd.s32 @!p0 $0xFFFFE000  }
0x51: {  	[tilespmem:s5], [sflag:$0x5] =	stream.indirect.gather [hbm4b:s4+s21], $0x40, s9, s21, $0xb8;
	[tilespmem:$0x1F000] =	vst v63  }
0x52: {  	_ =	swait.ge [sflag:s28], $0x2000  }
0x53: {  	[sflag:s28] =	ssyncset.done $0x0  }
0x54: {  	s10 =	simm.s32 $0x2800;
	s5 =	simm.s32 @!p0 $0xE;
	[sflag:s28] =	ssyncadd.s32 $0xFFFFE000  }
0x55: {  	[spmem:s2] =	stream.indirect.scatter.add.f32 [tilespmem:s20], [sflag:$0x9], $0x40, s10, s21, $0xb8;
	[tilespmem:$0x1F000] =	vst v63  }
0x56: {  	_ =	swait.ge @!p0 [sflag:s5], $0x2000  }
0x57: {  	[sflag:s5] =	ssyncset.done @!p0 $0x0  }
0x58: {  	s11 =	simm.s32 $0x280;
	[sflag:s5] =	ssyncadd.s32 @!p0 $0xFFFFE000  }
0x59: {  	[tilespmem:s29], [sflag:$0x6] =	stream.indirect.gather [hbm4b:s4+s21], $0x40, s11, s21, $0xb8;
	[tilespmem:$0x1F000] =	vst v63  }
0x5a: {  	_ =	swait.ge [sflag:s30], $0x2000  }
0x5b: {  	[sflag:s30] =	ssyncset.done $0x0  }
0x5c: {  	s12 =	simm.s32 $0x2880;
	s5 =	simm.s32 @!p0 $0xF;
	[sflag:s30] =	ssyncadd.s32 $0xFFFFE000  }
0x5d: {  	[spmem:s2] =	stream.indirect.scatter.add.f32 [tilespmem:s22], [sflag:$0xA], $0x40, s12, s21, $0xb8;
	[tilespmem:$0x1F000] =	vst v63  }
0x5e: {  	_ =	swait.ge @!p0 [sflag:s5], $0x2000  }
0x5f: {  	[sflag:s5] =	ssyncset.done @!p0 $0x0  }
0x60: {  	s14 =	simm.s32 $0x300;
	s13 =	rddreg [dreg:$0x4];
	[sflag:s5] =	ssyncadd.s32 @!p0 $0xFFFFE000  }
0x61: {  	[tilespmem:s13], [sflag:$0x7] =	stream.indirect.gather [hbm4b:s4+s21], $0x40, s14, s21, $0xb8;
	[tilespmem:$0x1F000] =	vst v63  }
0x62: {  	_ =	swait.ge [sflag:s31], $0x2000  }
0x63: {  	[sflag:s31] =	ssyncset.done $0x0  }
0x64: {  	s15 =	simm.s32 $0x2900;
	s5 =	simm.s32 @!p0 $0x10;
	[sflag:s31] =	ssyncadd.s32 $0xFFFFE000  }
0x65: {  	[spmem:s2] =	stream.indirect.scatter.add.f32 [tilespmem:s24], [sflag:$0xB], $0x40, s15, s21, $0xb8;
	[tilespmem:$0x1F000] =	vst v63  }
0x66: {  	_ =	swait.ge @!p0 [sflag:s5], $0x2000  }
0x67: {  	[sflag:s5] =	ssyncset.done @!p0 $0x0  }
0x68: {  	s16 =	simm.s32 $0x380;
	[sflag:s5] =	ssyncadd.s32 @!p0 $0xFFFFE000  }
0x69: {  	[tilespmem:s0], [sflag:$0x8] =	stream.indirect.gather [hbm4b:s4+s21], $0x40, s16, s21, $0xb8;
	[tilespmem:$0x1F000] =	vst v63  }
0x6a: {  	_ =	swait.ge [sflag:s1], $0x2000  }
0x6b: {  	p0 =	por $0x0, $0x0;
	[sflag:s1] =	ssyncset.done $0x0  }
0x6c: {  	s17 =	simm.s32 $0x2980;
	s5 =	simm.s32 @p0 $0x5;
	[sflag:s1] =	ssyncadd.s32 $0xFFFFE000  }
0x6d: {  	[spmem:s2] =	stream.indirect.scatter.add.f32 [tilespmem:s26], [sflag:$0xC], $0x40, s17, s21, $0xb8;
	[tilespmem:$0x1F000] =	vst v63  }
0x6e: {  	_ =	swait.ge @p0 [sflag:s5], $0x2000  }
0x6f: {  	s3 =	simm.s32 @p0 $0x2A00;
	s6 =	simm.s32 @p0 $0x80;
	[sflag:s5] =	ssyncset.done @p0 $0x0  }
0x70: {  	s12 =	simm.s32 @p0 $0xD000;
	[sflag:s5] =	ssyncadd.s32 @p0 $0xFFFFE000;
	s5 =	simm.s32 @!p0 $0x9  }
0x71: {  	[spmem:s2] =	stream.indirect.scatter.add.f32 @p0 [tilespmem:s12], [sflag:$0xD], $0x40, s3, s6, $0xb8;
	[tilespmem:$0x1F000] =	vst v63  }
0x72: {  	_ =	swait.ge @!p0 [sflag:s5], $0x2000  }
0x73: {  	s3 =	simm.s32 @!p0 $0x400;
	[sflag:s5] =	ssyncset.done @!p0 $0x0  }
0x74: {  	s12 =	simm.s32 @!p0 $0x80;
	[sflag:s5] =	ssyncadd.s32 @!p0 $0xFFFFE000;
	s5 =	simm.s32 @!p0 $0x5000  }
0x75: {  	[tilespmem:s5], [sflag:$0x1] =	stream.indirect.gather @!p0 [hbm4b:s4+s12], $0x40, s3, s12, $0xb8;
	[tilespmem:$0x1F000] =	vst v63  }
0x76: {  	s3 =	simm.s32 @!p0 $0x5  }
0x77: {  	_ =	swait.ge @!p0 [sflag:s3], $0x2000  }
0x78: {  	[sflag:s3] =	ssyncset.done @!p0 $0x0  }
0x79: {  	s5 =	simm.s32 @!p0 $0x2A00;
	[sflag:s3] =	ssyncadd.s32 @!p0 $0xFFFFE000;
	s3 =	simm.s32 @!p0 $0xD000  }
0x7a: {  	[spmem:s2] =	stream.indirect.scatter.add.f32 @!p0 [tilespmem:s3], [sflag:$0xD], $0x40, s5, s12, $0xb8;
	[tilespmem:$0x1F000] =	vst v63  }
0x7b: {  	s3 =	simm.s32 @!p0 $0xA  }
0x7c: {  	_ =	swait.ge @!p0 [sflag:s3], $0x2000  }
0x7d: {  	[sflag:s3] =	ssyncset.done @!p0 $0x0  }
0x7e: {  	s5 =	simm.s32 @!p0 $0x480;
	[sflag:s3] =	ssyncadd.s32 @!p0 $0xFFFFE000;
	s3 =	simm.s32 @!p0 $0x7000  }
0x7f: {  	[tilespmem:s3], [sflag:$0x2] =	stream.indirect.gather @!p0 [hbm4b:s4+s12], $0x40, s5, s12, $0xb8;
	[tilespmem:$0x1F000] =	vst v63  }
0x80: {  	_ =	swait.ge [sflag:s19], $0x2000  }
0x81: {  	[sflag:s19] =	ssyncset.done $0x0  }
0x82: {  	s25 =	simm.s32 $0x2A80;
	s5 =	simm.s32 @p0 $0x7;
	[sflag:s19] =	ssyncadd.s32 $0xFFFFE000  }
0x83: {  	[spmem:s2] =	stream.indirect.scatter.add.f32 [tilespmem:s29], [sflag:$0xE], $0x40, s25, s21, $0xb8;
	[tilespmem:$0x1F000] =	vst v63  }
0x84: {  	_ =	swait.ge @p0 [sflag:s5], $0x2000  }
0x85: {  	[sflag:s5] =	ssyncset.done @p0 $0x0  }
0x86: {  	s3 =	simm.s32 @p0 $0x2B00;
	[sflag:s5] =	ssyncadd.s32 @p0 $0xFFFFE000;
	s5 =	simm.s32 @p0 $0x11000  }
0x87: {  	[spmem:s2] =	stream.indirect.scatter.add.f32 @p0 [tilespmem:s5], [sflag:$0xF], $0x40, s3, s6, $0xb8;
	[tilespmem:$0x1F000] =	vst v63  }
0x88: {  	s3 =	simm.s32 @!p0 $0xB  }
0x89: {  	_ =	swait.ge @!p0 [sflag:s3], $0x2000  }
0x8a: {  	[sflag:s3] =	ssyncset.done @!p0 $0x0  }
0x8b: {  	s5 =	simm.s32 @!p0 $0x500;
	[sflag:s3] =	ssyncadd.s32 @!p0 $0xFFFFE000;
	s3 =	simm.s32 @!p0 $0x9000  }
0x8c: {  	[tilespmem:s3], [sflag:$0x3] =	stream.indirect.gather @!p0 [hbm4b:s4+s12], $0x40, s5, s12, $0xb8;
	[tilespmem:$0x1F000] =	vst v63  }
0x8d: {  	s3 =	simm.s32 @!p0 $0x7  }
0x8e: {  	_ =	swait.ge @!p0 [sflag:s3], $0x2000  }
0x8f: {  	[sflag:s3] =	ssyncset.done @!p0 $0x0  }
0x90: {  	s5 =	simm.s32 @!p0 $0x2B00;
	[sflag:s3] =	ssyncadd.s32 @!p0 $0xFFFFE000;
	s3 =	simm.s32 @!p0 $0x11000  }
0x91: {  	[spmem:s2] =	stream.indirect.scatter.add.f32 @!p0 [tilespmem:s3], [sflag:$0xF], $0x40, s5, s12, $0xb8;
	[tilespmem:$0x1F000] =	vst v63  }
0x92: {  	s3 =	simm.s32 @!p0 $0xC  }
0x93: {  	_ =	swait.ge @!p0 [sflag:s3], $0x2000  }
0x94: {  	p1 =	por $0x0, $0x0;
	s25 =	simm.s32 $0x1000;
	[sflag:s3] =	ssyncset.done @!p0 $0x0  }
0x95: {  	s5 =	simm.s32 @!p0 $0x580;
	[sflag:s3] =	ssyncadd.s32 @!p0 $0xFFFFE000;
	s3 =	simm.s32 @!p0 $0xB000  }
0x96: {  	[tilespmem:s3], [sflag:$0x4] =	stream.indirect.gather @!p0 [hbm4b:s4+s12], $0x40, s5, s12, $0xb8;
	[tilespmem:$0x1F000] =	vst v63  }
0x97: {  	s3 =	simm.s32 $0x2000;
	s5 =	simm.s32 $0x2B80;
	_ =	swait.ge [sflag:s23], $0x2000  }
.LBB2_4:
0x98: {  	[sflag:s23] =	ssyncset.done $0x0  }
0x99: {  	s13 =	simm.s32 @!p1 $0xD;
	[sflag:s23] =	ssyncadd.s32 $0xFFFFE000  }
0x9a: {  	[spmem:s2] =	stream.indirect.scatter.add.f32 [tilespmem:s0], [sflag:$0x10], $0x40, s5, s21, $0xb8;
	[tilespmem:$0x1F000] =	vst v63  }
0x9b: {  	_ =	swait.ge @!p1 [sflag:s13], $0x2000  }
0x9c: {  	s6 =	sshra.s32 s25, $0x2;
	[sflag:s13] =	ssyncset.done @!p1 $0x0  }
0x9d: {  	s17 =	sadd.s32 $0x200, s6;
	s14 =	rddreg [dreg:$0x3];
	[sflag:s13] =	ssyncadd.s32 @!p1 $0xFFFFE000  }
0x9e: {  	[tilespmem:s14], [sflag:$0x5] =	stream.indirect.gather [hbm4b:s4+s21], $0x40, s17, s21, $0xb8;
	[tilespmem:$0x1F000] =	vst v63  }
0x9f: {  	_ =	swait.ge [sflag:s28], $0x2000  }
0xa0: {  	[sflag:s28] =	ssyncset.done $0x0  }
0xa1: {  	s7 =	sadd.s32 $0x2800, s6;
	s14 =	simm.s32 @!p1 $0xE;
	[sflag:s28] =	ssyncadd.s32 $0xFFFFE000  }
0xa2: {  	[spmem:s2] =	stream.indirect.scatter.add.f32 [tilespmem:s20], [sflag:$0x9], $0x40, s7, s21, $0xb8;
	[tilespmem:$0x1F000] =	vst v63  }
0xa3: {  	_ =	swait.ge @!p1 [sflag:s14], $0x2000  }
0xa4: {  	[sflag:s14] =	ssyncset.done @!p1 $0x0  }
0xa5: {  	s8 =	sadd.s32 $0x280, s6;
	[sflag:s14] =	ssyncadd.s32 @!p1 $0xFFFFE000  }
0xa6: {  	[tilespmem:s29], [sflag:$0x6] =	stream.indirect.gather [hbm4b:s4+s21], $0x40, s8, s21, $0xb8;
	[tilespmem:$0x1F000] =	vst v63  }
0xa7: {  	_ =	swait.ge [sflag:s30], $0x2000  }
0xa8: {  	[sflag:s30] =	ssyncset.done $0x0  }
0xa9: {  	s9 =	sadd.s32 $0x2880, s6;
	s14 =	simm.s32 @!p1 $0xF;
	[sflag:s30] =	ssyncadd.s32 $0xFFFFE000  }
0xaa: {  	[spmem:s2] =	stream.indirect.scatter.add.f32 [tilespmem:s22], [sflag:$0xA], $0x40, s9, s21, $0xb8;
	[tilespmem:$0x1F000] =	vst v63  }
0xab: {  	_ =	swait.ge @!p1 [sflag:s14], $0x2000  }
0xac: {  	[sflag:s14] =	ssyncset.done @!p1 $0x0  }
0xad: {  	s11 =	sadd.s32 $0x300, s6;
	s10 =	rddreg [dreg:$0x4];
	[sflag:s14] =	ssyncadd.s32 @!p1 $0xFFFFE000  }
0xae: {  	[tilespmem:s10], [sflag:$0x7] =	stream.indirect.gather [hbm4b:s4+s21], $0x40, s11, s21, $0xb8;
	[tilespmem:$0x1F000] =	vst v63  }
0xaf: {  	_ =	swait.ge [sflag:s31], $0x2000  }
0xb0: {  	[sflag:s31] =	ssyncset.done $0x0  }
0xb1: {  	s15 =	sadd.s32 $0x2900, s6;
	s14 =	simm.s32 @!p1 $0x10;
	[sflag:s31] =	ssyncadd.s32 $0xFFFFE000  }
0xb2: {  	[spmem:s2] =	stream.indirect.scatter.add.f32 [tilespmem:s24], [sflag:$0xB], $0x40, s15, s21, $0xb8;
	[tilespmem:$0x1F000] =	vst v63  }
0xb3: {  	_ =	swait.ge @!p1 [sflag:s14], $0x2000  }
0xb4: {  	[sflag:s14] =	ssyncset.done @!p1 $0x0  }
0xb5: {  	s16 =	sadd.s32 $0x380, s6;
	[sflag:s14] =	ssyncadd.s32 @!p1 $0xFFFFE000  }
0xb6: {  	[tilespmem:s0], [sflag:$0x8] =	stream.indirect.gather [hbm4b:s4+s21], $0x40, s16, s21, $0xb8;
	[tilespmem:$0x1F000] =	vst v63  }
0xb7: {  	_ =	swait.ge [sflag:s1], $0x2000  }
0xb8: {  	p1 =	seq.s32 s25, $0x9000;
	[sflag:s1] =	ssyncset.done $0x0  }
0xb9: {  	s17 =	sadd.s32 $0x2980, s6;
	s15 =	simm.s32 @p1 $0x5;
	[sflag:s1] =	ssyncadd.s32 $0xFFFFE000  }
0xba: {  	[spmem:s2] =	stream.indirect.scatter.add.f32 [tilespmem:s26], [sflag:$0xC], $0x40, s17, s21, $0xb8;
	[tilespmem:$0x1F000] =	vst v63  }
0xbb: {  	s7 =	sshra.s32 @p1 s25, $0x2;
	_ =	swait.ge @p1 [sflag:s15], $0x2000  }
0xbc: {  	s14 =	simm.s32 @p1 $0x80;
	s8 =	simm.s32 @p1 $0xD000;
	[sflag:s15] =	ssyncset.done @p1 $0x0  }
0xbd: {  	s13 =	sadd.s32 @p1 $0x2A00, s7;
	[sflag:s15] =	ssyncadd.s32 @p1 $0xFFFFE000;
	s15 =	simm.s32 @!p1 $0x9  }
0xbe: {  	[spmem:s2] =	stream.indirect.scatter.add.f32 @p1 [tilespmem:s8], [sflag:$0xD], $0x40, s13, s14, $0xb8;
	[tilespmem:$0x1F000] =	vst v63  }
0xbf: {  	s25 =	sshra.s32 @!p1 s25, $0x2;
	_ =	swait.ge @!p1 [sflag:s15], $0x2000  }
0xc0: {  	s11 =	simm.s32 @!p1 $0x5000;
	s16 =	simm.s32 @!p1 $0x5;
	[sflag:s15] =	ssyncset.done @!p1 $0x0  }
0xc1: {  	s9 =	sadd.s32 @!p1 $0x400, s25;
	s13 =	simm.s32 @!p1 $0x80;
	[sflag:s15] =	ssyncadd.s32 @!p1 $0xFFFFE000  }
0xc2: {  	[tilespmem:s11], [sflag:$0x1] =	stream.indirect.gather @!p1 [hbm4b:s4+s13], $0x40, s9, s13, $0xb8;
	[tilespmem:$0x1F000] =	vst v63  }
0xc3: {  	_ =	swait.ge @!p1 [sflag:s16], $0x2000  }
0xc4: {  	s17 =	simm.s32 @!p1 $0xD000;
	[sflag:s16] =	ssyncset.done @!p1 $0x0  }
0xc5: {  	s8 =	sadd.s32 @!p1 $0x2A00, s25;
	[sflag:s16] =	ssyncadd.s32 @!p1 $0xFFFFE000;
	s16 =	simm.s32 @!p1 $0xA  }
0xc6: {  	[spmem:s2] =	stream.indirect.scatter.add.f32 @!p1 [tilespmem:s17], [sflag:$0xD], $0x40, s8, s13, $0xb8;
	[tilespmem:$0x1F000] =	vst v63  }
0xc7: {  	_ =	swait.ge @!p1 [sflag:s16], $0x2000  }
0xc8: {  	[sflag:s16] =	ssyncset.done @!p1 $0x0  }
0xc9: {  	s10 =	sadd.s32 @!p1 $0x480, s25;
	s8 =	simm.s32 @!p1 $0x7000;
	[sflag:s16] =	ssyncadd.s32 @!p1 $0xFFFFE000  }
0xca: {  	[tilespmem:s8], [sflag:$0x2] =	stream.indirect.gather @!p1 [hbm4b:s4+s13], $0x40, s10, s13, $0xb8;
	[tilespmem:$0x1F000] =	vst v63  }
0xcb: {  	_ =	swait.ge [sflag:s19], $0x2000  }
0xcc: {  	s5 =	sadd.s32 $0x2B80, s6;
	[sflag:s19] =	ssyncset.done $0x0  }
0xcd: {  	s6 =	sadd.s32 $0x2A80, s6;
	s8 =	simm.s32 @p1 $0x7;
	[sflag:s19] =	ssyncadd.s32 $0xFFFFE000  }
0xce: {  	[spmem:s2] =	stream.indirect.scatter.add.f32 [tilespmem:s29], [sflag:$0xE], $0x40, s6, s21, $0xb8;
	[tilespmem:$0x1F000] =	vst v63  }
0xcf: {  	_ =	swait.ge @p1 [sflag:s8], $0x2000  }
0xd0: {  	s7 =	sadd.s32 @p1 $0x2B00, s7;
	[sflag:s8] =	ssyncset.done @p1 $0x0  }
0xd1: {  	s6 =	simm.s32 @p1 $0x11000;
	[sflag:s8] =	ssyncadd.s32 @p1 $0xFFFFE000;
	s8 =	simm.s32 @!p1 $0xB  }
0xd2: {  	[spmem:s2] =	stream.indirect.scatter.add.f32 @p1 [tilespmem:s6], [sflag:$0xF], $0x40, s7, s14, $0xb8;
	[tilespmem:$0x1F000] =	vst v63  }
0xd3: {  	_ =	swait.ge @!p1 [sflag:s8], $0x2000  }
0xd4: {  	s9 =	sadd.s32 @!p1 $0x500, s25;
	[sflag:s8] =	ssyncset.done @!p1 $0x0  }
0xd5: {  	s6 =	simm.s32 @!p1 $0x9000;
	s7 =	simm.s32 @!p1 $0x7;
	[sflag:s8] =	ssyncadd.s32 @!p1 $0xFFFFE000  }
0xd6: {  	[tilespmem:s6], [sflag:$0x3] =	stream.indirect.gather @!p1 [hbm4b:s4+s13], $0x40, s9, s13, $0xb8;
	[tilespmem:$0x1F000] =	vst v63  }
0xd7: {  	s12 =	smov.u32 s3;
	s3 =	sadd.s32 $0x1000, s3;
	_ =	swait.ge @!p1 [sflag:s7], $0x2000  }
0xd8: {  	p0 =	sne.s32 s3, $0xA000;
	s11 =	sadd.s32 @!p1 $0x2B00, s25;
	[sflag:s7] =	ssyncset.done @!p1 $0x0  }
0xd9: {  	s6 =	simm.s32 @!p1 $0x11000;
	[sflag:s7] =	ssyncadd.s32 @!p1 $0xFFFFE000;
	s7 =	simm.s32 @!p1 $0xC  }
0xda: {  	[spmem:s2] =	stream.indirect.scatter.add.f32 @!p1 [tilespmem:s6], [sflag:$0xF], $0x40, s11, s13, $0xb8;
	[tilespmem:$0x1F000] =	vst v63  }
.Ltmp1:
0xdb: {  	_ =	swait.ge @!p1 [sflag:s7], $0x2000;
	(pc) =	sbr.rel @p0 .LBB2_4-.Ltmp1, $4  }
0xdc: {  	s15 =	sadd.s32 @!p1 $0x580, s25;
	[sflag:s7] =	ssyncset.done @!p1 $0x0  }
0xdd: {  	s25 =	smov.u32 s12;
	s6 =	simm.s32 @!p1 $0xB000;
	[sflag:s7] =	ssyncadd.s32 @!p1 $0xFFFFE000  }
0xde: {  	[tilespmem:s6], [sflag:$0x4] =	stream.indirect.gather @!p1 [hbm4b:s4+s13], $0x40, s15, s13, $0xb8;
	[tilespmem:$0x1F000] =	vst v63  }
0xdf: {  	p1 =	seq.s32 s25, $0x0;
	_ =	swait.ge [sflag:s23], $0x2000  }
0xe0: {  	[sflag:s23] =	ssyncset.done $0x0  }
0xe1: {  	s6 =	simm.s32 @!p1 $0xD;
	[sflag:s23] =	ssyncadd.s32 $0xFFFFE000  }
0xe2: {  	[spmem:s2] =	stream.indirect.scatter.add.f32 [tilespmem:s0], [sflag:$0x10], $0x40, s5, s21, $0xb8;
	[tilespmem:$0x1F000] =	vst v63  }
0xe3: {  	_ =	swait.ge @!p1 [sflag:s6], $0x2000  }
0xe4: {  	s3 =	sshra.s32 s25, $0x2;
	[sflag:s6] =	ssyncset.done @!p1 $0x0  }
0xe5: {  	s7 =	sadd.s32 $0x200, s3;
	s17 =	rddreg [dreg:$0x3];
	[sflag:s6] =	ssyncadd.s32 @!p1 $0xFFFFE000  }
0xe6: {  	[tilespmem:s17], [sflag:$0x5] =	stream.indirect.gather [hbm4b:s4+s21], $0x40, s7, s21, $0xb8;
	[tilespmem:$0x1F000] =	vst v63  }
0xe7: {  	_ =	swait.ge [sflag:s28], $0x2000  }
0xe8: {  	[sflag:s28] =	ssyncset.done $0x0  }
0xe9: {  	s8 =	sadd.s32 $0x2800, s3;
	s6 =	simm.s32 @!p1 $0xE;
	[sflag:s28] =	ssyncadd.s32 $0xFFFFE000  }
0xea: {  	[spmem:s2] =	stream.indirect.scatter.add.f32 [tilespmem:s20], [sflag:$0x9], $0x40, s8, s21, $0xb8;
	[tilespmem:$0x1F000] =	vst v63  }
0xeb: {  	_ =	swait.ge @!p1 [sflag:s6], $0x2000  }
0xec: {  	[sflag:s6] =	ssyncset.done @!p1 $0x0  }
0xed: {  	s9 =	sadd.s32 $0x280, s3;
	[sflag:s6] =	ssyncadd.s32 @!p1 $0xFFFFE000  }
0xee: {  	[tilespmem:s29], [sflag:$0x6] =	stream.indirect.gather [hbm4b:s4+s21], $0x40, s9, s21, $0xb8;
	[tilespmem:$0x1F000] =	vst v63  }
0xef: {  	_ =	swait.ge [sflag:s30], $0x2000  }
0xf0: {  	[sflag:s30] =	ssyncset.done $0x0  }
0xf1: {  	s10 =	sadd.s32 $0x2880, s3;
	s6 =	simm.s32 @!p1 $0xF;
	[sflag:s30] =	ssyncadd.s32 $0xFFFFE000  }
0xf2: {  	[spmem:s2] =	stream.indirect.scatter.add.f32 [tilespmem:s22], [sflag:$0xA], $0x40, s10, s21, $0xb8;
	[tilespmem:$0x1F000] =	vst v63  }
0xf3: {  	_ =	swait.ge @!p1 [sflag:s6], $0x2000  }
0xf4: {  	[sflag:s6] =	ssyncset.done @!p1 $0x0  }
0xf5: {  	s12 =	sadd.s32 $0x300, s3;
	s11 =	rddreg [dreg:$0x4];
	[sflag:s6] =	ssyncadd.s32 @!p1 $0xFFFFE000  }
0xf6: {  	[tilespmem:s11], [sflag:$0x7] =	stream.indirect.gather [hbm4b:s4+s21], $0x40, s12, s21, $0xb8;
	[tilespmem:$0x1F000] =	vst v63  }
0xf7: {  	_ =	swait.ge [sflag:s31], $0x2000  }
0xf8: {  	[sflag:s31] =	ssyncset.done $0x0  }
0xf9: {  	s13 =	sadd.s32 $0x2900, s3;
	s6 =	simm.s32 @!p1 $0x10;
	[sflag:s31] =	ssyncadd.s32 $0xFFFFE000  }
0xfa: {  	[spmem:s2] =	stream.indirect.scatter.add.f32 [tilespmem:s24], [sflag:$0xB], $0x40, s13, s21, $0xb8;
	[tilespmem:$0x1F000] =	vst v63  }
0xfb: {  	_ =	swait.ge @!p1 [sflag:s6], $0x2000  }
0xfc: {  	[sflag:s6] =	ssyncset.done @!p1 $0x0  }
0xfd: {  	s14 =	sadd.s32 $0x380, s3;
	[sflag:s6] =	ssyncadd.s32 @!p1 $0xFFFFE000  }
0xfe: {  	[tilespmem:s0], [sflag:$0x8] =	stream.indirect.gather [hbm4b:s4+s21], $0x40, s14, s21, $0xb8;
	[tilespmem:$0x1F000] =	vst v63  }
0xff: {  	_ =	swait.ge [sflag:s1], $0x2000  }
0x100: {  	p0 =	seq.s32 s25, $0x9000;
	[sflag:s1] =	ssyncset.done $0x0  }
0x101: {  	s15 =	sadd.s32 $0x2980, s3;
	s6 =	simm.s32 @p0 $0x5;
	[sflag:s1] =	ssyncadd.s32 $0xFFFFE000  }
0x102: {  	[spmem:s2] =	stream.indirect.scatter.add.f32 [tilespmem:s26], [sflag:$0xC], $0x40, s15, s21, $0xb8;
	[tilespmem:$0x1F000] =	vst v63  }
0x103: {  	s5 =	sshra.s32 @p0 s25, $0x2;
	_ =	swait.ge @p0 [sflag:s6], $0x2000  }
0x104: {  	s7 =	sadd.s32 @p0 $0x2A00, s5;
	s8 =	simm.s32 @p0 $0x80;
	[sflag:s6] =	ssyncset.done @p0 $0x0  }
0x105: {  	s9 =	simm.s32 @p0 $0xD000;
	[sflag:s6] =	ssyncadd.s32 @p0 $0xFFFFE000;
	s6 =	simm.s32 @!p0 $0x9  }
0x106: {  	[spmem:s2] =	stream.indirect.scatter.add.f32 @p0 [tilespmem:s9], [sflag:$0xD], $0x40, s7, s8, $0xb8;
	[tilespmem:$0x1F000] =	vst v63  }
0x107: {  	_ =	swait.ge @!p0 [sflag:s6], $0x2000  }
0x108: {  	s10 =	simm.s32 @!p0 $0x80;
	s7 =	sshra.s32 @!p0 s25, $0x2;
	[sflag:s6] =	ssyncset.done @!p0 $0x0  }
0x109: {  	s9 =	sadd.s32 @!p0 $0x400, s7;
	[sflag:s6] =	ssyncadd.s32 @!p0 $0xFFFFE000;
	s6 =	simm.s32 @!p0 $0x5000  }
0x10a: {  	[tilespmem:s6], [sflag:$0x1] =	stream.indirect.gather @!p0 [hbm4b:s4+s10], $0x40, s9, s10, $0xb8;
	[tilespmem:$0x1F000] =	vst v63  }
0x10b: {  	s6 =	simm.s32 @!p0 $0x5  }
0x10c: {  	_ =	swait.ge @!p0 [sflag:s6], $0x2000  }
0x10d: {  	[sflag:s6] =	ssyncset.done @!p0 $0x0  }
0x10e: {  	s9 =	sadd.s32 @!p0 $0x2A00, s7;
	[sflag:s6] =	ssyncadd.s32 @!p0 $0xFFFFE000;
	s6 =	simm.s32 @!p0 $0xD000  }
0x10f: {  	[spmem:s2] =	stream.indirect.scatter.add.f32 @!p0 [tilespmem:s6], [sflag:$0xD], $0x40, s9, s10, $0xb8;
	[tilespmem:$0x1F000] =	vst v63  }
0x110: {  	s6 =	simm.s32 @!p0 $0xA  }
0x111: {  	_ =	swait.ge @!p0 [sflag:s6], $0x2000  }
0x112: {  	[sflag:s6] =	ssyncset.done @!p0 $0x0  }
0x113: {  	s9 =	sadd.s32 @!p0 $0x480, s7;
	[sflag:s6] =	ssyncadd.s32 @!p0 $0xFFFFE000;
	s6 =	simm.s32 @!p0 $0x7000  }
0x114: {  	[tilespmem:s6], [sflag:$0x2] =	stream.indirect.gather @!p0 [hbm4b:s4+s10], $0x40, s9, s10, $0xb8;
	[tilespmem:$0x1F000] =	vst v63  }
0x115: {  	_ =	swait.ge [sflag:s19], $0x2000  }
0x116: {  	[sflag:s19] =	ssyncset.done $0x0  }
0x117: {  	s16 =	sadd.s32 $0x2A80, s3;
	s6 =	simm.s32 @p0 $0x7;
	[sflag:s19] =	ssyncadd.s32 $0xFFFFE000  }
0x118: {  	[spmem:s2] =	stream.indirect.scatter.add.f32 [tilespmem:s29], [sflag:$0xE], $0x40, s16, s21, $0xb8;
	[tilespmem:$0x1F000] =	vst v63  }
0x119: {  	_ =	swait.ge @p0 [sflag:s6], $0x2000  }
0x11a: {  	[sflag:s6] =	ssyncset.done @p0 $0x0  }
0x11b: {  	s5 =	sadd.s32 @p0 $0x2B00, s5;
	[sflag:s6] =	ssyncadd.s32 @p0 $0xFFFFE000;
	s6 =	simm.s32 @p0 $0x11000  }
0x11c: {  	[spmem:s2] =	stream.indirect.scatter.add.f32 @p0 [tilespmem:s6], [sflag:$0xF], $0x40, s5, s8, $0xb8;
	[tilespmem:$0x1F000] =	vst v63  }
0x11d: {  	s5 =	simm.s32 @!p0 $0xB  }
0x11e: {  	_ =	swait.ge @!p0 [sflag:s5], $0x2000  }
0x11f: {  	[sflag:s5] =	ssyncset.done @!p0 $0x0  }
0x120: {  	s6 =	sadd.s32 @!p0 $0x500, s7;
	[sflag:s5] =	ssyncadd.s32 @!p0 $0xFFFFE000;
	s5 =	simm.s32 @!p0 $0x9000  }
0x121: {  	[tilespmem:s5], [sflag:$0x3] =	stream.indirect.gather @!p0 [hbm4b:s4+s10], $0x40, s6, s10, $0xb8;
	[tilespmem:$0x1F000] =	vst v63  }
0x122: {  	s5 =	simm.s32 @!p0 $0x7  }
0x123: {  	_ =	swait.ge @!p0 [sflag:s5], $0x2000  }
0x124: {  	[sflag:s5] =	ssyncset.done @!p0 $0x0  }
0x125: {  	s6 =	sadd.s32 @!p0 $0x2B00, s7;
	[sflag:s5] =	ssyncadd.s32 @!p0 $0xFFFFE000;
	s5 =	simm.s32 @!p0 $0x11000  }
0x126: {  	[spmem:s2] =	stream.indirect.scatter.add.f32 @!p0 [tilespmem:s5], [sflag:$0xF], $0x40, s6, s10, $0xb8;
	[tilespmem:$0x1F000] =	vst v63  }
0x127: {  	s5 =	simm.s32 @!p0 $0xC  }
0x128: {  	_ =	swait.ge @!p0 [sflag:s5], $0x2000  }
0x129: {  	[sflag:s5] =	ssyncset.done @!p0 $0x0  }
0x12a: {  	s6 =	sadd.s32 @!p0 $0x580, s7;
	[sflag:s5] =	ssyncadd.s32 @!p0 $0xFFFFE000;
	s5 =	simm.s32 @!p0 $0xB000  }
0x12b: {  	[tilespmem:s5], [sflag:$0x4] =	stream.indirect.gather @!p0 [hbm4b:s4+s10], $0x40, s6, s10, $0xb8;
	[tilespmem:$0x1F000] =	vst v63  }
0x12c: {  	_ =	swait.ge [sflag:s23], $0x2000  }
0x12d: {  	[sflag:s23] =	ssyncset.done $0x0  }
0x12e: {  	s3 =	sadd.s32 $0x2B80, s3;
	s17 =	simm.s32 $0x9;
	[sflag:s23] =	ssyncadd.s32 $0xFFFFE000  }
0x12f: {  	[spmem:s2] =	stream.indirect.scatter.add.f32 [tilespmem:s0], [sflag:$0x10], $0x40, s3, s21, $0xb8;
	[tilespmem:$0x1F000] =	vst v63  }
0x130: {  	_ =	swait.ge [sflag:s17], $0x2000  }
0x131: {  	[sflag:s17] =	ssyncset.done $0x0  }
0x132: {  	s25 =	simm.s32 $0xA;
	[sflag:s17] =	ssyncadd.s32 $0xFFFFE000  }
0x133: {  	_ =	swait.ge [sflag:s25], $0x2000  }
0x134: {  	[sflag:s25] =	ssyncset.done $0x0  }
0x135: {  	s5 =	simm.s32 $0xB;
	[sflag:s25] =	ssyncadd.s32 $0xFFFFE000  }
0x136: {  	_ =	swait.ge [sflag:s5], $0x2000  }
0x137: {  	[sflag:s5] =	ssyncset.done $0x0  }
0x138: {  	s6 =	simm.s32 $0xC;
	[sflag:s5] =	ssyncadd.s32 $0xFFFFE000  }
0x139: {  	_ =	swait.ge [sflag:s6], $0x2000  }
0x13a: {  	[sflag:s6] =	ssyncset.done $0x0  }
0x13b: {  	s7 =	simm.s32 $0xD;
	[sflag:s6] =	ssyncadd.s32 $0xFFFFE000  }
0x13c: {  	_ =	swait.ge [sflag:s7], $0x2000  }
0x13d: {  	[sflag:s7] =	ssyncset.done $0x0  }
0x13e: {  	s8 =	simm.s32 $0xE;
	[sflag:s7] =	ssyncadd.s32 $0xFFFFE000  }
0x13f: {  	_ =	swait.ge [sflag:s8], $0x2000  }
0x140: {  	[sflag:s8] =	ssyncset.done $0x0  }
0x141: {  	s9 =	simm.s32 $0xF;
	[sflag:s8] =	ssyncadd.s32 $0xFFFFE000  }
0x142: {  	_ =	swait.ge [sflag:s9], $0x2000  }
0x143: {  	[sflag:s9] =	ssyncset.done $0x0  }
0x144: {  	s10 =	simm.s32 $0x10;
	[sflag:s9] =	ssyncadd.s32 $0xFFFFE000  }
0x145: {  	_ =	swait.ge [sflag:s10], $0x2000  }
0x146: {  	[sflag:s10] =	ssyncset.done $0x0  }
0x147: {  	[sflag:s10] =	ssyncadd.s32 $0xFFFFE000  }
0x148: {  	[bflag:$0x0] =	sbarrier.arrive $0xFFFF  }
0x149: {  	s7 =	rddreg [dreg:$0x7]  }
0x14a: {  	[tilespmem:s20], [sflag:$0x11] =	stream.linear.gather [spmem:s7], $0x2000, $0x38;
	[tilespmem:$0x1F000] =	vst v63  }
0x14b: {  	_ =	swait.ge [sflag:s18], $0x2000  }
0x14c: {  	[sflag:s18] =	ssyncset.done $0x0  }
0x14d: {  	s12 =	simm.s32 $0x40;
	s11 =	rddreg [dreg:$0xc];
	[sflag:s18] =	ssyncadd.s32 $0xFFFFE000  }
0x14e: {  	[hbm4b:s11+s12] =	stream.strided.scatter [tilespmem:s20], [sflag:$0x11], $0x2000, s21, s12, $0x38;
	[tilespmem:$0x1F000] =	vst v63  }
0x14f: {  	_ =	swait.ge [sflag:s18], $0x2000  }
0x150: {  	[sflag:s18] =	ssyncset.done $0x0  }
0x151: {  	s8 =	rddreg [dreg:$0x8];
	[sflag:s18] =	ssyncadd.s32 $0xFFFFE000  }
0x152: {  	[tilespmem:s20], [sflag:$0x11] =	stream.linear.gather [spmem:s8], $0x2000, $0x38;
	[tilespmem:$0x1F000] =	vst v63  }
0x153: {  	_ =	swait.ge [sflag:s18], $0x2000  }
0x154: {  	[sflag:s18] =	ssyncset.done $0x0  }
0x155: {  	s13 =	rddreg [dreg:$0xd];
	[sflag:s18] =	ssyncadd.s32 $0xFFFFE000  }
0x156: {  	[hbm4b:s13+s12] =	stream.strided.scatter [tilespmem:s20], [sflag:$0x11], $0x2000, s21, s12, $0x38;
	[tilespmem:$0x1F000] =	vst v63  }
0x157: {  	_ =	swait.ge [sflag:s18], $0x2000  }
0x158: {  	[sflag:s18] =	ssyncset.done $0x0  }
0x159: {  	s9 =	rddreg [dreg:$0x9];
	[sflag:s18] =	ssyncadd.s32 $0xFFFFE000  }
0x15a: {  	[tilespmem:s20], [sflag:$0x11] =	stream.linear.gather [spmem:s9], $0x2000, $0x38;
	[tilespmem:$0x1F000] =	vst v63  }
0x15b: {  	_ =	swait.ge [sflag:s18], $0x2000  }
0x15c: {  	[sflag:s18] =	ssyncset.done $0x0  }
0x15d: {  	s14 =	rddreg [dreg:$0xe];
	[sflag:s18] =	ssyncadd.s32 $0xFFFFE000  }
0x15e: {  	[hbm4b:s14+s12] =	stream.strided.scatter [tilespmem:s20], [sflag:$0x11], $0x2000, s21, s12, $0x38;
	[tilespmem:$0x1F000] =	vst v63  }
0x15f: {  	_ =	swait.ge [sflag:s18], $0x2000  }
0x160: {  	[sflag:s18] =	ssyncset.done $0x0  }
0x161: {  	s10 =	rddreg [dreg:$0xa];
	[sflag:s18] =	ssyncadd.s32 $0xFFFFE000  }
0x162: {  	[tilespmem:s20], [sflag:$0x11] =	stream.linear.gather [spmem:s10], $0x2000, $0x38;
	[tilespmem:$0x1F000] =	vst v63  }
0x163: {  	_ =	swait.ge [sflag:s18], $0x2000  }
0x164: {  	[sflag:s18] =	ssyncset.done $0x0  }
0x165: {  	s15 =	rddreg [dreg:$0xf];
	[sflag:s18] =	ssyncadd.s32 $0xFFFFE000  }
0x166: {  	[hbm4b:s15+s12] =	stream.strided.scatter [tilespmem:s20], [sflag:$0x11], $0x2000, s21, s12, $0x38;
	[tilespmem:$0x1F000] =	vst v63  }
0x167: {  	_ =	swait.ge [sflag:s18], $0x2000  }
0x168: {  	[sflag:s18] =	ssyncset.done $0x0  }
0x169: {  	s11 =	rddreg [dreg:$0xb];
	[sflag:s18] =	ssyncadd.s32 $0xFFFFE000  }
0x16a: {  	[tilespmem:s20], [sflag:$0x11] =	stream.linear.gather [spmem:s11], $0x2000, $0x38;
	[tilespmem:$0x1F000] =	vst v63  }
0x16b: {  	_ =	swait.ge [sflag:s18], $0x2000  }
0x16c: {  	[sflag:s18] =	ssyncset.done $0x0  }
0x16d: {  	s16 =	rddreg [dreg:$0x10];
	[sflag:s18] =	ssyncadd.s32 $0xFFFFE000  }
0x16e: {  	[hbm4b:s16+s12] =	stream.strided.scatter [tilespmem:s20], [sflag:$0x11], $0x2000, s21, s12, $0x38;
	[tilespmem:$0x1F000] =	vst v63  }
0x16f: {  	_ =	swait.ge [sflag:s18], $0x2000  }
0x170: {  	s17 =	rddreg [dreg:$0x12]  }
0x171: {  	s25 =	rddreg [dreg:$0x11];
	s5 =	sadd.s32 $0x1, s17  }
0x172: {  	p0 =	sne.s32 s5, s25  }
.Ltmp2:
0x173: {  	_ = 	snop;
	(pc) =	sbr.rel @p0 .LBB2_1-.Ltmp2, $3  }
0x174: {  	_ =	sdelay $0x1  }
0x175: {  	[sflag:s18] =	ssyncset.done $0x0  }
0x176: {  	[sflag:s18] =	ssyncadd.s32 $0xFFFFE000  }
0x177: {  	_ =	sfence.sel $0x180000  }
0x178: {  	[bflag:$0x0] =	sbarrier.arrive $0xFFFF  }
0x179: {  	_ =	strace $0x9000004A  }
0x17a: {  	s0 =	stileid.u32;
	[bflag:$0x2] =	sbarrier.arrive $0xFFFF  }
0x17b: {  	p0 =	sne.s32 s0, $0x0;
	s0 =	rddreg [dreg:$0x2]  }
0x17c: {  	s0 =	sadd.s32 @!p0 $0x100000, s0  }
0x17d: {  	[sflag:s0] =	ssyncadd.tile.s32 @!p0 $0x1;
	_ =	shalt  }
.Lfunc_end2:
_tile_overlayer_lowered:
.L_overlay_start_2:
0x17e: {  	(tag) =	ssettag $0x2  }
0x17f: {  	s0 =	rddreg [dreg:$0x0];
	s2 =	stileid.u32  }
0x180: {  	s1 =	rddreg [dreg:$0x1];
	p0 =	sne.s32 s2, $0x0  }
0x181: {  	s3 =	rddreg [dreg:$0x2];
	[bflag:$0x3] =	sbarrier.arrive $0xFFFF;
	s2 =	simm.s32 @!p0 $0x1C11  }
0x182: {  	[timem:s3], [sflag:s2] =	dma.local @!p0 [hbm:s0], s1  }
0x183: {  	s0 =	simm.s32 @!p0 $0x11  }
0x184: {  	_ =	swait.ge @!p0 [sflag:s0], s1  }
0x185: {  	s1 =	ssub.s32 @!p0 $0x0, s1;
	[sflag:s0] =	ssyncset.done @!p0 $0x0  }
0x186: {  	[sflag:s0] =	ssyncadd.s32 @!p0 s1  }
0x187: {  	[bflag:$0x3] =	sbarrier.arrive $0xFFFF  }
0x188: {  	_ =	shalt  }

// kernel: kernel.14.cloned.1.call-start
scs
__scs_entry_jumppad:
0x0: {  	(pc) =	sbr.rel $0x88, $3  }
0x1: {  	(tag) =	ssettag $0x0;
	lr =	simm.s32 $0x1  }
0x2: {  	[smem:$0x3F99] =	sst lr;
	_ =	strace $0xD0000000  }
0x3: {  	_ = 	snop  }
0x4: {  	_ = 	snop  }
0x5: {  	_ = 	snop  }
0x6: {  	_ = 	snop  }
0x7: {  	_ = 	snop  }
__scs_overlays_trampoline_lowered:
0x8: {  	[smem:$0x3FA8] =	sst s0  }
0x9: {  	[smem:$0x3FA9] =	sst s1  }
0xa: {  	[smem:$0x3FAA] =	sst s2  }
0xb: {  	[smem:$0x3FAB] =	sst s3  }
0xc: {  	[smem:$0x3FAC] =	sst s4  }
0xd: {  	[smem:$0x3FAD] =	sst s5  }
0xe: {  	[smem:$0x3FAE] =	sst s6  }
0xf: {  	[smem:$0x3FAF] =	sst s7  }
0x10: {  	[smem:$0x3FB0] =	sst s8  }
0x11: {  	[smem:$0x3FB1] =	sst s9;
	s0 =	simm.s32 @!p0 $0x0  }
0x12: {  	s1 =	sld [smem:$0x3F97];
	s0 =	simm.s32 @p0 $0x1  }
0x13: {  	[smem:$0x3FB2] =	sst s0;
	s0 =	simm.s32 @!p1 $0x0  }
0x14: {  	s2 =	sld [smem:$0x3F96];
	s0 =	simm.s32 @p1 $0x1  }
0x15: {  	[smem:$0x3FB3] =	sst s0;
	s0 =	simm.s32 @!p2 $0x0  }
0x16: {  	s3 =	sld [smem:$0x3FDB];
	s0 =	simm.s32 @p2 $0x1  }
0x17: {  	s4 =	simm.s32 $0x1BF5;
	[smem:$0x3FB5] =	sst s0  }
0x18: {  	s0 =	sld [smem:$0x3F98];
	_ =	swait.ge [sflag:s4], $0x0  }
0x19: {  	s7 =	sld [smem:$0x3F99]  }
0x1a: {  	s8 =	sadd.s32 $0xFFFFE003, lr  }
0x1b: {  	s9 =	sadd.s32 $0xFFFFFEF7, lr;
	s5 =	simm.s32 $0xFFFFFFFF;
	p2 =	slt.u32 s8, $0xFFFFF086  }
0x1c: {  	p1 =	slt.u32 s9, $0xF7A;
	s5 =	simm.s32 @!p2 $0x0  }
0x1d: {  	s5 =	simm.s32 @p1 $0x1;
	p0 =	seq.s32 s7, s2  }
0x1e: {  	s7 =	smul.u32 @!p0 $0xF7A, s2;
	p2 =	seq.s32 @!p0 s5, $0x0  }
0x1f: {  	s9 =	smul.u32 $0xF7A, s1;
	s8 =	simm.s32 @!p0 $0x1BF5;
	p2 =	por !p2, p0  }
0x20: {  	[sflag:s8] =	ssyncset.s32 @!p0 $0xFFFFF086;
	s6 =	sadd.s32 @!p0 s3, s7;
	s7 =	simm.s32 @!p0 $0x108  }
0x21: {  	s3 =	sadd.s32 s3, s9;
	s6 =	sadd.s32 @!p0 $0x88, s6;
	s7 =	simm.s32 @p2 $0x1082  }
0x22: {  	[simem:s7], [sflag:s8] =	dma.local @!p0 [hbm:s6], $0xF7A  }
0x23: {  	s9 =	sor.u32 $0xD0000000, s2;
	s6 =	simm.s32 $0x108;
	_ =	swait.ge @!p0 [sflag:s8], $0x0  }
0x24: {  	s3 =	sadd.s32 $0x88, s3;
	s6 =	simm.s32 @!p1 $0x1082;
	[sflag:s4] =	ssyncset.s32 $0xFFFFF086  }
0x25: {  	[simem:s6], [sflag:s4] =	dma.local [hbm:s3], $0xF7A  }
0x26: {  	[smem:$0x3F99] =	sst s1;
	(tag) =	ssettag s2;
	_ =	strace s9  }
0x27: {  	s1 =	sld [smem:$0x3FA9]  }
0x28: {  	s2 =	sld [smem:$0x3FAA]  }
0x29: {  	s4 =	sld [smem:$0x3FAC]  }
0x2a: {  	p0 =	seq.s32 s5, $0x0;
	s5 =	sld [smem:$0x3FAD]  }
0x2b: {  	s6 =	sld [smem:$0x3FAE]  }
0x2c: {  	s7 =	sld [smem:$0x3FAF]  }
0x2d: {  	s3 =	simm.s32 $0x108;
	s8 =	sld [smem:$0x3FB0]  }
0x2e: {  	s3 =	simm.s32 @!p0 $0x1082;
	s9 =	sld [smem:$0x3FB1]  }
0x2f: {  	lr =	sadd.s32 s0, s3;
	s0 =	sld [smem:$0x3FA8]  }
0x30: {  	s3 =	sld [smem:$0x3FAB]  }
0x31: {  	[smem:$0x3FB4] =	sst s10  }
0x32: {  	s10 =	sld [smem:$0x3FB2];
	_ =	sdelay $0x3  }
0x33: {  	p0 =	seq.s32 s10, $0x1;
	s10 =	sld [smem:$0x3FB4];
	_ =	sdelay $0x3  }
0x34: {  	[smem:$0x3FB4] =	sst s10  }
0x35: {  	s10 =	sld [smem:$0x3FB3];
	_ =	sdelay $0x3  }
0x36: {  	p1 =	seq.s32 s10, $0x1;
	s10 =	sld [smem:$0x3FB4];
	_ =	sdelay $0x3  }
0x37: {  	[smem:$0x3FB4] =	sst s10  }
0x38: {  	s10 =	sld [smem:$0x3FB5]  }
0x39: {  	_ = 	snop;
	(pc) =	sbr.ind lr, $3  }
0x3a: {  	_ = 	snop  }
0x3b: {  	_ = 	snop  }
0x3c: {  	p2 =	seq.s32 s10, $0x1;
	s10 =	sld [smem:$0x3FB4]  }
0x3d: {  	_ =	shalt  }
0x3e: {  	_ =	shalt  }
0x3f: {  	_ =	shalt  }
0x40: {  	_ =	shalt  }
0x41: {  	_ =	shalt  }
0x42: {  	_ =	shalt  }
0x43: {  	_ =	shalt  }
0x44: {  	_ =	shalt  }
0x45: {  	_ =	shalt  }
0x46: {  	_ =	shalt  }
0x47: {  	_ =	shalt  }
0x48: {  	_ =	shalt  }
0x49: {  	_ =	shalt  }
0x4a: {  	_ =	shalt  }
0x4b: {  	_ =	shalt  }
0x4c: {  	_ =	shalt  }
0x4d: {  	_ =	shalt  }
0x4e: {  	_ =	shalt  }
0x4f: {  	_ =	shalt  }
0x50: {  	_ =	shalt  }
0x51: {  	_ =	shalt  }
0x52: {  	_ =	shalt  }
0x53: {  	_ =	shalt  }
0x54: {  	_ =	shalt  }
0x55: {  	_ =	shalt  }
0x56: {  	_ =	shalt  }
0x57: {  	_ =	shalt  }
0x58: {  	_ =	shalt  }
0x59: {  	_ =	shalt  }
0x5a: {  	_ =	shalt  }
0x5b: {  	_ =	shalt  }
0x5c: {  	_ =	shalt  }
0x5d: {  	_ =	shalt  }
0x5e: {  	_ =	shalt  }
0x5f: {  	_ =	shalt  }
0x60: {  	_ =	shalt  }
0x61: {  	_ =	shalt  }
0x62: {  	_ =	shalt  }
0x63: {  	_ =	shalt  }
0x64: {  	_ =	shalt  }
0x65: {  	_ =	shalt  }
0x66: {  	_ =	shalt  }
0x67: {  	_ =	shalt  }
0x68: {  	_ =	shalt  }
0x69: {  	_ =	shalt  }
0x6a: {  	_ =	shalt  }
0x6b: {  	_ =	shalt  }
0x6c: {  	_ =	shalt  }
0x6d: {  	_ =	shalt  }
0x6e: {  	_ =	shalt  }
0x6f: {  	_ =	shalt  }
0x70: {  	_ =	shalt  }
0x71: {  	_ =	shalt  }
0x72: {  	_ =	shalt  }
0x73: {  	_ =	shalt  }
0x74: {  	_ =	shalt  }
0x75: {  	_ =	shalt  }
0x76: {  	_ =	shalt  }
0x77: {  	_ =	shalt  }
0x78: {  	_ =	shalt  }
0x79: {  	_ =	shalt  }
0x7a: {  	_ =	shalt  }
0x7b: {  	_ =	shalt  }
0x7c: {  	_ =	shalt  }
0x7d: {  	_ =	shalt  }
0x7e: {  	_ =	shalt  }
0x7f: {  	_ =	shalt  }
0x80: {  	_ =	shalt  }
0x81: {  	_ =	shalt  }
0x82: {  	_ =	shalt  }
0x83: {  	_ =	shalt  }
0x84: {  	_ =	shalt  }
0x85: {  	_ =	shalt  }
0x86: {  	_ =	shalt  }
0x87: {  	_ =	shalt  }
.Lfunc_end0:
.L_simem_size_0:
called_computation.2_lowered:
.L_overlay_start_0:
0x88: {  	s2 =	sld [smem:$0x3FD9]  }
0x89: {  	s3 =	sld [smem:$0x3FFE];
	_ =	sdelay $0x1  }
0x8a: {  	s1 =	srdreg.scid  }
0x8b: {  	s0 =	sand.u32 $0x1, s1  }
0x8c: {  	s16 =	sshll.u32 s0, $0xA;
	s2 =	sadd.s32 s3, s2  }
0x8d: {  	s2 =	sadd.s32 s2, s16  }
0x8e: {  	[smem:$0x3FC0] =	sst s2  }
0x8f: {  	_ = 	snop  }
0x90: {  	(tm) =	ssettm $0x1  }
0x91: {  	s17 =	sld [smem:$0x3FFB];
	_ =	sdelay $0x3  }
0x92: {  	_ =	strace s17  }
0x93: {  	s2 =	sld [smem:$0x3FFC];
	_ =	sdelay $0x3  }
0x94: {  	_ =	strace s2  }
0x95: {  	s2 =	sld [smem:$0x3FFD];
	_ =	sdelay $0x3  }
0x96: {  	_ =	strace s2  }
0x97: {  	_ =	strace $0x8FFFFFFF  }
0x98: {  	s18 =	sld [smem:$0x3FDB];
	_ =	sdelay $0x1  }
0x99: {  	s19 =	simm.s32 $_scs_section_size  }
0x9a: {  	s4 =	simm.s32 $_size__tile_overlayer_lowered;
	s5 =	simm.s32 $_tile_overlayer_lowered  }
0x9b: {  	s22 =	simm.s32 $0x1BFF;
	s21 =	sshll.u32 s5, $0x1;
	s2 =	sadd.s32 s19, s18  }
0x9c: {  	s6 =	simm.s32 $0x0;
	s20 =	sshll.u32 s4, $0x1;
	s4 =	sadd.s32 s21, s2  }
0x9d: {  	[timem:s6], [sflag:s22] =	dma.local [hbm:s4], s20  }
0x9e: {  	_ =	swait.ge [sflag:s22], s20  }
0x9f: {  	s3 =	ssub.s32 $0x0, s20;
	[sflag:s22] =	ssyncset.done $0x0  }
0xa0: {  	[sflag:s22] =	ssyncadd.s32 s3;
	_ =	sdelay $0x1  }
0xa1: {  	s23 =	simm.s32 $0x1B8B  }
0xa2: {  	_ =	swait.ge [sflag:s23], $0x1  }
0xa3: {  	[sflag:s23] =	ssyncset.done $0x0  }
0xa4: {  	s25 =	simm.s32 $0x1B8E;
	s24 =	sld [smem:$0x3FFE];
	[sflag:s23] =	ssyncadd.s32 $0xFFFFFFFF  }
0xa5: {  	s26 =	simm.s32 $execute0_lowered;
	[smem:$0x3FD2] =	sst s25  }
0xa6: {  	s4 =	sshll.u32 s26, $0x1;
	_ =	strace $0x8000004C;
	[dreg:$0x1] =	wrdreg $0xFFFFFFFF  }
0xa7: {  	s28 =	simm.s32 $_size_execute0_lowered;
	s2 =	sadd.s32 s2, s4;
	[dreg:$0x0] =	wrdreg $0x0  }
0xa8: {  	s4 =	sshll.u32 s28, $0x1;
	[dreg:$0x2] =	wrdreg s2  }
0xa9: {  	[dreg:$0x3] =	wrdreg s4  }
0xaa: {  	[dreg:$0x4] =	wrdreg $0xC0  }
0xab: {  	_ =	task [dreg:s6], $0x5FFFF  }
0xac: {  	[dreg:$0x1] =	wrdreg $0xFFFFFFFF  }
0xad: {  	[dreg:$0x0] =	wrdreg $0x60  }
0xae: {  	[dreg:$0x2] =	wrdreg s24  }
0xaf: {  	[dreg:$0x3] =	wrdreg $0xD0000  }
0xb0: {  	[dreg:$0x4] =	wrdreg $0x9  }
0xb1: {  	_ =	task.clear_ibuf [dreg:s6], $0x5FFFF;
	_ =	strace $0x9000004C  }
0xb2: {  	s29 =	simm.s32 $0x9;
	_ =	strace $0x8000004E  }
0xb3: {  	_ =	swait.ge [sflag:s29], $0x1  }
0xb4: {  	[sflag:s29] =	ssyncadd.s32 $0xFFFFFFFF  }
0xb5: {  	_ =	strace $0x9000004E  }
0xb6: {  	_ =	sfence  }
0xb7: {  	s30 =	sld [smem:$0x0];
	_ =	sdelay $0x2  }
0xb8: {  	s31 =	sshll.u32 s1, $0xD;
	s1 =	sshrl.u32 s1, $0x2  }
0xb9: {  	s3 =	sand.u32 $0x4000, s31;
	s1 =	sadd.s32 s1, s30  }
0xba: {  	s0 =	sor.u32 s3, s0;
	s1 =	sshll.u32 s1, $0x11  }
0xbb: {  	s0 =	sor.u32 s1, s0  }
0xbc: {  	s0 =	sadd.s32 $0x8F2B, s0  }
0xbd: {  	[sflag:s0] =	ssyncadd.remote.s32 $0x1  }
0xbe: {  	_ =	sfence.sel $0xFFFF  }
0xbf: {  	[dreg:$0x0] =	wrdreg $0xFFFFFFFF;
	(pc) =	sbr.abs _section_cstart, $3  }
0xc0: {  	[dreg:$0x1] =	wrdreg $0xFFFFFFFF  }
0xc1: {  	_ =	task.clear_ibuf [dreg:s6], $0x2FFFF;
	_ =	strace $0x9FFFFFFF  }
0xc2: {  	(tm) =	ssettm $0x7FFFFFFF  }
0xc3: {  	_ =	shalt  }
tec
execute0_lowered:
.L_overlay_start_1:
0x0: {  	(tag) =	ssettag $0x1  }
0x1: {  	s0 =	srdreg.scid;
	s1 =	rddreg [dreg:$0x0]  }
0x2: {  	s2 =	rddreg [dreg:$0x1];
	s7 =	stileid.u32;
	s4 =	simm.s32 $0x0  }
0x3: {  	s28 =	simm.s32 $0x1;
	s29 =	simm.s32 $0xA000;
	s30 =	simm.s32 $0x2  }
0x4: {  	s31 =	simm.s32 $0x3;
	s0 =	sand.u32 $0x1, s0;
	[smem:$0x7FF] =	sst s4  }
0x5: {  	s4 =	sadd.s32 $0x3800, s1;
	s11 =	smul.u32 $0x14000, s7;
	s3 =	sshll.u32 s0, $0x4  }
0x6: {  	_ =	strace $0x8000004D;
	s5 =	ssub.s32 $0x2, s0;
	s0 =	smul.u32 $0x140000, s0  }
0x7: {  	s3 =	sor.u32 s7, s3;
	s6 =	sshrl.u32 s5, $0x1;
	s25 =	sshrl.u32 s11, $0x2  }
0x8: {  	s26 =	sadd.s32 $0x4000, s11;
	s12 =	sadd.s32 $0x8000, s11;
	s13 =	sadd.s32 $0xC000, s11  }
0x9: {  	s18 =	sadd.s32 $0x10000, s11;
	s3 =	smul.u32 $0x500, s3;
	s5 =	ssub.s32 s5, s6  }
0xa: {  	s7 =	sadd.s32 s25, s2;
	s16 =	sshrl.u32 s26, $0x2;
	s9 =	sshrl.u32 s12, $0x2  }
0xb: {  	s17 =	sshrl.u32 s13, $0x2;
	s11 =	sadd.s32 s11, s0;
	s25 =	simm.s32 $0x9000  }
0xc: {  	s6 =	sadd.s32 s0, s26;
	s26 =	simm.s32 $0xB000;
	[dreg:$0x3] =	wrdreg s25  }
0xd: {  	s14 =	sshrl.u32 s18, $0x2;
	s20 =	sadd.s32 s0, s12;
	[dreg:$0x4] =	wrdreg s26  }
0xe: {  	s21 =	sadd.s32 s0, s13;
	s8 =	sadd.s32 s16, s2;
	[dreg:$0x7] =	wrdreg s7  }
0xf: {  	s0 =	sadd.s32 s0, s18;
	s9 =	sadd.s32 s9, s2;
	[dreg:$0x8] =	wrdreg s8  }
0x10: {  	s10 =	sadd.s32 s17, s2;
	s15 =	sshrl.u32 s11, $0x3;
	[dreg:$0x9] =	wrdreg s9  }
0x11: {  	s11 =	sadd.s32 s14, s2;
	s3 =	sadd.s32 s3, s1;
	[dreg:$0xa] =	wrdreg s10  }
0x12: {  	s18 =	simm.s32 $0x11;
	[dreg:$0xb] =	wrdreg s11;
	s24 =	sadd.s32 $0x2B200, s3  }
0x13: {  	s1 =	sadd.s32 $0x3F200, s1;
	s3 =	sadd.s32 $0x35200, s3;
	[dreg:$0x5] =	wrdreg s24  }
0x14: {  	s6 =	sshrl.u32 s6, $0x3;
	s19 =	sadd.s32 s1, s15;
	[dreg:$0x6] =	wrdreg s3  }
0x15: {  	s12 =	sshrl.u32 s21, $0x3;
	s6 =	sadd.s32 s1, s6;
	[dreg:$0xc] =	wrdreg s19  }
0x16: {  	s0 =	sshrl.u32 s0, $0x3;
	s23 =	sadd.s32 s1, s12;
	[dreg:$0xd] =	wrdreg s6  }
0x17: {  	s21 =	simm.s32 $0x80;
	s0 =	sadd.s32 s1, s0;
	[dreg:$0xf] =	wrdreg s23  }
0x18: {  	s26 =	simm.s32 $0x8000;
	s6 =	sshrl.u32 s20, $0x3;
	[dreg:$0x10] =	wrdreg s0  }
0x19: {  	s24 =	smax.u32 s5, $0x1;
	s20 =	simm.s32 $0x5000;
	s0 =	simm.s32 $0xC000  }
0x1a: {  	s19 =	simm.s32 $0x6;
	s23 =	simm.s32 $0x8;
	s5 =	simm.s32 $0x0  }
0x1b: {  	s22 =	sadd.s32 s1, s6;
	[dreg:$0x11] =	wrdreg s24;
	s24 =	simm.s32 $0x7000  }
0x1c: {  	v0 =	vimm.f32 $0.0e+00;
	s1 =	simm.s32 $0x4;
	[dreg:$0xe] =	wrdreg s22;
	s22 =	simm.s32 $0x6000  }
.LBB2_1:
0x1d: {  	[dreg:$0x12] =	wrdreg s5  }
0x1e: {  	s3 =	simm.s32 $0x0;
	s17 =	rddreg [dreg:$0x5]  }
0x1f: {  	[tilespmem:s3], [sflag:$0x11] =	stream.linear.gather [hbm4b:s17+s3], $0x2800, $0x38;
	[tilespmem:$0x12000] =	vst v63  }
0x20: {  	_ =	swait.ge [sflag:s18], $0x2800  }
0x21: {  	[sflag:s18] =	ssyncset.done $0x0  }
0x22: {  	s6 =	simm.s32 $0x2800;
	s25 =	rddreg [dreg:$0x6];
	[sflag:s18] =	ssyncadd.s32 $0xFFFFD800  }
0x23: {  	[tilespmem:s6], [sflag:$0x11] =	stream.linear.gather [hbm4b:s25+s3], $0x2800, $0x38;
	[tilespmem:$0x12000] =	vst v63  }
0x24: {  	_ =	swait.ge [sflag:s18], $0x2800  }
0x25: {  	[sflag:s18] =	ssyncset.done $0x0  }
0x26: {  	s5 =	simm.s32 $0x0;
	s3 =	simm.s32 $0x80;
	[sflag:s18] =	ssyncadd.s32 $0xFFFFD800  }
.LBB2_2:
0x27: {  	p0 =	sne.s32 s3, $0x3F80;
	[tilespmem:s5+$0x5000] =	vst v0;
	s6 =	smov.u32 s3;
	s3 =	sadd.s32 $0x80, s3  }
.Ltmp0:
0x28: {  	[tilespmem:s5+$0x5010] =	vst v0;
	(pc) =	sbr.rel @p0 .LBB2_2-.Ltmp0, $2  }
0x29: {  	_ =	sdelay $0x2  }
0x2a: {  	s5 =	sshra.s32 s6, $0x2  }
0x2b: {  	[tilespmem:s5+$0x5000] =	vst v0  }
0x2c: {  	[tilespmem:s5+$0x5010] =	vst v0  }
0x2d: {  	[spmem:s7] =	stream.linear.scatter [tilespmem:s20], [sflag:$0x11], $0x1000, $0x38;
	[tilespmem:$0x12000] =	vst v63  }
0x2e: {  	_ =	swait.ge [sflag:s18], $0x1000  }
0x2f: {  	[sflag:s18] =	ssyncset.done $0x0  }
0x30: {  	[sflag:s18] =	ssyncadd.s32 $0xFFFFF000  }
0x31: {  	[spmem:s8] =	stream.linear.scatter [tilespmem:s20], [sflag:$0x11], $0x1000, $0x38;
	[tilespmem:$0x12000] =	vst v63  }
0x32: {  	_ =	swait.ge [sflag:s18], $0x1000  }
0x33: {  	[sflag:s18] =	ssyncset.done $0x0  }
0x34: {  	[sflag:s18] =	ssyncadd.s32 $0xFFFFF000  }
0x35: {  	[spmem:s9] =	stream.linear.scatter [tilespmem:s20], [sflag:$0x11], $0x1000, $0x38;
	[tilespmem:$0x12000] =	vst v63  }
0x36: {  	_ =	swait.ge [sflag:s18], $0x1000  }
0x37: {  	[sflag:s18] =	ssyncset.done $0x0  }
0x38: {  	[sflag:s18] =	ssyncadd.s32 $0xFFFFF000  }
0x39: {  	[spmem:s10] =	stream.linear.scatter [tilespmem:s20], [sflag:$0x11], $0x1000, $0x38;
	[tilespmem:$0x12000] =	vst v63  }
0x3a: {  	_ =	swait.ge [sflag:s18], $0x1000  }
0x3b: {  	[sflag:s18] =	ssyncset.done $0x0  }
0x3c: {  	[sflag:s18] =	ssyncadd.s32 $0xFFFFF000  }
0x3d: {  	[spmem:s11] =	stream.linear.scatter [tilespmem:s20], [sflag:$0x11], $0x1000, $0x38;
	[tilespmem:$0x12000] =	vst v63  }
0x3e: {  	_ =	swait.ge [sflag:s18], $0x1000  }
0x3f: {  	[sflag:s18] =	ssyncset.done $0x0  }
0x40: {  	[sflag:s18] =	ssyncadd.s32 $0xFFFFF000  }
0x41: {  	s3 =	simm.s32 $0x0;
	[bflag:$0x0] =	sbarrier.arrive $0xFFFF  }
0x42: {  	[tilespmem:s20], [sflag:$0x1] =	stream.indirect.gather [hbm4b:s4+s21], $0x20, s3, s21, $0xb8;
	[tilespmem:$0x12000] =	vst v63  }
0x43: {  	_ = 	snop  }
0x44: {  	[tilespmem:s22], [sflag:$0x2] =	stream.indirect.gather [hbm4b:s4+s21], $0x20, s21, s21, $0xb8;
	[tilespmem:$0x12000] =	vst v63  }
0x45: {  	s6 =	simm.s32 $0x100;
	p0 =	por $0x1, $0x1  }
0x46: {  	[tilespmem:s24], [sflag:$0x3] =	stream.indirect.gather [hbm4b:s4+s21], $0x20, s6, s21, $0xb8;
	[tilespmem:$0x12000] =	vst v63  }
0x47: {  	s7 =	simm.s32 $0x180;
	s3 =	simm.s32 @!p0 $0xD  }
0x48: {  	[tilespmem:s26], [sflag:$0x4] =	stream.indirect.gather [hbm4b:s4+s21], $0x20, s7, s21, $0xb8;
	[tilespmem:$0x12000] =	vst v63  }
0x49: {  	_ =	swait.ge @!p0 [sflag:s3], $0x1000  }
0x4a: {  	[sflag:s3] =	ssyncset.done @!p0 $0x0  }
0x4b: {  	s9 =	simm.s32 $0x200;
	s8 =	rddreg [dreg:$0x3];
	[sflag:s3] =	ssyncadd.s32 @!p0 $0xFFFFF000  }
0x4c: {  	[tilespmem:s8], [sflag:$0x5] =	stream.indirect.gather [hbm4b:s4+s21], $0x20, s9, s21, $0xb8;
	[tilespmem:$0x12000] =	vst v63  }
0x4d: {  	_ =	swait.ge [sflag:s28], $0x1000  }
0x4e: {  	[sflag:s28] =	ssyncset.done $0x0  }
0x4f: {  	s5 =	simm.s32 @!p0 $0xE;
	s10 =	simm.s32 $0x2800;
	[sflag:s28] =	ssyncadd.s32 $0xFFFFF000  }
0x50: {  	[spmem:s2] =	stream.indirect.scatter.add.f32 [tilespmem:s20], [sflag:$0x9], $0x20, s10, s21, $0xb8;
	[tilespmem:$0x12000] =	vst v63  }
0x51: {  	_ =	swait.ge @!p0 [sflag:s5], $0x1000  }
0x52: {  	[sflag:s5] =	ssyncset.done @!p0 $0x0  }
0x53: {  	s11 =	simm.s32 $0x280;
	[sflag:s5] =	ssyncadd.s32 @!p0 $0xFFFFF000  }
0x54: {  	[tilespmem:s29], [sflag:$0x6] =	stream.indirect.gather [hbm4b:s4+s21], $0x20, s11, s21, $0xb8;
	[tilespmem:$0x12000] =	vst v63  }
0x55: {  	_ =	swait.ge [sflag:s30], $0x1000  }
0x56: {  	[sflag:s30] =	ssyncset.done $0x0  }
0x57: {  	s12 =	simm.s32 $0x2880;
	s5 =	simm.s32 @!p0 $0xF;
	[sflag:s30] =	ssyncadd.s32 $0xFFFFF000  }
0x58: {  	[spmem:s2] =	stream.indirect.scatter.add.f32 [tilespmem:s22], [sflag:$0xA], $0x20, s12, s21, $0xb8;
	[tilespmem:$0x12000] =	vst v63  }
0x59: {  	_ =	swait.ge @!p0 [sflag:s5], $0x1000  }
0x5a: {  	[sflag:s5] =	ssyncset.done @!p0 $0x0  }
0x5b: {  	s14 =	simm.s32 $0x300;
	s13 =	rddreg [dreg:$0x4];
	[sflag:s5] =	ssyncadd.s32 @!p0 $0xFFFFF000  }
0x5c: {  	[tilespmem:s13], [sflag:$0x7] =	stream.indirect.gather [hbm4b:s4+s21], $0x20, s14, s21, $0xb8;
	[tilespmem:$0x12000] =	vst v63  }
0x5d: {  	_ =	swait.ge [sflag:s31], $0x1000  }
0x5e: {  	[sflag:s31] =	ssyncset.done $0x0  }
0x5f: {  	s15 =	simm.s32 $0x2900;
	s5 =	simm.s32 @!p0 $0x10;
	[sflag:s31] =	ssyncadd.s32 $0xFFFFF000  }
0x60: {  	[spmem:s2] =	stream.indirect.scatter.add.f32 [tilespmem:s24], [sflag:$0xB], $0x20, s15, s21, $0xb8;
	[tilespmem:$0x12000] =	vst v63  }
0x61: {  	_ =	swait.ge @!p0 [sflag:s5], $0x1000  }
0x62: {  	[sflag:s5] =	ssyncset.done @!p0 $0x0  }
0x63: {  	s16 =	simm.s32 $0x380;
	[sflag:s5] =	ssyncadd.s32 @!p0 $0xFFFFF000  }
0x64: {  	[tilespmem:s0], [sflag:$0x8] =	stream.indirect.gather [hbm4b:s4+s21], $0x20, s16, s21, $0xb8;
	[tilespmem:$0x12000] =	vst v63  }
0x65: {  	_ =	swait.ge [sflag:s1], $0x1000  }
0x66: {  	p0 =	por $0x0, $0x0;
	[sflag:s1] =	ssyncset.done $0x0  }
0x67: {  	s17 =	simm.s32 $0x2980;
	s5 =	simm.s32 @p0 $0x5;
	[sflag:s1] =	ssyncadd.s32 $0xFFFFF000  }
0x68: {  	[spmem:s2] =	stream.indirect.scatter.add.f32 [tilespmem:s26], [sflag:$0xC], $0x20, s17, s21, $0xb8;
	[tilespmem:$0x12000] =	vst v63  }
0x69: {  	_ =	swait.ge @p0 [sflag:s5], $0x1000  }
0x6a: {  	s3 =	simm.s32 @p0 $0x2A00;
	s6 =	simm.s32 @p0 $0x80;
	[sflag:s5] =	ssyncset.done @p0 $0x0  }
0x6b: {  	s12 =	simm.s32 @p0 $0x9000;
	[sflag:s5] =	ssyncadd.s32 @p0 $0xFFFFF000;
	s5 =	simm.s32 @!p0 $0x9  }
0x6c: {  	[spmem:s2] =	stream.indirect.scatter.add.f32 @p0 [tilespmem:s12], [sflag:$0xD], $0x20, s3, s6, $0xb8;
	[tilespmem:$0x12000] =	vst v63  }
0x6d: {  	_ =	swait.ge @!p0 [sflag:s5], $0x1000  }
0x6e: {  	s3 =	simm.s32 @!p0 $0x400;
	[sflag:s5] =	ssyncset.done @!p0 $0x0  }
0x6f: {  	s12 =	simm.s32 @!p0 $0x80;
	[sflag:s5] =	ssyncadd.s32 @!p0 $0xFFFFF000;
	s5 =	simm.s32 @!p0 $0x5000  }
0x70: {  	[tilespmem:s5], [sflag:$0x1] =	stream.indirect.gather @!p0 [hbm4b:s4+s12], $0x20, s3, s12, $0xb8;
	[tilespmem:$0x12000] =	vst v63  }
0x71: {  	s3 =	simm.s32 @!p0 $0x5  }
0x72: {  	_ =	swait.ge @!p0 [sflag:s3], $0x1000  }
0x73: {  	[sflag:s3] =	ssyncset.done @!p0 $0x0  }
0x74: {  	s5 =	simm.s32 @!p0 $0x2A00;
	[sflag:s3] =	ssyncadd.s32 @!p0 $0xFFFFF000;
	s3 =	simm.s32 @!p0 $0x9000  }
0x75: {  	[spmem:s2] =	stream.indirect.scatter.add.f32 @!p0 [tilespmem:s3], [sflag:$0xD], $0x20, s5, s12, $0xb8;
	[tilespmem:$0x12000] =	vst v63  }
0x76: {  	s3 =	simm.s32 @!p0 $0xA  }
0x77: {  	_ =	swait.ge @!p0 [sflag:s3], $0x1000  }
0x78: {  	[sflag:s3] =	ssyncset.done @!p0 $0x0  }
0x79: {  	s5 =	simm.s32 @!p0 $0x480;
	[sflag:s3] =	ssyncadd.s32 @!p0 $0xFFFFF000;
	s3 =	simm.s32 @!p0 $0x6000  }
0x7a: {  	[tilespmem:s3], [sflag:$0x2] =	stream.indirect.gather @!p0 [hbm4b:s4+s12], $0x20, s5, s12, $0xb8;
	[tilespmem:$0x12000] =	vst v63  }
0x7b: {  	_ =	swait.ge [sflag:s19], $0x1000  }
0x7c: {  	[sflag:s19] =	ssyncset.done $0x0  }
0x7d: {  	s25 =	simm.s32 $0x2A80;
	s5 =	simm.s32 @p0 $0x7;
	[sflag:s19] =	ssyncadd.s32 $0xFFFFF000  }
0x7e: {  	[spmem:s2] =	stream.indirect.scatter.add.f32 [tilespmem:s29], [sflag:$0xE], $0x20, s25, s21, $0xb8;
	[tilespmem:$0x12000] =	vst v63  }
0x7f: {  	_ =	swait.ge @p0 [sflag:s5], $0x1000  }
0x80: {  	[sflag:s5] =	ssyncset.done @p0 $0x0  }
0x81: {  	s3 =	simm.s32 @p0 $0x2B00;
	[sflag:s5] =	ssyncadd.s32 @p0 $0xFFFFF000;
	s5 =	simm.s32 @p0 $0xB000  }
0x82: {  	[spmem:s2] =	stream.indirect.scatter.add.f32 @p0 [tilespmem:s5], [sflag:$0xF], $0x20, s3, s6, $0xb8;
	[tilespmem:$0x12000] =	vst v63  }
0x83: {  	s3 =	simm.s32 @!p0 $0xB  }
0x84: {  	_ =	swait.ge @!p0 [sflag:s3], $0x1000  }
0x85: {  	[sflag:s3] =	ssyncset.done @!p0 $0x0  }
0x86: {  	s5 =	simm.s32 @!p0 $0x500;
	[sflag:s3] =	ssyncadd.s32 @!p0 $0xFFFFF000;
	s3 =	simm.s32 @!p0 $0x7000  }
0x87: {  	[tilespmem:s3], [sflag:$0x3] =	stream.indirect.gather @!p0 [hbm4b:s4+s12], $0x20, s5, s12, $0xb8;
	[tilespmem:$0x12000] =	vst v63  }
0x88: {  	s3 =	simm.s32 @!p0 $0x7  }
0x89: {  	_ =	swait.ge @!p0 [sflag:s3], $0x1000  }
0x8a: {  	[sflag:s3] =	ssyncset.done @!p0 $0x0  }
0x8b: {  	s5 =	simm.s32 @!p0 $0x2B00;
	[sflag:s3] =	ssyncadd.s32 @!p0 $0xFFFFF000;
	s3 =	simm.s32 @!p0 $0xB000  }
0x8c: {  	[spmem:s2] =	stream.indirect.scatter.add.f32 @!p0 [tilespmem:s3], [sflag:$0xF], $0x20, s5, s12, $0xb8;
	[tilespmem:$0x12000] =	vst v63  }
0x8d: {  	s3 =	simm.s32 @!p0 $0xC  }
0x8e: {  	_ =	swait.ge @!p0 [sflag:s3], $0x1000  }
0x8f: {  	p1 =	por $0x0, $0x0;
	s25 =	simm.s32 $0x1000;
	[sflag:s3] =	ssyncset.done @!p0 $0x0  }
0x90: {  	s5 =	simm.s32 @!p0 $0x580;
	[sflag:s3] =	ssyncadd.s32 @!p0 $0xFFFFF000;
	s3 =	simm.s32 @!p0 $0x8000  }
0x91: {  	[tilespmem:s3], [sflag:$0x4] =	stream.indirect.gather @!p0 [hbm4b:s4+s12], $0x20, s5, s12, $0xb8;
	[tilespmem:$0x12000] =	vst v63  }
0x92: {  	s3 =	simm.s32 $0x2000;
	s5 =	simm.s32 $0x2B80;
	_ =	swait.ge [sflag:s23], $0x1000  }
.LBB2_4:
0x93: {  	[sflag:s23] =	ssyncset.done $0x0  }
0x94: {  	s13 =	simm.s32 @!p1 $0xD;
	[sflag:s23] =	ssyncadd.s32 $0xFFFFF000  }
0x95: {  	[spmem:s2] =	stream.indirect.scatter.add.f32 [tilespmem:s0], [sflag:$0x10], $0x20, s5, s21, $0xb8;
	[tilespmem:$0x12000] =	vst v63  }
0x96: {  	_ =	swait.ge @!p1 [sflag:s13], $0x1000  }
0x97: {  	s6 =	sshra.s32 s25, $0x2;
	[sflag:s13] =	ssyncset.done @!p1 $0x0  }
0x98: {  	s17 =	sadd.s32 $0x200, s6;
	s14 =	rddreg [dreg:$0x3];
	[sflag:s13] =	ssyncadd.s32 @!p1 $0xFFFFF000  }
0x99: {  	[tilespmem:s14], [sflag:$0x5] =	stream.indirect.gather [hbm4b:s4+s21], $0x20, s17, s21, $0xb8;
	[tilespmem:$0x12000] =	vst v63  }
0x9a: {  	_ =	swait.ge [sflag:s28], $0x1000  }
0x9b: {  	[sflag:s28] =	ssyncset.done $0x0  }
0x9c: {  	s7 =	sadd.s32 $0x2800, s6;
	s14 =	simm.s32 @!p1 $0xE;
	[sflag:s28] =	ssyncadd.s32 $0xFFFFF000  }
0x9d: {  	[spmem:s2] =	stream.indirect.scatter.add.f32 [tilespmem:s20], [sflag:$0x9], $0x20, s7, s21, $0xb8;
	[tilespmem:$0x12000] =	vst v63  }
0x9e: {  	_ =	swait.ge @!p1 [sflag:s14], $0x1000  }
0x9f: {  	[sflag:s14] =	ssyncset.done @!p1 $0x0  }
0xa0: {  	s8 =	sadd.s32 $0x280, s6;
	[sflag:s14] =	ssyncadd.s32 @!p1 $0xFFFFF000  }
0xa1: {  	[tilespmem:s29], [sflag:$0x6] =	stream.indirect.gather [hbm4b:s4+s21], $0x20, s8, s21, $0xb8;
	[tilespmem:$0x12000] =	vst v63  }
0xa2: {  	_ =	swait.ge [sflag:s30], $0x1000  }
0xa3: {  	[sflag:s30] =	ssyncset.done $0x0  }
0xa4: {  	s9 =	sadd.s32 $0x2880, s6;
	s14 =	simm.s32 @!p1 $0xF;
	[sflag:s30] =	ssyncadd.s32 $0xFFFFF000  }
0xa5: {  	[spmem:s2] =	stream.indirect.scatter.add.f32 [tilespmem:s22], [sflag:$0xA], $0x20, s9, s21, $0xb8;
	[tilespmem:$0x12000] =	vst v63  }
0xa6: {  	_ =	swait.ge @!p1 [sflag:s14], $0x1000  }
0xa7: {  	[sflag:s14] =	ssyncset.done @!p1 $0x0  }
0xa8: {  	s11 =	sadd.s32 $0x300, s6;
	s10 =	rddreg [dreg:$0x4];
	[sflag:s14] =	ssyncadd.s32 @!p1 $0xFFFFF000  }
0xa9: {  	[tilespmem:s10], [sflag:$0x7] =	stream.indirect.gather [hbm4b:s4+s21], $0x20, s11, s21, $0xb8;
	[tilespmem:$0x12000] =	vst v63  }
0xaa: {  	_ =	swait.ge [sflag:s31], $0x1000  }
0xab: {  	[sflag:s31] =	ssyncset.done $0x0  }
0xac: {  	s15 =	sadd.s32 $0x2900, s6;
	s14 =	simm.s32 @!p1 $0x10;
	[sflag:s31] =	ssyncadd.s32 $0xFFFFF000  }
0xad: {  	[spmem:s2] =	stream.indirect.scatter.add.f32 [tilespmem:s24], [sflag:$0xB], $0x20, s15, s21, $0xb8;
	[tilespmem:$0x12000] =	vst v63  }
0xae: {  	_ =	swait.ge @!p1 [sflag:s14], $0x1000  }
0xaf: {  	[sflag:s14] =	ssyncset.done @!p1 $0x0  }
0xb0: {  	s16 =	sadd.s32 $0x380, s6;
	[sflag:s14] =	ssyncadd.s32 @!p1 $0xFFFFF000  }
0xb1: {  	[tilespmem:s0], [sflag:$0x8] =	stream.indirect.gather [hbm4b:s4+s21], $0x20, s16, s21, $0xb8;
	[tilespmem:$0x12000] =	vst v63  }
0xb2: {  	_ =	swait.ge [sflag:s1], $0x1000  }
0xb3: {  	p1 =	seq.s32 s25, $0x9000;
	[sflag:s1] =	ssyncset.done $0x0  }
0xb4: {  	s17 =	sadd.s32 $0x2980, s6;
	s15 =	simm.s32 @p1 $0x5;
	[sflag:s1] =	ssyncadd.s32 $0xFFFFF000  }
0xb5: {  	[spmem:s2] =	stream.indirect.scatter.add.f32 [tilespmem:s26], [sflag:$0xC], $0x20, s17, s21, $0xb8;
	[tilespmem:$0x12000] =	vst v63  }
0xb6: {  	s7 =	sshra.s32 @p1 s25, $0x2;
	_ =	swait.ge @p1 [sflag:s15], $0x1000  }
0xb7: {  	s14 =	simm.s32 @p1 $0x80;
	s8 =	simm.s32 @p1 $0x9000;
	[sflag:s15] =	ssyncset.done @p1 $0x0  }
0xb8: {  	s13 =	sadd.s32 @p1 $0x2A00, s7;
	[sflag:s15] =	ssyncadd.s32 @p1 $0xFFFFF000;
	s15 =	simm.s32 @!p1 $0x9  }
0xb9: {  	[spmem:s2] =	stream.indirect.scatter.add.f32 @p1 [tilespmem:s8], [sflag:$0xD], $0x20, s13, s14, $0xb8;
	[tilespmem:$0x12000] =	vst v63  }
0xba: {  	s25 =	sshra.s32 @!p1 s25, $0x2;
	_ =	swait.ge @!p1 [sflag:s15], $0x1000  }
0xbb: {  	s11 =	simm.s32 @!p1 $0x5000;
	s16 =	simm.s32 @!p1 $0x5;
	[sflag:s15] =	ssyncset.done @!p1 $0x0  }
0xbc: {  	s9 =	sadd.s32 @!p1 $0x400, s25;
	s13 =	simm.s32 @!p1 $0x80;
	[sflag:s15] =	ssyncadd.s32 @!p1 $0xFFFFF000  }
0xbd: {  	[tilespmem:s11], [sflag:$0x1] =	stream.indirect.gather @!p1 [hbm4b:s4+s13], $0x20, s9, s13, $0xb8;
	[tilespmem:$0x12000] =	vst v63  }
0xbe: {  	_ =	swait.ge @!p1 [sflag:s16], $0x1000  }
0xbf: {  	s17 =	simm.s32 @!p1 $0x9000;
	[sflag:s16] =	ssyncset.done @!p1 $0x0  }
0xc0: {  	s8 =	sadd.s32 @!p1 $0x2A00, s25;
	[sflag:s16] =	ssyncadd.s32 @!p1 $0xFFFFF000;
	s16 =	simm.s32 @!p1 $0xA  }
0xc1: {  	[spmem:s2] =	stream.indirect.scatter.add.f32 @!p1 [tilespmem:s17], [sflag:$0xD], $0x20, s8, s13, $0xb8;
	[tilespmem:$0x12000] =	vst v63  }
0xc2: {  	_ =	swait.ge @!p1 [sflag:s16], $0x1000  }
0xc3: {  	[sflag:s16] =	ssyncset.done @!p1 $0x0  }
0xc4: {  	s10 =	sadd.s32 @!p1 $0x480, s25;
	s8 =	simm.s32 @!p1 $0x6000;
	[sflag:s16] =	ssyncadd.s32 @!p1 $0xFFFFF000  }
0xc5: {  	[tilespmem:s8], [sflag:$0x2] =	stream.indirect.gather @!p1 [hbm4b:s4+s13], $0x20, s10, s13, $0xb8;
	[tilespmem:$0x12000] =	vst v63  }
0xc6: {  	_ =	swait.ge [sflag:s19], $0x1000  }
0xc7: {  	s5 =	sadd.s32 $0x2B80, s6;
	[sflag:s19] =	ssyncset.done $0x0  }
0xc8: {  	s6 =	sadd.s32 $0x2A80, s6;
	s8 =	simm.s32 @p1 $0x7;
	[sflag:s19] =	ssyncadd.s32 $0xFFFFF000  }
0xc9: {  	[spmem:s2] =	stream.indirect.scatter.add.f32 [tilespmem:s29], [sflag:$0xE], $0x20, s6, s21, $0xb8;
	[tilespmem:$0x12000] =	vst v63  }
0xca: {  	_ =	swait.ge @p1 [sflag:s8], $0x1000  }
0xcb: {  	s7 =	sadd.s32 @p1 $0x2B00, s7;
	[sflag:s8] =	ssyncset.done @p1 $0x0  }
0xcc: {  	s6 =	simm.s32 @p1 $0xB000;
	[sflag:s8] =	ssyncadd.s32 @p1 $0xFFFFF000;
	s8 =	simm.s32 @!p1 $0xB  }
0xcd: {  	[spmem:s2] =	stream.indirect.scatter.add.f32 @p1 [tilespmem:s6], [sflag:$0xF], $0x20, s7, s14, $0xb8;
	[tilespmem:$0x12000] =	vst v63  }
0xce: {  	_ =	swait.ge @!p1 [sflag:s8], $0x1000  }
0xcf: {  	s9 =	sadd.s32 @!p1 $0x500, s25;
	[sflag:s8] =	ssyncset.done @!p1 $0x0  }
0xd0: {  	s6 =	simm.s32 @!p1 $0x7000;
	s7 =	simm.s32 @!p1 $0x7;
	[sflag:s8] =	ssyncadd.s32 @!p1 $0xFFFFF000  }
0xd1: {  	[tilespmem:s6], [sflag:$0x3] =	stream.indirect.gather @!p1 [hbm4b:s4+s13], $0x20, s9, s13, $0xb8;
	[tilespmem:$0x12000] =	vst v63  }
0xd2: {  	s12 =	smov.u32 s3;
	s3 =	sadd.s32 $0x1000, s3;
	_ =	swait.ge @!p1 [sflag:s7], $0x1000  }
0xd3: {  	p0 =	sne.s32 s3, $0xA000;
	s11 =	sadd.s32 @!p1 $0x2B00, s25;
	[sflag:s7] =	ssyncset.done @!p1 $0x0  }
0xd4: {  	s6 =	simm.s32 @!p1 $0xB000;
	[sflag:s7] =	ssyncadd.s32 @!p1 $0xFFFFF000;
	s7 =	simm.s32 @!p1 $0xC  }
0xd5: {  	[spmem:s2] =	stream.indirect.scatter.add.f32 @!p1 [tilespmem:s6], [sflag:$0xF], $0x20, s11, s13, $0xb8;
	[tilespmem:$0x12000] =	vst v63  }
.Ltmp1:
0xd6: {  	_ =	swait.ge @!p1 [sflag:s7], $0x1000;
	(pc) =	sbr.rel @p0 .LBB2_4-.Ltmp1, $4  }
0xd7: {  	s15 =	sadd.s32 @!p1 $0x580, s25;
	[sflag:s7] =	ssyncset.done @!p1 $0x0  }
0xd8: {  	s25 =	smov.u32 s12;
	s6 =	simm.s32 @!p1 $0x8000;
	[sflag:s7] =	ssyncadd.s32 @!p1 $0xFFFFF000  }
0xd9: {  	[tilespmem:s6], [sflag:$0x4] =	stream.indirect.gather @!p1 [hbm4b:s4+s13], $0x20, s15, s13, $0xb8;
	[tilespmem:$0x12000] =	vst v63  }
0xda: {  	p1 =	seq.s32 s25, $0x0;
	_ =	swait.ge [sflag:s23], $0x1000  }
0xdb: {  	[sflag:s23] =	ssyncset.done $0x0  }
0xdc: {  	s6 =	simm.s32 @!p1 $0xD;
	[sflag:s23] =	ssyncadd.s32 $0xFFFFF000  }
0xdd: {  	[spmem:s2] =	stream.indirect.scatter.add.f32 [tilespmem:s0], [sflag:$0x10], $0x20, s5, s21, $0xb8;
	[tilespmem:$0x12000] =	vst v63  }
0xde: {  	_ =	swait.ge @!p1 [sflag:s6], $0x1000  }
0xdf: {  	s3 =	sshra.s32 s25, $0x2;
	[sflag:s6] =	ssyncset.done @!p1 $0x0  }
0xe0: {  	s7 =	sadd.s32 $0x200, s3;
	s17 =	rddreg [dreg:$0x3];
	[sflag:s6] =	ssyncadd.s32 @!p1 $0xFFFFF000  }
0xe1: {  	[tilespmem:s17], [sflag:$0x5] =	stream.indirect.gather [hbm4b:s4+s21], $0x20, s7, s21, $0xb8;
	[tilespmem:$0x12000] =	vst v63  }
0xe2: {  	_ =	swait.ge [sflag:s28], $0x1000  }
0xe3: {  	[sflag:s28] =	ssyncset.done $0x0  }
0xe4: {  	s8 =	sadd.s32 $0x2800, s3;
	s6 =	simm.s32 @!p1 $0xE;
	[sflag:s28] =	ssyncadd.s32 $0xFFFFF000  }
0xe5: {  	[spmem:s2] =	stream.indirect.scatter.add.f32 [tilespmem:s20], [sflag:$0x9], $0x20, s8, s21, $0xb8;
	[tilespmem:$0x12000] =	vst v63  }
0xe6: {  	_ =	swait.ge @!p1 [sflag:s6], $0x1000  }
0xe7: {  	[sflag:s6] =	ssyncset.done @!p1 $0x0  }
0xe8: {  	s9 =	sadd.s32 $0x280, s3;
	[sflag:s6] =	ssyncadd.s32 @!p1 $0xFFFFF000  }
0xe9: {  	[tilespmem:s29], [sflag:$0x6] =	stream.indirect.gather [hbm4b:s4+s21], $0x20, s9, s21, $0xb8;
	[tilespmem:$0x12000] =	vst v63  }
0xea: {  	_ =	swait.ge [sflag:s30], $0x1000  }
0xeb: {  	[sflag:s30] =	ssyncset.done $0x0  }
0xec: {  	s10 =	sadd.s32 $0x2880, s3;
	s6 =	simm.s32 @!p1 $0xF;
	[sflag:s30] =	ssyncadd.s32 $0xFFFFF000  }
0xed: {  	[spmem:s2] =	stream.indirect.scatter.add.f32 [tilespmem:s22], [sflag:$0xA], $0x20, s10, s21, $0xb8;
	[tilespmem:$0x12000] =	vst v63  }
0xee: {  	_ =	swait.ge @!p1 [sflag:s6], $0x1000  }
0xef: {  	[sflag:s6] =	ssyncset.done @!p1 $0x0  }
0xf0: {  	s12 =	sadd.s32 $0x300, s3;
	s11 =	rddreg [dreg:$0x4];
	[sflag:s6] =	ssyncadd.s32 @!p1 $0xFFFFF000  }
0xf1: {  	[tilespmem:s11], [sflag:$0x7] =	stream.indirect.gather [hbm4b:s4+s21], $0x20, s12, s21, $0xb8;
	[tilespmem:$0x12000] =	vst v63  }
0xf2: {  	_ =	swait.ge [sflag:s31], $0x1000  }
0xf3: {  	[sflag:s31] =	ssyncset.done $0x0  }
0xf4: {  	s13 =	sadd.s32 $0x2900, s3;
	s6 =	simm.s32 @!p1 $0x10;
	[sflag:s31] =	ssyncadd.s32 $0xFFFFF000  }
0xf5: {  	[spmem:s2] =	stream.indirect.scatter.add.f32 [tilespmem:s24], [sflag:$0xB], $0x20, s13, s21, $0xb8;
	[tilespmem:$0x12000] =	vst v63  }
0xf6: {  	_ =	swait.ge @!p1 [sflag:s6], $0x1000  }
0xf7: {  	[sflag:s6] =	ssyncset.done @!p1 $0x0  }
0xf8: {  	s14 =	sadd.s32 $0x380, s3;
	[sflag:s6] =	ssyncadd.s32 @!p1 $0xFFFFF000  }
0xf9: {  	[tilespmem:s0], [sflag:$0x8] =	stream.indirect.gather [hbm4b:s4+s21], $0x20, s14, s21, $0xb8;
	[tilespmem:$0x12000] =	vst v63  }
0xfa: {  	_ =	swait.ge [sflag:s1], $0x1000  }
0xfb: {  	p0 =	seq.s32 s25, $0x9000;
	[sflag:s1] =	ssyncset.done $0x0  }
0xfc: {  	s15 =	sadd.s32 $0x2980, s3;
	s6 =	simm.s32 @p0 $0x5;
	[sflag:s1] =	ssyncadd.s32 $0xFFFFF000  }
0xfd: {  	[spmem:s2] =	stream.indirect.scatter.add.f32 [tilespmem:s26], [sflag:$0xC], $0x20, s15, s21, $0xb8;
	[tilespmem:$0x12000] =	vst v63  }
0xfe: {  	s5 =	sshra.s32 @p0 s25, $0x2;
	_ =	swait.ge @p0 [sflag:s6], $0x1000  }
0xff: {  	s7 =	sadd.s32 @p0 $0x2A00, s5;
	s8 =	simm.s32 @p0 $0x80;
	[sflag:s6] =	ssyncset.done @p0 $0x0  }
0x100: {  	s9 =	simm.s32 @p0 $0x9000;
	[sflag:s6] =	ssyncadd.s32 @p0 $0xFFFFF000;
	s6 =	simm.s32 @!p0 $0x9  }
0x101: {  	[spmem:s2] =	stream.indirect.scatter.add.f32 @p0 [tilespmem:s9], [sflag:$0xD], $0x20, s7, s8, $0xb8;
	[tilespmem:$0x12000] =	vst v63  }
0x102: {  	_ =	swait.ge @!p0 [sflag:s6], $0x1000  }
0x103: {  	s10 =	simm.s32 @!p0 $0x80;
	s7 =	sshra.s32 @!p0 s25, $0x2;
	[sflag:s6] =	ssyncset.done @!p0 $0x0  }
0x104: {  	s9 =	sadd.s32 @!p0 $0x400, s7;
	[sflag:s6] =	ssyncadd.s32 @!p0 $0xFFFFF000;
	s6 =	simm.s32 @!p0 $0x5000  }
0x105: {  	[tilespmem:s6], [sflag:$0x1] =	stream.indirect.gather @!p0 [hbm4b:s4+s10], $0x20, s9, s10, $0xb8;
	[tilespmem:$0x12000] =	vst v63  }
0x106: {  	s6 =	simm.s32 @!p0 $0x5  }
0x107: {  	_ =	swait.ge @!p0 [sflag:s6], $0x1000  }
0x108: {  	[sflag:s6] =	ssyncset.done @!p0 $0x0  }
0x109: {  	s9 =	sadd.s32 @!p0 $0x2A00, s7;
	[sflag:s6] =	ssyncadd.s32 @!p0 $0xFFFFF000;
	s6 =	simm.s32 @!p0 $0x9000  }
0x10a: {  	[spmem:s2] =	stream.indirect.scatter.add.f32 @!p0 [tilespmem:s6], [sflag:$0xD], $0x20, s9, s10, $0xb8;
	[tilespmem:$0x12000] =	vst v63  }
0x10b: {  	s6 =	simm.s32 @!p0 $0xA  }
0x10c: {  	_ =	swait.ge @!p0 [sflag:s6], $0x1000  }
0x10d: {  	[sflag:s6] =	ssyncset.done @!p0 $0x0  }
0x10e: {  	s9 =	sadd.s32 @!p0 $0x480, s7;
	[sflag:s6] =	ssyncadd.s32 @!p0 $0xFFFFF000;
	s6 =	simm.s32 @!p0 $0x6000  }
0x10f: {  	[tilespmem:s6], [sflag:$0x2] =	stream.indirect.gather @!p0 [hbm4b:s4+s10], $0x20, s9, s10, $0xb8;
	[tilespmem:$0x12000] =	vst v63  }
0x110: {  	_ =	swait.ge [sflag:s19], $0x1000  }
0x111: {  	[sflag:s19] =	ssyncset.done $0x0  }
0x112: {  	s16 =	sadd.s32 $0x2A80, s3;
	s6 =	simm.s32 @p0 $0x7;
	[sflag:s19] =	ssyncadd.s32 $0xFFFFF000  }
0x113: {  	[spmem:s2] =	stream.indirect.scatter.add.f32 [tilespmem:s29], [sflag:$0xE], $0x20, s16, s21, $0xb8;
	[tilespmem:$0x12000] =	vst v63  }
0x114: {  	_ =	swait.ge @p0 [sflag:s6], $0x1000  }
0x115: {  	[sflag:s6] =	ssyncset.done @p0 $0x0  }
0x116: {  	s5 =	sadd.s32 @p0 $0x2B00, s5;
	[sflag:s6] =	ssyncadd.s32 @p0 $0xFFFFF000;
	s6 =	simm.s32 @p0 $0xB000  }
0x117: {  	[spmem:s2] =	stream.indirect.scatter.add.f32 @p0 [tilespmem:s6], [sflag:$0xF], $0x20, s5, s8, $0xb8;
	[tilespmem:$0x12000] =	vst v63  }
0x118: {  	s5 =	simm.s32 @!p0 $0xB  }
0x119: {  	_ =	swait.ge @!p0 [sflag:s5], $0x1000  }
0x11a: {  	[sflag:s5] =	ssyncset.done @!p0 $0x0  }
0x11b: {  	s6 =	sadd.s32 @!p0 $0x500, s7;
	[sflag:s5] =	ssyncadd.s32 @!p0 $0xFFFFF000;
	s5 =	simm.s32 @!p0 $0x7000  }
0x11c: {  	[tilespmem:s5], [sflag:$0x3] =	stream.indirect.gather @!p0 [hbm4b:s4+s10], $0x20, s6, s10, $0xb8;
	[tilespmem:$0x12000] =	vst v63  }
0x11d: {  	s5 =	simm.s32 @!p0 $0x7  }
0x11e: {  	_ =	swait.ge @!p0 [sflag:s5], $0x1000  }
0x11f: {  	[sflag:s5] =	ssyncset.done @!p0 $0x0  }
0x120: {  	s6 =	sadd.s32 @!p0 $0x2B00, s7;
	[sflag:s5] =	ssyncadd.s32 @!p0 $0xFFFFF000;
	s5 =	simm.s32 @!p0 $0xB000  }
0x121: {  	[spmem:s2] =	stream.indirect.scatter.add.f32 @!p0 [tilespmem:s5], [sflag:$0xF], $0x20, s6, s10, $0xb8;
	[tilespmem:$0x12000] =	vst v63  }
0x122: {  	s5 =	simm.s32 @!p0 $0xC  }
0x123: {  	_ =	swait.ge @!p0 [sflag:s5], $0x1000  }
0x124: {  	[sflag:s5] =	ssyncset.done @!p0 $0x0  }
0x125: {  	s6 =	sadd.s32 @!p0 $0x580, s7;
	[sflag:s5] =	ssyncadd.s32 @!p0 $0xFFFFF000;
	s5 =	simm.s32 @!p0 $0x8000  }
0x126: {  	[tilespmem:s5], [sflag:$0x4] =	stream.indirect.gather @!p0 [hbm4b:s4+s10], $0x20, s6, s10, $0xb8;
	[tilespmem:$0x12000] =	vst v63  }
0x127: {  	_ =	swait.ge [sflag:s23], $0x1000  }
0x128: {  	[sflag:s23] =	ssyncset.done $0x0  }
0x129: {  	s3 =	sadd.s32 $0x2B80, s3;
	s17 =	simm.s32 $0x9;
	[sflag:s23] =	ssyncadd.s32 $0xFFFFF000  }
0x12a: {  	[spmem:s2] =	stream.indirect.scatter.add.f32 [tilespmem:s0], [sflag:$0x10], $0x20, s3, s21, $0xb8;
	[tilespmem:$0x12000] =	vst v63  }
0x12b: {  	_ =	swait.ge [sflag:s17], $0x1000  }
0x12c: {  	[sflag:s17] =	ssyncset.done $0x0  }
0x12d: {  	s25 =	simm.s32 $0xA;
	[sflag:s17] =	ssyncadd.s32 $0xFFFFF000  }
0x12e: {  	_ =	swait.ge [sflag:s25], $0x1000  }
0x12f: {  	[sflag:s25] =	ssyncset.done $0x0  }
0x130: {  	s5 =	simm.s32 $0xB;
	[sflag:s25] =	ssyncadd.s32 $0xFFFFF000  }
0x131: {  	_ =	swait.ge [sflag:s5], $0x1000  }
0x132: {  	[sflag:s5] =	ssyncset.done $0x0  }
0x133: {  	s6 =	simm.s32 $0xC;
	[sflag:s5] =	ssyncadd.s32 $0xFFFFF000  }
0x134: {  	_ =	swait.ge [sflag:s6], $0x1000  }
0x135: {  	[sflag:s6] =	ssyncset.done $0x0  }
0x136: {  	s7 =	simm.s32 $0xD;
	[sflag:s6] =	ssyncadd.s32 $0xFFFFF000  }
0x137: {  	_ =	swait.ge [sflag:s7], $0x1000  }
0x138: {  	[sflag:s7] =	ssyncset.done $0x0  }
0x139: {  	s8 =	simm.s32 $0xE;
	[sflag:s7] =	ssyncadd.s32 $0xFFFFF000  }
0x13a: {  	_ =	swait.ge [sflag:s8], $0x1000  }
0x13b: {  	[sflag:s8] =	ssyncset.done $0x0  }
0x13c: {  	s9 =	simm.s32 $0xF;
	[sflag:s8] =	ssyncadd.s32 $0xFFFFF000  }
0x13d: {  	_ =	swait.ge [sflag:s9], $0x1000  }
0x13e: {  	[sflag:s9] =	ssyncset.done $0x0  }
0x13f: {  	s10 =	simm.s32 $0x10;
	[sflag:s9] =	ssyncadd.s32 $0xFFFFF000  }
0x140: {  	_ =	swait.ge [sflag:s10], $0x1000  }
0x141: {  	[sflag:s10] =	ssyncset.done $0x0  }
0x142: {  	[sflag:s10] =	ssyncadd.s32 $0xFFFFF000  }
0x143: {  	[bflag:$0x0] =	sbarrier.arrive $0xFFFF  }
0x144: {  	s7 =	rddreg [dreg:$0x7]  }
0x145: {  	[tilespmem:s20], [sflag:$0x11] =	stream.linear.gather [spmem:s7], $0x1000, $0x38;
	[tilespmem:$0x12000] =	vst v63  }
0x146: {  	_ =	swait.ge [sflag:s18], $0x1000  }
0x147: {  	[sflag:s18] =	ssyncset.done $0x0  }
0x148: {  	s12 =	simm.s32 $0x20;
	s11 =	rddreg [dreg:$0xc];
	[sflag:s18] =	ssyncadd.s32 $0xFFFFF000  }
0x149: {  	[hbm4b:s11+s12] =	stream.strided.scatter [tilespmem:s20], [sflag:$0x11], $0x1000, s21, s12, $0x38;
	[tilespmem:$0x12000] =	vst v63  }
0x14a: {  	_ =	swait.ge [sflag:s18], $0x1000  }
0x14b: {  	[sflag:s18] =	ssyncset.done $0x0  }
0x14c: {  	s8 =	rddreg [dreg:$0x8];
	[sflag:s18] =	ssyncadd.s32 $0xFFFFF000  }
0x14d: {  	[tilespmem:s20], [sflag:$0x11] =	stream.linear.gather [spmem:s8], $0x1000, $0x38;
	[tilespmem:$0x12000] =	vst v63  }
0x14e: {  	_ =	swait.ge [sflag:s18], $0x1000  }
0x14f: {  	[sflag:s18] =	ssyncset.done $0x0  }
0x150: {  	s13 =	rddreg [dreg:$0xd];
	[sflag:s18] =	ssyncadd.s32 $0xFFFFF000  }
0x151: {  	[hbm4b:s13+s12] =	stream.strided.scatter [tilespmem:s20], [sflag:$0x11], $0x1000, s21, s12, $0x38;
	[tilespmem:$0x12000] =	vst v63  }
0x152: {  	_ =	swait.ge [sflag:s18], $0x1000  }
0x153: {  	[sflag:s18] =	ssyncset.done $0x0  }
0x154: {  	s9 =	rddreg [dreg:$0x9];
	[sflag:s18] =	ssyncadd.s32 $0xFFFFF000  }
0x155: {  	[tilespmem:s20], [sflag:$0x11] =	stream.linear.gather [spmem:s9], $0x1000, $0x38;
	[tilespmem:$0x12000] =	vst v63  }
0x156: {  	_ =	swait.ge [sflag:s18], $0x1000  }
0x157: {  	[sflag:s18] =	ssyncset.done $0x0  }
0x158: {  	s14 =	rddreg [dreg:$0xe];
	[sflag:s18] =	ssyncadd.s32 $0xFFFFF000  }
0x159: {  	[hbm4b:s14+s12] =	stream.strided.scatter [tilespmem:s20], [sflag:$0x11], $0x1000, s21, s12, $0x38;
	[tilespmem:$0x12000] =	vst v63  }
0x15a: {  	_ =	swait.ge [sflag:s18], $0x1000  }
0x15b: {  	[sflag:s18] =	ssyncset.done $0x0  }
0x15c: {  	s10 =	rddreg [dreg:$0xa];
	[sflag:s18] =	ssyncadd.s32 $0xFFFFF000  }
0x15d: {  	[tilespmem:s20], [sflag:$0x11] =	stream.linear.gather [spmem:s10], $0x1000, $0x38;
	[tilespmem:$0x12000] =	vst v63  }
0x15e: {  	_ =	swait.ge [sflag:s18], $0x1000  }
0x15f: {  	[sflag:s18] =	ssyncset.done $0x0  }
0x160: {  	s15 =	rddreg [dreg:$0xf];
	[sflag:s18] =	ssyncadd.s32 $0xFFFFF000  }
0x161: {  	[hbm4b:s15+s12] =	stream.strided.scatter [tilespmem:s20], [sflag:$0x11], $0x1000, s21, s12, $0x38;
	[tilespmem:$0x12000] =	vst v63  }
0x162: {  	_ =	swait.ge [sflag:s18], $0x1000  }
0x163: {  	[sflag:s18] =	ssyncset.done $0x0  }
0x164: {  	s11 =	rddreg [dreg:$0xb];
	[sflag:s18] =	ssyncadd.s32 $0xFFFFF000  }
0x165: {  	[tilespmem:s20], [sflag:$0x11] =	stream.linear.gather [spmem:s11], $0x1000, $0x38;
	[tilespmem:$0x12000] =	vst v63  }
0x166: {  	_ =	swait.ge [sflag:s18], $0x1000  }
0x167: {  	[sflag:s18] =	ssyncset.done $0x0  }
0x168: {  	s16 =	rddreg [dreg:$0x10];
	[sflag:s18] =	ssyncadd.s32 $0xFFFFF000  }
0x169: {  	[hbm4b:s16+s12] =	stream.strided.scatter [tilespmem:s20], [sflag:$0x11], $0x1000, s21, s12, $0x38;
	[tilespmem:$0x12000] =	vst v63  }
0x16a: {  	_ =	swait.ge [sflag:s18], $0x1000  }
0x16b: {  	s17 =	rddreg [dreg:$0x12]  }
0x16c: {  	s25 =	rddreg [dreg:$0x11];
	s5 =	sadd.s32 $0x1, s17  }
0x16d: {  	p0 =	sne.s32 s5, s25  }
.Ltmp2:
0x16e: {  	_ = 	snop;
	(pc) =	sbr.rel @p0 .LBB2_1-.Ltmp2, $3  }
0x16f: {  	_ =	sdelay $0x1  }
0x170: {  	[sflag:s18] =	ssyncset.done $0x0  }
0x171: {  	[sflag:s18] =	ssyncadd.s32 $0xFFFFF000  }
0x172: {  	_ =	sfence.sel $0x180000  }
0x173: {  	[bflag:$0x0] =	sbarrier.arrive $0xFFFF  }
0x174: {  	_ =	strace $0x9000004D  }
0x175: {  	s0 =	stileid.u32;
	[bflag:$0x2] =	sbarrier.arrive $0xFFFF  }
0x176: {  	p0 =	sne.s32 s0, $0x0;
	s0 =	rddreg [dreg:$0x2]  }
0x177: {  	s0 =	sadd.s32 @!p0 $0x100000, s0  }
0x178: {  	[sflag:s0] =	ssyncadd.tile.s32 @!p0 $0x1;
	_ =	shalt  }
.Lfunc_end2:
_tile_overlayer_lowered:
.L_overlay_start_2:
0x179: {  	(tag) =	ssettag $0x2  }
0x17a: {  	s0 =	rddreg [dreg:$0x0];
	s2 =	stileid.u32  }
0x17b: {  	s1 =	rddreg [dreg:$0x1];
	p0 =	sne.s32 s2, $0x0  }
0x17c: {  	s3 =	rddreg [dreg:$0x2];
	[bflag:$0x3] =	sbarrier.arrive $0xFFFF;
	s2 =	simm.s32 @!p0 $0x1C11  }
0x17d: {  	[timem:s3], [sflag:s2] =	dma.local @!p0 [hbm:s0], s1  }
0x17e: {  	s0 =	simm.s32 @!p0 $0x11  }
0x17f: {  	_ =	swait.ge @!p0 [sflag:s0], s1  }
0x180: {  	s1 =	ssub.s32 @!p0 $0x0, s1;
	[sflag:s0] =	ssyncset.done @!p0 $0x0  }
0x181: {  	[sflag:s0] =	ssyncadd.s32 @!p0 s1  }
0x182: {  	[bflag:$0x3] =	sbarrier.arrive $0xFFFF  }
0x183: {  	_ =	shalt  }

// kernel: kernel.8.cloned.1.call-start
scs
__scs_entry_jumppad:
0x0: {  	(pc) =	sbr.rel $0x88, $3  }
0x1: {  	(tag) =	ssettag $0x0;
	lr =	simm.s32 $0x1  }
0x2: {  	[smem:$0x3F99] =	sst lr;
	_ =	strace $0xD0000000  }
0x3: {  	_ = 	snop  }
0x4: {  	_ = 	snop  }
0x5: {  	_ = 	snop  }
0x6: {  	_ = 	snop  }
0x7: {  	_ = 	snop  }
__scs_overlays_trampoline_lowered:
0x8: {  	[smem:$0x3FA8] =	sst s0  }
0x9: {  	[smem:$0x3FA9] =	sst s1  }
0xa: {  	[smem:$0x3FAA] =	sst s2  }
0xb: {  	[smem:$0x3FAB] =	sst s3  }
0xc: {  	[smem:$0x3FAC] =	sst s4  }
0xd: {  	[smem:$0x3FAD] =	sst s5  }
0xe: {  	[smem:$0x3FAE] =	sst s6  }
0xf: {  	[smem:$0x3FAF] =	sst s7  }
0x10: {  	[smem:$0x3FB0] =	sst s8  }
0x11: {  	[smem:$0x3FB1] =	sst s9;
	s0 =	simm.s32 @!p0 $0x0  }
0x12: {  	s1 =	sld [smem:$0x3F97];
	s0 =	simm.s32 @p0 $0x1  }
0x13: {  	[smem:$0x3FB2] =	sst s0;
	s0 =	simm.s32 @!p1 $0x0  }
0x14: {  	s2 =	sld [smem:$0x3F96];
	s0 =	simm.s32 @p1 $0x1  }
0x15: {  	[smem:$0x3FB3] =	sst s0;
	s0 =	simm.s32 @!p2 $0x0  }
0x16: {  	s3 =	sld [smem:$0x3FDB];
	s0 =	simm.s32 @p2 $0x1  }
0x17: {  	s4 =	simm.s32 $0x1BF5;
	[smem:$0x3FB5] =	sst s0  }
0x18: {  	s0 =	sld [smem:$0x3F98];
	_ =	swait.ge [sflag:s4], $0x0  }
0x19: {  	s7 =	sld [smem:$0x3F99]  }
0x1a: {  	s8 =	sadd.s32 $0xFFFFE003, lr  }
0x1b: {  	s9 =	sadd.s32 $0xFFFFFEF7, lr;
	s5 =	simm.s32 $0xFFFFFFFF;
	p2 =	slt.u32 s8, $0xFFFFF086  }
0x1c: {  	p1 =	slt.u32 s9, $0xF7A;
	s5 =	simm.s32 @!p2 $0x0  }
0x1d: {  	s5 =	simm.s32 @p1 $0x1;
	p0 =	seq.s32 s7, s2  }
0x1e: {  	s7 =	smul.u32 @!p0 $0xF7A, s2;
	p2 =	seq.s32 @!p0 s5, $0x0  }
0x1f: {  	s9 =	smul.u32 $0xF7A, s1;
	s8 =	simm.s32 @!p0 $0x1BF5;
	p2 =	por !p2, p0  }
0x20: {  	[sflag:s8] =	ssyncset.s32 @!p0 $0xFFFFF086;
	s6 =	sadd.s32 @!p0 s3, s7;
	s7 =	simm.s32 @!p0 $0x108  }
0x21: {  	s3 =	sadd.s32 s3, s9;
	s6 =	sadd.s32 @!p0 $0x88, s6;
	s7 =	simm.s32 @p2 $0x1082  }
0x22: {  	[simem:s7], [sflag:s8] =	dma.local @!p0 [hbm:s6], $0xF7A  }
0x23: {  	s9 =	sor.u32 $0xD0000000, s2;
	s6 =	simm.s32 $0x108;
	_ =	swait.ge @!p0 [sflag:s8], $0x0  }
0x24: {  	s3 =	sadd.s32 $0x88, s3;
	s6 =	simm.s32 @!p1 $0x1082;
	[sflag:s4] =	ssyncset.s32 $0xFFFFF086  }
0x25: {  	[simem:s6], [sflag:s4] =	dma.local [hbm:s3], $0xF7A  }
0x26: {  	[smem:$0x3F99] =	sst s1;
	(tag) =	ssettag s2;
	_ =	strace s9  }
0x27: {  	s1 =	sld [smem:$0x3FA9]  }
0x28: {  	s2 =	sld [smem:$0x3FAA]  }
0x29: {  	s4 =	sld [smem:$0x3FAC]  }
0x2a: {  	p0 =	seq.s32 s5, $0x0;
	s5 =	sld [smem:$0x3FAD]  }
0x2b: {  	s6 =	sld [smem:$0x3FAE]  }
0x2c: {  	s7 =	sld [smem:$0x3FAF]  }
0x2d: {  	s3 =	simm.s32 $0x108;
	s8 =	sld [smem:$0x3FB0]  }
0x2e: {  	s3 =	simm.s32 @!p0 $0x1082;
	s9 =	sld [smem:$0x3FB1]  }
0x2f: {  	lr =	sadd.s32 s0, s3;
	s0 =	sld [smem:$0x3FA8]  }
0x30: {  	s3 =	sld [smem:$0x3FAB]  }
0x31: {  	[smem:$0x3FB4] =	sst s10  }
0x32: {  	s10 =	sld [smem:$0x3FB2];
	_ =	sdelay $0x3  }
0x33: {  	p0 =	seq.s32 s10, $0x1;
	s10 =	sld [smem:$0x3FB4];
	_ =	sdelay $0x3  }
0x34: {  	[smem:$0x3FB4] =	sst s10  }
0x35: {  	s10 =	sld [smem:$0x3FB3];
	_ =	sdelay $0x3  }
0x36: {  	p1 =	seq.s32 s10, $0x1;
	s10 =	sld [smem:$0x3FB4];
	_ =	sdelay $0x3  }
0x37: {  	[smem:$0x3FB4] =	sst s10  }
0x38: {  	s10 =	sld [smem:$0x3FB5]  }
0x39: {  	_ = 	snop;
	(pc) =	sbr.ind lr, $3  }
0x3a: {  	_ = 	snop  }
0x3b: {  	_ = 	snop  }
0x3c: {  	p2 =	seq.s32 s10, $0x1;
	s10 =	sld [smem:$0x3FB4]  }
0x3d: {  	_ =	shalt  }
0x3e: {  	_ =	shalt  }
0x3f: {  	_ =	shalt  }
0x40: {  	_ =	shalt  }
0x41: {  	_ =	shalt  }
0x42: {  	_ =	shalt  }
0x43: {  	_ =	shalt  }
0x44: {  	_ =	shalt  }
0x45: {  	_ =	shalt  }
0x46: {  	_ =	shalt  }
0x47: {  	_ =	shalt  }
0x48: {  	_ =	shalt  }
0x49: {  	_ =	shalt  }
0x4a: {  	_ =	shalt  }
0x4b: {  	_ =	shalt  }
0x4c: {  	_ =	shalt  }
0x4d: {  	_ =	shalt  }
0x4e: {  	_ =	shalt  }
0x4f: {  	_ =	shalt  }
0x50: {  	_ =	shalt  }
0x51: {  	_ =	shalt  }
0x52: {  	_ =	shalt  }
0x53: {  	_ =	shalt  }
0x54: {  	_ =	shalt  }
0x55: {  	_ =	shalt  }
0x56: {  	_ =	shalt  }
0x57: {  	_ =	shalt  }
0x58: {  	_ =	shalt  }
0x59: {  	_ =	shalt  }
0x5a: {  	_ =	shalt  }
0x5b: {  	_ =	shalt  }
0x5c: {  	_ =	shalt  }
0x5d: {  	_ =	shalt  }
0x5e: {  	_ =	shalt  }
0x5f: {  	_ =	shalt  }
0x60: {  	_ =	shalt  }
0x61: {  	_ =	shalt  }
0x62: {  	_ =	shalt  }
0x63: {  	_ =	shalt  }
0x64: {  	_ =	shalt  }
0x65: {  	_ =	shalt  }
0x66: {  	_ =	shalt  }
0x67: {  	_ =	shalt  }
0x68: {  	_ =	shalt  }
0x69: {  	_ =	shalt  }
0x6a: {  	_ =	shalt  }
0x6b: {  	_ =	shalt  }
0x6c: {  	_ =	shalt  }
0x6d: {  	_ =	shalt  }
0x6e: {  	_ =	shalt  }
0x6f: {  	_ =	shalt  }
0x70: {  	_ =	shalt  }
0x71: {  	_ =	shalt  }
0x72: {  	_ =	shalt  }
0x73: {  	_ =	shalt  }
0x74: {  	_ =	shalt  }
0x75: {  	_ =	shalt  }
0x76: {  	_ =	shalt  }
0x77: {  	_ =	shalt  }
0x78: {  	_ =	shalt  }
0x79: {  	_ =	shalt  }
0x7a: {  	_ =	shalt  }
0x7b: {  	_ =	shalt  }
0x7c: {  	_ =	shalt  }
0x7d: {  	_ =	shalt  }
0x7e: {  	_ =	shalt  }
0x7f: {  	_ =	shalt  }
0x80: {  	_ =	shalt  }
0x81: {  	_ =	shalt  }
0x82: {  	_ =	shalt  }
0x83: {  	_ =	shalt  }
0x84: {  	_ =	shalt  }
0x85: {  	_ =	shalt  }
0x86: {  	_ =	shalt  }
0x87: {  	_ =	shalt  }
.Lfunc_end0:
.L_simem_size_0:
called_computation_lowered:
.L_overlay_start_0:
0x88: {  	s2 =	sld [smem:$0x3FD9]  }
0x89: {  	s3 =	sld [smem:$0x3FFE];
	_ =	sdelay $0x1  }
0x8a: {  	s1 =	srdreg.scid  }
0x8b: {  	s0 =	sand.u32 $0x1, s1  }
0x8c: {  	s16 =	sshll.u32 s0, $0xA;
	s2 =	sadd.s32 s3, s2  }
0x8d: {  	s2 =	sadd.s32 s2, s16  }
0x8e: {  	[smem:$0x3FC0] =	sst s2  }
0x8f: {  	_ = 	snop  }
0x90: {  	(tm) =	ssettm $0x1  }
0x91: {  	s17 =	sld [smem:$0x3FFB];
	_ =	sdelay $0x3  }
0x92: {  	_ =	strace s17  }
0x93: {  	s2 =	sld [smem:$0x3FFC];
	_ =	sdelay $0x3  }
0x94: {  	_ =	strace s2  }
0x95: {  	s2 =	sld [smem:$0x3FFD];
	_ =	sdelay $0x3  }
0x96: {  	_ =	strace s2  }
0x97: {  	_ =	strace $0x8FFFFFFF  }
0x98: {  	s18 =	sld [smem:$0x3FDB];
	_ =	sdelay $0x1  }
0x99: {  	s19 =	simm.s32 $_scs_section_size  }
0x9a: {  	s4 =	simm.s32 $_size__tile_overlayer_lowered;
	s5 =	simm.s32 $_tile_overlayer_lowered  }
0x9b: {  	s22 =	simm.s32 $0x1BFF;
	s21 =	sshll.u32 s5, $0x1;
	s2 =	sadd.s32 s19, s18  }
0x9c: {  	s6 =	simm.s32 $0x0;
	s20 =	sshll.u32 s4, $0x1;
	s4 =	sadd.s32 s21, s2  }
0x9d: {  	[timem:s6], [sflag:s22] =	dma.local [hbm:s4], s20  }
0x9e: {  	_ =	swait.ge [sflag:s22], s20  }
0x9f: {  	s3 =	ssub.s32 $0x0, s20;
	[sflag:s22] =	ssyncset.done $0x0  }
0xa0: {  	[sflag:s22] =	ssyncadd.s32 s3;
	_ =	sdelay $0x1  }
0xa1: {  	s23 =	simm.s32 $0x1B8B  }
0xa2: {  	_ =	swait.ge [sflag:s23], $0x1  }
0xa3: {  	[sflag:s23] =	ssyncset.done $0x0  }
0xa4: {  	s25 =	simm.s32 $0x1B8E;
	s24 =	sld [smem:$0x3FFE];
	[sflag:s23] =	ssyncadd.s32 $0xFFFFFFFF  }
0xa5: {  	s26 =	simm.s32 $execute0_lowered;
	[smem:$0x3FD2] =	sst s25  }
0xa6: {  	s4 =	sshll.u32 s26, $0x1;
	_ =	strace $0x80000046;
	[dreg:$0x1] =	wrdreg $0xFFFFFFFF  }
0xa7: {  	s28 =	simm.s32 $_size_execute0_lowered;
	s2 =	sadd.s32 s2, s4;
	[dreg:$0x0] =	wrdreg $0x0  }
0xa8: {  	s4 =	sshll.u32 s28, $0x1;
	[dreg:$0x2] =	wrdreg s2  }
0xa9: {  	[dreg:$0x3] =	wrdreg s4  }
0xaa: {  	[dreg:$0x4] =	wrdreg $0xC0  }
0xab: {  	_ =	task [dreg:s6], $0x5FFFF  }
0xac: {  	[dreg:$0x1] =	wrdreg $0xFFFFFFFF  }
0xad: {  	[dreg:$0x0] =	wrdreg $0x60  }
0xae: {  	[dreg:$0x2] =	wrdreg s24  }
0xaf: {  	[dreg:$0x3] =	wrdreg $0x9  }
0xb0: {  	_ =	task.clear_ibuf [dreg:s6], $0x4FFFF;
	_ =	strace $0x90000046  }
0xb1: {  	s29 =	simm.s32 $0x9;
	_ =	strace $0x80000048  }
0xb2: {  	_ =	swait.ge [sflag:s29], $0x1  }
0xb3: {  	[sflag:s29] =	ssyncadd.s32 $0xFFFFFFFF  }
0xb4: {  	_ =	strace $0x90000048  }
0xb5: {  	_ =	sfence  }
0xb6: {  	s30 =	sld [smem:$0x0];
	_ =	sdelay $0x2  }
0xb7: {  	s31 =	sshll.u32 s1, $0xD;
	s1 =	sshrl.u32 s1, $0x2  }
0xb8: {  	s3 =	sand.u32 $0x4000, s31;
	s1 =	sadd.s32 s1, s30  }
0xb9: {  	s0 =	sor.u32 s3, s0;
	s1 =	sshll.u32 s1, $0x11  }
0xba: {  	s0 =	sor.u32 s1, s0  }
0xbb: {  	s0 =	sadd.s32 $0x8F2B, s0  }
0xbc: {  	[sflag:s0] =	ssyncadd.remote.s32 $0x1  }
0xbd: {  	_ =	sfence.sel $0xFFFF  }
0xbe: {  	[dreg:$0x0] =	wrdreg $0xFFFFFFFF;
	(pc) =	sbr.abs _section_cstart, $3  }
0xbf: {  	[dreg:$0x1] =	wrdreg $0xFFFFFFFF  }
0xc0: {  	_ =	task.clear_ibuf [dreg:s6], $0x2FFFF;
	_ =	strace $0x9FFFFFFF  }
0xc1: {  	(tm) =	ssettm $0x7FFFFFFF  }
tec
execute0_lowered:
.L_overlay_start_1:
0x0: {  	(tag) =	ssettag $0x1  }
0x1: {  	s0 =	srdreg.scid  }
0x2: {  	s4 =	rddreg [dreg:$0x0];
	s2 =	simm.s32 $0x0;
	s17 =	simm.s32 $0x4F00  }
0x3: {  	s18 =	simm.s32 $0x7700;
	s19 =	simm.s32 $0x9F00;
	s20 =	simm.s32 $0xC700  }
0x4: {  	s21 =	simm.s32 $0x0;
	s6 =	sand.u32 $0x1, s0;
	s0 =	stileid.u32  }
0x5: {  	[smem:$0x7FF] =	sst s2;
	s1 =	sshll.u32 s6, $0x4;
	s12 =	smul.u32 $0x14B0, s6  }
0x6: {  	s8 =	ssub.s32 $0x2, s6;
	s13 =	smul.u32 $0x14B, s0;
	s16 =	sor.u32 s0, s1  }
0x7: {  	_ =	strace $0x80000047;
	s9 =	sshrl.u32 s8, $0x1;
	s3 =	smul.u32 $0x4E, s16  }
0x8: {  	s5 =	smin.u32 s16, $0x4;
	s7 =	smul.u32 $0x500, s16;
	p0 =	slt.u32 s16, $0x4  }
0x9: {  	s11 =	ssub.s32 s8, s9;
	s12 =	sadd.s32 s13, s12;
	s3 =	sadd.s32 s5, s3  }
0xa: {  	s11 =	smax.u32 s11, $0x1;
	s10 =	sadd.s32 s7, s4;
	s3 =	sshll.u32 s3, $0x5  }
0xb: {  	s6 =	sadd.s32 $0x17200, s10;
	s7 =	sadd.s32 $0x21200, s10;
	s8 =	sadd.s32 $0x2B200, s10  }
0xc: {  	s9 =	sadd.s32 $0x35200, s10;
	s31 =	sadd.s32 s3, s4;
	s3 =	simm.s32 $0x4F  }
0xd: {  	s3 =	simm.s32 @!p0 $0x4E;
	s4 =	sadd.s32 $0x3800, s31;
	s5 =	sadd.s32 $0x41C0, s31  }
0xe: {  	p0 =	sgt.u32 s16, $0x3;
	s16 =	simm.s32 $0x1;
	s10 =	sshll.u32 s3, $0x7  }
0xf: {  	v0 =	vimm.f32 $0.0e+00;
	v1 =	vimm.f32 $1.000000000e+00;
	v2 =	vlaneseq.u32;
	s13 =	sadd.s32 $0xC740, s10;
	s14 =	sadd.s32 $0x9F40, s10;
	s15 =	sadd.s32 $0x7740, s10  }
.LBB2_1:
0x10: {  	[tilespmem:s2], [sflag:$0x1] =	stream.linear.gather [hbm4b:s4+s2], $0x4E00, $0x38;
	[tilespmem:$0xEF00] =	vst v63  }
0x11: {  	_ =	swait.ge [sflag:s16], $0x4E00  }
0x12: {  	[sflag:s16] =	ssyncset.done $0x0  }
0x13: {  	s22 =	simm.s32 @!p0 $0x0;
	s23 =	simm.s32 @!p0 $0x4E00;
	[sflag:s16] =	ssyncadd.s32 $0xFFFFB200  }
0x14: {  	[tilespmem:s23], [sflag:$0x1] =	stream.linear.gather @!p0 [hbm4b:s5+s22], $0x100, $0x38;
	[tilespmem:$0xEF00] =	vst v63  }
0x15: {  	s22 =	simm.s32 @!p0 $0x1  }
0x16: {  	_ =	swait.ge @!p0 [sflag:s22], $0x100  }
0x17: {  	[sflag:s22] =	ssyncset.done @!p0 $0x0  }
0x18: {  	[sflag:s22] =	ssyncadd.s32 @!p0 $0xFFFFFF00;
	s22 =	simm.s32 $0x0  }
.LBB2_2:
0x19: {  	p1 =	sne.s32 s22, $0x9FC0  }
.Ltmp0:
0x1a: {  	_ = 	snop;
	(pc) =	sbr.rel @p1 .LBB2_2-.Ltmp0, $3  }
0x1b: {  	_ =	sdelay $0x1  }
0x1c: {  	s23 =	sshra.s32 s22, $0x2  }
0x1d: {  	s22 =	sadd.s32 $0x40, s22;
	[tilespmem:s23+$0x4F00] =	vst v0  }
0x1e: {  	s22 =	simm.s32 $0x80;
	s23 =	simm.s32 $0x9F40  }
0x1f: {  	s24 =	simm.s32 $0xC740;
	s25 =	simm.s32 $0x7740;
	s26 =	smov.u32 s3  }
.LBB2_4:
0x20: {  	v3 =	vld [tilespmem:s22+$0x0];
	_ =	sdelay $0x2  }
0x21: {  	v4 =	vld [tilespmem:s22+$0xFFFFFF80];
	_ =	sdelay $0x4  }
0x22: {  	v5 =	vshll.u32 v4, $0x1;
	[tilespmem:v3+s17+$0x0] =	vst.idx.add.f32.msk $0xffff, v1  }
0x23: {  	v4 =	vshll.u32 v4, $0x2;
	[tilespmem:s25+$0xFFFFFFC0] =	vst v5  }
0x24: {  	[tilespmem:s23+$0xFFFFFFC0] =	vst v4  }
0x25: {  	[tilespmem:s24+$0xFFFFFFC0] =	vst v3  }
0x26: {  	v3 =	vld [tilespmem:s22+$0x10];
	_ =	sdelay $0x2  }
0x27: {  	v4 =	vld [tilespmem:s22+$0xFFFFFF90];
	_ =	sdelay $0x4  }
0x28: {  	v57 =	vshll.u32 v4, $0x1;
	[tilespmem:v3+s17+$0x0] =	vst.idx.add.f32.msk $0xffff, v1  }
0x29: {  	v4 =	vshll.u32 v4, $0x2;
	[tilespmem:s25+$0xFFFFFFD0] =	vst v57  }
0x2a: {  	[tilespmem:s23+$0xFFFFFFD0] =	vst v4  }
0x2b: {  	[tilespmem:s24+$0xFFFFFFD0] =	vst v3  }
0x2c: {  	v3 =	vld [tilespmem:s22+$0x20];
	_ =	sdelay $0x2  }
0x2d: {  	v4 =	vld [tilespmem:s22+$0xFFFFFFA0];
	_ =	sdelay $0x4  }
0x2e: {  	v58 =	vshll.u32 v4, $0x1;
	[tilespmem:v3+s17+$0x0] =	vst.idx.add.f32.msk $0xffff, v1  }
0x2f: {  	v4 =	vshll.u32 v4, $0x2;
	[tilespmem:s25+$0xFFFFFFE0] =	vst v58  }
0x30: {  	[tilespmem:s23+$0xFFFFFFE0] =	vst v4  }
0x31: {  	[tilespmem:s24+$0xFFFFFFE0] =	vst v3  }
0x32: {  	v3 =	vld [tilespmem:s22+$0x30];
	_ =	sdelay $0x2  }
0x33: {  	v4 =	vld [tilespmem:s22+$0xFFFFFFB0];
	_ =	sdelay $0x4  }
0x34: {  	v59 =	vshll.u32 v4, $0x1;
	[tilespmem:v3+s17+$0x0] =	vst.idx.add.f32.msk $0xffff, v1  }
0x35: {  	v4 =	vshll.u32 v4, $0x2;
	[tilespmem:s25+$0xFFFFFFF0] =	vst v59  }
0x36: {  	[tilespmem:s23+$0xFFFFFFF0] =	vst v4  }
0x37: {  	[tilespmem:s24+$0xFFFFFFF0] =	vst v3  }
0x38: {  	v3 =	vld [tilespmem:s22+$0x40];
	_ =	sdelay $0x2  }
0x39: {  	v4 =	vld [tilespmem:s22+$0xFFFFFFC0];
	_ =	sdelay $0x4  }
0x3a: {  	v60 =	vshll.u32 v4, $0x1;
	[tilespmem:v3+s17+$0x0] =	vst.idx.add.f32.msk $0xffff, v1  }
0x3b: {  	v4 =	vshll.u32 v4, $0x2;
	[tilespmem:s25+$0x0] =	vst v60  }
0x3c: {  	[tilespmem:s23+$0x0] =	vst v4  }
0x3d: {  	[tilespmem:s24+$0x0] =	vst v3  }
0x3e: {  	v3 =	vld [tilespmem:s22+$0x50];
	_ =	sdelay $0x2  }
0x3f: {  	v4 =	vld [tilespmem:s22+$0xFFFFFFD0];
	_ =	sdelay $0x4  }
0x40: {  	v61 =	vshll.u32 v4, $0x1;
	[tilespmem:v3+s17+$0x0] =	vst.idx.add.f32.msk $0xffff, v1  }
0x41: {  	v4 =	vshll.u32 v4, $0x2;
	[tilespmem:s25+$0x10] =	vst v61  }
0x42: {  	[tilespmem:s23+$0x10] =	vst v4  }
0x43: {  	[tilespmem:s24+$0x10] =	vst v3  }
0x44: {  	v3 =	vld [tilespmem:s22+$0x60];
	_ =	sdelay $0x2  }
0x45: {  	v4 =	vld [tilespmem:s22+$0xFFFFFFE0];
	_ =	sdelay $0x4  }
0x46: {  	v62 =	vshll.u32 v4, $0x1;
	[tilespmem:v3+s17+$0x0] =	vst.idx.add.f32.msk $0xffff, v1  }
0x47: {  	v4 =	vshll.u32 v4, $0x2;
	[tilespmem:s25+$0x20] =	vst v62  }
0x48: {  	[tilespmem:s23+$0x20] =	vst v4  }
0x49: {  	[tilespmem:s24+$0x20] =	vst v3  }
0x4a: {  	v3 =	vld [tilespmem:s22+$0x70];
	_ =	sdelay $0x2  }
0x4b: {  	v4 =	vld [tilespmem:s22+$0xFFFFFFF0];
	_ =	sdelay $0x2  }
0x4c: {  	p1 =	sne.s32 s26, $0x1  }
.Ltmp1:
0x4d: {  	_ = 	snop;
	(pc) =	sbr.rel @p1 .LBB2_4-.Ltmp1, $4  }
0x4e: {  	v63 =	vshll.u32 v4, $0x1;
	[tilespmem:v3+s17+$0x0] =	vst.idx.add.f32.msk $0xffff, v1  }
0x4f: {  	v4 =	vshll.u32 v4, $0x2;
	[tilespmem:s25+$0x30] =	vst v63  }
0x50: {  	s26 =	sadd.s32 $0xFFFFFFFF, s26;
	s22 =	sadd.s32 $0x100, s22;
	[tilespmem:s23+$0x30] =	vst v4  }
0x51: {  	s25 =	sadd.s32 $0x80, s25;
	s23 =	sadd.s32 $0x80, s23;
	[tilespmem:s24+$0x30] =	vst v3;
	s24 =	sadd.s32 $0x80, s24  }
0x52: {  	s22 =	sadd.s32 s12, s10  }
0x53: {  	v21 =	vadd.s32 s22, v2  }
0x54: {  	s23 =	sadd.s32 $0x40, s22;
	v5 =	vmulhi.u32 $0x88888889, v21  }
0x55: {  	s24 =	sadd.s32 $0x30, s22;
	v13 =	vadd.s32 s23, v2;
	v6 =	vmulhi.u32 $0xD1B71759, v21  }
0x56: {  	s25 =	sadd.s32 $0x20, s22;
	v7 =	vadd.s32 s24, v2;
	v8 =	vmulhi.u32 $0xD1B71759, v13  }
0x57: {  	s26 =	sadd.s32 $0x10, s22;
	v3 =	vadd.s32 s25, v2;
	v9 =	vmulhi.u32 $0x88888889, v7  }
0x58: {  	v4 =	vadd.s32 s26, v2;
	v10 =	vmulhi.u32 $0xD1B71759, v3  }
0x59: {  	v11 =	vmulhi.u32 $0xD1B71759, v4  }
0x5a: {  	v12 =	vmulhi.u32 $0x88888889, v3  }
0x5b: {  	s30 =	sadd.s32 $0x50, s22;
	v26 =	vmulhi.u32 $0x88888889, v4  }
0x5c: {  	v15 =	vadd.s32 s30, v2;
	v14 =	vmulhi.u32 $0x88888889, v13  }
0x5d: {  	s31 =	sadd.s32 $0x60, s22;
	v17 =	vmulhi.u32 $0xD1B71759, v15  }
0x5e: {  	s22 =	sadd.s32 $0x70, s22;
	v25 =	vadd.s32 s31, v2;
	v19 =	vmulhi.u32 $0x88888889, v15  }
0x5f: {  	v22 =	vadd.s32 s22, v2;
	v20 =	vmulhi.u32 $0x88888889, v25  }
0x60: {  	v28 =	vmulhi.u32 $0xD1B71759, v22;
	v6 =	vshrl.u32 v6, $0xD  }
0x61: {  	v5 =	vshrl.u32 v5, $0x7;
	v6 =	vmul.u32 $0x2710, v6;
	v10 =	vshrl.u32 v10, $0xD  }
0x62: {  	v24 =	vmul.u32 $0xF0, v5;
	v18 =	vshrl.u32 v11, $0xD;
	v11 =	vshrl.u32 v12, $0x7  }
0x63: {  	v9 =	vshrl.u32 v9, $0x7;
	v8 =	vshrl.u32 v8, $0xD;
	v14 =	vshrl.u32 v14, $0x7  }
0x64: {  	v17 =	vshrl.u32 v17, $0xD;
	v19 =	vshrl.u32 v19, $0x7;
	v20 =	vshrl.u32 v20, $0x7  }
0x65: {  	v28 =	vshrl.u32 v28, $0xD;
	v5 =	vmul.u32 $0x2710, v10;
	v10 =	vmulhi.u32 $0xD1B71759, v7  }
0x66: {  	v9 =	vmul.u32 $0xF0, v9;
	v12 =	vmul.u32 $0xF0, v11;
	v8 =	vmul.u32 $0x2710, v8  }
0x67: {  	v14 =	vmul.u32 $0xF0, v14;
	v19 =	vmul.u32 $0xF0, v19;
	v6 =	vsub.s32 v21, v6  }
0x68: {  	v24 =	vsub.s32 v21, v24;
	v16 =	vshll.u32 v6, $0x2;
	v5 =	vsub.s32 v3, v5  }
0x69: {  	v23 =	vshll.u32 v6, $0x1;
	v10 =	vshrl.u32 v10, $0xD;
	v8 =	vsub.s32 v13, v8  }
0x6a: {  	v13 =	vsub.s32 v13, v14;
	v14 =	vmul.u32 $0x2710, v17;
	v17 =	vmulhi.u32 $0xD1B71759, v25  }
0x6b: {  	v6 =	vshll.u32 v5, $0x1;
	v5 =	vshll.u32 v5, $0x2;
	v10 =	vmul.u32 $0x2710, v10  }
0x6c: {  	v13 =	vadd.s32 $0x2710, v13;
	v14 =	vsub.s32 v15, v14;
	v27 =	vshrl.u32 v17, $0xD  }
0x6d: {  	v15 =	vsub.s32 v15, v19;
	v10 =	vsub.s32 v7, v10;
	v7 =	vsub.s32 v7, v9  }
0x6e: {  	p1 =	sne.s32 s10, $0x2780;
	v17 =	vshll.u32 v14, $0x1;
	v14 =	vshll.u32 v14, $0x2;
	v27 =	vmul.u32 $0x2710, v27  }
.Ltmp2:
0x6f: {  	v19 =	vadd.s32 $0x2710, v15;
	v11 =	vshll.u32 v10, $0x1;
	v9 =	vshll.u32 v10, $0x2;
	(pc) =	sbr.rel @!p1 .LBB2_7-.Ltmp2, $4  }
0x70: {  	v7 =	vadd.s32 $0x2710, v7;
	v15 =	vsub.s32 v25, v27;
	v27 =	vmul.u32 $0xF0, v20  }
0x71: {  	s28 =	simm.s32 $0x2780;
	v10 =	vshll.u32 v8, $0x1;
	v8 =	vshll.u32 v8, $0x2;
	v20 =	vshll.u32 v15, $0x1  }
0x72: {  	s29 =	sadd.s32 $0x80, s12;
	s26 =	smov.u32 s15;
	s25 =	smov.u32 s14;
	v15 =	vshll.u32 v15, $0x2;
	v21 =	vsub.s32 v25, v27;
	v25 =	vmul.u32 $0x2710, v28  }
0x73: {  	s22 =	smov.u32 s13;
	s24 =	smov.u32 s15;
	s23 =	smov.u32 s14;
	v27 =	vshrl.u32 v26, $0x7;
	v26 =	vmulhi.u32 $0x88888889, v22;
	v21 =	vadd.s32 $0x2710, v21  }
.LBB2_6:
0x74: {  	s30 =	sadd.s32 s29, s10;
	s28 =	sadd.s32 $0xFFFFFF80, s28;
	v28 =	vadd.s32 $0x2710, v24;
	v18 =	vmul.u32 $0x2710, v18;
	v27 =	vmul.u32 $0xF0, v27  }
0x75: {  	v24 =	vadd.s32 s30, v2;
	s31 =	sadd.s32 $0x10, s30;
	s1 =	sadd.s32 $0x20, s30;
	p1 =	sne.s32 s10, s28;
	[tilespmem:s26+$0xFFFFFFC0] =	vst v23;
	v23 =	vsub.s32 v22, v25;
	v25 =	vshrl.u32 v26, $0x7  }
0x76: {  	v26 =	vadd.s32 s31, v2;
	v29 =	vadd.s32 s1, v2;
	s1 =	sadd.s32 $0x30, s30;
	s31 =	sadd.s32 $0x40, s30;
	[tilespmem:s25+$0xFFFFFFC0] =	vst v16;
	v16 =	vsub.s32 v4, v18  }
0x77: {  	v18 =	vmulhi.u32 $0x88888889, v24;
	v30 =	vadd.s32 s1, v2;
	v31 =	vadd.s32 s31, v2;
	s1 =	sadd.s32 $0x50, s30;
	[tilespmem:s22+$0xFFFFFFC0] =	vst v28  }
0x78: {  	v33 =	vshll.u32 v16, $0x1;
	v28 =	vmulhi.u32 $0xD1B71759, v31;
	v32 =	vadd.s32 s1, v2  }
0x79: {  	v27 =	vsub.s32 v4, v27;
	v4 =	vmovc v26;
	v34 =	vmulhi.u32 $0x88888889, v30;
	[tilespmem:s26+$0xFFFFFFD0] =	vst v33;
	v33 =	vshll.u32 v23, $0x1  }
0x7a: {  	v35 =	vshll.u32 v23, $0x2;
	v26 =	vmulhi.u32 $0xD1B71759, v29;
	v23 =	vmul.u32 $0xF0, v25  }
0x7b: {  	v16 =	vshll.u32 v16, $0x2;
	v27 =	vadd.s32 $0x2710, v27;
	v25 =	vmulhi.u32 $0xD1B71759, v24  }
0x7c: {  	v12 =	vsub.s32 v3, v12;
	v3 =	vmovc v29;
	v36 =	vmulhi.u32 $0xD1B71759, v4;
	v22 =	vsub.s32 v22, v23;
	[tilespmem:s25+$0xFFFFFFD0] =	vst v16  }
0x7d: {  	v12 =	vadd.s32 $0x2710, v12;
	v23 =	vmulhi.u32 $0x88888889, v3;
	v16 =	vshrl.u32 v25, $0xD;
	[tilespmem:s22+$0xFFFFFFD0] =	vst v27  }
0x7e: {  	v18 =	vshrl.u32 v18, $0x7;
	v25 =	vshrl.u32 v26, $0xD;
	v16 =	vmul.u32 $0x2710, v16;
	[tilespmem:s26+$0xFFFFFFE0] =	vst v6  }
0x7f: {  	s1 =	sadd.s32 $0x60, s30;
	v26 =	vmul.u32 $0xF0, v18;
	v18 =	vshrl.u32 v36, $0xD;
	v6 =	vmul.u32 $0x2710, v25;
	[tilespmem:s25+$0xFFFFFFE0] =	vst v5  }
0x80: {  	v27 =	vadd.s32 s1, v2;
	v25 =	vmulhi.u32 $0xD1B71759, v30;
	v5 =	vsub.s32 v24, v16;
	[tilespmem:s22+$0xFFFFFFE0] =	vst v12  }
0x81: {  	v29 =	vshrl.u32 v23, $0x7;
	v16 =	vshll.u32 v5, $0x2;
	v12 =	vsub.s32 v3, v6;
	[tilespmem:s26+$0xFFFFFFF0] =	vst v11  }
0x82: {  	v23 =	vshll.u32 v5, $0x1;
	v6 =	vshll.u32 v12, $0x1;
	v5 =	vshll.u32 v12, $0x2;
	[tilespmem:s25+$0xFFFFFFF0] =	vst v9  }
0x83: {  	v12 =	vmul.u32 $0xF0, v29;
	v11 =	vshrl.u32 v34, $0x7;
	v9 =	vshrl.u32 v25, $0xD;
	[tilespmem:s22+$0xFFFFFFF0] =	vst v7  }
0x84: {  	v29 =	vmulhi.u32 $0x88888889, v4;
	v7 =	vmul.u32 $0x2710, v9;
	v9 =	vmul.u32 $0xF0, v11;
	[tilespmem:s26+$0x0] =	vst v10  }
0x85: {  	v25 =	vmulhi.u32 $0x88888889, v31;
	v10 =	vshrl.u32 v28, $0xD;
	v28 =	vadd.s32 $0x2710, v22;
	[tilespmem:s25+$0x0] =	vst v8  }
0x86: {  	v7 =	vsub.s32 v30, v7;
	v8 =	vsub.s32 v30, v9;
	v10 =	vmul.u32 $0x2710, v10;
	[tilespmem:s22+$0x0] =	vst v13  }
0x87: {  	v11 =	vshll.u32 v7, $0x1;
	v9 =	vshll.u32 v7, $0x2;
	v7 =	vadd.s32 $0x2710, v8;
	[tilespmem:s26+$0x10] =	vst v17  }
0x88: {  	v13 =	vshrl.u32 v25, $0x7;
	v8 =	vsub.s32 v31, v10;
	v17 =	vmulhi.u32 $0xD1B71759, v32;
	[tilespmem:s25+$0x10] =	vst v14  }
0x89: {  	s1 =	sadd.s32 $0x70, s30;
	v13 =	vmul.u32 $0xF0, v13;
	v10 =	vshll.u32 v8, $0x1;
	v8 =	vshll.u32 v8, $0x2;
	[tilespmem:s22+$0x10] =	vst v19  }
0x8a: {  	v22 =	vadd.s32 s1, v2;
	v14 =	vshrl.u32 v17, $0xD;
	v17 =	vmulhi.u32 $0x88888889, v32;
	[tilespmem:s26+$0x20] =	vst v20  }
0x8b: {  	v13 =	vsub.s32 v31, v13;
	v19 =	vmulhi.u32 $0xD1B71759, v27;
	v14 =	vmul.u32 $0x2710, v14;
	[tilespmem:s25+$0x20] =	vst v15  }
0x8c: {  	v13 =	vadd.s32 $0x2710, v13;
	v20 =	vmulhi.u32 $0x88888889, v27;
	s26 =	sadd.s32 $0x80, s26;
	v15 =	vshrl.u32 v17, $0x7;
	[tilespmem:s22+$0x20] =	vst v21  }
0x8d: {  	v19 =	vshrl.u32 v19, $0xD;
	s25 =	sadd.s32 $0x80, s25;
	v14 =	vsub.s32 v32, v14;
	v15 =	vmul.u32 $0xF0, v15;
	[tilespmem:s24+$0x30] =	vst v33;
	s24 =	smov.u32 s26  }
0x8e: {  	v21 =	vmul.u32 $0x2710, v19;
	v17 =	vshll.u32 v14, $0x1;
	v14 =	vshll.u32 v14, $0x2;
	[tilespmem:s23+$0x30] =	vst v35;
	s23 =	smov.u32 s25  }
.Ltmp3:
0x8f: {  	v25 =	vmulhi.u32 $0xD1B71759, v22;
	v20 =	vshrl.u32 v20, $0x7;
	v15 =	vsub.s32 v32, v15;
	[tilespmem:s22+$0x30] =	vst v28;
	(pc) =	sbr.rel @p1 .LBB2_6-.Ltmp3, $4  }
0x90: {  	v19 =	vadd.s32 $0x2710, v15;
	v15 =	vsub.s32 v27, v21;
	v21 =	vmul.u32 $0xF0, v20  }
0x91: {  	v25 =	vshrl.u32 v25, $0xD;
	v20 =	vshll.u32 v15, $0x1;
	v15 =	vshll.u32 v15, $0x2  }
0x92: {  	v24 =	vsub.s32 v24, v26;
	v25 =	vmul.u32 $0x2710, v25;
	v21 =	vsub.s32 v27, v21  }
0x93: {  	s29 =	sadd.s32 $0x80, s29;
	v26 =	vmulhi.u32 $0x88888889, v22;
	s22 =	sadd.s32 $0x80, s22;
	v27 =	vshrl.u32 v29, $0x7;
	v21 =	vadd.s32 $0x2710, v21  }
.LBB2_7:
0x94: {  	v18 =	vmul.u32 $0x2710, v18  }
0x95: {  	[tilespmem:s26+$0xFFFFFFC0] =	vst v23  }
0x96: {  	v58 =	vadd.s32 $0x2710, v24;
	v59 =	vmul.u32 $0xF0, v27;
	[tilespmem:s25+$0xFFFFFFC0] =	vst v16;
	v60 =	vsub.s32 v4, v18  }
0x97: {  	[tilespmem:s22+$0xFFFFFFC0] =	vst v58;
	v18 =	vshll.u32 v60, $0x1  }
0x98: {  	v61 =	vsub.s32 v4, v59;
	v16 =	vshll.u32 v60, $0x2;
	[tilespmem:s26+$0xFFFFFFD0] =	vst v18  }
0x99: {  	v4 =	vadd.s32 $0x2710, v61;
	[tilespmem:s25+$0xFFFFFFD0] =	vst v16  }
0x9a: {  	[tilespmem:s22+$0xFFFFFFD0] =	vst v4  }
0x9b: {  	v3 =	vsub.s32 v3, v12;
	[tilespmem:s26+$0xFFFFFFE0] =	vst v6  }
0x9c: {  	v3 =	vadd.s32 $0x2710, v3;
	[tilespmem:s25+$0xFFFFFFE0] =	vst v5  }
0x9d: {  	[tilespmem:s22+$0xFFFFFFE0] =	vst v3  }
0x9e: {  	[tilespmem:s26+$0xFFFFFFF0] =	vst v11  }
0x9f: {  	[tilespmem:s25+$0xFFFFFFF0] =	vst v9  }
0xa0: {  	[tilespmem:s22+$0xFFFFFFF0] =	vst v7  }
0xa1: {  	[tilespmem:s26+$0x0] =	vst v10  }
0xa2: {  	[tilespmem:s25+$0x0] =	vst v8  }
0xa3: {  	[tilespmem:s22+$0x0] =	vst v13  }
0xa4: {  	[tilespmem:s26+$0x10] =	vst v17  }
0xa5: {  	[tilespmem:s25+$0x10] =	vst v14  }
0xa6: {  	[tilespmem:s22+$0x10] =	vst v19  }
0xa7: {  	v3 =	vshrl.u32 v26, $0x7;
	[tilespmem:s26+$0x20] =	vst v20  }
0xa8: {  	v62 =	vsub.s32 v22, v25;
	v3 =	vmul.u32 $0xF0, v3;
	[tilespmem:s25+$0x20] =	vst v15  }
0xa9: {  	v63 =	vshll.u32 v62, $0x1;
	[tilespmem:s22+$0x20] =	vst v21  }
0xaa: {  	v4 =	vshll.u32 v62, $0x2;
	v3 =	vsub.s32 v22, v3;
	[tilespmem:s24+$0x30] =	vst v63  }
0xab: {  	v3 =	vadd.s32 $0x2710, v3;
	[tilespmem:s23+$0x30] =	vst v4  }
0xac: {  	[tilespmem:s22+$0x30] =	vst v3  }
0xad: {  	[hbm4b:s6+s2] =	stream.linear.scatter [tilespmem:s17], [sflag:$0x1], $0x2800, $0x38;
	[tilespmem:$0xEF00] =	vst v63  }
0xae: {  	_ =	swait.ge [sflag:s16], $0x2800  }
0xaf: {  	[sflag:s16] =	ssyncset.done $0x0  }
0xb0: {  	[sflag:s16] =	ssyncadd.s32 $0xFFFFD800  }
0xb1: {  	[hbm4b:s7+s2] =	stream.linear.scatter [tilespmem:s18], [sflag:$0x1], $0x2800, $0x38;
	[tilespmem:$0xEF00] =	vst v63  }
0xb2: {  	_ =	swait.ge [sflag:s16], $0x2800  }
0xb3: {  	[sflag:s16] =	ssyncset.done $0x0  }
0xb4: {  	[sflag:s16] =	ssyncadd.s32 $0xFFFFD800  }
0xb5: {  	[hbm4b:s8+s2] =	stream.linear.scatter [tilespmem:s19], [sflag:$0x1], $0x2800, $0x38;
	[tilespmem:$0xEF00] =	vst v63  }
0xb6: {  	s21 =	sadd.s32 $0x1, s21;
	_ =	swait.ge [sflag:s16], $0x2800  }
0xb7: {  	p1 =	sne.s32 s21, s11;
	[sflag:s16] =	ssyncset.done $0x0  }
.Ltmp4:
0xb8: {  	[sflag:s16] =	ssyncadd.s32 $0xFFFFD800;
	(pc) =	sbr.rel @p1 .LBB2_1-.Ltmp4, $4  }
0xb9: {  	[hbm4b:s9+s2] =	stream.linear.scatter [tilespmem:s20], [sflag:$0x1], $0x2800, $0x38;
	[tilespmem:$0xEF00] =	vst v63  }
0xba: {  	_ =	swait.ge [sflag:s16], $0x2800  }
0xbb: {  	[sflag:s16] =	ssyncset.done $0x0  }
0xbc: {  	[sflag:s16] =	ssyncadd.s32 $0xFFFFD800  }
0xbd: {  	_ =	sfence.sel $0x180000  }
0xbe: {  	[bflag:$0x0] =	sbarrier.arrive $0xFFFF  }
0xbf: {  	_ =	strace $0x90000047  }
0xc0: {  	[bflag:$0x2] =	sbarrier.arrive $0xFFFF  }
0xc1: {  	p0 =	sne.s32 s0, $0x0;
	s0 =	rddreg [dreg:$0x1]  }
0xc2: {  	s0 =	sadd.s32 @!p0 $0x100000, s0  }
0xc3: {  	[sflag:s0] =	ssyncadd.tile.s32 @!p0 $0x1;
	_ =	shalt  }
.Lfunc_end2:
_tile_overlayer_lowered:
.L_overlay_start_2:
0xc4: {  	(tag) =	ssettag $0x2  }
0xc5: {  	s0 =	rddreg [dreg:$0x0];
	s2 =	stileid.u32  }
0xc6: {  	s1 =	rddreg [dreg:$0x1];
	p0 =	sne.s32 s2, $0x0  }
0xc7: {  	s3 =	rddreg [dreg:$0x2];
	[bflag:$0x3] =	sbarrier.arrive $0xFFFF;
	s2 =	simm.s32 @!p0 $0x1C01  }
0xc8: {  	[timem:s3], [sflag:s2] =	dma.local @!p0 [hbm:s0], s1  }
0xc9: {  	s0 =	simm.s32 @!p0 $0x1  }
0xca: {  	_ =	swait.ge @!p0 [sflag:s0], s1  }
0xcb: {  	s1 =	ssub.s32 @!p0 $0x0, s1;
	[sflag:s0] =	ssyncset.done @!p0 $0x0  }
0xcc: {  	[sflag:s0] =	ssyncadd.s32 @!p0 s1  }
0xcd: {  	[bflag:$0x3] =	sbarrier.arrive $0xFFFF  }
0xce: {  	_ =	shalt  }

</sc_bundles>
